<compile_context>
chip_gen: v7x
topology: tpu7x:2x2x1
jax: 0.10.2.dev20260603
libtpu: 0.0.44.dev20260713+nightly
codegen_flags: <defaults>
</compile_context>

<pallas_src>
import math

import numpy as np

import jax
import jax.numpy as jnp
from jax import lax
from jax.experimental import pallas as pl
from jax.experimental.pallas import tpu as pltpu
from jax.experimental.pallas import tpu_sc as plsc

LAT = 721
LON = 1440
LEVEL = 4
INV_RES = 4.0
N_ROWS = LAT * LON
LAT_PAD = 728
LON_PAD = 1536
NCB = LON_PAD // 128
CB_SZ = LAT_PAD * 128
PLANE = NCB * CB_SZ

NC = 2
NS = 16
NW = NC * NS
LANES = 16

BLK = 1600
BLK_PAD = 1664
STAGE_ROWS = 16
NCB_STAGE = STAGE_ROWS
STAGE_SZ = NCB * STAGE_ROWS * 128
MAGIC = 12582912.0


def _interp_matrix(src, dst):
    scale = dst / src
    sample = (np.arange(dst, dtype=np.float64) + 0.5) / scale - 0.5
    j = np.arange(src, dtype=np.float64)[None, :]
    w = np.maximum(0.0, 1.0 - np.abs(sample[:, None] - j))
    w = w / np.sum(w, axis=1, keepdims=True)
    return w.astype(np.float32)


def _table_body(g0, g1, g2, g3, r1, c1t, r2, c2t, r3, c3t, npb, spb,
                out_ref):
    rows = lax.broadcasted_iota(jnp.int32, (LAT_PAD, LON_PAD), 0)
    u0 = jnp.concatenate(
        [jnp.concatenate(
            [g0[...], jnp.zeros((LAT, LON_PAD - LON), jnp.float32)], axis=1),
         jnp.zeros((LAT_PAD - LAT, LON_PAD), jnp.float32)], axis=0)
    us = [u0,
          jnp.dot(r1[...],
                  jnp.dot(g1[...], c1t[...],
                          preferred_element_type=jnp.float32),
                  preferred_element_type=jnp.float32),
          jnp.dot(r2[...],
                  jnp.dot(g2[...], c2t[...],
                          preferred_element_type=jnp.float32),
                  preferred_element_type=jnp.float32),
          jnp.dot(r3[...],
                  jnp.dot(g3[...], c3t[...],
                          preferred_element_type=jnp.float32),
                  preferred_element_type=jnp.float32)]
    for l in range(LEVEL):
        u = jnp.where(rows == 0, spb[l:l + 1, :], us[l])
        u = jnp.where(rows == LAT - 1, npb[l:l + 1, :], u)
        for cb in range(NCB):
            out_ref[pl.ds((l * NCB + cb) * LAT_PAD, LAT_PAD), :] = (
                u[:, 128 * cb:128 * (cb + 1)])


def _build_table(g0, g1, g2, g3, north, south):
    shapes = [(int(math.ceil(LAT / 2 ** i)), int(math.ceil(LON / 2 ** i)))
              for i in range(LEVEL)]
    mats = []
    for i in (1, 2, 3):
        h, w = shapes[i]
        r = np.zeros((LAT_PAD, h), np.float32)
        r[:LAT] = _interp_matrix(h, LAT)
        mats.append(r)
        ct = np.zeros((w, LON_PAD), np.float32)
        ct[:, :LON] = _interp_matrix(w, LON).T
        mats.append(ct)
    npb = jnp.broadcast_to(north[:, None], (LEVEL, LON_PAD))
    spb = jnp.broadcast_to(south[:, None], (LEVEL, LON_PAD))
    return pl.pallas_call(
        _table_body,
        out_shape=jax.ShapeDtypeStruct((LEVEL * NCB * LAT_PAD, 128),
                                       jnp.float32),
    )(g0, g1, g2, g3, *mats, npb, spb)


def _point_rows(latv):
    v = (90.0 - latv) * INV_RES
    r = (v + MAGIC) - MAGIC
    r = jnp.minimum(jnp.maximum(r, 0.0), float(LAT - 1))
    return r.astype(jnp.int32)


def _point_cols(lonv):
    v = lonv * INV_RES
    r = (v + MAGIC) - MAGIC
    r = jnp.minimum(jnp.maximum(r, 0.0), float(LON - 1))
    return r.astype(jnp.int32)


def _sc_gather_body(x_hbm, tab_hbm, out_hbm,
                    xv, staged, idxv4, rows4, rowsv, sem):
    wid = lax.axis_index("s") * NC + lax.axis_index("c")
    n_points = x_hbm.shape[0] // 2
    n_blocks = n_points // BLK
    blocks_per_tile = (n_blocks + NW - 1) // NW
    iota = lax.iota(jnp.int32, LANES)
    zeros = jnp.zeros((LANES,), jnp.int32)

    for t in range((BLK_PAD - BLK) // LANES):
        for l in range(LEVEL):
            idxv4[pl.ds(BLK_PAD * l + BLK + LANES * t, LANES)] = zeros

    pltpu.sync_copy(x_hbm.at[pl.ds(wid * BLK, BLK)], xv.at[pl.ds(0, BLK)])

    @plsc.parallel_loop(0, BLK, LANES, unroll=4,
                        carry=jnp.full((LANES,), LAT - 1, jnp.int32))
    def rmin(p, acc):
        return jnp.minimum(acc, _point_rows(xv[pl.ds(p, LANES)]))

    lo = jnp.minimum(jnp.maximum(jnp.min(rmin) - 5, 0), LAT - STAGE_ROWS)
    hi_cap = lo + STAGE_ROWS

    copies = [
        pltpu.async_copy(
            tab_hbm.at[pl.ds((l * NCB + cb) * CB_SZ + lo * 128,
                             STAGE_ROWS * 128)],
            staged.at[pl.ds((l * NCB + cb) * STAGE_ROWS * 128,
                            STAGE_ROWS * 128)], sem)
        for l in range(LEVEL) for cb in range(NCB)
    ]
    for c in copies:
        c.wait()

    def block(i, carry):
        blk = i * NW + wid

        @pl.when(blk < n_blocks)
        def _():
            base = blk * BLK
            pltpu.sync_copy(x_hbm.at[pl.ds(base, BLK)], xv.at[pl.ds(0, BLK)])
            pltpu.sync_copy(x_hbm.at[pl.ds(n_points + base, BLK)],
                            xv.at[pl.ds(BLK, BLK)])
            carry0 = (jnp.full((LANES,), LAT - 1, jnp.int32),
                      jnp.zeros((LANES,), jnp.int32))

            @plsc.parallel_loop(0, BLK, LANES, unroll=4, carry=carry0)
            def mm(p, acc):
                bmin, bmax = acc
                ri = _point_rows(xv[pl.ds(p, LANES)])
                ci = _point_cols(xv[pl.ds(BLK + p, LANES)])
                cb = lax.shift_right_logical(ci, 7)
                cr = jnp.bitwise_and(ci, 127)
                rloc = jnp.minimum(jnp.maximum(ri - lo, 0), STAGE_ROWS - 1)
                loc = (cb * STAGE_ROWS + rloc) * 128 + cr
                for l in range(LEVEL):
                    v = plsc.load_gather(staged, [loc + l * STAGE_SZ])
                    rowsv[pl.ds(l * BLK + p, LANES)] = v
                return (jnp.minimum(bmin, ri), jnp.maximum(bmax, ri))

            bmin, bmax = mm
            ok = jnp.logical_and(jnp.min(bmin) >= lo, jnp.max(bmax) < hi_cap)

            @pl.when(ok)
            def _():
                for l in range(LEVEL):
                    pltpu.sync_copy(
                        rowsv.at[pl.ds(l * BLK, BLK)],
                        out_hbm.at[pl.ds(l * n_points + base, BLK)])

            @pl.when(jnp.logical_not(ok))
            def _():
                def jbody(j, c):
                    ri = _point_rows(xv[pl.ds(LANES * j, LANES)])
                    ci = _point_cols(xv[pl.ds(BLK + LANES * j, LANES)])
                    cb = lax.shift_right_logical(ci, 7)
                    cr = jnp.bitwise_and(ci, 127)
                    fidx = (cb * LAT_PAD + ri) * 128 + cr
                    for l in range(LEVEL):
                        idxv4[pl.ds(BLK_PAD * l + LANES * j, LANES)] = (
                            fidx + l * PLANE)
                    return c

                lax.fori_loop(0, BLK // LANES, jbody, 0)
                for l in range(LEVEL):
                    copies = [
                        pltpu.async_copy(
                            tab_hbm.at[idxv4.at[pl.ds(BLK_PAD * l + 128 * k,
                                                      128)]],
                            rows4.at[pl.ds(BLK_PAD * l + 128 * k, 128)], sem)
                        for k in range(BLK_PAD // 128)
                    ]
                    for c in copies:
                        c.wait()
                for l in range(LEVEL):
                    pltpu.sync_copy(
                        rows4.at[pl.ds(l * BLK_PAD, BLK)],
                        out_hbm.at[pl.ds(l * n_points + base, BLK)])

        return carry

    lax.fori_loop(0, blocks_per_tile, block, 0)


def _sc_gather(x, tab1d, n_points):
    return pl.kernel(
        _sc_gather_body,
        out_type=jax.ShapeDtypeStruct((n_points * LEVEL,), jnp.float32),
        mesh=plsc.VectorSubcoreMesh(core_axis_name="c", subcore_axis_name="s"),
        compiler_params=pltpu.CompilerParams(needs_layout_passes=False),
        scratch_types=[
            pltpu.VMEM((2 * BLK,), jnp.float32),
            pltpu.VMEM((LEVEL * STAGE_SZ,), jnp.float32),
            pltpu.VMEM((BLK_PAD * LEVEL,), jnp.int32),
            pltpu.VMEM((BLK_PAD * LEVEL,), jnp.float32),
            pltpu.VMEM((LEVEL * BLK,), jnp.float32),
            pltpu.SemaphoreType.DMA,
        ],
    )(x, tab1d)


def kernel(x, grid0, grid1, grid2, grid3, north_pole_param, south_pole_param):
    n_points = x.shape[0]
    planar = _build_table(grid0[0, 0], grid1[0, 0], grid2[0, 0], grid3[0, 0],
                          north_pole_param, south_pole_param)
    flat = _sc_gather(x.T.reshape(-1), planar.reshape(-1), n_points)
    return flat.reshape(LEVEL, n_points).T

# --- scband reference (transcript-rebuilt; emitter-appended) ---
"""Pipeline reference for scband-sphere-learnable-encoder-7017976562281 (READ-ONLY COPY).

The authoritative reference and input builder live on the scoring server;
editing this copy changes nothing except your own understanding.
"""

import math
import jax, jax.numpy as jnp
import numpy as np

LAT_SHAPE = 721
LON_SHAPE = 1440
LEVEL = 4
RESOLUTION = 0.25
N_POINTS = 1000000


def setup_inputs(seed: int = 0) -> dict:
    key = jax.random.key(seed)
    ks = jax.random.split(key, 8)
    x = jax.random.uniform(ks[0], (N_POINTS, 2), dtype=jnp.float32)
    inp = {"x": x}
    for i in range(LEVEL):
        h = int(math.ceil(LAT_SHAPE / 2 ** i))
        w = int(math.ceil(LON_SHAPE / 2 ** i))
        inp[f"grid{i}"] = jax.random.uniform(ks[1 + i], (1, 1, h, w), dtype=jnp.float32)
    inp["north_pole_param"] = jax.random.uniform(ks[5], (LEVEL,), dtype=jnp.float32)
    inp["south_pole_param"] = jax.random.uniform(ks[6], (LEVEL,), dtype=jnp.float32)
    return inp


def reference(x, grid0, grid1, grid2, grid3, north_pole_param, south_pole_param):
    grids = [grid0, grid1, grid2, grid3]
    lat = x[:, 0]
    lon = x[:, 1]
    lat_idx = jnp.clip(jnp.round((90.0 - lat) / RESOLUTION).astype(jnp.int32), 0, LAT_SHAPE - 1)
    lon_idx = jnp.clip(jnp.round((lon - 0.0) / RESOLUTION).astype(jnp.int32), 0, LON_SHAPE - 1)
    north_pole_mask = lat_idx == (LAT_SHAPE - 1)
    south_pole_mask = lat_idx == 0
    non_pole_mask = (lat_idx > 0) & (lat_idx < (LAT_SHAPE - 1))
    reps = []
    for g in grids:
        up = jax.image.resize(g, (1, 1, LAT_SHAPE, LON_SHAPE), method='bilinear')[0, 0]
        vals = up[lat_idx, lon_idx]
        reps.append(jnp.where(non_pole_mask, vals, 0.0))
    latent_reps = jnp.stack(reps, axis=-1)
    latent_reps = jnp.where(north_pole_mask[:, None], north_pole_param[None, :], latent_reps)
    latent_reps = jnp.where(south_pole_mask[:, None], south_pole_param[None, :], latent_reps)
    return latent_reps

if __name__ == "__main__":
    import jax
    _d = setup_inputs()
    print(jax.jit(kernel)(*tuple(_d.values())))

</pallas_src>

<mosaic_0001>
#map = affine_map<(d0, d1) -> (0)>
module attributes {stable_mosaic.version = 14 : i64} {
  func.func @_sc_gather_body(%arg0: i32, %arg1: i32, %arg2: memref<2000000xf32, #tpu.memory_space<hbm>>, %arg3: memref<4472832xf32, #tpu.memory_space<hbm>>, %arg4: memref<4000000xf32, #tpu.memory_space<hbm>>, %arg5: memref<3200xf32, #tpu.memory_space<vmem>>, %arg6: memref<98304xf32, #tpu.memory_space<vmem>>, %arg7: memref<6656xi32, #tpu.memory_space<vmem>>, %arg8: memref<6656xf32, #tpu.memory_space<vmem>>, %arg9: memref<6400xf32, #tpu.memory_space<vmem>>, %arg10: memref<!tpu.dma_semaphore, #tpu.memory_space<semaphore_mem>>) attributes {dimension_semantics = [#tpu.dimension_semantics<core_parallel>, #tpu.dimension_semantics<subcore_parallel>], iteration_bounds = array<i64: 2, 16>, scalar_prefetch = 0 : i64, scratch_operands = 6 : i64, tpu.core_type = #tpu.core_type<sc_vector_subcore>, window_params = [{transform_indices = #map}, {transform_indices = #map}, {transform_indices = #map}]} {
    %mul3A = arith.constant 2 : i32
    %mul3A_0 = arith.muli %arg1, %mul3A : i32
    %add3A = arith.addi %mul3A_0, %arg0 : i32
    %iota3A = tpu.iota {dimensions = array<i32: 0>} : vector<16xi32>
    %broadcast_in_dim3A = arith.constant 0 : i32
    %broadcast_in_dim3A_1 = vector.broadcast %broadcast_in_dim3A : i32 to vector<16xi32>
    %swap3A = arith.constant 1600 : index
    %swap3A_2 = tpu.vector_load %arg7[%swap3A] {strides = array<i32>} : memref<6656xi32, #tpu.memory_space<vmem>>, vector<16xi32>,
    tpu.vector_store %arg7[%swap3A], %broadcast_in_dim3A_1 {strides = array<i32>} : memref<6656xi32, #tpu.memory_space<vmem>>, vector<16xi32>,
    %swap3A_3 = arith.constant 3264 : index
    %swap3A_4 = tpu.vector_load %arg7[%swap3A_3] {strides = array<i32>} : memref<6656xi32, #tpu.memory_space<vmem>>, vector<16xi32>,
    tpu.vector_store %arg7[%swap3A_3], %broadcast_in_dim3A_1 {strides = array<i32>} : memref<6656xi32, #tpu.memory_space<vmem>>, vector<16xi32>,
    %swap3A_5 = arith.constant 4928 : index
    %swap3A_6 = tpu.vector_load %arg7[%swap3A_5] {strides = array<i32>} : memref<6656xi32, #tpu.memory_space<vmem>>, vector<16xi32>,
    tpu.vector_store %arg7[%swap3A_5], %broadcast_in_dim3A_1 {strides = array<i32>} : memref<6656xi32, #tpu.memory_space<vmem>>, vector<16xi32>,
    %swap3A_7 = arith.constant 6592 : index
    %swap3A_8 = tpu.vector_load %arg7[%swap3A_7] {strides = array<i32>} : memref<6656xi32, #tpu.memory_space<vmem>>, vector<16xi32>,
    tpu.vector_store %arg7[%swap3A_7], %broadcast_in_dim3A_1 {strides = array<i32>} : memref<6656xi32, #tpu.memory_space<vmem>>, vector<16xi32>,
    %swap3A_9 = arith.constant 1616 : index
    %swap3A_10 = tpu.vector_load %arg7[%swap3A_9] {strides = array<i32>} : memref<6656xi32, #tpu.memory_space<vmem>>, vector<16xi32>,
    tpu.vector_store %arg7[%swap3A_9], %broadcast_in_dim3A_1 {strides = array<i32>} : memref<6656xi32, #tpu.memory_space<vmem>>, vector<16xi32>,
    %swap3A_11 = arith.constant 3280 : index
    %swap3A_12 = tpu.vector_load %arg7[%swap3A_11] {strides = array<i32>} : memref<6656xi32, #tpu.memory_space<vmem>>, vector<16xi32>,
    tpu.vector_store %arg7[%swap3A_11], %broadcast_in_dim3A_1 {strides = array<i32>} : memref<6656xi32, #tpu.memory_space<vmem>>, vector<16xi32>,
    %swap3A_13 = arith.constant 4944 : index
    %swap3A_14 = tpu.vector_load %arg7[%swap3A_13] {strides = array<i32>} : memref<6656xi32, #tpu.memory_space<vmem>>, vector<16xi32>,
    tpu.vector_store %arg7[%swap3A_13], %broadcast_in_dim3A_1 {strides = array<i32>} : memref<6656xi32, #tpu.memory_space<vmem>>, vector<16xi32>,
    %swap3A_15 = arith.constant 6608 : index
    %swap3A_16 = tpu.vector_load %arg7[%swap3A_15] {strides = array<i32>} : memref<6656xi32, #tpu.memory_space<vmem>>, vector<16xi32>,
    tpu.vector_store %arg7[%swap3A_15], %broadcast_in_dim3A_1 {strides = array<i32>} : memref<6656xi32, #tpu.memory_space<vmem>>, vector<16xi32>,
    %swap3A_17 = arith.constant 1632 : index
    %swap3A_18 = tpu.vector_load %arg7[%swap3A_17] {strides = array<i32>} : memref<6656xi32, #tpu.memory_space<vmem>>, vector<16xi32>,
    tpu.vector_store %arg7[%swap3A_17], %broadcast_in_dim3A_1 {strides = array<i32>} : memref<6656xi32, #tpu.memory_space<vmem>>, vector<16xi32>,
    %swap3A_19 = arith.constant 3296 : index
    %swap3A_20 = tpu.vector_load %arg7[%swap3A_19] {strides = array<i32>} : memref<6656xi32, #tpu.memory_space<vmem>>, vector<16xi32>,
    tpu.vector_store %arg7[%swap3A_19], %broadcast_in_dim3A_1 {strides = array<i32>} : memref<6656xi32, #tpu.memory_space<vmem>>, vector<16xi32>,
    %swap3A_21 = arith.constant 4960 : index
    %swap3A_22 = tpu.vector_load %arg7[%swap3A_21] {strides = array<i32>} : memref<6656xi32, #tpu.memory_space<vmem>>, vector<16xi32>,
    tpu.vector_store %arg7[%swap3A_21], %broadcast_in_dim3A_1 {strides = array<i32>} : memref<6656xi32, #tpu.memory_space<vmem>>, vector<16xi32>,
    %swap3A_23 = arith.constant 6624 : index
    %swap3A_24 = tpu.vector_load %arg7[%swap3A_23] {strides = array<i32>} : memref<6656xi32, #tpu.memory_space<vmem>>, vector<16xi32>,
    tpu.vector_store %arg7[%swap3A_23], %broadcast_in_dim3A_1 {strides = array<i32>} : memref<6656xi32, #tpu.memory_space<vmem>>, vector<16xi32>,
    %swap3A_25 = arith.constant 1648 : index
    %swap3A_26 = tpu.vector_load %arg7[%swap3A_25] {strides = array<i32>} : memref<6656xi32, #tpu.memory_space<vmem>>, vector<16xi32>,
    tpu.vector_store %arg7[%swap3A_25], %broadcast_in_dim3A_1 {strides = array<i32>} : memref<6656xi32, #tpu.memory_space<vmem>>, vector<16xi32>,
    %swap3A_27 = arith.constant 3312 : index
    %swap3A_28 = tpu.vector_load %arg7[%swap3A_27] {strides = array<i32>} : memref<6656xi32, #tpu.memory_space<vmem>>, vector<16xi32>,
    tpu.vector_store %arg7[%swap3A_27], %broadcast_in_dim3A_1 {strides = array<i32>} : memref<6656xi32, #tpu.memory_space<vmem>>, vector<16xi32>,
    %swap3A_29 = arith.constant 4976 : index
    %swap3A_30 = tpu.vector_load %arg7[%swap3A_29] {strides = array<i32>} : memref<6656xi32, #tpu.memory_space<vmem>>, vector<16xi32>,
    tpu.vector_store %arg7[%swap3A_29], %broadcast_in_dim3A_1 {strides = array<i32>} : memref<6656xi32, #tpu.memory_space<vmem>>, vector<16xi32>,
    %swap3A_31 = arith.constant 6640 : index
    %swap3A_32 = tpu.vector_load %arg7[%swap3A_31] {strides = array<i32>} : memref<6656xi32, #tpu.memory_space<vmem>>, vector<16xi32>,
    tpu.vector_store %arg7[%swap3A_31], %broadcast_in_dim3A_1 {strides = array<i32>} : memref<6656xi32, #tpu.memory_space<vmem>>, vector<16xi32>,
    %mul3A_33 = arith.constant 1600 : i32
    %mul3A_34 = arith.muli %add3A, %mul3A_33 : i32
    "tpu.region"() ({
      %run_scoped3A = tpu.sem_alloc : memref<!tpu.dma_semaphore, #tpu.memory_space<semaphore_mem>>
      %dma_start3A_823 = arith.constant 0 : i32
      %dma_start3A_824 = tpu.memref_slice %arg5[%dma_start3A_823] : memref<3200xf32, #tpu.memory_space<vmem>> -> memref<1600xf32, #tpu.memory_space<vmem>>
      %dma_start3A_825 = tpu.memref_slice %arg2[%mul3A_34] : memref<2000000xf32, #tpu.memory_space<hbm>> -> memref<1600xf32, #tpu.memory_space<hbm>>
      %dma_start3A_826 = arith.constant 0 : i32
      %dma_start3A_827 = tpu.memref_slice %arg5[%dma_start3A_826] : memref<3200xf32, #tpu.memory_space<vmem>> -> memref<1600xf32, #tpu.memory_space<vmem>>
      %dma_start3A_828 = tpu.memref_slice %arg2[%mul3A_34] : memref<2000000xf32, #tpu.memory_space<hbm>> -> memref<1600xf32, #tpu.memory_space<hbm>>
      tpu.enqueue_dma source(%dma_start3A_828 : memref<1600xf32, #tpu.memory_space<hbm>>) target(%dma_start3A_827 : memref<1600xf32, #tpu.memory_space<vmem>>) target_semaphore(%run_scoped3A : memref<!tpu.dma_semaphore, #tpu.memory_space<semaphore_mem>>)
      %dma_wait3A_829 = arith.constant 0 : i32
      %dma_wait3A_830 = tpu.memref_slice %arg5[%dma_wait3A_829] : memref<3200xf32, #tpu.memory_space<vmem>> -> memref<1600xf32, #tpu.memory_space<vmem>>
      %dma_wait3A_831 = tpu.memref_slice %arg2[%mul3A_34] : memref<2000000xf32, #tpu.memory_space<hbm>> -> memref<1600xf32, #tpu.memory_space<hbm>>
      %dma_wait3A_832 = arith.constant 0 : i32
      %dma_wait3A_833 = tpu.memref_slice %arg5[%dma_wait3A_832] : memref<3200xf32, #tpu.memory_space<vmem>> -> memref<1600xf32, #tpu.memory_space<vmem>>
      %dma_wait3A_834 = tpu.memref_slice %arg2[%mul3A_34] : memref<2000000xf32, #tpu.memory_space<hbm>> -> memref<1600xf32, #tpu.memory_space<hbm>>
      tpu.wait_dma2 semaphore(%run_scoped3A : memref<!tpu.dma_semaphore, #tpu.memory_space<semaphore_mem>>) src(%dma_wait3A_834 : memref<1600xf32, #tpu.memory_space<hbm>>) dst(%dma_wait3A_833 : memref<1600xf32, #tpu.memory_space<vmem>>)
      tpu.yield
    }) : () -> ()
    %broadcast_in_dim3A_35 = arith.constant 720 : i32
    %broadcast_in_dim3A_36 = vector.broadcast %broadcast_in_dim3A_35 : i32 to vector<16xi32>
    %parallel_loop3A = arith.constant 0 : i32
    %parallel_loop3A_37 = arith.constant 1600 : i32
    %parallel_loop3A_38 = arith.constant 16 : i32
    %parallel_loop3A_39 = scf.for %parallel_loop3A_823 = %parallel_loop3A to %parallel_loop3A_37 step %parallel_loop3A_38 iter_args(%parallel_loop3A_824 = %broadcast_in_dim3A_36) -> (vector<16xi32>)  : i32 {
      %parallel_loop3A_825 = arith.index_cast %parallel_loop3A_823 : i32 to index
      %parallel_loop3A_826 = tpu.vector_load %arg5[%parallel_loop3A_825] {strides = array<i32>} : memref<3200xf32, #tpu.memory_space<vmem>>, vector<16xf32>,
      %parallel_loop3A_827 = arith.constant 9.000000e+01 : f32
      %parallel_loop3A_828 = vector.broadcast %parallel_loop3A_827 : f32 to vector<16xf32>
      %parallel_loop3A_829 = arith.subf %parallel_loop3A_828, %parallel_loop3A_826 : vector<16xf32>
      %parallel_loop3A_830 = arith.constant 4.000000e+00 : f32
      %parallel_loop3A_831 = vector.broadcast %parallel_loop3A_830 : f32 to vector<16xf32>
      %parallel_loop3A_832 = arith.mulf %parallel_loop3A_829, %parallel_loop3A_831 : vector<16xf32>
      %parallel_loop3A_833 = arith.constant 0x4B400000 : f32
      %parallel_loop3A_834 = vector.broadcast %parallel_loop3A_833 : f32 to vector<16xf32>
      %parallel_loop3A_835 = arith.addf %parallel_loop3A_832, %parallel_loop3A_834 : vector<16xf32>
      %parallel_loop3A_836 = arith.constant 0x4B400000 : f32
      %parallel_loop3A_837 = vector.broadcast %parallel_loop3A_836 : f32 to vector<16xf32>
      %parallel_loop3A_838 = arith.subf %parallel_loop3A_835, %parallel_loop3A_837 : vector<16xf32>
      %parallel_loop3A_839 = arith.constant 0.000000e+00 : f32
      %parallel_loop3A_840 = vector.broadcast %parallel_loop3A_839 : f32 to vector<16xf32>
      %parallel_loop3A_841 = arith.maximumf %parallel_loop3A_838, %parallel_loop3A_840 : vector<16xf32>
      %parallel_loop3A_842 = arith.constant 7.200000e+02 : f32
      %parallel_loop3A_843 = vector.broadcast %parallel_loop3A_842 : f32 to vector<16xf32>
      %parallel_loop3A_844 = arith.minimumf %parallel_loop3A_841, %parallel_loop3A_843 : vector<16xf32>
      %parallel_loop3A_845 = arith.fptosi %parallel_loop3A_844 : vector<16xf32> to vector<16xi32>
      %parallel_loop3A_846 = arith.minsi %parallel_loop3A_824, %parallel_loop3A_845 : vector<16xi32>
      scf.yield %parallel_loop3A_846 : vector<16xi32>
    } {sc.loop_unroll_factor = 4 : i64, sc.parallel_access}
    %reduce_min3A = arith.constant true
    %reduce_min3A_40 = vector.broadcast %reduce_min3A : i1 to vector<16xi1>
    %reduce_min3A_41 = arith.constant -2147483648 : i32
    %reduce_min3A_42 = vector.broadcast %reduce_min3A_41 : i32 to vector<16xi32>
    %reduce_min3A_43 = arith.xori %parallel_loop3A_39, %reduce_min3A_42 : vector<16xi32>
    %reduce_min3A_44 = tpu.scan <min>, %reduce_min3A_43 masked %reduce_min3A_40 : vector<16xi32>, vector<16xi1> -> vector<16xi32>
    %reduce_min3A_45 = arith.xori %reduce_min3A_44, %reduce_min3A_42 : vector<16xi32>
    %reduce_min3A_46 = vector.extract %reduce_min3A_45[15] : i32 from vector<16xi32>
    %sub3A = arith.constant 5 : i32
    %sub3A_47 = arith.subi %reduce_min3A_46, %sub3A : i32
    %max3A = arith.constant 0 : i32
    %max3A_48 = arith.maxsi %sub3A_47, %max3A : i32
    %min3A = arith.constant 705 : i32
    %min3A_49 = arith.minsi %max3A_48, %min3A : i32
    %add3A_50 = arith.constant 16 : i32
    %add3A_51 = arith.addi %min3A_49, %add3A_50 : i32
    %mul3A_52 = arith.constant 128 : i32
    %mul3A_53 = arith.muli %min3A_49, %mul3A_52 : i32
    %add3A_54 = arith.constant 0 : i32
    %add3A_55 = arith.addi %add3A_54, %mul3A_53 : i32
    %dma_start3A = arith.constant 0 : i32
    %dma_start3A_56 = tpu.memref_slice %arg6[%dma_start3A] : memref<98304xf32, #tpu.memory_space<vmem>> -> memref<2048xf32, #tpu.memory_space<vmem>>
    %dma_start3A_57 = tpu.memref_slice %arg3[%add3A_55] : memref<4472832xf32, #tpu.memory_space<hbm>> -> memref<2048xf32, #tpu.memory_space<hbm>>
    %dma_start3A_58 = arith.constant 0 : i32
    %dma_start3A_59 = tpu.memref_slice %arg6[%dma_start3A_58] : memref<98304xf32, #tpu.memory_space<vmem>> -> memref<2048xf32, #tpu.memory_space<vmem>>
    %dma_start3A_60 = tpu.memref_slice %arg3[%add3A_55] : memref<4472832xf32, #tpu.memory_space<hbm>> -> memref<2048xf32, #tpu.memory_space<hbm>>
    tpu.enqueue_dma source(%dma_start3A_60 : memref<2048xf32, #tpu.memory_space<hbm>>) target(%dma_start3A_59 : memref<2048xf32, #tpu.memory_space<vmem>>) target_semaphore(%arg10 : memref<!tpu.dma_semaphore, #tpu.memory_space<semaphore_mem>>)
    %mul3A_61 = arith.constant 128 : i32
    %mul3A_62 = arith.muli %min3A_49, %mul3A_61 : i32
    %add3A_63 = arith.constant 93184 : i32
    %add3A_64 = arith.addi %add3A_63, %mul3A_62 : i32
    %dma_start3A_65 = arith.constant 2048 : i32
    %dma_start3A_66 = tpu.memref_slice %arg6[%dma_start3A_65] : memref<98304xf32, #tpu.memory_space<vmem>> -> memref<2048xf32, #tpu.memory_space<vmem>>
    %dma_start3A_67 = tpu.memref_slice %arg3[%add3A_64] : memref<4472832xf32, #tpu.memory_space<hbm>> -> memref<2048xf32, #tpu.memory_space<hbm>>
    %dma_start3A_68 = arith.constant 2048 : i32
    %dma_start3A_69 = tpu.memref_slice %arg6[%dma_start3A_68] : memref<98304xf32, #tpu.memory_space<vmem>> -> memref<2048xf32, #tpu.memory_space<vmem>>
    %dma_start3A_70 = tpu.memref_slice %arg3[%add3A_64] : memref<4472832xf32, #tpu.memory_space<hbm>> -> memref<2048xf32, #tpu.memory_space<hbm>>
    tpu.enqueue_dma source(%dma_start3A_70 : memref<2048xf32, #tpu.memory_space<hbm>>) target(%dma_start3A_69 : memref<2048xf32, #tpu.memory_space<vmem>>) target_semaphore(%arg10 : memref<!tpu.dma_semaphore, #tpu.memory_space<semaphore_mem>>)
    %mul3A_71 = arith.constant 128 : i32
    %mul3A_72 = arith.muli %min3A_49, %mul3A_71 : i32
    %add3A_73 = arith.constant 186368 : i32
    %add3A_74 = arith.addi %add3A_73, %mul3A_72 : i32
    %dma_start3A_75 = arith.constant 4096 : i32
    %dma_start3A_76 = tpu.memref_slice %arg6[%dma_start3A_75] : memref<98304xf32, #tpu.memory_space<vmem>> -> memref<2048xf32, #tpu.memory_space<vmem>>
    %dma_start3A_77 = tpu.memref_slice %arg3[%add3A_74] : memref<4472832xf32, #tpu.memory_space<hbm>> -> memref<2048xf32, #tpu.memory_space<hbm>>
    %dma_start3A_78 = arith.constant 4096 : i32
    %dma_start3A_79 = tpu.memref_slice %arg6[%dma_start3A_78] : memref<98304xf32, #tpu.memory_space<vmem>> -> memref<2048xf32, #tpu.memory_space<vmem>>
    %dma_start3A_80 = tpu.memref_slice %arg3[%add3A_74] : memref<4472832xf32, #tpu.memory_space<hbm>> -> memref<2048xf32, #tpu.memory_space<hbm>>
    tpu.enqueue_dma source(%dma_start3A_80 : memref<2048xf32, #tpu.memory_space<hbm>>) target(%dma_start3A_79 : memref<2048xf32, #tpu.memory_space<vmem>>) target_semaphore(%arg10 : memref<!tpu.dma_semaphore, #tpu.memory_space<semaphore_mem>>)
    %mul3A_81 = arith.constant 128 : i32
    %mul3A_82 = arith.muli %min3A_49, %mul3A_81 : i32
    %add3A_83 = arith.constant 279552 : i32
    %add3A_84 = arith.addi %add3A_83, %mul3A_82 : i32
    %dma_start3A_85 = arith.constant 6144 : i32
    %dma_start3A_86 = tpu.memref_slice %arg6[%dma_start3A_85] : memref<98304xf32, #tpu.memory_space<vmem>> -> memref<2048xf32, #tpu.memory_space<vmem>>
    %dma_start3A_87 = tpu.memref_slice %arg3[%add3A_84] : memref<4472832xf32, #tpu.memory_space<hbm>> -> memref<2048xf32, #tpu.memory_space<hbm>>
    %dma_start3A_88 = arith.constant 6144 : i32
    %dma_start3A_89 = tpu.memref_slice %arg6[%dma_start3A_88] : memref<98304xf32, #tpu.memory_space<vmem>> -> memref<2048xf32, #tpu.memory_space<vmem>>
    %dma_start3A_90 = tpu.memref_slice %arg3[%add3A_84] : memref<4472832xf32, #tpu.memory_space<hbm>> -> memref<2048xf32, #tpu.memory_space<hbm>>
    tpu.enqueue_dma source(%dma_start3A_90 : memref<2048xf32, #tpu.memory_space<hbm>>) target(%dma_start3A_89 : memref<2048xf32, #tpu.memory_space<vmem>>) target_semaphore(%arg10 : memref<!tpu.dma_semaphore, #tpu.memory_space<semaphore_mem>>)
    %mul3A_91 = arith.constant 128 : i32
    %mul3A_92 = arith.muli %min3A_49, %mul3A_91 : i32
    %add3A_93 = arith.constant 372736 : i32
    %add3A_94 = arith.addi %add3A_93, %mul3A_92 : i32
    %dma_start3A_95 = arith.constant 8192 : i32
    %dma_start3A_96 = tpu.memref_slice %arg6[%dma_start3A_95] : memref<98304xf32, #tpu.memory_space<vmem>> -> memref<2048xf32, #tpu.memory_space<vmem>>
    %dma_start3A_97 = tpu.memref_slice %arg3[%add3A_94] : memref<4472832xf32, #tpu.memory_space<hbm>> -> memref<2048xf32, #tpu.memory_space<hbm>>
    %dma_start3A_98 = arith.constant 8192 : i32
    %dma_start3A_99 = tpu.memref_slice %arg6[%dma_start3A_98] : memref<98304xf32, #tpu.memory_space<vmem>> -> memref<2048xf32, #tpu.memory_space<vmem>>
    %dma_start3A_100 = tpu.memref_slice %arg3[%add3A_94] : memref<4472832xf32, #tpu.memory_space<hbm>> -> memref<2048xf32, #tpu.memory_space<hbm>>
    tpu.enqueue_dma source(%dma_start3A_100 : memref<2048xf32, #tpu.memory_space<hbm>>) target(%dma_start3A_99 : memref<2048xf32, #tpu.memory_space<vmem>>) target_semaphore(%arg10 : memref<!tpu.dma_semaphore, #tpu.memory_space<semaphore_mem>>)
    %mul3A_101 = arith.constant 128 : i32
    %mul3A_102 = arith.muli %min3A_49, %mul3A_101 : i32
    %add3A_103 = arith.constant 465920 : i32
    %add3A_104 = arith.addi %add3A_103, %mul3A_102 : i32
    %dma_start3A_105 = arith.constant 10240 : i32
    %dma_start3A_106 = tpu.memref_slice %arg6[%dma_start3A_105] : memref<98304xf32, #tpu.memory_space<vmem>> -> memref<2048xf32, #tpu.memory_space<vmem>>
    %dma_start3A_107 = tpu.memref_slice %arg3[%add3A_104] : memref<4472832xf32, #tpu.memory_space<hbm>> -> memref<2048xf32, #tpu.memory_space<hbm>>
    %dma_start3A_108 = arith.constant 10240 : i32
    %dma_start3A_109 = tpu.memref_slice %arg6[%dma_start3A_108] : memref<98304xf32, #tpu.memory_space<vmem>> -> memref<2048xf32, #tpu.memory_space<vmem>>
    %dma_start3A_110 = tpu.memref_slice %arg3[%add3A_104] : memref<4472832xf32, #tpu.memory_space<hbm>> -> memref<2048xf32, #tpu.memory_space<hbm>>
    tpu.enqueue_dma source(%dma_start3A_110 : memref<2048xf32, #tpu.memory_space<hbm>>) target(%dma_start3A_109 : memref<2048xf32, #tpu.memory_space<vmem>>) target_semaphore(%arg10 : memref<!tpu.dma_semaphore, #tpu.memory_space<semaphore_mem>>)
    %mul3A_111 = arith.constant 128 : i32
    %mul3A_112 = arith.muli %min3A_49, %mul3A_111 : i32
    %add3A_113 = arith.constant 559104 : i32
    %add3A_114 = arith.addi %add3A_113, %mul3A_112 : i32
    %dma_start3A_115 = arith.constant 12288 : i32
    %dma_start3A_116 = tpu.memref_slice %arg6[%dma_start3A_115] : memref<98304xf32, #tpu.memory_space<vmem>> -> memref<2048xf32, #tpu.memory_space<vmem>>
    %dma_start3A_117 = tpu.memref_slice %arg3[%add3A_114] : memref<4472832xf32, #tpu.memory_space<hbm>> -> memref<2048xf32, #tpu.memory_space<hbm>>
    %dma_start3A_118 = arith.constant 12288 : i32
    %dma_start3A_119 = tpu.memref_slice %arg6[%dma_start3A_118] : memref<98304xf32, #tpu.memory_space<vmem>> -> memref<2048xf32, #tpu.memory_space<vmem>>
    %dma_start3A_120 = tpu.memref_slice %arg3[%add3A_114] : memref<4472832xf32, #tpu.memory_space<hbm>> -> memref<2048xf32, #tpu.memory_space<hbm>>
    tpu.enqueue_dma source(%dma_start3A_120 : memref<2048xf32, #tpu.memory_space<hbm>>) target(%dma_start3A_119 : memref<2048xf32, #tpu.memory_space<vmem>>) target_semaphore(%arg10 : memref<!tpu.dma_semaphore, #tpu.memory_space<semaphore_mem>>)
    %mul3A_121 = arith.constant 128 : i32
    %mul3A_122 = arith.muli %min3A_49, %mul3A_121 : i32
    %add3A_123 = arith.constant 652288 : i32
    %add3A_124 = arith.addi %add3A_123, %mul3A_122 : i32
    %dma_start3A_125 = arith.constant 14336 : i32
    %dma_start3A_126 = tpu.memref_slice %arg6[%dma_start3A_125] : memref<98304xf32, #tpu.memory_space<vmem>> -> memref<2048xf32, #tpu.memory_space<vmem>>
    %dma_start3A_127 = tpu.memref_slice %arg3[%add3A_124] : memref<4472832xf32, #tpu.memory_space<hbm>> -> memref<2048xf32, #tpu.memory_space<hbm>>
    %dma_start3A_128 = arith.constant 14336 : i32
    %dma_start3A_129 = tpu.memref_slice %arg6[%dma_start3A_128] : memref<98304xf32, #tpu.memory_space<vmem>> -> memref<2048xf32, #tpu.memory_space<vmem>>
    %dma_start3A_130 = tpu.memref_slice %arg3[%add3A_124] : memref<4472832xf32, #tpu.memory_space<hbm>> -> memref<2048xf32, #tpu.memory_space<hbm>>
    tpu.enqueue_dma source(%dma_start3A_130 : memref<2048xf32, #tpu.memory_space<hbm>>) target(%dma_start3A_129 : memref<2048xf32, #tpu.memory_space<vmem>>) target_semaphore(%arg10 : memref<!tpu.dma_semaphore, #tpu.memory_space<semaphore_mem>>)
    %mul3A_131 = arith.constant 128 : i32
    %mul3A_132 = arith.muli %min3A_49, %mul3A_131 : i32
    %add3A_133 = arith.constant 745472 : i32
    %add3A_134 = arith.addi %add3A_133, %mul3A_132 : i32
    %dma_start3A_135 = arith.constant 16384 : i32
    %dma_start3A_136 = tpu.memref_slice %arg6[%dma_start3A_135] : memref<98304xf32, #tpu.memory_space<vmem>> -> memref<2048xf32, #tpu.memory_space<vmem>>
    %dma_start3A_137 = tpu.memref_slice %arg3[%add3A_134] : memref<4472832xf32, #tpu.memory_space<hbm>> -> memref<2048xf32, #tpu.memory_space<hbm>>
    %dma_start3A_138 = arith.constant 16384 : i32
    %dma_start3A_139 = tpu.memref_slice %arg6[%dma_start3A_138] : memref<98304xf32, #tpu.memory_space<vmem>> -> memref<2048xf32, #tpu.memory_space<vmem>>
    %dma_start3A_140 = tpu.memref_slice %arg3[%add3A_134] : memref<4472832xf32, #tpu.memory_space<hbm>> -> memref<2048xf32, #tpu.memory_space<hbm>>
    tpu.enqueue_dma source(%dma_start3A_140 : memref<2048xf32, #tpu.memory_space<hbm>>) target(%dma_start3A_139 : memref<2048xf32, #tpu.memory_space<vmem>>) target_semaphore(%arg10 : memref<!tpu.dma_semaphore, #tpu.memory_space<semaphore_mem>>)
    %mul3A_141 = arith.constant 128 : i32
    %mul3A_142 = arith.muli %min3A_49, %mul3A_141 : i32
    %add3A_143 = arith.constant 838656 : i32
    %add3A_144 = arith.addi %add3A_143, %mul3A_142 : i32
    %dma_start3A_145 = arith.constant 18432 : i32
    %dma_start3A_146 = tpu.memref_slice %arg6[%dma_start3A_145] : memref<98304xf32, #tpu.memory_space<vmem>> -> memref<2048xf32, #tpu.memory_space<vmem>>
    %dma_start3A_147 = tpu.memref_slice %arg3[%add3A_144] : memref<4472832xf32, #tpu.memory_space<hbm>> -> memref<2048xf32, #tpu.memory_space<hbm>>
    %dma_start3A_148 = arith.constant 18432 : i32
    %dma_start3A_149 = tpu.memref_slice %arg6[%dma_start3A_148] : memref<98304xf32, #tpu.memory_space<vmem>> -> memref<2048xf32, #tpu.memory_space<vmem>>
    %dma_start3A_150 = tpu.memref_slice %arg3[%add3A_144] : memref<4472832xf32, #tpu.memory_space<hbm>> -> memref<2048xf32, #tpu.memory_space<hbm>>
    tpu.enqueue_dma source(%dma_start3A_150 : memref<2048xf32, #tpu.memory_space<hbm>>) target(%dma_start3A_149 : memref<2048xf32, #tpu.memory_space<vmem>>) target_semaphore(%arg10 : memref<!tpu.dma_semaphore, #tpu.memory_space<semaphore_mem>>)
    %mul3A_151 = arith.constant 128 : i32
    %mul3A_152 = arith.muli %min3A_49, %mul3A_151 : i32
    %add3A_153 = arith.constant 931840 : i32
    %add3A_154 = arith.addi %add3A_153, %mul3A_152 : i32
    %dma_start3A_155 = arith.constant 20480 : i32
    %dma_start3A_156 = tpu.memref_slice %arg6[%dma_start3A_155] : memref<98304xf32, #tpu.memory_space<vmem>> -> memref<2048xf32, #tpu.memory_space<vmem>>
    %dma_start3A_157 = tpu.memref_slice %arg3[%add3A_154] : memref<4472832xf32, #tpu.memory_space<hbm>> -> memref<2048xf32, #tpu.memory_space<hbm>>
    %dma_start3A_158 = arith.constant 20480 : i32
    %dma_start3A_159 = tpu.memref_slice %arg6[%dma_start3A_158] : memref<98304xf32, #tpu.memory_space<vmem>> -> memref<2048xf32, #tpu.memory_space<vmem>>
    %dma_start3A_160 = tpu.memref_slice %arg3[%add3A_154] : memref<4472832xf32, #tpu.memory_space<hbm>> -> memref<2048xf32, #tpu.memory_space<hbm>>
    tpu.enqueue_dma source(%dma_start3A_160 : memref<2048xf32, #tpu.memory_space<hbm>>) target(%dma_start3A_159 : memref<2048xf32, #tpu.memory_space<vmem>>) target_semaphore(%arg10 : memref<!tpu.dma_semaphore, #tpu.memory_space<semaphore_mem>>)
    %mul3A_161 = arith.constant 128 : i32
    %mul3A_162 = arith.muli %min3A_49, %mul3A_161 : i32
    %add3A_163 = arith.constant 1025024 : i32
    %add3A_164 = arith.addi %add3A_163, %mul3A_162 : i32
    %dma_start3A_165 = arith.constant 22528 : i32
    %dma_start3A_166 = tpu.memref_slice %arg6[%dma_start3A_165] : memref<98304xf32, #tpu.memory_space<vmem>> -> memref<2048xf32, #tpu.memory_space<vmem>>
    %dma_start3A_167 = tpu.memref_slice %arg3[%add3A_164] : memref<4472832xf32, #tpu.memory_space<hbm>> -> memref<2048xf32, #tpu.memory_space<hbm>>
    %dma_start3A_168 = arith.constant 22528 : i32
    %dma_start3A_169 = tpu.memref_slice %arg6[%dma_start3A_168] : memref<98304xf32, #tpu.memory_space<vmem>> -> memref<2048xf32, #tpu.memory_space<vmem>>
    %dma_start3A_170 = tpu.memref_slice %arg3[%add3A_164] : memref<4472832xf32, #tpu.memory_space<hbm>> -> memref<2048xf32, #tpu.memory_space<hbm>>
    tpu.enqueue_dma source(%dma_start3A_170 : memref<2048xf32, #tpu.memory_space<hbm>>) target(%dma_start3A_169 : memref<2048xf32, #tpu.memory_space<vmem>>) target_semaphore(%arg10 : memref<!tpu.dma_semaphore, #tpu.memory_space<semaphore_mem>>)
    %mul3A_171 = arith.constant 128 : i32
    %mul3A_172 = arith.muli %min3A_49, %mul3A_171 : i32
    %add3A_173 = arith.constant 1118208 : i32
    %add3A_174 = arith.addi %add3A_173, %mul3A_172 : i32
    %dma_start3A_175 = arith.constant 24576 : i32
    %dma_start3A_176 = tpu.memref_slice %arg6[%dma_start3A_175] : memref<98304xf32, #tpu.memory_space<vmem>> -> memref<2048xf32, #tpu.memory_space<vmem>>
    %dma_start3A_177 = tpu.memref_slice %arg3[%add3A_174] : memref<4472832xf32, #tpu.memory_space<hbm>> -> memref<2048xf32, #tpu.memory_space<hbm>>
    %dma_start3A_178 = arith.constant 24576 : i32
    %dma_start3A_179 = tpu.memref_slice %arg6[%dma_start3A_178] : memref<98304xf32, #tpu.memory_space<vmem>> -> memref<2048xf32, #tpu.memory_space<vmem>>
    %dma_start3A_180 = tpu.memref_slice %arg3[%add3A_174] : memref<4472832xf32, #tpu.memory_space<hbm>> -> memref<2048xf32, #tpu.memory_space<hbm>>
    tpu.enqueue_dma source(%dma_start3A_180 : memref<2048xf32, #tpu.memory_space<hbm>>) target(%dma_start3A_179 : memref<2048xf32, #tpu.memory_space<vmem>>) target_semaphore(%arg10 : memref<!tpu.dma_semaphore, #tpu.memory_space<semaphore_mem>>)
    %mul3A_181 = arith.constant 128 : i32
    %mul3A_182 = arith.muli %min3A_49, %mul3A_181 : i32
    %add3A_183 = arith.constant 1211392 : i32
    %add3A_184 = arith.addi %add3A_183, %mul3A_182 : i32
    %dma_start3A_185 = arith.constant 26624 : i32
    %dma_start3A_186 = tpu.memref_slice %arg6[%dma_start3A_185] : memref<98304xf32, #tpu.memory_space<vmem>> -> memref<2048xf32, #tpu.memory_space<vmem>>
    %dma_start3A_187 = tpu.memref_slice %arg3[%add3A_184] : memref<4472832xf32, #tpu.memory_space<hbm>> -> memref<2048xf32, #tpu.memory_space<hbm>>
    %dma_start3A_188 = arith.constant 26624 : i32
    %dma_start3A_189 = tpu.memref_slice %arg6[%dma_start3A_188] : memref<98304xf32, #tpu.memory_space<vmem>> -> memref<2048xf32, #tpu.memory_space<vmem>>
    %dma_start3A_190 = tpu.memref_slice %arg3[%add3A_184] : memref<4472832xf32, #tpu.memory_space<hbm>> -> memref<2048xf32, #tpu.memory_space<hbm>>
    tpu.enqueue_dma source(%dma_start3A_190 : memref<2048xf32, #tpu.memory_space<hbm>>) target(%dma_start3A_189 : memref<2048xf32, #tpu.memory_space<vmem>>) target_semaphore(%arg10 : memref<!tpu.dma_semaphore, #tpu.memory_space<semaphore_mem>>)
    %mul3A_191 = arith.constant 128 : i32
    %mul3A_192 = arith.muli %min3A_49, %mul3A_191 : i32
    %add3A_193 = arith.constant 1304576 : i32
    %add3A_194 = arith.addi %add3A_193, %mul3A_192 : i32
    %dma_start3A_195 = arith.constant 28672 : i32
    %dma_start3A_196 = tpu.memref_slice %arg6[%dma_start3A_195] : memref<98304xf32, #tpu.memory_space<vmem>> -> memref<2048xf32, #tpu.memory_space<vmem>>
    %dma_start3A_197 = tpu.memref_slice %arg3[%add3A_194] : memref<4472832xf32, #tpu.memory_space<hbm>> -> memref<2048xf32, #tpu.memory_space<hbm>>
    %dma_start3A_198 = arith.constant 28672 : i32
    %dma_start3A_199 = tpu.memref_slice %arg6[%dma_start3A_198] : memref<98304xf32, #tpu.memory_space<vmem>> -> memref<2048xf32, #tpu.memory_space<vmem>>
    %dma_start3A_200 = tpu.memref_slice %arg3[%add3A_194] : memref<4472832xf32, #tpu.memory_space<hbm>> -> memref<2048xf32, #tpu.memory_space<hbm>>
    tpu.enqueue_dma source(%dma_start3A_200 : memref<2048xf32, #tpu.memory_space<hbm>>) target(%dma_start3A_199 : memref<2048xf32, #tpu.memory_space<vmem>>) target_semaphore(%arg10 : memref<!tpu.dma_semaphore, #tpu.memory_space<semaphore_mem>>)
    %mul3A_201 = arith.constant 128 : i32
    %mul3A_202 = arith.muli %min3A_49, %mul3A_201 : i32
    %add3A_203 = arith.constant 1397760 : i32
    %add3A_204 = arith.addi %add3A_203, %mul3A_202 : i32
    %dma_start3A_205 = arith.constant 30720 : i32
    %dma_start3A_206 = tpu.memref_slice %arg6[%dma_start3A_205] : memref<98304xf32, #tpu.memory_space<vmem>> -> memref<2048xf32, #tpu.memory_space<vmem>>
    %dma_start3A_207 = tpu.memref_slice %arg3[%add3A_204] : memref<4472832xf32, #tpu.memory_space<hbm>> -> memref<2048xf32, #tpu.memory_space<hbm>>
    %dma_start3A_208 = arith.constant 30720 : i32
    %dma_start3A_209 = tpu.memref_slice %arg6[%dma_start3A_208] : memref<98304xf32, #tpu.memory_space<vmem>> -> memref<2048xf32, #tpu.memory_space<vmem>>
    %dma_start3A_210 = tpu.memref_slice %arg3[%add3A_204] : memref<4472832xf32, #tpu.memory_space<hbm>> -> memref<2048xf32, #tpu.memory_space<hbm>>
    tpu.enqueue_dma source(%dma_start3A_210 : memref<2048xf32, #tpu.memory_space<hbm>>) target(%dma_start3A_209 : memref<2048xf32, #tpu.memory_space<vmem>>) target_semaphore(%arg10 : memref<!tpu.dma_semaphore, #tpu.memory_space<semaphore_mem>>)
    %mul3A_211 = arith.constant 128 : i32
    %mul3A_212 = arith.muli %min3A_49, %mul3A_211 : i32
    %add3A_213 = arith.constant 1490944 : i32
    %add3A_214 = arith.addi %add3A_213, %mul3A_212 : i32
    %dma_start3A_215 = arith.constant 32768 : i32
    %dma_start3A_216 = tpu.memref_slice %arg6[%dma_start3A_215] : memref<98304xf32, #tpu.memory_space<vmem>> -> memref<2048xf32, #tpu.memory_space<vmem>>
    %dma_start3A_217 = tpu.memref_slice %arg3[%add3A_214] : memref<4472832xf32, #tpu.memory_space<hbm>> -> memref<2048xf32, #tpu.memory_space<hbm>>
    %dma_start3A_218 = arith.constant 32768 : i32
    %dma_start3A_219 = tpu.memref_slice %arg6[%dma_start3A_218] : memref<98304xf32, #tpu.memory_space<vmem>> -> memref<2048xf32, #tpu.memory_space<vmem>>
    %dma_start3A_220 = tpu.memref_slice %arg3[%add3A_214] : memref<4472832xf32, #tpu.memory_space<hbm>> -> memref<2048xf32, #tpu.memory_space<hbm>>
    tpu.enqueue_dma source(%dma_start3A_220 : memref<2048xf32, #tpu.memory_space<hbm>>) target(%dma_start3A_219 : memref<2048xf32, #tpu.memory_space<vmem>>) target_semaphore(%arg10 : memref<!tpu.dma_semaphore, #tpu.memory_space<semaphore_mem>>)
    %mul3A_221 = arith.constant 128 : i32
    %mul3A_222 = arith.muli %min3A_49, %mul3A_221 : i32
    %add3A_223 = arith.constant 1584128 : i32
    %add3A_224 = arith.addi %add3A_223, %mul3A_222 : i32
    %dma_start3A_225 = arith.constant 34816 : i32
    %dma_start3A_226 = tpu.memref_slice %arg6[%dma_start3A_225] : memref<98304xf32, #tpu.memory_space<vmem>> -> memref<2048xf32, #tpu.memory_space<vmem>>
    %dma_start3A_227 = tpu.memref_slice %arg3[%add3A_224] : memref<4472832xf32, #tpu.memory_space<hbm>> -> memref<2048xf32, #tpu.memory_space<hbm>>
    %dma_start3A_228 = arith.constant 34816 : i32
    %dma_start3A_229 = tpu.memref_slice %arg6[%dma_start3A_228] : memref<98304xf32, #tpu.memory_space<vmem>> -> memref<2048xf32, #tpu.memory_space<vmem>>
    %dma_start3A_230 = tpu.memref_slice %arg3[%add3A_224] : memref<4472832xf32, #tpu.memory_space<hbm>> -> memref<2048xf32, #tpu.memory_space<hbm>>
    tpu.enqueue_dma source(%dma_start3A_230 : memref<2048xf32, #tpu.memory_space<hbm>>) target(%dma_start3A_229 : memref<2048xf32, #tpu.memory_space<vmem>>) target_semaphore(%arg10 : memref<!tpu.dma_semaphore, #tpu.memory_space<semaphore_mem>>)
    %mul3A_231 = arith.constant 128 : i32
    %mul3A_232 = arith.muli %min3A_49, %mul3A_231 : i32
    %add3A_233 = arith.constant 1677312 : i32
    %add3A_234 = arith.addi %add3A_233, %mul3A_232 : i32
    %dma_start3A_235 = arith.constant 36864 : i32
    %dma_start3A_236 = tpu.memref_slice %arg6[%dma_start3A_235] : memref<98304xf32, #tpu.memory_space<vmem>> -> memref<2048xf32, #tpu.memory_space<vmem>>
    %dma_start3A_237 = tpu.memref_slice %arg3[%add3A_234] : memref<4472832xf32, #tpu.memory_space<hbm>> -> memref<2048xf32, #tpu.memory_space<hbm>>
    %dma_start3A_238 = arith.constant 36864 : i32
    %dma_start3A_239 = tpu.memref_slice %arg6[%dma_start3A_238] : memref<98304xf32, #tpu.memory_space<vmem>> -> memref<2048xf32, #tpu.memory_space<vmem>>
    %dma_start3A_240 = tpu.memref_slice %arg3[%add3A_234] : memref<4472832xf32, #tpu.memory_space<hbm>> -> memref<2048xf32, #tpu.memory_space<hbm>>
    tpu.enqueue_dma source(%dma_start3A_240 : memref<2048xf32, #tpu.memory_space<hbm>>) target(%dma_start3A_239 : memref<2048xf32, #tpu.memory_space<vmem>>) target_semaphore(%arg10 : memref<!tpu.dma_semaphore, #tpu.memory_space<semaphore_mem>>)
    %mul3A_241 = arith.constant 128 : i32
    %mul3A_242 = arith.muli %min3A_49, %mul3A_241 : i32
    %add3A_243 = arith.constant 1770496 : i32
    %add3A_244 = arith.addi %add3A_243, %mul3A_242 : i32
    %dma_start3A_245 = arith.constant 38912 : i32
    %dma_start3A_246 = tpu.memref_slice %arg6[%dma_start3A_245] : memref<98304xf32, #tpu.memory_space<vmem>> -> memref<2048xf32, #tpu.memory_space<vmem>>
    %dma_start3A_247 = tpu.memref_slice %arg3[%add3A_244] : memref<4472832xf32, #tpu.memory_space<hbm>> -> memref<2048xf32, #tpu.memory_space<hbm>>
    %dma_start3A_248 = arith.constant 38912 : i32
    %dma_start3A_249 = tpu.memref_slice %arg6[%dma_start3A_248] : memref<98304xf32, #tpu.memory_space<vmem>> -> memref<2048xf32, #tpu.memory_space<vmem>>
    %dma_start3A_250 = tpu.memref_slice %arg3[%add3A_244] : memref<4472832xf32, #tpu.memory_space<hbm>> -> memref<2048xf32, #tpu.memory_space<hbm>>
    tpu.enqueue_dma source(%dma_start3A_250 : memref<2048xf32, #tpu.memory_space<hbm>>) target(%dma_start3A_249 : memref<2048xf32, #tpu.memory_space<vmem>>) target_semaphore(%arg10 : memref<!tpu.dma_semaphore, #tpu.memory_space<semaphore_mem>>)
    %mul3A_251 = arith.constant 128 : i32
    %mul3A_252 = arith.muli %min3A_49, %mul3A_251 : i32
    %add3A_253 = arith.constant 1863680 : i32
    %add3A_254 = arith.addi %add3A_253, %mul3A_252 : i32
    %dma_start3A_255 = arith.constant 40960 : i32
    %dma_start3A_256 = tpu.memref_slice %arg6[%dma_start3A_255] : memref<98304xf32, #tpu.memory_space<vmem>> -> memref<2048xf32, #tpu.memory_space<vmem>>
    %dma_start3A_257 = tpu.memref_slice %arg3[%add3A_254] : memref<4472832xf32, #tpu.memory_space<hbm>> -> memref<2048xf32, #tpu.memory_space<hbm>>
    %dma_start3A_258 = arith.constant 40960 : i32
    %dma_start3A_259 = tpu.memref_slice %arg6[%dma_start3A_258] : memref<98304xf32, #tpu.memory_space<vmem>> -> memref<2048xf32, #tpu.memory_space<vmem>>
    %dma_start3A_260 = tpu.memref_slice %arg3[%add3A_254] : memref<4472832xf32, #tpu.memory_space<hbm>> -> memref<2048xf32, #tpu.memory_space<hbm>>
    tpu.enqueue_dma source(%dma_start3A_260 : memref<2048xf32, #tpu.memory_space<hbm>>) target(%dma_start3A_259 : memref<2048xf32, #tpu.memory_space<vmem>>) target_semaphore(%arg10 : memref<!tpu.dma_semaphore, #tpu.memory_space<semaphore_mem>>)
    %mul3A_261 = arith.constant 128 : i32
    %mul3A_262 = arith.muli %min3A_49, %mul3A_261 : i32
    %add3A_263 = arith.constant 1956864 : i32
    %add3A_264 = arith.addi %add3A_263, %mul3A_262 : i32
    %dma_start3A_265 = arith.constant 43008 : i32
    %dma_start3A_266 = tpu.memref_slice %arg6[%dma_start3A_265] : memref<98304xf32, #tpu.memory_space<vmem>> -> memref<2048xf32, #tpu.memory_space<vmem>>
    %dma_start3A_267 = tpu.memref_slice %arg3[%add3A_264] : memref<4472832xf32, #tpu.memory_space<hbm>> -> memref<2048xf32, #tpu.memory_space<hbm>>
    %dma_start3A_268 = arith.constant 43008 : i32
    %dma_start3A_269 = tpu.memref_slice %arg6[%dma_start3A_268] : memref<98304xf32, #tpu.memory_space<vmem>> -> memref<2048xf32, #tpu.memory_space<vmem>>
    %dma_start3A_270 = tpu.memref_slice %arg3[%add3A_264] : memref<4472832xf32, #tpu.memory_space<hbm>> -> memref<2048xf32, #tpu.memory_space<hbm>>
    tpu.enqueue_dma source(%dma_start3A_270 : memref<2048xf32, #tpu.memory_space<hbm>>) target(%dma_start3A_269 : memref<2048xf32, #tpu.memory_space<vmem>>) target_semaphore(%arg10 : memref<!tpu.dma_semaphore, #tpu.memory_space<semaphore_mem>>)
    %mul3A_271 = arith.constant 128 : i32
    %mul3A_272 = arith.muli %min3A_49, %mul3A_271 : i32
    %add3A_273 = arith.constant 2050048 : i32
    %add3A_274 = arith.addi %add3A_273, %mul3A_272 : i32
    %dma_start3A_275 = arith.constant 45056 : i32
    %dma_start3A_276 = tpu.memref_slice %arg6[%dma_start3A_275] : memref<98304xf32, #tpu.memory_space<vmem>> -> memref<2048xf32, #tpu.memory_space<vmem>>
    %dma_start3A_277 = tpu.memref_slice %arg3[%add3A_274] : memref<4472832xf32, #tpu.memory_space<hbm>> -> memref<2048xf32, #tpu.memory_space<hbm>>
    %dma_start3A_278 = arith.constant 45056 : i32
    %dma_start3A_279 = tpu.memref_slice %arg6[%dma_start3A_278] : memref<98304xf32, #tpu.memory_space<vmem>> -> memref<2048xf32, #tpu.memory_space<vmem>>
    %dma_start3A_280 = tpu.memref_slice %arg3[%add3A_274] : memref<4472832xf32, #tpu.memory_space<hbm>> -> memref<2048xf32, #tpu.memory_space<hbm>>
    tpu.enqueue_dma source(%dma_start3A_280 : memref<2048xf32, #tpu.memory_space<hbm>>) target(%dma_start3A_279 : memref<2048xf32, #tpu.memory_space<vmem>>) target_semaphore(%arg10 : memref<!tpu.dma_semaphore, #tpu.memory_space<semaphore_mem>>)
    %mul3A_281 = arith.constant 128 : i32
    %mul3A_282 = arith.muli %min3A_49, %mul3A_281 : i32
    %add3A_283 = arith.constant 2143232 : i32
    %add3A_284 = arith.addi %add3A_283, %mul3A_282 : i32
    %dma_start3A_285 = arith.constant 47104 : i32
    %dma_start3A_286 = tpu.memref_slice %arg6[%dma_start3A_285] : memref<98304xf32, #tpu.memory_space<vmem>> -> memref<2048xf32, #tpu.memory_space<vmem>>
    %dma_start3A_287 = tpu.memref_slice %arg3[%add3A_284] : memref<4472832xf32, #tpu.memory_space<hbm>> -> memref<2048xf32, #tpu.memory_space<hbm>>
    %dma_start3A_288 = arith.constant 47104 : i32
    %dma_start3A_289 = tpu.memref_slice %arg6[%dma_start3A_288] : memref<98304xf32, #tpu.memory_space<vmem>> -> memref<2048xf32, #tpu.memory_space<vmem>>
    %dma_start3A_290 = tpu.memref_slice %arg3[%add3A_284] : memref<4472832xf32, #tpu.memory_space<hbm>> -> memref<2048xf32, #tpu.memory_space<hbm>>
    tpu.enqueue_dma source(%dma_start3A_290 : memref<2048xf32, #tpu.memory_space<hbm>>) target(%dma_start3A_289 : memref<2048xf32, #tpu.memory_space<vmem>>) target_semaphore(%arg10 : memref<!tpu.dma_semaphore, #tpu.memory_space<semaphore_mem>>)
    %mul3A_291 = arith.constant 128 : i32
    %mul3A_292 = arith.muli %min3A_49, %mul3A_291 : i32
    %add3A_293 = arith.constant 2236416 : i32
    %add3A_294 = arith.addi %add3A_293, %mul3A_292 : i32
    %dma_start3A_295 = arith.constant 49152 : i32
    %dma_start3A_296 = tpu.memref_slice %arg6[%dma_start3A_295] : memref<98304xf32, #tpu.memory_space<vmem>> -> memref<2048xf32, #tpu.memory_space<vmem>>
    %dma_start3A_297 = tpu.memref_slice %arg3[%add3A_294] : memref<4472832xf32, #tpu.memory_space<hbm>> -> memref<2048xf32, #tpu.memory_space<hbm>>
    %dma_start3A_298 = arith.constant 49152 : i32
    %dma_start3A_299 = tpu.memref_slice %arg6[%dma_start3A_298] : memref<98304xf32, #tpu.memory_space<vmem>> -> memref<2048xf32, #tpu.memory_space<vmem>>
    %dma_start3A_300 = tpu.memref_slice %arg3[%add3A_294] : memref<4472832xf32, #tpu.memory_space<hbm>> -> memref<2048xf32, #tpu.memory_space<hbm>>
    tpu.enqueue_dma source(%dma_start3A_300 : memref<2048xf32, #tpu.memory_space<hbm>>) target(%dma_start3A_299 : memref<2048xf32, #tpu.memory_space<vmem>>) target_semaphore(%arg10 : memref<!tpu.dma_semaphore, #tpu.memory_space<semaphore_mem>>)
    %mul3A_301 = arith.constant 128 : i32
    %mul3A_302 = arith.muli %min3A_49, %mul3A_301 : i32
    %add3A_303 = arith.constant 2329600 : i32
    %add3A_304 = arith.addi %add3A_303, %mul3A_302 : i32
    %dma_start3A_305 = arith.constant 51200 : i32
    %dma_start3A_306 = tpu.memref_slice %arg6[%dma_start3A_305] : memref<98304xf32, #tpu.memory_space<vmem>> -> memref<2048xf32, #tpu.memory_space<vmem>>
    %dma_start3A_307 = tpu.memref_slice %arg3[%add3A_304] : memref<4472832xf32, #tpu.memory_space<hbm>> -> memref<2048xf32, #tpu.memory_space<hbm>>
    %dma_start3A_308 = arith.constant 51200 : i32
    %dma_start3A_309 = tpu.memref_slice %arg6[%dma_start3A_308] : memref<98304xf32, #tpu.memory_space<vmem>> -> memref<2048xf32, #tpu.memory_space<vmem>>
    %dma_start3A_310 = tpu.memref_slice %arg3[%add3A_304] : memref<4472832xf32, #tpu.memory_space<hbm>> -> memref<2048xf32, #tpu.memory_space<hbm>>
    tpu.enqueue_dma source(%dma_start3A_310 : memref<2048xf32, #tpu.memory_space<hbm>>) target(%dma_start3A_309 : memref<2048xf32, #tpu.memory_space<vmem>>) target_semaphore(%arg10 : memref<!tpu.dma_semaphore, #tpu.memory_space<semaphore_mem>>)
    %mul3A_311 = arith.constant 128 : i32
    %mul3A_312 = arith.muli %min3A_49, %mul3A_311 : i32
    %add3A_313 = arith.constant 2422784 : i32
    %add3A_314 = arith.addi %add3A_313, %mul3A_312 : i32
    %dma_start3A_315 = arith.constant 53248 : i32
    %dma_start3A_316 = tpu.memref_slice %arg6[%dma_start3A_315] : memref<98304xf32, #tpu.memory_space<vmem>> -> memref<2048xf32, #tpu.memory_space<vmem>>
    %dma_start3A_317 = tpu.memref_slice %arg3[%add3A_314] : memref<4472832xf32, #tpu.memory_space<hbm>> -> memref<2048xf32, #tpu.memory_space<hbm>>
    %dma_start3A_318 = arith.constant 53248 : i32
    %dma_start3A_319 = tpu.memref_slice %arg6[%dma_start3A_318] : memref<98304xf32, #tpu.memory_space<vmem>> -> memref<2048xf32, #tpu.memory_space<vmem>>
    %dma_start3A_320 = tpu.memref_slice %arg3[%add3A_314] : memref<4472832xf32, #tpu.memory_space<hbm>> -> memref<2048xf32, #tpu.memory_space<hbm>>
    tpu.enqueue_dma source(%dma_start3A_320 : memref<2048xf32, #tpu.memory_space<hbm>>) target(%dma_start3A_319 : memref<2048xf32, #tpu.memory_space<vmem>>) target_semaphore(%arg10 : memref<!tpu.dma_semaphore, #tpu.memory_space<semaphore_mem>>)
    %mul3A_321 = arith.constant 128 : i32
    %mul3A_322 = arith.muli %min3A_49, %mul3A_321 : i32
    %add3A_323 = arith.constant 2515968 : i32
    %add3A_324 = arith.addi %add3A_323, %mul3A_322 : i32
    %dma_start3A_325 = arith.constant 55296 : i32
    %dma_start3A_326 = tpu.memref_slice %arg6[%dma_start3A_325] : memref<98304xf32, #tpu.memory_space<vmem>> -> memref<2048xf32, #tpu.memory_space<vmem>>
    %dma_start3A_327 = tpu.memref_slice %arg3[%add3A_324] : memref<4472832xf32, #tpu.memory_space<hbm>> -> memref<2048xf32, #tpu.memory_space<hbm>>
    %dma_start3A_328 = arith.constant 55296 : i32
    %dma_start3A_329 = tpu.memref_slice %arg6[%dma_start3A_328] : memref<98304xf32, #tpu.memory_space<vmem>> -> memref<2048xf32, #tpu.memory_space<vmem>>
    %dma_start3A_330 = tpu.memref_slice %arg3[%add3A_324] : memref<4472832xf32, #tpu.memory_space<hbm>> -> memref<2048xf32, #tpu.memory_space<hbm>>
    tpu.enqueue_dma source(%dma_start3A_330 : memref<2048xf32, #tpu.memory_space<hbm>>) target(%dma_start3A_329 : memref<2048xf32, #tpu.memory_space<vmem>>) target_semaphore(%arg10 : memref<!tpu.dma_semaphore, #tpu.memory_space<semaphore_mem>>)
    %mul3A_331 = arith.constant 128 : i32
    %mul3A_332 = arith.muli %min3A_49, %mul3A_331 : i32
    %add3A_333 = arith.constant 2609152 : i32
    %add3A_334 = arith.addi %add3A_333, %mul3A_332 : i32
    %dma_start3A_335 = arith.constant 57344 : i32
    %dma_start3A_336 = tpu.memref_slice %arg6[%dma_start3A_335] : memref<98304xf32, #tpu.memory_space<vmem>> -> memref<2048xf32, #tpu.memory_space<vmem>>
    %dma_start3A_337 = tpu.memref_slice %arg3[%add3A_334] : memref<4472832xf32, #tpu.memory_space<hbm>> -> memref<2048xf32, #tpu.memory_space<hbm>>
    %dma_start3A_338 = arith.constant 57344 : i32
    %dma_start3A_339 = tpu.memref_slice %arg6[%dma_start3A_338] : memref<98304xf32, #tpu.memory_space<vmem>> -> memref<2048xf32, #tpu.memory_space<vmem>>
    %dma_start3A_340 = tpu.memref_slice %arg3[%add3A_334] : memref<4472832xf32, #tpu.memory_space<hbm>> -> memref<2048xf32, #tpu.memory_space<hbm>>
    tpu.enqueue_dma source(%dma_start3A_340 : memref<2048xf32, #tpu.memory_space<hbm>>) target(%dma_start3A_339 : memref<2048xf32, #tpu.memory_space<vmem>>) target_semaphore(%arg10 : memref<!tpu.dma_semaphore, #tpu.memory_space<semaphore_mem>>)
    %mul3A_341 = arith.constant 128 : i32
    %mul3A_342 = arith.muli %min3A_49, %mul3A_341 : i32
    %add3A_343 = arith.constant 2702336 : i32
    %add3A_344 = arith.addi %add3A_343, %mul3A_342 : i32
    %dma_start3A_345 = arith.constant 59392 : i32
    %dma_start3A_346 = tpu.memref_slice %arg6[%dma_start3A_345] : memref<98304xf32, #tpu.memory_space<vmem>> -> memref<2048xf32, #tpu.memory_space<vmem>>
    %dma_start3A_347 = tpu.memref_slice %arg3[%add3A_344] : memref<4472832xf32, #tpu.memory_space<hbm>> -> memref<2048xf32, #tpu.memory_space<hbm>>
    %dma_start3A_348 = arith.constant 59392 : i32
    %dma_start3A_349 = tpu.memref_slice %arg6[%dma_start3A_348] : memref<98304xf32, #tpu.memory_space<vmem>> -> memref<2048xf32, #tpu.memory_space<vmem>>
    %dma_start3A_350 = tpu.memref_slice %arg3[%add3A_344] : memref<4472832xf32, #tpu.memory_space<hbm>> -> memref<2048xf32, #tpu.memory_space<hbm>>
    tpu.enqueue_dma source(%dma_start3A_350 : memref<2048xf32, #tpu.memory_space<hbm>>) target(%dma_start3A_349 : memref<2048xf32, #tpu.memory_space<vmem>>) target_semaphore(%arg10 : memref<!tpu.dma_semaphore, #tpu.memory_space<semaphore_mem>>)
    %mul3A_351 = arith.constant 128 : i32
    %mul3A_352 = arith.muli %min3A_49, %mul3A_351 : i32
    %add3A_353 = arith.constant 2795520 : i32
    %add3A_354 = arith.addi %add3A_353, %mul3A_352 : i32
    %dma_start3A_355 = arith.constant 61440 : i32
    %dma_start3A_356 = tpu.memref_slice %arg6[%dma_start3A_355] : memref<98304xf32, #tpu.memory_space<vmem>> -> memref<2048xf32, #tpu.memory_space<vmem>>
    %dma_start3A_357 = tpu.memref_slice %arg3[%add3A_354] : memref<4472832xf32, #tpu.memory_space<hbm>> -> memref<2048xf32, #tpu.memory_space<hbm>>
    %dma_start3A_358 = arith.constant 61440 : i32
    %dma_start3A_359 = tpu.memref_slice %arg6[%dma_start3A_358] : memref<98304xf32, #tpu.memory_space<vmem>> -> memref<2048xf32, #tpu.memory_space<vmem>>
    %dma_start3A_360 = tpu.memref_slice %arg3[%add3A_354] : memref<4472832xf32, #tpu.memory_space<hbm>> -> memref<2048xf32, #tpu.memory_space<hbm>>
    tpu.enqueue_dma source(%dma_start3A_360 : memref<2048xf32, #tpu.memory_space<hbm>>) target(%dma_start3A_359 : memref<2048xf32, #tpu.memory_space<vmem>>) target_semaphore(%arg10 : memref<!tpu.dma_semaphore, #tpu.memory_space<semaphore_mem>>)
    %mul3A_361 = arith.constant 128 : i32
    %mul3A_362 = arith.muli %min3A_49, %mul3A_361 : i32
    %add3A_363 = arith.constant 2888704 : i32
    %add3A_364 = arith.addi %add3A_363, %mul3A_362 : i32
    %dma_start3A_365 = arith.constant 63488 : i32
    %dma_start3A_366 = tpu.memref_slice %arg6[%dma_start3A_365] : memref<98304xf32, #tpu.memory_space<vmem>> -> memref<2048xf32, #tpu.memory_space<vmem>>
    %dma_start3A_367 = tpu.memref_slice %arg3[%add3A_364] : memref<4472832xf32, #tpu.memory_space<hbm>> -> memref<2048xf32, #tpu.memory_space<hbm>>
    %dma_start3A_368 = arith.constant 63488 : i32
    %dma_start3A_369 = tpu.memref_slice %arg6[%dma_start3A_368] : memref<98304xf32, #tpu.memory_space<vmem>> -> memref<2048xf32, #tpu.memory_space<vmem>>
    %dma_start3A_370 = tpu.memref_slice %arg3[%add3A_364] : memref<4472832xf32, #tpu.memory_space<hbm>> -> memref<2048xf32, #tpu.memory_space<hbm>>
    tpu.enqueue_dma source(%dma_start3A_370 : memref<2048xf32, #tpu.memory_space<hbm>>) target(%dma_start3A_369 : memref<2048xf32, #tpu.memory_space<vmem>>) target_semaphore(%arg10 : memref<!tpu.dma_semaphore, #tpu.memory_space<semaphore_mem>>)
    %mul3A_371 = arith.constant 128 : i32
    %mul3A_372 = arith.muli %min3A_49, %mul3A_371 : i32
    %add3A_373 = arith.constant 2981888 : i32
    %add3A_374 = arith.addi %add3A_373, %mul3A_372 : i32
    %dma_start3A_375 = arith.constant 65536 : i32
    %dma_start3A_376 = tpu.memref_slice %arg6[%dma_start3A_375] : memref<98304xf32, #tpu.memory_space<vmem>> -> memref<2048xf32, #tpu.memory_space<vmem>>
    %dma_start3A_377 = tpu.memref_slice %arg3[%add3A_374] : memref<4472832xf32, #tpu.memory_space<hbm>> -> memref<2048xf32, #tpu.memory_space<hbm>>
    %dma_start3A_378 = arith.constant 65536 : i32
    %dma_start3A_379 = tpu.memref_slice %arg6[%dma_start3A_378] : memref<98304xf32, #tpu.memory_space<vmem>> -> memref<2048xf32, #tpu.memory_space<vmem>>
    %dma_start3A_380 = tpu.memref_slice %arg3[%add3A_374] : memref<4472832xf32, #tpu.memory_space<hbm>> -> memref<2048xf32, #tpu.memory_space<hbm>>
    tpu.enqueue_dma source(%dma_start3A_380 : memref<2048xf32, #tpu.memory_space<hbm>>) target(%dma_start3A_379 : memref<2048xf32, #tpu.memory_space<vmem>>) target_semaphore(%arg10 : memref<!tpu.dma_semaphore, #tpu.memory_space<semaphore_mem>>)
    %mul3A_381 = arith.constant 128 : i32
    %mul3A_382 = arith.muli %min3A_49, %mul3A_381 : i32
    %add3A_383 = arith.constant 3075072 : i32
    %add3A_384 = arith.addi %add3A_383, %mul3A_382 : i32
    %dma_start3A_385 = arith.constant 67584 : i32
    %dma_start3A_386 = tpu.memref_slice %arg6[%dma_start3A_385] : memref<98304xf32, #tpu.memory_space<vmem>> -> memref<2048xf32, #tpu.memory_space<vmem>>
    %dma_start3A_387 = tpu.memref_slice %arg3[%add3A_384] : memref<4472832xf32, #tpu.memory_space<hbm>> -> memref<2048xf32, #tpu.memory_space<hbm>>
    %dma_start3A_388 = arith.constant 67584 : i32
    %dma_start3A_389 = tpu.memref_slice %arg6[%dma_start3A_388] : memref<98304xf32, #tpu.memory_space<vmem>> -> memref<2048xf32, #tpu.memory_space<vmem>>
    %dma_start3A_390 = tpu.memref_slice %arg3[%add3A_384] : memref<4472832xf32, #tpu.memory_space<hbm>> -> memref<2048xf32, #tpu.memory_space<hbm>>
    tpu.enqueue_dma source(%dma_start3A_390 : memref<2048xf32, #tpu.memory_space<hbm>>) target(%dma_start3A_389 : memref<2048xf32, #tpu.memory_space<vmem>>) target_semaphore(%arg10 : memref<!tpu.dma_semaphore, #tpu.memory_space<semaphore_mem>>)
    %mul3A_391 = arith.constant 128 : i32
    %mul3A_392 = arith.muli %min3A_49, %mul3A_391 : i32
    %add3A_393 = arith.constant 3168256 : i32
    %add3A_394 = arith.addi %add3A_393, %mul3A_392 : i32
    %dma_start3A_395 = arith.constant 69632 : i32
    %dma_start3A_396 = tpu.memref_slice %arg6[%dma_start3A_395] : memref<98304xf32, #tpu.memory_space<vmem>> -> memref<2048xf32, #tpu.memory_space<vmem>>
    %dma_start3A_397 = tpu.memref_slice %arg3[%add3A_394] : memref<4472832xf32, #tpu.memory_space<hbm>> -> memref<2048xf32, #tpu.memory_space<hbm>>
    %dma_start3A_398 = arith.constant 69632 : i32
    %dma_start3A_399 = tpu.memref_slice %arg6[%dma_start3A_398] : memref<98304xf32, #tpu.memory_space<vmem>> -> memref<2048xf32, #tpu.memory_space<vmem>>
    %dma_start3A_400 = tpu.memref_slice %arg3[%add3A_394] : memref<4472832xf32, #tpu.memory_space<hbm>> -> memref<2048xf32, #tpu.memory_space<hbm>>
    tpu.enqueue_dma source(%dma_start3A_400 : memref<2048xf32, #tpu.memory_space<hbm>>) target(%dma_start3A_399 : memref<2048xf32, #tpu.memory_space<vmem>>) target_semaphore(%arg10 : memref<!tpu.dma_semaphore, #tpu.memory_space<semaphore_mem>>)
    %mul3A_401 = arith.constant 128 : i32
    %mul3A_402 = arith.muli %min3A_49, %mul3A_401 : i32
    %add3A_403 = arith.constant 3261440 : i32
    %add3A_404 = arith.addi %add3A_403, %mul3A_402 : i32
    %dma_start3A_405 = arith.constant 71680 : i32
    %dma_start3A_406 = tpu.memref_slice %arg6[%dma_start3A_405] : memref<98304xf32, #tpu.memory_space<vmem>> -> memref<2048xf32, #tpu.memory_space<vmem>>
    %dma_start3A_407 = tpu.memref_slice %arg3[%add3A_404] : memref<4472832xf32, #tpu.memory_space<hbm>> -> memref<2048xf32, #tpu.memory_space<hbm>>
    %dma_start3A_408 = arith.constant 71680 : i32
    %dma_start3A_409 = tpu.memref_slice %arg6[%dma_start3A_408] : memref<98304xf32, #tpu.memory_space<vmem>> -> memref<2048xf32, #tpu.memory_space<vmem>>
    %dma_start3A_410 = tpu.memref_slice %arg3[%add3A_404] : memref<4472832xf32, #tpu.memory_space<hbm>> -> memref<2048xf32, #tpu.memory_space<hbm>>
    tpu.enqueue_dma source(%dma_start3A_410 : memref<2048xf32, #tpu.memory_space<hbm>>) target(%dma_start3A_409 : memref<2048xf32, #tpu.memory_space<vmem>>) target_semaphore(%arg10 : memref<!tpu.dma_semaphore, #tpu.memory_space<semaphore_mem>>)
    %mul3A_411 = arith.constant 128 : i32
    %mul3A_412 = arith.muli %min3A_49, %mul3A_411 : i32
    %add3A_413 = arith.constant 3354624 : i32
    %add3A_414 = arith.addi %add3A_413, %mul3A_412 : i32
    %dma_start3A_415 = arith.constant 73728 : i32
    %dma_start3A_416 = tpu.memref_slice %arg6[%dma_start3A_415] : memref<98304xf32, #tpu.memory_space<vmem>> -> memref<2048xf32, #tpu.memory_space<vmem>>
    %dma_start3A_417 = tpu.memref_slice %arg3[%add3A_414] : memref<4472832xf32, #tpu.memory_space<hbm>> -> memref<2048xf32, #tpu.memory_space<hbm>>
    %dma_start3A_418 = arith.constant 73728 : i32
    %dma_start3A_419 = tpu.memref_slice %arg6[%dma_start3A_418] : memref<98304xf32, #tpu.memory_space<vmem>> -> memref<2048xf32, #tpu.memory_space<vmem>>
    %dma_start3A_420 = tpu.memref_slice %arg3[%add3A_414] : memref<4472832xf32, #tpu.memory_space<hbm>> -> memref<2048xf32, #tpu.memory_space<hbm>>
    tpu.enqueue_dma source(%dma_start3A_420 : memref<2048xf32, #tpu.memory_space<hbm>>) target(%dma_start3A_419 : memref<2048xf32, #tpu.memory_space<vmem>>) target_semaphore(%arg10 : memref<!tpu.dma_semaphore, #tpu.memory_space<semaphore_mem>>)
    %mul3A_421 = arith.constant 128 : i32
    %mul3A_422 = arith.muli %min3A_49, %mul3A_421 : i32
    %add3A_423 = arith.constant 3447808 : i32
    %add3A_424 = arith.addi %add3A_423, %mul3A_422 : i32
    %dma_start3A_425 = arith.constant 75776 : i32
    %dma_start3A_426 = tpu.memref_slice %arg6[%dma_start3A_425] : memref<98304xf32, #tpu.memory_space<vmem>> -> memref<2048xf32, #tpu.memory_space<vmem>>
    %dma_start3A_427 = tpu.memref_slice %arg3[%add3A_424] : memref<4472832xf32, #tpu.memory_space<hbm>> -> memref<2048xf32, #tpu.memory_space<hbm>>
    %dma_start3A_428 = arith.constant 75776 : i32
    %dma_start3A_429 = tpu.memref_slice %arg6[%dma_start3A_428] : memref<98304xf32, #tpu.memory_space<vmem>> -> memref<2048xf32, #tpu.memory_space<vmem>>
    %dma_start3A_430 = tpu.memref_slice %arg3[%add3A_424] : memref<4472832xf32, #tpu.memory_space<hbm>> -> memref<2048xf32, #tpu.memory_space<hbm>>
    tpu.enqueue_dma source(%dma_start3A_430 : memref<2048xf32, #tpu.memory_space<hbm>>) target(%dma_start3A_429 : memref<2048xf32, #tpu.memory_space<vmem>>) target_semaphore(%arg10 : memref<!tpu.dma_semaphore, #tpu.memory_space<semaphore_mem>>)
    %mul3A_431 = arith.constant 128 : i32
    %mul3A_432 = arith.muli %min3A_49, %mul3A_431 : i32
    %add3A_433 = arith.constant 3540992 : i32
    %add3A_434 = arith.addi %add3A_433, %mul3A_432 : i32
    %dma_start3A_435 = arith.constant 77824 : i32
    %dma_start3A_436 = tpu.memref_slice %arg6[%dma_start3A_435] : memref<98304xf32, #tpu.memory_space<vmem>> -> memref<2048xf32, #tpu.memory_space<vmem>>
    %dma_start3A_437 = tpu.memref_slice %arg3[%add3A_434] : memref<4472832xf32, #tpu.memory_space<hbm>> -> memref<2048xf32, #tpu.memory_space<hbm>>
    %dma_start3A_438 = arith.constant 77824 : i32
    %dma_start3A_439 = tpu.memref_slice %arg6[%dma_start3A_438] : memref<98304xf32, #tpu.memory_space<vmem>> -> memref<2048xf32, #tpu.memory_space<vmem>>
    %dma_start3A_440 = tpu.memref_slice %arg3[%add3A_434] : memref<4472832xf32, #tpu.memory_space<hbm>> -> memref<2048xf32, #tpu.memory_space<hbm>>
    tpu.enqueue_dma source(%dma_start3A_440 : memref<2048xf32, #tpu.memory_space<hbm>>) target(%dma_start3A_439 : memref<2048xf32, #tpu.memory_space<vmem>>) target_semaphore(%arg10 : memref<!tpu.dma_semaphore, #tpu.memory_space<semaphore_mem>>)
    %mul3A_441 = arith.constant 128 : i32
    %mul3A_442 = arith.muli %min3A_49, %mul3A_441 : i32
    %add3A_443 = arith.constant 3634176 : i32
    %add3A_444 = arith.addi %add3A_443, %mul3A_442 : i32
    %dma_start3A_445 = arith.constant 79872 : i32
    %dma_start3A_446 = tpu.memref_slice %arg6[%dma_start3A_445] : memref<98304xf32, #tpu.memory_space<vmem>> -> memref<2048xf32, #tpu.memory_space<vmem>>
    %dma_start3A_447 = tpu.memref_slice %arg3[%add3A_444] : memref<4472832xf32, #tpu.memory_space<hbm>> -> memref<2048xf32, #tpu.memory_space<hbm>>
    %dma_start3A_448 = arith.constant 79872 : i32
    %dma_start3A_449 = tpu.memref_slice %arg6[%dma_start3A_448] : memref<98304xf32, #tpu.memory_space<vmem>> -> memref<2048xf32, #tpu.memory_space<vmem>>
    %dma_start3A_450 = tpu.memref_slice %arg3[%add3A_444] : memref<4472832xf32, #tpu.memory_space<hbm>> -> memref<2048xf32, #tpu.memory_space<hbm>>
    tpu.enqueue_dma source(%dma_start3A_450 : memref<2048xf32, #tpu.memory_space<hbm>>) target(%dma_start3A_449 : memref<2048xf32, #tpu.memory_space<vmem>>) target_semaphore(%arg10 : memref<!tpu.dma_semaphore, #tpu.memory_space<semaphore_mem>>)
    %mul3A_451 = arith.constant 128 : i32
    %mul3A_452 = arith.muli %min3A_49, %mul3A_451 : i32
    %add3A_453 = arith.constant 3727360 : i32
    %add3A_454 = arith.addi %add3A_453, %mul3A_452 : i32
    %dma_start3A_455 = arith.constant 81920 : i32
    %dma_start3A_456 = tpu.memref_slice %arg6[%dma_start3A_455] : memref<98304xf32, #tpu.memory_space<vmem>> -> memref<2048xf32, #tpu.memory_space<vmem>>
    %dma_start3A_457 = tpu.memref_slice %arg3[%add3A_454] : memref<4472832xf32, #tpu.memory_space<hbm>> -> memref<2048xf32, #tpu.memory_space<hbm>>
    %dma_start3A_458 = arith.constant 81920 : i32
    %dma_start3A_459 = tpu.memref_slice %arg6[%dma_start3A_458] : memref<98304xf32, #tpu.memory_space<vmem>> -> memref<2048xf32, #tpu.memory_space<vmem>>
    %dma_start3A_460 = tpu.memref_slice %arg3[%add3A_454] : memref<4472832xf32, #tpu.memory_space<hbm>> -> memref<2048xf32, #tpu.memory_space<hbm>>
    tpu.enqueue_dma source(%dma_start3A_460 : memref<2048xf32, #tpu.memory_space<hbm>>) target(%dma_start3A_459 : memref<2048xf32, #tpu.memory_space<vmem>>) target_semaphore(%arg10 : memref<!tpu.dma_semaphore, #tpu.memory_space<semaphore_mem>>)
    %mul3A_461 = arith.constant 128 : i32
    %mul3A_462 = arith.muli %min3A_49, %mul3A_461 : i32
    %add3A_463 = arith.constant 3820544 : i32
    %add3A_464 = arith.addi %add3A_463, %mul3A_462 : i32
    %dma_start3A_465 = arith.constant 83968 : i32
    %dma_start3A_466 = tpu.memref_slice %arg6[%dma_start3A_465] : memref<98304xf32, #tpu.memory_space<vmem>> -> memref<2048xf32, #tpu.memory_space<vmem>>
    %dma_start3A_467 = tpu.memref_slice %arg3[%add3A_464] : memref<4472832xf32, #tpu.memory_space<hbm>> -> memref<2048xf32, #tpu.memory_space<hbm>>
    %dma_start3A_468 = arith.constant 83968 : i32
    %dma_start3A_469 = tpu.memref_slice %arg6[%dma_start3A_468] : memref<98304xf32, #tpu.memory_space<vmem>> -> memref<2048xf32, #tpu.memory_space<vmem>>
    %dma_start3A_470 = tpu.memref_slice %arg3[%add3A_464] : memref<4472832xf32, #tpu.memory_space<hbm>> -> memref<2048xf32, #tpu.memory_space<hbm>>
    tpu.enqueue_dma source(%dma_start3A_470 : memref<2048xf32, #tpu.memory_space<hbm>>) target(%dma_start3A_469 : memref<2048xf32, #tpu.memory_space<vmem>>) target_semaphore(%arg10 : memref<!tpu.dma_semaphore, #tpu.memory_space<semaphore_mem>>)
    %mul3A_471 = arith.constant 128 : i32
    %mul3A_472 = arith.muli %min3A_49, %mul3A_471 : i32
    %add3A_473 = arith.constant 3913728 : i32
    %add3A_474 = arith.addi %add3A_473, %mul3A_472 : i32
    %dma_start3A_475 = arith.constant 86016 : i32
    %dma_start3A_476 = tpu.memref_slice %arg6[%dma_start3A_475] : memref<98304xf32, #tpu.memory_space<vmem>> -> memref<2048xf32, #tpu.memory_space<vmem>>
    %dma_start3A_477 = tpu.memref_slice %arg3[%add3A_474] : memref<4472832xf32, #tpu.memory_space<hbm>> -> memref<2048xf32, #tpu.memory_space<hbm>>
    %dma_start3A_478 = arith.constant 86016 : i32
    %dma_start3A_479 = tpu.memref_slice %arg6[%dma_start3A_478] : memref<98304xf32, #tpu.memory_space<vmem>> -> memref<2048xf32, #tpu.memory_space<vmem>>
    %dma_start3A_480 = tpu.memref_slice %arg3[%add3A_474] : memref<4472832xf32, #tpu.memory_space<hbm>> -> memref<2048xf32, #tpu.memory_space<hbm>>
    tpu.enqueue_dma source(%dma_start3A_480 : memref<2048xf32, #tpu.memory_space<hbm>>) target(%dma_start3A_479 : memref<2048xf32, #tpu.memory_space<vmem>>) target_semaphore(%arg10 : memref<!tpu.dma_semaphore, #tpu.memory_space<semaphore_mem>>)
    %mul3A_481 = arith.constant 128 : i32
    %mul3A_482 = arith.muli %min3A_49, %mul3A_481 : i32
    %add3A_483 = arith.constant 4006912 : i32
    %add3A_484 = arith.addi %add3A_483, %mul3A_482 : i32
    %dma_start3A_485 = arith.constant 88064 : i32
    %dma_start3A_486 = tpu.memref_slice %arg6[%dma_start3A_485] : memref<98304xf32, #tpu.memory_space<vmem>> -> memref<2048xf32, #tpu.memory_space<vmem>>
    %dma_start3A_487 = tpu.memref_slice %arg3[%add3A_484] : memref<4472832xf32, #tpu.memory_space<hbm>> -> memref<2048xf32, #tpu.memory_space<hbm>>
    %dma_start3A_488 = arith.constant 88064 : i32
    %dma_start3A_489 = tpu.memref_slice %arg6[%dma_start3A_488] : memref<98304xf32, #tpu.memory_space<vmem>> -> memref<2048xf32, #tpu.memory_space<vmem>>
    %dma_start3A_490 = tpu.memref_slice %arg3[%add3A_484] : memref<4472832xf32, #tpu.memory_space<hbm>> -> memref<2048xf32, #tpu.memory_space<hbm>>
    tpu.enqueue_dma source(%dma_start3A_490 : memref<2048xf32, #tpu.memory_space<hbm>>) target(%dma_start3A_489 : memref<2048xf32, #tpu.memory_space<vmem>>) target_semaphore(%arg10 : memref<!tpu.dma_semaphore, #tpu.memory_space<semaphore_mem>>)
    %mul3A_491 = arith.constant 128 : i32
    %mul3A_492 = arith.muli %min3A_49, %mul3A_491 : i32
    %add3A_493 = arith.constant 4100096 : i32
    %add3A_494 = arith.addi %add3A_493, %mul3A_492 : i32
    %dma_start3A_495 = arith.constant 90112 : i32
    %dma_start3A_496 = tpu.memref_slice %arg6[%dma_start3A_495] : memref<98304xf32, #tpu.memory_space<vmem>> -> memref<2048xf32, #tpu.memory_space<vmem>>
    %dma_start3A_497 = tpu.memref_slice %arg3[%add3A_494] : memref<4472832xf32, #tpu.memory_space<hbm>> -> memref<2048xf32, #tpu.memory_space<hbm>>
    %dma_start3A_498 = arith.constant 90112 : i32
    %dma_start3A_499 = tpu.memref_slice %arg6[%dma_start3A_498] : memref<98304xf32, #tpu.memory_space<vmem>> -> memref<2048xf32, #tpu.memory_space<vmem>>
    %dma_start3A_500 = tpu.memref_slice %arg3[%add3A_494] : memref<4472832xf32, #tpu.memory_space<hbm>> -> memref<2048xf32, #tpu.memory_space<hbm>>
    tpu.enqueue_dma source(%dma_start3A_500 : memref<2048xf32, #tpu.memory_space<hbm>>) target(%dma_start3A_499 : memref<2048xf32, #tpu.memory_space<vmem>>) target_semaphore(%arg10 : memref<!tpu.dma_semaphore, #tpu.memory_space<semaphore_mem>>)
    %mul3A_501 = arith.constant 128 : i32
    %mul3A_502 = arith.muli %min3A_49, %mul3A_501 : i32
    %add3A_503 = arith.constant 4193280 : i32
    %add3A_504 = arith.addi %add3A_503, %mul3A_502 : i32
    %dma_start3A_505 = arith.constant 92160 : i32
    %dma_start3A_506 = tpu.memref_slice %arg6[%dma_start3A_505] : memref<98304xf32, #tpu.memory_space<vmem>> -> memref<2048xf32, #tpu.memory_space<vmem>>
    %dma_start3A_507 = tpu.memref_slice %arg3[%add3A_504] : memref<4472832xf32, #tpu.memory_space<hbm>> -> memref<2048xf32, #tpu.memory_space<hbm>>
    %dma_start3A_508 = arith.constant 92160 : i32
    %dma_start3A_509 = tpu.memref_slice %arg6[%dma_start3A_508] : memref<98304xf32, #tpu.memory_space<vmem>> -> memref<2048xf32, #tpu.memory_space<vmem>>
    %dma_start3A_510 = tpu.memref_slice %arg3[%add3A_504] : memref<4472832xf32, #tpu.memory_space<hbm>> -> memref<2048xf32, #tpu.memory_space<hbm>>
    tpu.enqueue_dma source(%dma_start3A_510 : memref<2048xf32, #tpu.memory_space<hbm>>) target(%dma_start3A_509 : memref<2048xf32, #tpu.memory_space<vmem>>) target_semaphore(%arg10 : memref<!tpu.dma_semaphore, #tpu.memory_space<semaphore_mem>>)
    %mul3A_511 = arith.constant 128 : i32
    %mul3A_512 = arith.muli %min3A_49, %mul3A_511 : i32
    %add3A_513 = arith.constant 4286464 : i32
    %add3A_514 = arith.addi %add3A_513, %mul3A_512 : i32
    %dma_start3A_515 = arith.constant 94208 : i32
    %dma_start3A_516 = tpu.memref_slice %arg6[%dma_start3A_515] : memref<98304xf32, #tpu.memory_space<vmem>> -> memref<2048xf32, #tpu.memory_space<vmem>>
    %dma_start3A_517 = tpu.memref_slice %arg3[%add3A_514] : memref<4472832xf32, #tpu.memory_space<hbm>> -> memref<2048xf32, #tpu.memory_space<hbm>>
    %dma_start3A_518 = arith.constant 94208 : i32
    %dma_start3A_519 = tpu.memref_slice %arg6[%dma_start3A_518] : memref<98304xf32, #tpu.memory_space<vmem>> -> memref<2048xf32, #tpu.memory_space<vmem>>
    %dma_start3A_520 = tpu.memref_slice %arg3[%add3A_514] : memref<4472832xf32, #tpu.memory_space<hbm>> -> memref<2048xf32, #tpu.memory_space<hbm>>
    tpu.enqueue_dma source(%dma_start3A_520 : memref<2048xf32, #tpu.memory_space<hbm>>) target(%dma_start3A_519 : memref<2048xf32, #tpu.memory_space<vmem>>) target_semaphore(%arg10 : memref<!tpu.dma_semaphore, #tpu.memory_space<semaphore_mem>>)
    %mul3A_521 = arith.constant 128 : i32
    %mul3A_522 = arith.muli %min3A_49, %mul3A_521 : i32
    %add3A_523 = arith.constant 4379648 : i32
    %add3A_524 = arith.addi %add3A_523, %mul3A_522 : i32
    %dma_start3A_525 = arith.constant 96256 : i32
    %dma_start3A_526 = tpu.memref_slice %arg6[%dma_start3A_525] : memref<98304xf32, #tpu.memory_space<vmem>> -> memref<2048xf32, #tpu.memory_space<vmem>>
    %dma_start3A_527 = tpu.memref_slice %arg3[%add3A_524] : memref<4472832xf32, #tpu.memory_space<hbm>> -> memref<2048xf32, #tpu.memory_space<hbm>>
    %dma_start3A_528 = arith.constant 96256 : i32
    %dma_start3A_529 = tpu.memref_slice %arg6[%dma_start3A_528] : memref<98304xf32, #tpu.memory_space<vmem>> -> memref<2048xf32, #tpu.memory_space<vmem>>
    %dma_start3A_530 = tpu.memref_slice %arg3[%add3A_524] : memref<4472832xf32, #tpu.memory_space<hbm>> -> memref<2048xf32, #tpu.memory_space<hbm>>
    tpu.enqueue_dma source(%dma_start3A_530 : memref<2048xf32, #tpu.memory_space<hbm>>) target(%dma_start3A_529 : memref<2048xf32, #tpu.memory_space<vmem>>) target_semaphore(%arg10 : memref<!tpu.dma_semaphore, #tpu.memory_space<semaphore_mem>>)
    %dma_wait3A = arith.constant 0 : i32
    %dma_wait3A_531 = tpu.memref_slice %arg6[%dma_wait3A] : memref<98304xf32, #tpu.memory_space<vmem>> -> memref<2048xf32, #tpu.memory_space<vmem>>
    %dma_wait3A_532 = tpu.memref_slice %arg3[%add3A_55] : memref<4472832xf32, #tpu.memory_space<hbm>> -> memref<2048xf32, #tpu.memory_space<hbm>>
    %dma_wait3A_533 = arith.constant 0 : i32
    %dma_wait3A_534 = tpu.memref_slice %arg6[%dma_wait3A_533] : memref<98304xf32, #tpu.memory_space<vmem>> -> memref<2048xf32, #tpu.memory_space<vmem>>
    %dma_wait3A_535 = tpu.memref_slice %arg3[%add3A_55] : memref<4472832xf32, #tpu.memory_space<hbm>> -> memref<2048xf32, #tpu.memory_space<hbm>>
    tpu.wait_dma2 semaphore(%arg10 : memref<!tpu.dma_semaphore, #tpu.memory_space<semaphore_mem>>) src(%dma_wait3A_535 : memref<2048xf32, #tpu.memory_space<hbm>>) dst(%dma_wait3A_534 : memref<2048xf32, #tpu.memory_space<vmem>>)
    %dma_wait3A_536 = arith.constant 2048 : i32
    %dma_wait3A_537 = tpu.memref_slice %arg6[%dma_wait3A_536] : memref<98304xf32, #tpu.memory_space<vmem>> -> memref<2048xf32, #tpu.memory_space<vmem>>
    %dma_wait3A_538 = tpu.memref_slice %arg3[%add3A_64] : memref<4472832xf32, #tpu.memory_space<hbm>> -> memref<2048xf32, #tpu.memory_space<hbm>>
    %dma_wait3A_539 = arith.constant 2048 : i32
    %dma_wait3A_540 = tpu.memref_slice %arg6[%dma_wait3A_539] : memref<98304xf32, #tpu.memory_space<vmem>> -> memref<2048xf32, #tpu.memory_space<vmem>>
    %dma_wait3A_541 = tpu.memref_slice %arg3[%add3A_64] : memref<4472832xf32, #tpu.memory_space<hbm>> -> memref<2048xf32, #tpu.memory_space<hbm>>
    tpu.wait_dma2 semaphore(%arg10 : memref<!tpu.dma_semaphore, #tpu.memory_space<semaphore_mem>>) src(%dma_wait3A_541 : memref<2048xf32, #tpu.memory_space<hbm>>) dst(%dma_wait3A_540 : memref<2048xf32, #tpu.memory_space<vmem>>)
    %dma_wait3A_542 = arith.constant 4096 : i32
    %dma_wait3A_543 = tpu.memref_slice %arg6[%dma_wait3A_542] : memref<98304xf32, #tpu.memory_space<vmem>> -> memref<2048xf32, #tpu.memory_space<vmem>>
    %dma_wait3A_544 = tpu.memref_slice %arg3[%add3A_74] : memref<4472832xf32, #tpu.memory_space<hbm>> -> memref<2048xf32, #tpu.memory_space<hbm>>
    %dma_wait3A_545 = arith.constant 4096 : i32
    %dma_wait3A_546 = tpu.memref_slice %arg6[%dma_wait3A_545] : memref<98304xf32, #tpu.memory_space<vmem>> -> memref<2048xf32, #tpu.memory_space<vmem>>
    %dma_wait3A_547 = tpu.memref_slice %arg3[%add3A_74] : memref<4472832xf32, #tpu.memory_space<hbm>> -> memref<2048xf32, #tpu.memory_space<hbm>>
    tpu.wait_dma2 semaphore(%arg10 : memref<!tpu.dma_semaphore, #tpu.memory_space<semaphore_mem>>) src(%dma_wait3A_547 : memref<2048xf32, #tpu.memory_space<hbm>>) dst(%dma_wait3A_546 : memref<2048xf32, #tpu.memory_space<vmem>>)
    %dma_wait3A_548 = arith.constant 6144 : i32
    %dma_wait3A_549 = tpu.memref_slice %arg6[%dma_wait3A_548] : memref<98304xf32, #tpu.memory_space<vmem>> -> memref<2048xf32, #tpu.memory_space<vmem>>
    %dma_wait3A_550 = tpu.memref_slice %arg3[%add3A_84] : memref<4472832xf32, #tpu.memory_space<hbm>> -> memref<2048xf32, #tpu.memory_space<hbm>>
    %dma_wait3A_551 = arith.constant 6144 : i32
    %dma_wait3A_552 = tpu.memref_slice %arg6[%dma_wait3A_551] : memref<98304xf32, #tpu.memory_space<vmem>> -> memref<2048xf32, #tpu.memory_space<vmem>>
    %dma_wait3A_553 = tpu.memref_slice %arg3[%add3A_84] : memref<4472832xf32, #tpu.memory_space<hbm>> -> memref<2048xf32, #tpu.memory_space<hbm>>
    tpu.wait_dma2 semaphore(%arg10 : memref<!tpu.dma_semaphore, #tpu.memory_space<semaphore_mem>>) src(%dma_wait3A_553 : memref<2048xf32, #tpu.memory_space<hbm>>) dst(%dma_wait3A_552 : memref<2048xf32, #tpu.memory_space<vmem>>)
    %dma_wait3A_554 = arith.constant 8192 : i32
    %dma_wait3A_555 = tpu.memref_slice %arg6[%dma_wait3A_554] : memref<98304xf32, #tpu.memory_space<vmem>> -> memref<2048xf32, #tpu.memory_space<vmem>>
    %dma_wait3A_556 = tpu.memref_slice %arg3[%add3A_94] : memref<4472832xf32, #tpu.memory_space<hbm>> -> memref<2048xf32, #tpu.memory_space<hbm>>
    %dma_wait3A_557 = arith.constant 8192 : i32
    %dma_wait3A_558 = tpu.memref_slice %arg6[%dma_wait3A_557] : memref<98304xf32, #tpu.memory_space<vmem>> -> memref<2048xf32, #tpu.memory_space<vmem>>
    %dma_wait3A_559 = tpu.memref_slice %arg3[%add3A_94] : memref<4472832xf32, #tpu.memory_space<hbm>> -> memref<2048xf32, #tpu.memory_space<hbm>>
    tpu.wait_dma2 semaphore(%arg10 : memref<!tpu.dma_semaphore, #tpu.memory_space<semaphore_mem>>) src(%dma_wait3A_559 : memref<2048xf32, #tpu.memory_space<hbm>>) dst(%dma_wait3A_558 : memref<2048xf32, #tpu.memory_space<vmem>>)
    %dma_wait3A_560 = arith.constant 10240 : i32
    %dma_wait3A_561 = tpu.memref_slice %arg6[%dma_wait3A_560] : memref<98304xf32, #tpu.memory_space<vmem>> -> memref<2048xf32, #tpu.memory_space<vmem>>
    %dma_wait3A_562 = tpu.memref_slice %arg3[%add3A_104] : memref<4472832xf32, #tpu.memory_space<hbm>> -> memref<2048xf32, #tpu.memory_space<hbm>>
    %dma_wait3A_563 = arith.constant 10240 : i32
    %dma_wait3A_564 = tpu.memref_slice %arg6[%dma_wait3A_563] : memref<98304xf32, #tpu.memory_space<vmem>> -> memref<2048xf32, #tpu.memory_space<vmem>>
    %dma_wait3A_565 = tpu.memref_slice %arg3[%add3A_104] : memref<4472832xf32, #tpu.memory_space<hbm>> -> memref<2048xf32, #tpu.memory_space<hbm>>
    tpu.wait_dma2 semaphore(%arg10 : memref<!tpu.dma_semaphore, #tpu.memory_space<semaphore_mem>>) src(%dma_wait3A_565 : memref<2048xf32, #tpu.memory_space<hbm>>) dst(%dma_wait3A_564 : memref<2048xf32, #tpu.memory_space<vmem>>)
    %dma_wait3A_566 = arith.constant 12288 : i32
    %dma_wait3A_567 = tpu.memref_slice %arg6[%dma_wait3A_566] : memref<98304xf32, #tpu.memory_space<vmem>> -> memref<2048xf32, #tpu.memory_space<vmem>>
    %dma_wait3A_568 = tpu.memref_slice %arg3[%add3A_114] : memref<4472832xf32, #tpu.memory_space<hbm>> -> memref<2048xf32, #tpu.memory_space<hbm>>
    %dma_wait3A_569 = arith.constant 12288 : i32
    %dma_wait3A_570 = tpu.memref_slice %arg6[%dma_wait3A_569] : memref<98304xf32, #tpu.memory_space<vmem>> -> memref<2048xf32, #tpu.memory_space<vmem>>
    %dma_wait3A_571 = tpu.memref_slice %arg3[%add3A_114] : memref<4472832xf32, #tpu.memory_space<hbm>> -> memref<2048xf32, #tpu.memory_space<hbm>>
    tpu.wait_dma2 semaphore(%arg10 : memref<!tpu.dma_semaphore, #tpu.memory_space<semaphore_mem>>) src(%dma_wait3A_571 : memref<2048xf32, #tpu.memory_space<hbm>>) dst(%dma_wait3A_570 : memref<2048xf32, #tpu.memory_space<vmem>>)
    %dma_wait3A_572 = arith.constant 14336 : i32
    %dma_wait3A_573 = tpu.memref_slice %arg6[%dma_wait3A_572] : memref<98304xf32, #tpu.memory_space<vmem>> -> memref<2048xf32, #tpu.memory_space<vmem>>
    %dma_wait3A_574 = tpu.memref_slice %arg3[%add3A_124] : memref<4472832xf32, #tpu.memory_space<hbm>> -> memref<2048xf32, #tpu.memory_space<hbm>>
    %dma_wait3A_575 = arith.constant 14336 : i32
    %dma_wait3A_576 = tpu.memref_slice %arg6[%dma_wait3A_575] : memref<98304xf32, #tpu.memory_space<vmem>> -> memref<2048xf32, #tpu.memory_space<vmem>>
    %dma_wait3A_577 = tpu.memref_slice %arg3[%add3A_124] : memref<4472832xf32, #tpu.memory_space<hbm>> -> memref<2048xf32, #tpu.memory_space<hbm>>
    tpu.wait_dma2 semaphore(%arg10 : memref<!tpu.dma_semaphore, #tpu.memory_space<semaphore_mem>>) src(%dma_wait3A_577 : memref<2048xf32, #tpu.memory_space<hbm>>) dst(%dma_wait3A_576 : memref<2048xf32, #tpu.memory_space<vmem>>)
    %dma_wait3A_578 = arith.constant 16384 : i32
    %dma_wait3A_579 = tpu.memref_slice %arg6[%dma_wait3A_578] : memref<98304xf32, #tpu.memory_space<vmem>> -> memref<2048xf32, #tpu.memory_space<vmem>>
    %dma_wait3A_580 = tpu.memref_slice %arg3[%add3A_134] : memref<4472832xf32, #tpu.memory_space<hbm>> -> memref<2048xf32, #tpu.memory_space<hbm>>
    %dma_wait3A_581 = arith.constant 16384 : i32
    %dma_wait3A_582 = tpu.memref_slice %arg6[%dma_wait3A_581] : memref<98304xf32, #tpu.memory_space<vmem>> -> memref<2048xf32, #tpu.memory_space<vmem>>
    %dma_wait3A_583 = tpu.memref_slice %arg3[%add3A_134] : memref<4472832xf32, #tpu.memory_space<hbm>> -> memref<2048xf32, #tpu.memory_space<hbm>>
    tpu.wait_dma2 semaphore(%arg10 : memref<!tpu.dma_semaphore, #tpu.memory_space<semaphore_mem>>) src(%dma_wait3A_583 : memref<2048xf32, #tpu.memory_space<hbm>>) dst(%dma_wait3A_582 : memref<2048xf32, #tpu.memory_space<vmem>>)
    %dma_wait3A_584 = arith.constant 18432 : i32
    %dma_wait3A_585 = tpu.memref_slice %arg6[%dma_wait3A_584] : memref<98304xf32, #tpu.memory_space<vmem>> -> memref<2048xf32, #tpu.memory_space<vmem>>
    %dma_wait3A_586 = tpu.memref_slice %arg3[%add3A_144] : memref<4472832xf32, #tpu.memory_space<hbm>> -> memref<2048xf32, #tpu.memory_space<hbm>>
    %dma_wait3A_587 = arith.constant 18432 : i32
    %dma_wait3A_588 = tpu.memref_slice %arg6[%dma_wait3A_587] : memref<98304xf32, #tpu.memory_space<vmem>> -> memref<2048xf32, #tpu.memory_space<vmem>>
    %dma_wait3A_589 = tpu.memref_slice %arg3[%add3A_144] : memref<4472832xf32, #tpu.memory_space<hbm>> -> memref<2048xf32, #tpu.memory_space<hbm>>
    tpu.wait_dma2 semaphore(%arg10 : memref<!tpu.dma_semaphore, #tpu.memory_space<semaphore_mem>>) src(%dma_wait3A_589 : memref<2048xf32, #tpu.memory_space<hbm>>) dst(%dma_wait3A_588 : memref<2048xf32, #tpu.memory_space<vmem>>)
    %dma_wait3A_590 = arith.constant 20480 : i32
    %dma_wait3A_591 = tpu.memref_slice %arg6[%dma_wait3A_590] : memref<98304xf32, #tpu.memory_space<vmem>> -> memref<2048xf32, #tpu.memory_space<vmem>>
    %dma_wait3A_592 = tpu.memref_slice %arg3[%add3A_154] : memref<4472832xf32, #tpu.memory_space<hbm>> -> memref<2048xf32, #tpu.memory_space<hbm>>
    %dma_wait3A_593 = arith.constant 20480 : i32
    %dma_wait3A_594 = tpu.memref_slice %arg6[%dma_wait3A_593] : memref<98304xf32, #tpu.memory_space<vmem>> -> memref<2048xf32, #tpu.memory_space<vmem>>
    %dma_wait3A_595 = tpu.memref_slice %arg3[%add3A_154] : memref<4472832xf32, #tpu.memory_space<hbm>> -> memref<2048xf32, #tpu.memory_space<hbm>>
    tpu.wait_dma2 semaphore(%arg10 : memref<!tpu.dma_semaphore, #tpu.memory_space<semaphore_mem>>) src(%dma_wait3A_595 : memref<2048xf32, #tpu.memory_space<hbm>>) dst(%dma_wait3A_594 : memref<2048xf32, #tpu.memory_space<vmem>>)
    %dma_wait3A_596 = arith.constant 22528 : i32
    %dma_wait3A_597 = tpu.memref_slice %arg6[%dma_wait3A_596] : memref<98304xf32, #tpu.memory_space<vmem>> -> memref<2048xf32, #tpu.memory_space<vmem>>
    %dma_wait3A_598 = tpu.memref_slice %arg3[%add3A_164] : memref<4472832xf32, #tpu.memory_space<hbm>> -> memref<2048xf32, #tpu.memory_space<hbm>>
    %dma_wait3A_599 = arith.constant 22528 : i32
    %dma_wait3A_600 = tpu.memref_slice %arg6[%dma_wait3A_599] : memref<98304xf32, #tpu.memory_space<vmem>> -> memref<2048xf32, #tpu.memory_space<vmem>>
    %dma_wait3A_601 = tpu.memref_slice %arg3[%add3A_164] : memref<4472832xf32, #tpu.memory_space<hbm>> -> memref<2048xf32, #tpu.memory_space<hbm>>
    tpu.wait_dma2 semaphore(%arg10 : memref<!tpu.dma_semaphore, #tpu.memory_space<semaphore_mem>>) src(%dma_wait3A_601 : memref<2048xf32, #tpu.memory_space<hbm>>) dst(%dma_wait3A_600 : memref<2048xf32, #tpu.memory_space<vmem>>)
    %dma_wait3A_602 = arith.constant 24576 : i32
    %dma_wait3A_603 = tpu.memref_slice %arg6[%dma_wait3A_602] : memref<98304xf32, #tpu.memory_space<vmem>> -> memref<2048xf32, #tpu.memory_space<vmem>>
    %dma_wait3A_604 = tpu.memref_slice %arg3[%add3A_174] : memref<4472832xf32, #tpu.memory_space<hbm>> -> memref<2048xf32, #tpu.memory_space<hbm>>
    %dma_wait3A_605 = arith.constant 24576 : i32
    %dma_wait3A_606 = tpu.memref_slice %arg6[%dma_wait3A_605] : memref<98304xf32, #tpu.memory_space<vmem>> -> memref<2048xf32, #tpu.memory_space<vmem>>
    %dma_wait3A_607 = tpu.memref_slice %arg3[%add3A_174] : memref<4472832xf32, #tpu.memory_space<hbm>> -> memref<2048xf32, #tpu.memory_space<hbm>>
    tpu.wait_dma2 semaphore(%arg10 : memref<!tpu.dma_semaphore, #tpu.memory_space<semaphore_mem>>) src(%dma_wait3A_607 : memref<2048xf32, #tpu.memory_space<hbm>>) dst(%dma_wait3A_606 : memref<2048xf32, #tpu.memory_space<vmem>>)
    %dma_wait3A_608 = arith.constant 26624 : i32
    %dma_wait3A_609 = tpu.memref_slice %arg6[%dma_wait3A_608] : memref<98304xf32, #tpu.memory_space<vmem>> -> memref<2048xf32, #tpu.memory_space<vmem>>
    %dma_wait3A_610 = tpu.memref_slice %arg3[%add3A_184] : memref<4472832xf32, #tpu.memory_space<hbm>> -> memref<2048xf32, #tpu.memory_space<hbm>>
    %dma_wait3A_611 = arith.constant 26624 : i32
    %dma_wait3A_612 = tpu.memref_slice %arg6[%dma_wait3A_611] : memref<98304xf32, #tpu.memory_space<vmem>> -> memref<2048xf32, #tpu.memory_space<vmem>>
    %dma_wait3A_613 = tpu.memref_slice %arg3[%add3A_184] : memref<4472832xf32, #tpu.memory_space<hbm>> -> memref<2048xf32, #tpu.memory_space<hbm>>
    tpu.wait_dma2 semaphore(%arg10 : memref<!tpu.dma_semaphore, #tpu.memory_space<semaphore_mem>>) src(%dma_wait3A_613 : memref<2048xf32, #tpu.memory_space<hbm>>) dst(%dma_wait3A_612 : memref<2048xf32, #tpu.memory_space<vmem>>)
    %dma_wait3A_614 = arith.constant 28672 : i32
    %dma_wait3A_615 = tpu.memref_slice %arg6[%dma_wait3A_614] : memref<98304xf32, #tpu.memory_space<vmem>> -> memref<2048xf32, #tpu.memory_space<vmem>>
    %dma_wait3A_616 = tpu.memref_slice %arg3[%add3A_194] : memref<4472832xf32, #tpu.memory_space<hbm>> -> memref<2048xf32, #tpu.memory_space<hbm>>
    %dma_wait3A_617 = arith.constant 28672 : i32
    %dma_wait3A_618 = tpu.memref_slice %arg6[%dma_wait3A_617] : memref<98304xf32, #tpu.memory_space<vmem>> -> memref<2048xf32, #tpu.memory_space<vmem>>
    %dma_wait3A_619 = tpu.memref_slice %arg3[%add3A_194] : memref<4472832xf32, #tpu.memory_space<hbm>> -> memref<2048xf32, #tpu.memory_space<hbm>>
    tpu.wait_dma2 semaphore(%arg10 : memref<!tpu.dma_semaphore, #tpu.memory_space<semaphore_mem>>) src(%dma_wait3A_619 : memref<2048xf32, #tpu.memory_space<hbm>>) dst(%dma_wait3A_618 : memref<2048xf32, #tpu.memory_space<vmem>>)
    %dma_wait3A_620 = arith.constant 30720 : i32
    %dma_wait3A_621 = tpu.memref_slice %arg6[%dma_wait3A_620] : memref<98304xf32, #tpu.memory_space<vmem>> -> memref<2048xf32, #tpu.memory_space<vmem>>
    %dma_wait3A_622 = tpu.memref_slice %arg3[%add3A_204] : memref<4472832xf32, #tpu.memory_space<hbm>> -> memref<2048xf32, #tpu.memory_space<hbm>>
    %dma_wait3A_623 = arith.constant 30720 : i32
    %dma_wait3A_624 = tpu.memref_slice %arg6[%dma_wait3A_623] : memref<98304xf32, #tpu.memory_space<vmem>> -> memref<2048xf32, #tpu.memory_space<vmem>>
    %dma_wait3A_625 = tpu.memref_slice %arg3[%add3A_204] : memref<4472832xf32, #tpu.memory_space<hbm>> -> memref<2048xf32, #tpu.memory_space<hbm>>
    tpu.wait_dma2 semaphore(%arg10 : memref<!tpu.dma_semaphore, #tpu.memory_space<semaphore_mem>>) src(%dma_wait3A_625 : memref<2048xf32, #tpu.memory_space<hbm>>) dst(%dma_wait3A_624 : memref<2048xf32, #tpu.memory_space<vmem>>)
    %dma_wait3A_626 = arith.constant 32768 : i32
    %dma_wait3A_627 = tpu.memref_slice %arg6[%dma_wait3A_626] : memref<98304xf32, #tpu.memory_space<vmem>> -> memref<2048xf32, #tpu.memory_space<vmem>>
    %dma_wait3A_628 = tpu.memref_slice %arg3[%add3A_214] : memref<4472832xf32, #tpu.memory_space<hbm>> -> memref<2048xf32, #tpu.memory_space<hbm>>
    %dma_wait3A_629 = arith.constant 32768 : i32
    %dma_wait3A_630 = tpu.memref_slice %arg6[%dma_wait3A_629] : memref<98304xf32, #tpu.memory_space<vmem>> -> memref<2048xf32, #tpu.memory_space<vmem>>
    %dma_wait3A_631 = tpu.memref_slice %arg3[%add3A_214] : memref<4472832xf32, #tpu.memory_space<hbm>> -> memref<2048xf32, #tpu.memory_space<hbm>>
    tpu.wait_dma2 semaphore(%arg10 : memref<!tpu.dma_semaphore, #tpu.memory_space<semaphore_mem>>) src(%dma_wait3A_631 : memref<2048xf32, #tpu.memory_space<hbm>>) dst(%dma_wait3A_630 : memref<2048xf32, #tpu.memory_space<vmem>>)
    %dma_wait3A_632 = arith.constant 34816 : i32
    %dma_wait3A_633 = tpu.memref_slice %arg6[%dma_wait3A_632] : memref<98304xf32, #tpu.memory_space<vmem>> -> memref<2048xf32, #tpu.memory_space<vmem>>
    %dma_wait3A_634 = tpu.memref_slice %arg3[%add3A_224] : memref<4472832xf32, #tpu.memory_space<hbm>> -> memref<2048xf32, #tpu.memory_space<hbm>>
    %dma_wait3A_635 = arith.constant 34816 : i32
    %dma_wait3A_636 = tpu.memref_slice %arg6[%dma_wait3A_635] : memref<98304xf32, #tpu.memory_space<vmem>> -> memref<2048xf32, #tpu.memory_space<vmem>>
    %dma_wait3A_637 = tpu.memref_slice %arg3[%add3A_224] : memref<4472832xf32, #tpu.memory_space<hbm>> -> memref<2048xf32, #tpu.memory_space<hbm>>
    tpu.wait_dma2 semaphore(%arg10 : memref<!tpu.dma_semaphore, #tpu.memory_space<semaphore_mem>>) src(%dma_wait3A_637 : memref<2048xf32, #tpu.memory_space<hbm>>) dst(%dma_wait3A_636 : memref<2048xf32, #tpu.memory_space<vmem>>)
    %dma_wait3A_638 = arith.constant 36864 : i32
    %dma_wait3A_639 = tpu.memref_slice %arg6[%dma_wait3A_638] : memref<98304xf32, #tpu.memory_space<vmem>> -> memref<2048xf32, #tpu.memory_space<vmem>>
    %dma_wait3A_640 = tpu.memref_slice %arg3[%add3A_234] : memref<4472832xf32, #tpu.memory_space<hbm>> -> memref<2048xf32, #tpu.memory_space<hbm>>
    %dma_wait3A_641 = arith.constant 36864 : i32
    %dma_wait3A_642 = tpu.memref_slice %arg6[%dma_wait3A_641] : memref<98304xf32, #tpu.memory_space<vmem>> -> memref<2048xf32, #tpu.memory_space<vmem>>
    %dma_wait3A_643 = tpu.memref_slice %arg3[%add3A_234] : memref<4472832xf32, #tpu.memory_space<hbm>> -> memref<2048xf32, #tpu.memory_space<hbm>>
    tpu.wait_dma2 semaphore(%arg10 : memref<!tpu.dma_semaphore, #tpu.memory_space<semaphore_mem>>) src(%dma_wait3A_643 : memref<2048xf32, #tpu.memory_space<hbm>>) dst(%dma_wait3A_642 : memref<2048xf32, #tpu.memory_space<vmem>>)
    %dma_wait3A_644 = arith.constant 38912 : i32
    %dma_wait3A_645 = tpu.memref_slice %arg6[%dma_wait3A_644] : memref<98304xf32, #tpu.memory_space<vmem>> -> memref<2048xf32, #tpu.memory_space<vmem>>
    %dma_wait3A_646 = tpu.memref_slice %arg3[%add3A_244] : memref<4472832xf32, #tpu.memory_space<hbm>> -> memref<2048xf32, #tpu.memory_space<hbm>>
    %dma_wait3A_647 = arith.constant 38912 : i32
    %dma_wait3A_648 = tpu.memref_slice %arg6[%dma_wait3A_647] : memref<98304xf32, #tpu.memory_space<vmem>> -> memref<2048xf32, #tpu.memory_space<vmem>>
    %dma_wait3A_649 = tpu.memref_slice %arg3[%add3A_244] : memref<4472832xf32, #tpu.memory_space<hbm>> -> memref<2048xf32, #tpu.memory_space<hbm>>
    tpu.wait_dma2 semaphore(%arg10 : memref<!tpu.dma_semaphore, #tpu.memory_space<semaphore_mem>>) src(%dma_wait3A_649 : memref<2048xf32, #tpu.memory_space<hbm>>) dst(%dma_wait3A_648 : memref<2048xf32, #tpu.memory_space<vmem>>)
    %dma_wait3A_650 = arith.constant 40960 : i32
    %dma_wait3A_651 = tpu.memref_slice %arg6[%dma_wait3A_650] : memref<98304xf32, #tpu.memory_space<vmem>> -> memref<2048xf32, #tpu.memory_space<vmem>>
    %dma_wait3A_652 = tpu.memref_slice %arg3[%add3A_254] : memref<4472832xf32, #tpu.memory_space<hbm>> -> memref<2048xf32, #tpu.memory_space<hbm>>
    %dma_wait3A_653 = arith.constant 40960 : i32
    %dma_wait3A_654 = tpu.memref_slice %arg6[%dma_wait3A_653] : memref<98304xf32, #tpu.memory_space<vmem>> -> memref<2048xf32, #tpu.memory_space<vmem>>
    %dma_wait3A_655 = tpu.memref_slice %arg3[%add3A_254] : memref<4472832xf32, #tpu.memory_space<hbm>> -> memref<2048xf32, #tpu.memory_space<hbm>>
    tpu.wait_dma2 semaphore(%arg10 : memref<!tpu.dma_semaphore, #tpu.memory_space<semaphore_mem>>) src(%dma_wait3A_655 : memref<2048xf32, #tpu.memory_space<hbm>>) dst(%dma_wait3A_654 : memref<2048xf32, #tpu.memory_space<vmem>>)
    %dma_wait3A_656 = arith.constant 43008 : i32
    %dma_wait3A_657 = tpu.memref_slice %arg6[%dma_wait3A_656] : memref<98304xf32, #tpu.memory_space<vmem>> -> memref<2048xf32, #tpu.memory_space<vmem>>
    %dma_wait3A_658 = tpu.memref_slice %arg3[%add3A_264] : memref<4472832xf32, #tpu.memory_space<hbm>> -> memref<2048xf32, #tpu.memory_space<hbm>>
    %dma_wait3A_659 = arith.constant 43008 : i32
    %dma_wait3A_660 = tpu.memref_slice %arg6[%dma_wait3A_659] : memref<98304xf32, #tpu.memory_space<vmem>> -> memref<2048xf32, #tpu.memory_space<vmem>>
    %dma_wait3A_661 = tpu.memref_slice %arg3[%add3A_264] : memref<4472832xf32, #tpu.memory_space<hbm>> -> memref<2048xf32, #tpu.memory_space<hbm>>
    tpu.wait_dma2 semaphore(%arg10 : memref<!tpu.dma_semaphore, #tpu.memory_space<semaphore_mem>>) src(%dma_wait3A_661 : memref<2048xf32, #tpu.memory_space<hbm>>) dst(%dma_wait3A_660 : memref<2048xf32, #tpu.memory_space<vmem>>)
    %dma_wait3A_662 = arith.constant 45056 : i32
    %dma_wait3A_663 = tpu.memref_slice %arg6[%dma_wait3A_662] : memref<98304xf32, #tpu.memory_space<vmem>> -> memref<2048xf32, #tpu.memory_space<vmem>>
    %dma_wait3A_664 = tpu.memref_slice %arg3[%add3A_274] : memref<4472832xf32, #tpu.memory_space<hbm>> -> memref<2048xf32, #tpu.memory_space<hbm>>
    %dma_wait3A_665 = arith.constant 45056 : i32
    %dma_wait3A_666 = tpu.memref_slice %arg6[%dma_wait3A_665] : memref<98304xf32, #tpu.memory_space<vmem>> -> memref<2048xf32, #tpu.memory_space<vmem>>
    %dma_wait3A_667 = tpu.memref_slice %arg3[%add3A_274] : memref<4472832xf32, #tpu.memory_space<hbm>> -> memref<2048xf32, #tpu.memory_space<hbm>>
    tpu.wait_dma2 semaphore(%arg10 : memref<!tpu.dma_semaphore, #tpu.memory_space<semaphore_mem>>) src(%dma_wait3A_667 : memref<2048xf32, #tpu.memory_space<hbm>>) dst(%dma_wait3A_666 : memref<2048xf32, #tpu.memory_space<vmem>>)
    %dma_wait3A_668 = arith.constant 47104 : i32
    %dma_wait3A_669 = tpu.memref_slice %arg6[%dma_wait3A_668] : memref<98304xf32, #tpu.memory_space<vmem>> -> memref<2048xf32, #tpu.memory_space<vmem>>
    %dma_wait3A_670 = tpu.memref_slice %arg3[%add3A_284] : memref<4472832xf32, #tpu.memory_space<hbm>> -> memref<2048xf32, #tpu.memory_space<hbm>>
    %dma_wait3A_671 = arith.constant 47104 : i32
    %dma_wait3A_672 = tpu.memref_slice %arg6[%dma_wait3A_671] : memref<98304xf32, #tpu.memory_space<vmem>> -> memref<2048xf32, #tpu.memory_space<vmem>>
    %dma_wait3A_673 = tpu.memref_slice %arg3[%add3A_284] : memref<4472832xf32, #tpu.memory_space<hbm>> -> memref<2048xf32, #tpu.memory_space<hbm>>
    tpu.wait_dma2 semaphore(%arg10 : memref<!tpu.dma_semaphore, #tpu.memory_space<semaphore_mem>>) src(%dma_wait3A_673 : memref<2048xf32, #tpu.memory_space<hbm>>) dst(%dma_wait3A_672 : memref<2048xf32, #tpu.memory_space<vmem>>)
    %dma_wait3A_674 = arith.constant 49152 : i32
    %dma_wait3A_675 = tpu.memref_slice %arg6[%dma_wait3A_674] : memref<98304xf32, #tpu.memory_space<vmem>> -> memref<2048xf32, #tpu.memory_space<vmem>>
    %dma_wait3A_676 = tpu.memref_slice %arg3[%add3A_294] : memref<4472832xf32, #tpu.memory_space<hbm>> -> memref<2048xf32, #tpu.memory_space<hbm>>
    %dma_wait3A_677 = arith.constant 49152 : i32
    %dma_wait3A_678 = tpu.memref_slice %arg6[%dma_wait3A_677] : memref<98304xf32, #tpu.memory_space<vmem>> -> memref<2048xf32, #tpu.memory_space<vmem>>
    %dma_wait3A_679 = tpu.memref_slice %arg3[%add3A_294] : memref<4472832xf32, #tpu.memory_space<hbm>> -> memref<2048xf32, #tpu.memory_space<hbm>>
    tpu.wait_dma2 semaphore(%arg10 : memref<!tpu.dma_semaphore, #tpu.memory_space<semaphore_mem>>) src(%dma_wait3A_679 : memref<2048xf32, #tpu.memory_space<hbm>>) dst(%dma_wait3A_678 : memref<2048xf32, #tpu.memory_space<vmem>>)
    %dma_wait3A_680 = arith.constant 51200 : i32
    %dma_wait3A_681 = tpu.memref_slice %arg6[%dma_wait3A_680] : memref<98304xf32, #tpu.memory_space<vmem>> -> memref<2048xf32, #tpu.memory_space<vmem>>
    %dma_wait3A_682 = tpu.memref_slice %arg3[%add3A_304] : memref<4472832xf32, #tpu.memory_space<hbm>> -> memref<2048xf32, #tpu.memory_space<hbm>>
    %dma_wait3A_683 = arith.constant 51200 : i32
    %dma_wait3A_684 = tpu.memref_slice %arg6[%dma_wait3A_683] : memref<98304xf32, #tpu.memory_space<vmem>> -> memref<2048xf32, #tpu.memory_space<vmem>>
    %dma_wait3A_685 = tpu.memref_slice %arg3[%add3A_304] : memref<4472832xf32, #tpu.memory_space<hbm>> -> memref<2048xf32, #tpu.memory_space<hbm>>
    tpu.wait_dma2 semaphore(%arg10 : memref<!tpu.dma_semaphore, #tpu.memory_space<semaphore_mem>>) src(%dma_wait3A_685 : memref<2048xf32, #tpu.memory_space<hbm>>) dst(%dma_wait3A_684 : memref<2048xf32, #tpu.memory_space<vmem>>)
    %dma_wait3A_686 = arith.constant 53248 : i32
    %dma_wait3A_687 = tpu.memref_slice %arg6[%dma_wait3A_686] : memref<98304xf32, #tpu.memory_space<vmem>> -> memref<2048xf32, #tpu.memory_space<vmem>>
    %dma_wait3A_688 = tpu.memref_slice %arg3[%add3A_314] : memref<4472832xf32, #tpu.memory_space<hbm>> -> memref<2048xf32, #tpu.memory_space<hbm>>
    %dma_wait3A_689 = arith.constant 53248 : i32
    %dma_wait3A_690 = tpu.memref_slice %arg6[%dma_wait3A_689] : memref<98304xf32, #tpu.memory_space<vmem>> -> memref<2048xf32, #tpu.memory_space<vmem>>
    %dma_wait3A_691 = tpu.memref_slice %arg3[%add3A_314] : memref<4472832xf32, #tpu.memory_space<hbm>> -> memref<2048xf32, #tpu.memory_space<hbm>>
    tpu.wait_dma2 semaphore(%arg10 : memref<!tpu.dma_semaphore, #tpu.memory_space<semaphore_mem>>) src(%dma_wait3A_691 : memref<2048xf32, #tpu.memory_space<hbm>>) dst(%dma_wait3A_690 : memref<2048xf32, #tpu.memory_space<vmem>>)
    %dma_wait3A_692 = arith.constant 55296 : i32
    %dma_wait3A_693 = tpu.memref_slice %arg6[%dma_wait3A_692] : memref<98304xf32, #tpu.memory_space<vmem>> -> memref<2048xf32, #tpu.memory_space<vmem>>
    %dma_wait3A_694 = tpu.memref_slice %arg3[%add3A_324] : memref<4472832xf32, #tpu.memory_space<hbm>> -> memref<2048xf32, #tpu.memory_space<hbm>>
    %dma_wait3A_695 = arith.constant 55296 : i32
    %dma_wait3A_696 = tpu.memref_slice %arg6[%dma_wait3A_695] : memref<98304xf32, #tpu.memory_space<vmem>> -> memref<2048xf32, #tpu.memory_space<vmem>>
    %dma_wait3A_697 = tpu.memref_slice %arg3[%add3A_324] : memref<4472832xf32, #tpu.memory_space<hbm>> -> memref<2048xf32, #tpu.memory_space<hbm>>
    tpu.wait_dma2 semaphore(%arg10 : memref<!tpu.dma_semaphore, #tpu.memory_space<semaphore_mem>>) src(%dma_wait3A_697 : memref<2048xf32, #tpu.memory_space<hbm>>) dst(%dma_wait3A_696 : memref<2048xf32, #tpu.memory_space<vmem>>)
    %dma_wait3A_698 = arith.constant 57344 : i32
    %dma_wait3A_699 = tpu.memref_slice %arg6[%dma_wait3A_698] : memref<98304xf32, #tpu.memory_space<vmem>> -> memref<2048xf32, #tpu.memory_space<vmem>>
    %dma_wait3A_700 = tpu.memref_slice %arg3[%add3A_334] : memref<4472832xf32, #tpu.memory_space<hbm>> -> memref<2048xf32, #tpu.memory_space<hbm>>
    %dma_wait3A_701 = arith.constant 57344 : i32
    %dma_wait3A_702 = tpu.memref_slice %arg6[%dma_wait3A_701] : memref<98304xf32, #tpu.memory_space<vmem>> -> memref<2048xf32, #tpu.memory_space<vmem>>
    %dma_wait3A_703 = tpu.memref_slice %arg3[%add3A_334] : memref<4472832xf32, #tpu.memory_space<hbm>> -> memref<2048xf32, #tpu.memory_space<hbm>>
    tpu.wait_dma2 semaphore(%arg10 : memref<!tpu.dma_semaphore, #tpu.memory_space<semaphore_mem>>) src(%dma_wait3A_703 : memref<2048xf32, #tpu.memory_space<hbm>>) dst(%dma_wait3A_702 : memref<2048xf32, #tpu.memory_space<vmem>>)
    %dma_wait3A_704 = arith.constant 59392 : i32
    %dma_wait3A_705 = tpu.memref_slice %arg6[%dma_wait3A_704] : memref<98304xf32, #tpu.memory_space<vmem>> -> memref<2048xf32, #tpu.memory_space<vmem>>
    %dma_wait3A_706 = tpu.memref_slice %arg3[%add3A_344] : memref<4472832xf32, #tpu.memory_space<hbm>> -> memref<2048xf32, #tpu.memory_space<hbm>>
    %dma_wait3A_707 = arith.constant 59392 : i32
    %dma_wait3A_708 = tpu.memref_slice %arg6[%dma_wait3A_707] : memref<98304xf32, #tpu.memory_space<vmem>> -> memref<2048xf32, #tpu.memory_space<vmem>>
    %dma_wait3A_709 = tpu.memref_slice %arg3[%add3A_344] : memref<4472832xf32, #tpu.memory_space<hbm>> -> memref<2048xf32, #tpu.memory_space<hbm>>
    tpu.wait_dma2 semaphore(%arg10 : memref<!tpu.dma_semaphore, #tpu.memory_space<semaphore_mem>>) src(%dma_wait3A_709 : memref<2048xf32, #tpu.memory_space<hbm>>) dst(%dma_wait3A_708 : memref<2048xf32, #tpu.memory_space<vmem>>)
    %dma_wait3A_710 = arith.constant 61440 : i32
    %dma_wait3A_711 = tpu.memref_slice %arg6[%dma_wait3A_710] : memref<98304xf32, #tpu.memory_space<vmem>> -> memref<2048xf32, #tpu.memory_space<vmem>>
    %dma_wait3A_712 = tpu.memref_slice %arg3[%add3A_354] : memref<4472832xf32, #tpu.memory_space<hbm>> -> memref<2048xf32, #tpu.memory_space<hbm>>
    %dma_wait3A_713 = arith.constant 61440 : i32
    %dma_wait3A_714 = tpu.memref_slice %arg6[%dma_wait3A_713] : memref<98304xf32, #tpu.memory_space<vmem>> -> memref<2048xf32, #tpu.memory_space<vmem>>
    %dma_wait3A_715 = tpu.memref_slice %arg3[%add3A_354] : memref<4472832xf32, #tpu.memory_space<hbm>> -> memref<2048xf32, #tpu.memory_space<hbm>>
    tpu.wait_dma2 semaphore(%arg10 : memref<!tpu.dma_semaphore, #tpu.memory_space<semaphore_mem>>) src(%dma_wait3A_715 : memref<2048xf32, #tpu.memory_space<hbm>>) dst(%dma_wait3A_714 : memref<2048xf32, #tpu.memory_space<vmem>>)
    %dma_wait3A_716 = arith.constant 63488 : i32
    %dma_wait3A_717 = tpu.memref_slice %arg6[%dma_wait3A_716] : memref<98304xf32, #tpu.memory_space<vmem>> -> memref<2048xf32, #tpu.memory_space<vmem>>
    %dma_wait3A_718 = tpu.memref_slice %arg3[%add3A_364] : memref<4472832xf32, #tpu.memory_space<hbm>> -> memref<2048xf32, #tpu.memory_space<hbm>>
    %dma_wait3A_719 = arith.constant 63488 : i32
    %dma_wait3A_720 = tpu.memref_slice %arg6[%dma_wait3A_719] : memref<98304xf32, #tpu.memory_space<vmem>> -> memref<2048xf32, #tpu.memory_space<vmem>>
    %dma_wait3A_721 = tpu.memref_slice %arg3[%add3A_364] : memref<4472832xf32, #tpu.memory_space<hbm>> -> memref<2048xf32, #tpu.memory_space<hbm>>
    tpu.wait_dma2 semaphore(%arg10 : memref<!tpu.dma_semaphore, #tpu.memory_space<semaphore_mem>>) src(%dma_wait3A_721 : memref<2048xf32, #tpu.memory_space<hbm>>) dst(%dma_wait3A_720 : memref<2048xf32, #tpu.memory_space<vmem>>)
    %dma_wait3A_722 = arith.constant 65536 : i32
    %dma_wait3A_723 = tpu.memref_slice %arg6[%dma_wait3A_722] : memref<98304xf32, #tpu.memory_space<vmem>> -> memref<2048xf32, #tpu.memory_space<vmem>>
    %dma_wait3A_724 = tpu.memref_slice %arg3[%add3A_374] : memref<4472832xf32, #tpu.memory_space<hbm>> -> memref<2048xf32, #tpu.memory_space<hbm>>
    %dma_wait3A_725 = arith.constant 65536 : i32
    %dma_wait3A_726 = tpu.memref_slice %arg6[%dma_wait3A_725] : memref<98304xf32, #tpu.memory_space<vmem>> -> memref<2048xf32, #tpu.memory_space<vmem>>
    %dma_wait3A_727 = tpu.memref_slice %arg3[%add3A_374] : memref<4472832xf32, #tpu.memory_space<hbm>> -> memref<2048xf32, #tpu.memory_space<hbm>>
    tpu.wait_dma2 semaphore(%arg10 : memref<!tpu.dma_semaphore, #tpu.memory_space<semaphore_mem>>) src(%dma_wait3A_727 : memref<2048xf32, #tpu.memory_space<hbm>>) dst(%dma_wait3A_726 : memref<2048xf32, #tpu.memory_space<vmem>>)
    %dma_wait3A_728 = arith.constant 67584 : i32
    %dma_wait3A_729 = tpu.memref_slice %arg6[%dma_wait3A_728] : memref<98304xf32, #tpu.memory_space<vmem>> -> memref<2048xf32, #tpu.memory_space<vmem>>
    %dma_wait3A_730 = tpu.memref_slice %arg3[%add3A_384] : memref<4472832xf32, #tpu.memory_space<hbm>> -> memref<2048xf32, #tpu.memory_space<hbm>>
    %dma_wait3A_731 = arith.constant 67584 : i32
    %dma_wait3A_732 = tpu.memref_slice %arg6[%dma_wait3A_731] : memref<98304xf32, #tpu.memory_space<vmem>> -> memref<2048xf32, #tpu.memory_space<vmem>>
    %dma_wait3A_733 = tpu.memref_slice %arg3[%add3A_384] : memref<4472832xf32, #tpu.memory_space<hbm>> -> memref<2048xf32, #tpu.memory_space<hbm>>
    tpu.wait_dma2 semaphore(%arg10 : memref<!tpu.dma_semaphore, #tpu.memory_space<semaphore_mem>>) src(%dma_wait3A_733 : memref<2048xf32, #tpu.memory_space<hbm>>) dst(%dma_wait3A_732 : memref<2048xf32, #tpu.memory_space<vmem>>)
    %dma_wait3A_734 = arith.constant 69632 : i32
    %dma_wait3A_735 = tpu.memref_slice %arg6[%dma_wait3A_734] : memref<98304xf32, #tpu.memory_space<vmem>> -> memref<2048xf32, #tpu.memory_space<vmem>>
    %dma_wait3A_736 = tpu.memref_slice %arg3[%add3A_394] : memref<4472832xf32, #tpu.memory_space<hbm>> -> memref<2048xf32, #tpu.memory_space<hbm>>
    %dma_wait3A_737 = arith.constant 69632 : i32
    %dma_wait3A_738 = tpu.memref_slice %arg6[%dma_wait3A_737] : memref<98304xf32, #tpu.memory_space<vmem>> -> memref<2048xf32, #tpu.memory_space<vmem>>
    %dma_wait3A_739 = tpu.memref_slice %arg3[%add3A_394] : memref<4472832xf32, #tpu.memory_space<hbm>> -> memref<2048xf32, #tpu.memory_space<hbm>>
    tpu.wait_dma2 semaphore(%arg10 : memref<!tpu.dma_semaphore, #tpu.memory_space<semaphore_mem>>) src(%dma_wait3A_739 : memref<2048xf32, #tpu.memory_space<hbm>>) dst(%dma_wait3A_738 : memref<2048xf32, #tpu.memory_space<vmem>>)
    %dma_wait3A_740 = arith.constant 71680 : i32
    %dma_wait3A_741 = tpu.memref_slice %arg6[%dma_wait3A_740] : memref<98304xf32, #tpu.memory_space<vmem>> -> memref<2048xf32, #tpu.memory_space<vmem>>
    %dma_wait3A_742 = tpu.memref_slice %arg3[%add3A_404] : memref<4472832xf32, #tpu.memory_space<hbm>> -> memref<2048xf32, #tpu.memory_space<hbm>>
    %dma_wait3A_743 = arith.constant 71680 : i32
    %dma_wait3A_744 = tpu.memref_slice %arg6[%dma_wait3A_743] : memref<98304xf32, #tpu.memory_space<vmem>> -> memref<2048xf32, #tpu.memory_space<vmem>>
    %dma_wait3A_745 = tpu.memref_slice %arg3[%add3A_404] : memref<4472832xf32, #tpu.memory_space<hbm>> -> memref<2048xf32, #tpu.memory_space<hbm>>
    tpu.wait_dma2 semaphore(%arg10 : memref<!tpu.dma_semaphore, #tpu.memory_space<semaphore_mem>>) src(%dma_wait3A_745 : memref<2048xf32, #tpu.memory_space<hbm>>) dst(%dma_wait3A_744 : memref<2048xf32, #tpu.memory_space<vmem>>)
    %dma_wait3A_746 = arith.constant 73728 : i32
    %dma_wait3A_747 = tpu.memref_slice %arg6[%dma_wait3A_746] : memref<98304xf32, #tpu.memory_space<vmem>> -> memref<2048xf32, #tpu.memory_space<vmem>>
    %dma_wait3A_748 = tpu.memref_slice %arg3[%add3A_414] : memref<4472832xf32, #tpu.memory_space<hbm>> -> memref<2048xf32, #tpu.memory_space<hbm>>
    %dma_wait3A_749 = arith.constant 73728 : i32
    %dma_wait3A_750 = tpu.memref_slice %arg6[%dma_wait3A_749] : memref<98304xf32, #tpu.memory_space<vmem>> -> memref<2048xf32, #tpu.memory_space<vmem>>
    %dma_wait3A_751 = tpu.memref_slice %arg3[%add3A_414] : memref<4472832xf32, #tpu.memory_space<hbm>> -> memref<2048xf32, #tpu.memory_space<hbm>>
    tpu.wait_dma2 semaphore(%arg10 : memref<!tpu.dma_semaphore, #tpu.memory_space<semaphore_mem>>) src(%dma_wait3A_751 : memref<2048xf32, #tpu.memory_space<hbm>>) dst(%dma_wait3A_750 : memref<2048xf32, #tpu.memory_space<vmem>>)
    %dma_wait3A_752 = arith.constant 75776 : i32
    %dma_wait3A_753 = tpu.memref_slice %arg6[%dma_wait3A_752] : memref<98304xf32, #tpu.memory_space<vmem>> -> memref<2048xf32, #tpu.memory_space<vmem>>
    %dma_wait3A_754 = tpu.memref_slice %arg3[%add3A_424] : memref<4472832xf32, #tpu.memory_space<hbm>> -> memref<2048xf32, #tpu.memory_space<hbm>>
    %dma_wait3A_755 = arith.constant 75776 : i32
    %dma_wait3A_756 = tpu.memref_slice %arg6[%dma_wait3A_755] : memref<98304xf32, #tpu.memory_space<vmem>> -> memref<2048xf32, #tpu.memory_space<vmem>>
    %dma_wait3A_757 = tpu.memref_slice %arg3[%add3A_424] : memref<4472832xf32, #tpu.memory_space<hbm>> -> memref<2048xf32, #tpu.memory_space<hbm>>
    tpu.wait_dma2 semaphore(%arg10 : memref<!tpu.dma_semaphore, #tpu.memory_space<semaphore_mem>>) src(%dma_wait3A_757 : memref<2048xf32, #tpu.memory_space<hbm>>) dst(%dma_wait3A_756 : memref<2048xf32, #tpu.memory_space<vmem>>)
    %dma_wait3A_758 = arith.constant 77824 : i32
    %dma_wait3A_759 = tpu.memref_slice %arg6[%dma_wait3A_758] : memref<98304xf32, #tpu.memory_space<vmem>> -> memref<2048xf32, #tpu.memory_space<vmem>>
    %dma_wait3A_760 = tpu.memref_slice %arg3[%add3A_434] : memref<4472832xf32, #tpu.memory_space<hbm>> -> memref<2048xf32, #tpu.memory_space<hbm>>
    %dma_wait3A_761 = arith.constant 77824 : i32
    %dma_wait3A_762 = tpu.memref_slice %arg6[%dma_wait3A_761] : memref<98304xf32, #tpu.memory_space<vmem>> -> memref<2048xf32, #tpu.memory_space<vmem>>
    %dma_wait3A_763 = tpu.memref_slice %arg3[%add3A_434] : memref<4472832xf32, #tpu.memory_space<hbm>> -> memref<2048xf32, #tpu.memory_space<hbm>>
    tpu.wait_dma2 semaphore(%arg10 : memref<!tpu.dma_semaphore, #tpu.memory_space<semaphore_mem>>) src(%dma_wait3A_763 : memref<2048xf32, #tpu.memory_space<hbm>>) dst(%dma_wait3A_762 : memref<2048xf32, #tpu.memory_space<vmem>>)
    %dma_wait3A_764 = arith.constant 79872 : i32
    %dma_wait3A_765 = tpu.memref_slice %arg6[%dma_wait3A_764] : memref<98304xf32, #tpu.memory_space<vmem>> -> memref<2048xf32, #tpu.memory_space<vmem>>
    %dma_wait3A_766 = tpu.memref_slice %arg3[%add3A_444] : memref<4472832xf32, #tpu.memory_space<hbm>> -> memref<2048xf32, #tpu.memory_space<hbm>>
    %dma_wait3A_767 = arith.constant 79872 : i32
    %dma_wait3A_768 = tpu.memref_slice %arg6[%dma_wait3A_767] : memref<98304xf32, #tpu.memory_space<vmem>> -> memref<2048xf32, #tpu.memory_space<vmem>>
    %dma_wait3A_769 = tpu.memref_slice %arg3[%add3A_444] : memref<4472832xf32, #tpu.memory_space<hbm>> -> memref<2048xf32, #tpu.memory_space<hbm>>
    tpu.wait_dma2 semaphore(%arg10 : memref<!tpu.dma_semaphore, #tpu.memory_space<semaphore_mem>>) src(%dma_wait3A_769 : memref<2048xf32, #tpu.memory_space<hbm>>) dst(%dma_wait3A_768 : memref<2048xf32, #tpu.memory_space<vmem>>)
    %dma_wait3A_770 = arith.constant 81920 : i32
    %dma_wait3A_771 = tpu.memref_slice %arg6[%dma_wait3A_770] : memref<98304xf32, #tpu.memory_space<vmem>> -> memref<2048xf32, #tpu.memory_space<vmem>>
    %dma_wait3A_772 = tpu.memref_slice %arg3[%add3A_454] : memref<4472832xf32, #tpu.memory_space<hbm>> -> memref<2048xf32, #tpu.memory_space<hbm>>
    %dma_wait3A_773 = arith.constant 81920 : i32
    %dma_wait3A_774 = tpu.memref_slice %arg6[%dma_wait3A_773] : memref<98304xf32, #tpu.memory_space<vmem>> -> memref<2048xf32, #tpu.memory_space<vmem>>
    %dma_wait3A_775 = tpu.memref_slice %arg3[%add3A_454] : memref<4472832xf32, #tpu.memory_space<hbm>> -> memref<2048xf32, #tpu.memory_space<hbm>>
    tpu.wait_dma2 semaphore(%arg10 : memref<!tpu.dma_semaphore, #tpu.memory_space<semaphore_mem>>) src(%dma_wait3A_775 : memref<2048xf32, #tpu.memory_space<hbm>>) dst(%dma_wait3A_774 : memref<2048xf32, #tpu.memory_space<vmem>>)
    %dma_wait3A_776 = arith.constant 83968 : i32
    %dma_wait3A_777 = tpu.memref_slice %arg6[%dma_wait3A_776] : memref<98304xf32, #tpu.memory_space<vmem>> -> memref<2048xf32, #tpu.memory_space<vmem>>
    %dma_wait3A_778 = tpu.memref_slice %arg3[%add3A_464] : memref<4472832xf32, #tpu.memory_space<hbm>> -> memref<2048xf32, #tpu.memory_space<hbm>>
    %dma_wait3A_779 = arith.constant 83968 : i32
    %dma_wait3A_780 = tpu.memref_slice %arg6[%dma_wait3A_779] : memref<98304xf32, #tpu.memory_space<vmem>> -> memref<2048xf32, #tpu.memory_space<vmem>>
    %dma_wait3A_781 = tpu.memref_slice %arg3[%add3A_464] : memref<4472832xf32, #tpu.memory_space<hbm>> -> memref<2048xf32, #tpu.memory_space<hbm>>
    tpu.wait_dma2 semaphore(%arg10 : memref<!tpu.dma_semaphore, #tpu.memory_space<semaphore_mem>>) src(%dma_wait3A_781 : memref<2048xf32, #tpu.memory_space<hbm>>) dst(%dma_wait3A_780 : memref<2048xf32, #tpu.memory_space<vmem>>)
    %dma_wait3A_782 = arith.constant 86016 : i32
    %dma_wait3A_783 = tpu.memref_slice %arg6[%dma_wait3A_782] : memref<98304xf32, #tpu.memory_space<vmem>> -> memref<2048xf32, #tpu.memory_space<vmem>>
    %dma_wait3A_784 = tpu.memref_slice %arg3[%add3A_474] : memref<4472832xf32, #tpu.memory_space<hbm>> -> memref<2048xf32, #tpu.memory_space<hbm>>
    %dma_wait3A_785 = arith.constant 86016 : i32
    %dma_wait3A_786 = tpu.memref_slice %arg6[%dma_wait3A_785] : memref<98304xf32, #tpu.memory_space<vmem>> -> memref<2048xf32, #tpu.memory_space<vmem>>
    %dma_wait3A_787 = tpu.memref_slice %arg3[%add3A_474] : memref<4472832xf32, #tpu.memory_space<hbm>> -> memref<2048xf32, #tpu.memory_space<hbm>>
    tpu.wait_dma2 semaphore(%arg10 : memref<!tpu.dma_semaphore, #tpu.memory_space<semaphore_mem>>) src(%dma_wait3A_787 : memref<2048xf32, #tpu.memory_space<hbm>>) dst(%dma_wait3A_786 : memref<2048xf32, #tpu.memory_space<vmem>>)
    %dma_wait3A_788 = arith.constant 88064 : i32
    %dma_wait3A_789 = tpu.memref_slice %arg6[%dma_wait3A_788] : memref<98304xf32, #tpu.memory_space<vmem>> -> memref<2048xf32, #tpu.memory_space<vmem>>
    %dma_wait3A_790 = tpu.memref_slice %arg3[%add3A_484] : memref<4472832xf32, #tpu.memory_space<hbm>> -> memref<2048xf32, #tpu.memory_space<hbm>>
    %dma_wait3A_791 = arith.constant 88064 : i32
    %dma_wait3A_792 = tpu.memref_slice %arg6[%dma_wait3A_791] : memref<98304xf32, #tpu.memory_space<vmem>> -> memref<2048xf32, #tpu.memory_space<vmem>>
    %dma_wait3A_793 = tpu.memref_slice %arg3[%add3A_484] : memref<4472832xf32, #tpu.memory_space<hbm>> -> memref<2048xf32, #tpu.memory_space<hbm>>
    tpu.wait_dma2 semaphore(%arg10 : memref<!tpu.dma_semaphore, #tpu.memory_space<semaphore_mem>>) src(%dma_wait3A_793 : memref<2048xf32, #tpu.memory_space<hbm>>) dst(%dma_wait3A_792 : memref<2048xf32, #tpu.memory_space<vmem>>)
    %dma_wait3A_794 = arith.constant 90112 : i32
    %dma_wait3A_795 = tpu.memref_slice %arg6[%dma_wait3A_794] : memref<98304xf32, #tpu.memory_space<vmem>> -> memref<2048xf32, #tpu.memory_space<vmem>>
    %dma_wait3A_796 = tpu.memref_slice %arg3[%add3A_494] : memref<4472832xf32, #tpu.memory_space<hbm>> -> memref<2048xf32, #tpu.memory_space<hbm>>
    %dma_wait3A_797 = arith.constant 90112 : i32
    %dma_wait3A_798 = tpu.memref_slice %arg6[%dma_wait3A_797] : memref<98304xf32, #tpu.memory_space<vmem>> -> memref<2048xf32, #tpu.memory_space<vmem>>
    %dma_wait3A_799 = tpu.memref_slice %arg3[%add3A_494] : memref<4472832xf32, #tpu.memory_space<hbm>> -> memref<2048xf32, #tpu.memory_space<hbm>>
    tpu.wait_dma2 semaphore(%arg10 : memref<!tpu.dma_semaphore, #tpu.memory_space<semaphore_mem>>) src(%dma_wait3A_799 : memref<2048xf32, #tpu.memory_space<hbm>>) dst(%dma_wait3A_798 : memref<2048xf32, #tpu.memory_space<vmem>>)
    %dma_wait3A_800 = arith.constant 92160 : i32
    %dma_wait3A_801 = tpu.memref_slice %arg6[%dma_wait3A_800] : memref<98304xf32, #tpu.memory_space<vmem>> -> memref<2048xf32, #tpu.memory_space<vmem>>
    %dma_wait3A_802 = tpu.memref_slice %arg3[%add3A_504] : memref<4472832xf32, #tpu.memory_space<hbm>> -> memref<2048xf32, #tpu.memory_space<hbm>>
    %dma_wait3A_803 = arith.constant 92160 : i32
    %dma_wait3A_804 = tpu.memref_slice %arg6[%dma_wait3A_803] : memref<98304xf32, #tpu.memory_space<vmem>> -> memref<2048xf32, #tpu.memory_space<vmem>>
    %dma_wait3A_805 = tpu.memref_slice %arg3[%add3A_504] : memref<4472832xf32, #tpu.memory_space<hbm>> -> memref<2048xf32, #tpu.memory_space<hbm>>
    tpu.wait_dma2 semaphore(%arg10 : memref<!tpu.dma_semaphore, #tpu.memory_space<semaphore_mem>>) src(%dma_wait3A_805 : memref<2048xf32, #tpu.memory_space<hbm>>) dst(%dma_wait3A_804 : memref<2048xf32, #tpu.memory_space<vmem>>)
    %dma_wait3A_806 = arith.constant 94208 : i32
    %dma_wait3A_807 = tpu.memref_slice %arg6[%dma_wait3A_806] : memref<98304xf32, #tpu.memory_space<vmem>> -> memref<2048xf32, #tpu.memory_space<vmem>>
    %dma_wait3A_808 = tpu.memref_slice %arg3[%add3A_514] : memref<4472832xf32, #tpu.memory_space<hbm>> -> memref<2048xf32, #tpu.memory_space<hbm>>
    %dma_wait3A_809 = arith.constant 94208 : i32
    %dma_wait3A_810 = tpu.memref_slice %arg6[%dma_wait3A_809] : memref<98304xf32, #tpu.memory_space<vmem>> -> memref<2048xf32, #tpu.memory_space<vmem>>
    %dma_wait3A_811 = tpu.memref_slice %arg3[%add3A_514] : memref<4472832xf32, #tpu.memory_space<hbm>> -> memref<2048xf32, #tpu.memory_space<hbm>>
    tpu.wait_dma2 semaphore(%arg10 : memref<!tpu.dma_semaphore, #tpu.memory_space<semaphore_mem>>) src(%dma_wait3A_811 : memref<2048xf32, #tpu.memory_space<hbm>>) dst(%dma_wait3A_810 : memref<2048xf32, #tpu.memory_space<vmem>>)
    %dma_wait3A_812 = arith.constant 96256 : i32
    %dma_wait3A_813 = tpu.memref_slice %arg6[%dma_wait3A_812] : memref<98304xf32, #tpu.memory_space<vmem>> -> memref<2048xf32, #tpu.memory_space<vmem>>
    %dma_wait3A_814 = tpu.memref_slice %arg3[%add3A_524] : memref<4472832xf32, #tpu.memory_space<hbm>> -> memref<2048xf32, #tpu.memory_space<hbm>>
    %dma_wait3A_815 = arith.constant 96256 : i32
    %dma_wait3A_816 = tpu.memref_slice %arg6[%dma_wait3A_815] : memref<98304xf32, #tpu.memory_space<vmem>> -> memref<2048xf32, #tpu.memory_space<vmem>>
    %dma_wait3A_817 = tpu.memref_slice %arg3[%add3A_524] : memref<4472832xf32, #tpu.memory_space<hbm>> -> memref<2048xf32, #tpu.memory_space<hbm>>
    tpu.wait_dma2 semaphore(%arg10 : memref<!tpu.dma_semaphore, #tpu.memory_space<semaphore_mem>>) src(%dma_wait3A_817 : memref<2048xf32, #tpu.memory_space<hbm>>) dst(%dma_wait3A_816 : memref<2048xf32, #tpu.memory_space<vmem>>)
    %scan3A = arith.constant 0 : i32
    %scan3A_818 = arith.constant 0 : i32
    %scan3A_819 = arith.constant 20 : i32
    %scan3A_820 = arith.addi %scan3A_818, %scan3A_819 : i32
    %scan3A_821 = arith.constant 1 : i32
    scf.for %scan3A_823 = %scan3A_818 to %scan3A_820 step %scan3A_821  : i32 {
      %mul3A_824 = arith.constant 32 : i32
      %mul3A_825 = arith.muli %scan3A_823, %mul3A_824 : i32
      %add3A_826 = arith.addi %mul3A_825, %add3A : i32
      %lt3A = arith.constant 625 : i32
      %lt3A_827 = arith.cmpi slt, %add3A_826, %lt3A : i32
      %convert_element_type3A = arith.extui %lt3A_827 : i1 to i32
      %cond3A = arith.constant 0 : i32
      %cond3A_828 = arith.cmpi ne, %convert_element_type3A, %cond3A : i32
      scf.if %cond3A_828 {
        %mul3A_829 = arith.constant 1600 : i32
        %mul3A_830 = arith.muli %add3A_826, %mul3A_829 : i32
        "tpu.region"() ({
          %run_scoped3A = tpu.sem_alloc : memref<!tpu.dma_semaphore, #tpu.memory_space<semaphore_mem>>
          %dma_start3A_864 = arith.constant 0 : i32
          %dma_start3A_865 = tpu.memref_slice %arg5[%dma_start3A_864] : memref<3200xf32, #tpu.memory_space<vmem>> -> memref<1600xf32, #tpu.memory_space<vmem>>
          %dma_start3A_866 = tpu.memref_slice %arg2[%mul3A_830] : memref<2000000xf32, #tpu.memory_space<hbm>> -> memref<1600xf32, #tpu.memory_space<hbm>>
          %dma_start3A_867 = arith.constant 0 : i32
          %dma_start3A_868 = tpu.memref_slice %arg5[%dma_start3A_867] : memref<3200xf32, #tpu.memory_space<vmem>> -> memref<1600xf32, #tpu.memory_space<vmem>>
          %dma_start3A_869 = tpu.memref_slice %arg2[%mul3A_830] : memref<2000000xf32, #tpu.memory_space<hbm>> -> memref<1600xf32, #tpu.memory_space<hbm>>
          tpu.enqueue_dma source(%dma_start3A_869 : memref<1600xf32, #tpu.memory_space<hbm>>) target(%dma_start3A_868 : memref<1600xf32, #tpu.memory_space<vmem>>) target_semaphore(%run_scoped3A : memref<!tpu.dma_semaphore, #tpu.memory_space<semaphore_mem>>)
          %dma_wait3A_870 = arith.constant 0 : i32
          %dma_wait3A_871 = tpu.memref_slice %arg5[%dma_wait3A_870] : memref<3200xf32, #tpu.memory_space<vmem>> -> memref<1600xf32, #tpu.memory_space<vmem>>
          %dma_wait3A_872 = tpu.memref_slice %arg2[%mul3A_830] : memref<2000000xf32, #tpu.memory_space<hbm>> -> memref<1600xf32, #tpu.memory_space<hbm>>
          %dma_wait3A_873 = arith.constant 0 : i32
          %dma_wait3A_874 = tpu.memref_slice %arg5[%dma_wait3A_873] : memref<3200xf32, #tpu.memory_space<vmem>> -> memref<1600xf32, #tpu.memory_space<vmem>>
          %dma_wait3A_875 = tpu.memref_slice %arg2[%mul3A_830] : memref<2000000xf32, #tpu.memory_space<hbm>> -> memref<1600xf32, #tpu.memory_space<hbm>>
          tpu.wait_dma2 semaphore(%run_scoped3A : memref<!tpu.dma_semaphore, #tpu.memory_space<semaphore_mem>>) src(%dma_wait3A_875 : memref<1600xf32, #tpu.memory_space<hbm>>) dst(%dma_wait3A_874 : memref<1600xf32, #tpu.memory_space<vmem>>)
          tpu.yield
        }) : () -> ()
        %add3A_831 = arith.constant 1000000 : i32
        %add3A_832 = arith.addi %add3A_831, %mul3A_830 : i32
        "tpu.region"() ({
          %run_scoped3A = tpu.sem_alloc : memref<!tpu.dma_semaphore, #tpu.memory_space<semaphore_mem>>
          %dma_start3A_864 = arith.constant 1600 : i32
          %dma_start3A_865 = tpu.memref_slice %arg5[%dma_start3A_864] : memref<3200xf32, #tpu.memory_space<vmem>> -> memref<1600xf32, #tpu.memory_space<vmem>>
          %dma_start3A_866 = tpu.memref_slice %arg2[%add3A_832] : memref<2000000xf32, #tpu.memory_space<hbm>> -> memref<1600xf32, #tpu.memory_space<hbm>>
          %dma_start3A_867 = arith.constant 1600 : i32
          %dma_start3A_868 = tpu.memref_slice %arg5[%dma_start3A_867] : memref<3200xf32, #tpu.memory_space<vmem>> -> memref<1600xf32, #tpu.memory_space<vmem>>
          %dma_start3A_869 = tpu.memref_slice %arg2[%add3A_832] : memref<2000000xf32, #tpu.memory_space<hbm>> -> memref<1600xf32, #tpu.memory_space<hbm>>
          tpu.enqueue_dma source(%dma_start3A_869 : memref<1600xf32, #tpu.memory_space<hbm>>) target(%dma_start3A_868 : memref<1600xf32, #tpu.memory_space<vmem>>) target_semaphore(%run_scoped3A : memref<!tpu.dma_semaphore, #tpu.memory_space<semaphore_mem>>)
          %dma_wait3A_870 = arith.constant 1600 : i32
          %dma_wait3A_871 = tpu.memref_slice %arg5[%dma_wait3A_870] : memref<3200xf32, #tpu.memory_space<vmem>> -> memref<1600xf32, #tpu.memory_space<vmem>>
          %dma_wait3A_872 = tpu.memref_slice %arg2[%add3A_832] : memref<2000000xf32, #tpu.memory_space<hbm>> -> memref<1600xf32, #tpu.memory_space<hbm>>
          %dma_wait3A_873 = arith.constant 1600 : i32
          %dma_wait3A_874 = tpu.memref_slice %arg5[%dma_wait3A_873] : memref<3200xf32, #tpu.memory_space<vmem>> -> memref<1600xf32, #tpu.memory_space<vmem>>
          %dma_wait3A_875 = tpu.memref_slice %arg2[%add3A_832] : memref<2000000xf32, #tpu.memory_space<hbm>> -> memref<1600xf32, #tpu.memory_space<hbm>>
          tpu.wait_dma2 semaphore(%run_scoped3A : memref<!tpu.dma_semaphore, #tpu.memory_space<semaphore_mem>>) src(%dma_wait3A_875 : memref<1600xf32, #tpu.memory_space<hbm>>) dst(%dma_wait3A_874 : memref<1600xf32, #tpu.memory_space<vmem>>)
          tpu.yield
        }) : () -> ()
        %broadcast_in_dim3A_833 = arith.constant 720 : i32
        %broadcast_in_dim3A_834 = vector.broadcast %broadcast_in_dim3A_833 : i32 to vector<16xi32>
        %broadcast_in_dim3A_835 = arith.constant 0 : i32
        %broadcast_in_dim3A_836 = vector.broadcast %broadcast_in_dim3A_835 : i32 to vector<16xi32>
        %parallel_loop3A_837 = arith.constant 0 : i32
        %parallel_loop3A_838 = arith.constant 1600 : i32
        %parallel_loop3A_839 = arith.constant 16 : i32
        %parallel_loop3A_840:2 = scf.for %parallel_loop3A_864 = %parallel_loop3A_837 to %parallel_loop3A_838 step %parallel_loop3A_839 iter_args(%parallel_loop3A_865 = %broadcast_in_dim3A_834, %parallel_loop3A_866 = %broadcast_in_dim3A_836) -> (vector<16xi32>, vector<16xi32>)  : i32 {
          %parallel_loop3A_867 = arith.index_cast %parallel_loop3A_864 : i32 to index
          %parallel_loop3A_868 = tpu.vector_load %arg5[%parallel_loop3A_867] {strides = array<i32>} : memref<3200xf32, #tpu.memory_space<vmem>>, vector<16xf32>,
          %parallel_loop3A_869 = arith.constant 9.000000e+01 : f32
          %parallel_loop3A_870 = vector.broadcast %parallel_loop3A_869 : f32 to vector<16xf32>
          %parallel_loop3A_871 = arith.subf %parallel_loop3A_870, %parallel_loop3A_868 : vector<16xf32>
          %parallel_loop3A_872 = arith.constant 4.000000e+00 : f32
          %parallel_loop3A_873 = vector.broadcast %parallel_loop3A_872 : f32 to vector<16xf32>
          %parallel_loop3A_874 = arith.mulf %parallel_loop3A_871, %parallel_loop3A_873 : vector<16xf32>
          %parallel_loop3A_875 = arith.constant 0x4B400000 : f32
          %parallel_loop3A_876 = vector.broadcast %parallel_loop3A_875 : f32 to vector<16xf32>
          %parallel_loop3A_877 = arith.addf %parallel_loop3A_874, %parallel_loop3A_876 : vector<16xf32>
          %parallel_loop3A_878 = arith.constant 0x4B400000 : f32
          %parallel_loop3A_879 = vector.broadcast %parallel_loop3A_878 : f32 to vector<16xf32>
          %parallel_loop3A_880 = arith.subf %parallel_loop3A_877, %parallel_loop3A_879 : vector<16xf32>
          %parallel_loop3A_881 = arith.constant 0.000000e+00 : f32
          %parallel_loop3A_882 = vector.broadcast %parallel_loop3A_881 : f32 to vector<16xf32>
          %parallel_loop3A_883 = arith.maximumf %parallel_loop3A_880, %parallel_loop3A_882 : vector<16xf32>
          %parallel_loop3A_884 = arith.constant 7.200000e+02 : f32
          %parallel_loop3A_885 = vector.broadcast %parallel_loop3A_884 : f32 to vector<16xf32>
          %parallel_loop3A_886 = arith.minimumf %parallel_loop3A_883, %parallel_loop3A_885 : vector<16xf32>
          %parallel_loop3A_887 = arith.fptosi %parallel_loop3A_886 : vector<16xf32> to vector<16xi32>
          %parallel_loop3A_888 = arith.constant 1600 : i32
          %parallel_loop3A_889 = arith.addi %parallel_loop3A_888, %parallel_loop3A_864 : i32
          %parallel_loop3A_890 = arith.index_cast %parallel_loop3A_889 : i32 to index
          %parallel_loop3A_891 = tpu.vector_load %arg5[%parallel_loop3A_890] {strides = array<i32>} : memref<3200xf32, #tpu.memory_space<vmem>>, vector<16xf32>,
          %parallel_loop3A_892 = arith.constant 4.000000e+00 : f32
          %parallel_loop3A_893 = vector.broadcast %parallel_loop3A_892 : f32 to vector<16xf32>
          %parallel_loop3A_894 = arith.mulf %parallel_loop3A_891, %parallel_loop3A_893 : vector<16xf32>
          %parallel_loop3A_895 = arith.constant 0x4B400000 : f32
          %parallel_loop3A_896 = vector.broadcast %parallel_loop3A_895 : f32 to vector<16xf32>
          %parallel_loop3A_897 = arith.addf %parallel_loop3A_894, %parallel_loop3A_896 : vector<16xf32>
          %parallel_loop3A_898 = arith.constant 0x4B400000 : f32
          %parallel_loop3A_899 = vector.broadcast %parallel_loop3A_898 : f32 to vector<16xf32>
          %parallel_loop3A_900 = arith.subf %parallel_loop3A_897, %parallel_loop3A_899 : vector<16xf32>
          %parallel_loop3A_901 = arith.constant 0.000000e+00 : f32
          %parallel_loop3A_902 = vector.broadcast %parallel_loop3A_901 : f32 to vector<16xf32>
          %parallel_loop3A_903 = arith.maximumf %parallel_loop3A_900, %parallel_loop3A_902 : vector<16xf32>
          %parallel_loop3A_904 = arith.constant 1.439000e+03 : f32
          %parallel_loop3A_905 = vector.broadcast %parallel_loop3A_904 : f32 to vector<16xf32>
          %parallel_loop3A_906 = arith.minimumf %parallel_loop3A_903, %parallel_loop3A_905 : vector<16xf32>
          %parallel_loop3A_907 = arith.fptosi %parallel_loop3A_906 : vector<16xf32> to vector<16xi32>
          %parallel_loop3A_908 = arith.constant 7 : i32
          %parallel_loop3A_909 = vector.broadcast %parallel_loop3A_908 : i32 to vector<16xi32>
          %parallel_loop3A_910 = arith.shrui %parallel_loop3A_907, %parallel_loop3A_909 : vector<16xi32>
          %parallel_loop3A_911 = arith.constant 127 : i32
          %parallel_loop3A_912 = vector.broadcast %parallel_loop3A_911 : i32 to vector<16xi32>
          %parallel_loop3A_913 = arith.andi %parallel_loop3A_907, %parallel_loop3A_912 : vector<16xi32>
          %parallel_loop3A_914 = vector.broadcast %min3A_49 : i32 to vector<16xi32>
          %parallel_loop3A_915 = arith.subi %parallel_loop3A_887, %parallel_loop3A_914 : vector<16xi32>
          %parallel_loop3A_916 = arith.constant 0 : i32
          %parallel_loop3A_917 = vector.broadcast %parallel_loop3A_916 : i32 to vector<16xi32>
          %parallel_loop3A_918 = arith.maxsi %parallel_loop3A_915, %parallel_loop3A_917 : vector<16xi32>
          %parallel_loop3A_919 = arith.constant 15 : i32
          %parallel_loop3A_920 = vector.broadcast %parallel_loop3A_919 : i32 to vector<16xi32>
          %parallel_loop3A_921 = arith.minsi %parallel_loop3A_918, %parallel_loop3A_920 : vector<16xi32>
          %parallel_loop3A_922 = arith.constant 16 : i32
          %parallel_loop3A_923 = vector.broadcast %parallel_loop3A_922 : i32 to vector<16xi32>
          %parallel_loop3A_924 = arith.muli %parallel_loop3A_910, %parallel_loop3A_923 : vector<16xi32>
          %parallel_loop3A_925 = arith.addi %parallel_loop3A_924, %parallel_loop3A_921 : vector<16xi32>
          %parallel_loop3A_926 = arith.constant 128 : i32
          %parallel_loop3A_927 = vector.broadcast %parallel_loop3A_926 : i32 to vector<16xi32>
          %parallel_loop3A_928 = arith.muli %parallel_loop3A_925, %parallel_loop3A_927 : vector<16xi32>
          %parallel_loop3A_929 = arith.addi %parallel_loop3A_928, %parallel_loop3A_913 : vector<16xi32>
          %parallel_loop3A_930 = arith.constant 0 : i32
          %parallel_loop3A_931 = vector.broadcast %parallel_loop3A_930 : i32 to vector<16xi32>
          %parallel_loop3A_932 = arith.addi %parallel_loop3A_929, %parallel_loop3A_931 : vector<16xi32>
          %parallel_loop3A_933 = tpu.vector_load_idx %arg6[%parallel_loop3A_932] : memref<98304xf32, #tpu.memory_space<vmem>>[vector<16xi32>], vector<16xf32>,
          %parallel_loop3A_934 = arith.constant 0 : i32
          %parallel_loop3A_935 = arith.addi %parallel_loop3A_934, %parallel_loop3A_864 : i32
          %parallel_loop3A_936 = arith.index_cast %parallel_loop3A_935 : i32 to index
          %parallel_loop3A_937 = tpu.vector_load %arg9[%parallel_loop3A_936] {strides = array<i32>} : memref<6400xf32, #tpu.memory_space<vmem>>, vector<16xf32>,
          tpu.vector_store %arg9[%parallel_loop3A_936], %parallel_loop3A_933 {strides = array<i32>} : memref<6400xf32, #tpu.memory_space<vmem>>, vector<16xf32>,
          %parallel_loop3A_938 = arith.constant 24576 : i32
          %parallel_loop3A_939 = vector.broadcast %parallel_loop3A_938 : i32 to vector<16xi32>
          %parallel_loop3A_940 = arith.addi %parallel_loop3A_929, %parallel_loop3A_939 : vector<16xi32>
          %parallel_loop3A_941 = tpu.vector_load_idx %arg6[%parallel_loop3A_940] : memref<98304xf32, #tpu.memory_space<vmem>>[vector<16xi32>], vector<16xf32>,
          %parallel_loop3A_942 = arith.constant 1600 : i32
          %parallel_loop3A_943 = arith.addi %parallel_loop3A_942, %parallel_loop3A_864 : i32
          %parallel_loop3A_944 = arith.index_cast %parallel_loop3A_943 : i32 to index
          %parallel_loop3A_945 = tpu.vector_load %arg9[%parallel_loop3A_944] {strides = array<i32>} : memref<6400xf32, #tpu.memory_space<vmem>>, vector<16xf32>,
          tpu.vector_store %arg9[%parallel_loop3A_944], %parallel_loop3A_941 {strides = array<i32>} : memref<6400xf32, #tpu.memory_space<vmem>>, vector<16xf32>,
          %parallel_loop3A_946 = arith.constant 49152 : i32
          %parallel_loop3A_947 = vector.broadcast %parallel_loop3A_946 : i32 to vector<16xi32>
          %parallel_loop3A_948 = arith.addi %parallel_loop3A_929, %parallel_loop3A_947 : vector<16xi32>
          %parallel_loop3A_949 = tpu.vector_load_idx %arg6[%parallel_loop3A_948] : memref<98304xf32, #tpu.memory_space<vmem>>[vector<16xi32>], vector<16xf32>,
          %parallel_loop3A_950 = arith.constant 3200 : i32
          %parallel_loop3A_951 = arith.addi %parallel_loop3A_950, %parallel_loop3A_864 : i32
          %parallel_loop3A_952 = arith.index_cast %parallel_loop3A_951 : i32 to index
          %parallel_loop3A_953 = tpu.vector_load %arg9[%parallel_loop3A_952] {strides = array<i32>} : memref<6400xf32, #tpu.memory_space<vmem>>, vector<16xf32>,
          tpu.vector_store %arg9[%parallel_loop3A_952], %parallel_loop3A_949 {strides = array<i32>} : memref<6400xf32, #tpu.memory_space<vmem>>, vector<16xf32>,
          %parallel_loop3A_954 = arith.constant 73728 : i32
          %parallel_loop3A_955 = vector.broadcast %parallel_loop3A_954 : i32 to vector<16xi32>
          %parallel_loop3A_956 = arith.addi %parallel_loop3A_929, %parallel_loop3A_955 : vector<16xi32>
          %parallel_loop3A_957 = tpu.vector_load_idx %arg6[%parallel_loop3A_956] : memref<98304xf32, #tpu.memory_space<vmem>>[vector<16xi32>], vector<16xf32>,
          %parallel_loop3A_958 = arith.constant 4800 : i32
          %parallel_loop3A_959 = arith.addi %parallel_loop3A_958, %parallel_loop3A_864 : i32
          %parallel_loop3A_960 = arith.index_cast %parallel_loop3A_959 : i32 to index
          %parallel_loop3A_961 = tpu.vector_load %arg9[%parallel_loop3A_960] {strides = array<i32>} : memref<6400xf32, #tpu.memory_space<vmem>>, vector<16xf32>,
          tpu.vector_store %arg9[%parallel_loop3A_960], %parallel_loop3A_957 {strides = array<i32>} : memref<6400xf32, #tpu.memory_space<vmem>>, vector<16xf32>,
          %parallel_loop3A_962 = arith.minsi %parallel_loop3A_865, %parallel_loop3A_887 : vector<16xi32>
          %parallel_loop3A_963 = arith.maxsi %parallel_loop3A_866, %parallel_loop3A_887 : vector<16xi32>
          scf.yield %parallel_loop3A_962, %parallel_loop3A_963 : vector<16xi32>, vector<16xi32>
        } {sc.loop_unroll_factor = 4 : i64, sc.parallel_access}
        %reduce_min3A_841 = arith.constant true
        %reduce_min3A_842 = vector.broadcast %reduce_min3A_841 : i1 to vector<16xi1>
        %reduce_min3A_843 = arith.constant -2147483648 : i32
        %reduce_min3A_844 = vector.broadcast %reduce_min3A_843 : i32 to vector<16xi32>
        %reduce_min3A_845 = arith.xori %parallel_loop3A_840#0, %reduce_min3A_844 : vector<16xi32>
        %reduce_min3A_846 = tpu.scan <min>, %reduce_min3A_845 masked %reduce_min3A_842 : vector<16xi32>, vector<16xi1> -> vector<16xi32>
        %reduce_min3A_847 = arith.xori %reduce_min3A_846, %reduce_min3A_844 : vector<16xi32>
        %reduce_min3A_848 = vector.extract %reduce_min3A_847[15] : i32 from vector<16xi32>
        %ge3A = arith.cmpi sge, %reduce_min3A_848, %min3A_49 : i32
        %reduce_max3A = arith.constant true
        %reduce_max3A_849 = vector.broadcast %reduce_max3A : i1 to vector<16xi1>
        %reduce_max3A_850 = arith.constant -2147483648 : i32
        %reduce_max3A_851 = vector.broadcast %reduce_max3A_850 : i32 to vector<16xi32>
        %reduce_max3A_852 = arith.xori %parallel_loop3A_840#1, %reduce_max3A_851 : vector<16xi32>
        %reduce_max3A_853 = tpu.scan <max>, %reduce_max3A_852 masked %reduce_max3A_849 : vector<16xi32>, vector<16xi1> -> vector<16xi32>
        %reduce_max3A_854 = arith.xori %reduce_max3A_853, %reduce_max3A_851 : vector<16xi32>
        %reduce_max3A_855 = vector.extract %reduce_max3A_854[15] : i32 from vector<16xi32>
        %lt3A_856 = arith.cmpi slt, %reduce_max3A_855, %add3A_51 : i32
        %and3A = arith.andi %ge3A, %lt3A_856 : i1
        %convert_element_type3A_857 = arith.extui %and3A : i1 to i32
        %cond3A_858 = arith.constant 0 : i32
        %cond3A_859 = arith.cmpi ne, %convert_element_type3A_857, %cond3A_858 : i32
        scf.if %cond3A_859 {
          %add3A_864 = arith.constant 0 : i32
          %add3A_865 = arith.addi %add3A_864, %mul3A_830 : i32
          "tpu.region"() ({
            %run_scoped3A = tpu.sem_alloc : memref<!tpu.dma_semaphore, #tpu.memory_space<semaphore_mem>>
            %dma_start3A_872 = arith.constant 0 : i32
            %dma_start3A_873 = tpu.memref_slice %arg9[%dma_start3A_872] : memref<6400xf32, #tpu.memory_space<vmem>> -> memref<1600xf32, #tpu.memory_space<vmem>>
            %dma_start3A_874 = tpu.memref_slice %arg4[%add3A_865] : memref<4000000xf32, #tpu.memory_space<hbm>> -> memref<1600xf32, #tpu.memory_space<hbm>>
            %dma_start3A_875 = tpu.memref_slice %arg4[%add3A_865] : memref<4000000xf32, #tpu.memory_space<hbm>> -> memref<1600xf32, #tpu.memory_space<hbm>>
            %dma_start3A_876 = arith.constant 0 : i32
            %dma_start3A_877 = tpu.memref_slice %arg9[%dma_start3A_876] : memref<6400xf32, #tpu.memory_space<vmem>> -> memref<1600xf32, #tpu.memory_space<vmem>>
            tpu.enqueue_dma source(%dma_start3A_877 : memref<1600xf32, #tpu.memory_space<vmem>>) target(%dma_start3A_875 : memref<1600xf32, #tpu.memory_space<hbm>>) target_semaphore(%run_scoped3A : memref<!tpu.dma_semaphore, #tpu.memory_space<semaphore_mem>>)
            %dma_wait3A_878 = arith.constant 0 : i32
            %dma_wait3A_879 = tpu.memref_slice %arg9[%dma_wait3A_878] : memref<6400xf32, #tpu.memory_space<vmem>> -> memref<1600xf32, #tpu.memory_space<vmem>>
            %dma_wait3A_880 = tpu.memref_slice %arg4[%add3A_865] : memref<4000000xf32, #tpu.memory_space<hbm>> -> memref<1600xf32, #tpu.memory_space<hbm>>
            %dma_wait3A_881 = tpu.memref_slice %arg4[%add3A_865] : memref<4000000xf32, #tpu.memory_space<hbm>> -> memref<1600xf32, #tpu.memory_space<hbm>>
            %dma_wait3A_882 = arith.constant 0 : i32
            %dma_wait3A_883 = tpu.memref_slice %arg9[%dma_wait3A_882] : memref<6400xf32, #tpu.memory_space<vmem>> -> memref<1600xf32, #tpu.memory_space<vmem>>
            tpu.wait_dma2 semaphore(%run_scoped3A : memref<!tpu.dma_semaphore, #tpu.memory_space<semaphore_mem>>) src(%dma_wait3A_883 : memref<1600xf32, #tpu.memory_space<vmem>>) dst(%dma_wait3A_881 : memref<1600xf32, #tpu.memory_space<hbm>>)
            tpu.yield
          }) : () -> ()
          %add3A_866 = arith.constant 1000000 : i32
          %add3A_867 = arith.addi %add3A_866, %mul3A_830 : i32
          "tpu.region"() ({
            %run_scoped3A = tpu.sem_alloc : memref<!tpu.dma_semaphore, #tpu.memory_space<semaphore_mem>>
            %dma_start3A_872 = arith.constant 1600 : i32
            %dma_start3A_873 = tpu.memref_slice %arg9[%dma_start3A_872] : memref<6400xf32, #tpu.memory_space<vmem>> -> memref<1600xf32, #tpu.memory_space<vmem>>
            %dma_start3A_874 = tpu.memref_slice %arg4[%add3A_867] : memref<4000000xf32, #tpu.memory_space<hbm>> -> memref<1600xf32, #tpu.memory_space<hbm>>
            %dma_start3A_875 = tpu.memref_slice %arg4[%add3A_867] : memref<4000000xf32, #tpu.memory_space<hbm>> -> memref<1600xf32, #tpu.memory_space<hbm>>
            %dma_start3A_876 = arith.constant 1600 : i32
            %dma_start3A_877 = tpu.memref_slice %arg9[%dma_start3A_876] : memref<6400xf32, #tpu.memory_space<vmem>> -> memref<1600xf32, #tpu.memory_space<vmem>>
            tpu.enqueue_dma source(%dma_start3A_877 : memref<1600xf32, #tpu.memory_space<vmem>>) target(%dma_start3A_875 : memref<1600xf32, #tpu.memory_space<hbm>>) target_semaphore(%run_scoped3A : memref<!tpu.dma_semaphore, #tpu.memory_space<semaphore_mem>>)
            %dma_wait3A_878 = arith.constant 1600 : i32
            %dma_wait3A_879 = tpu.memref_slice %arg9[%dma_wait3A_878] : memref<6400xf32, #tpu.memory_space<vmem>> -> memref<1600xf32, #tpu.memory_space<vmem>>
            %dma_wait3A_880 = tpu.memref_slice %arg4[%add3A_867] : memref<4000000xf32, #tpu.memory_space<hbm>> -> memref<1600xf32, #tpu.memory_space<hbm>>
            %dma_wait3A_881 = tpu.memref_slice %arg4[%add3A_867] : memref<4000000xf32, #tpu.memory_space<hbm>> -> memref<1600xf32, #tpu.memory_space<hbm>>
            %dma_wait3A_882 = arith.constant 1600 : i32
            %dma_wait3A_883 = tpu.memref_slice %arg9[%dma_wait3A_882] : memref<6400xf32, #tpu.memory_space<vmem>> -> memref<1600xf32, #tpu.memory_space<vmem>>
            tpu.wait_dma2 semaphore(%run_scoped3A : memref<!tpu.dma_semaphore, #tpu.memory_space<semaphore_mem>>) src(%dma_wait3A_883 : memref<1600xf32, #tpu.memory_space<vmem>>) dst(%dma_wait3A_881 : memref<1600xf32, #tpu.memory_space<hbm>>)
            tpu.yield
          }) : () -> ()
          %add3A_868 = arith.constant 2000000 : i32
          %add3A_869 = arith.addi %add3A_868, %mul3A_830 : i32
          "tpu.region"() ({
            %run_scoped3A = tpu.sem_alloc : memref<!tpu.dma_semaphore, #tpu.memory_space<semaphore_mem>>
            %dma_start3A_872 = arith.constant 3200 : i32
            %dma_start3A_873 = tpu.memref_slice %arg9[%dma_start3A_872] : memref<6400xf32, #tpu.memory_space<vmem>> -> memref<1600xf32, #tpu.memory_space<vmem>>
            %dma_start3A_874 = tpu.memref_slice %arg4[%add3A_869] : memref<4000000xf32, #tpu.memory_space<hbm>> -> memref<1600xf32, #tpu.memory_space<hbm>>
            %dma_start3A_875 = tpu.memref_slice %arg4[%add3A_869] : memref<4000000xf32, #tpu.memory_space<hbm>> -> memref<1600xf32, #tpu.memory_space<hbm>>
            %dma_start3A_876 = arith.constant 3200 : i32
            %dma_start3A_877 = tpu.memref_slice %arg9[%dma_start3A_876] : memref<6400xf32, #tpu.memory_space<vmem>> -> memref<1600xf32, #tpu.memory_space<vmem>>
            tpu.enqueue_dma source(%dma_start3A_877 : memref<1600xf32, #tpu.memory_space<vmem>>) target(%dma_start3A_875 : memref<1600xf32, #tpu.memory_space<hbm>>) target_semaphore(%run_scoped3A : memref<!tpu.dma_semaphore, #tpu.memory_space<semaphore_mem>>)
            %dma_wait3A_878 = arith.constant 3200 : i32
            %dma_wait3A_879 = tpu.memref_slice %arg9[%dma_wait3A_878] : memref<6400xf32, #tpu.memory_space<vmem>> -> memref<1600xf32, #tpu.memory_space<vmem>>
            %dma_wait3A_880 = tpu.memref_slice %arg4[%add3A_869] : memref<4000000xf32, #tpu.memory_space<hbm>> -> memref<1600xf32, #tpu.memory_space<hbm>>
            %dma_wait3A_881 = tpu.memref_slice %arg4[%add3A_869] : memref<4000000xf32, #tpu.memory_space<hbm>> -> memref<1600xf32, #tpu.memory_space<hbm>>
            %dma_wait3A_882 = arith.constant 3200 : i32
            %dma_wait3A_883 = tpu.memref_slice %arg9[%dma_wait3A_882] : memref<6400xf32, #tpu.memory_space<vmem>> -> memref<1600xf32, #tpu.memory_space<vmem>>
            tpu.wait_dma2 semaphore(%run_scoped3A : memref<!tpu.dma_semaphore, #tpu.memory_space<semaphore_mem>>) src(%dma_wait3A_883 : memref<1600xf32, #tpu.memory_space<vmem>>) dst(%dma_wait3A_881 : memref<1600xf32, #tpu.memory_space<hbm>>)
            tpu.yield
          }) : () -> ()
          %add3A_870 = arith.constant 3000000 : i32
          %add3A_871 = arith.addi %add3A_870, %mul3A_830 : i32
          "tpu.region"() ({
            %run_scoped3A = tpu.sem_alloc : memref<!tpu.dma_semaphore, #tpu.memory_space<semaphore_mem>>
            %dma_start3A_872 = arith.constant 4800 : i32
            %dma_start3A_873 = tpu.memref_slice %arg9[%dma_start3A_872] : memref<6400xf32, #tpu.memory_space<vmem>> -> memref<1600xf32, #tpu.memory_space<vmem>>
            %dma_start3A_874 = tpu.memref_slice %arg4[%add3A_871] : memref<4000000xf32, #tpu.memory_space<hbm>> -> memref<1600xf32, #tpu.memory_space<hbm>>
            %dma_start3A_875 = tpu.memref_slice %arg4[%add3A_871] : memref<4000000xf32, #tpu.memory_space<hbm>> -> memref<1600xf32, #tpu.memory_space<hbm>>
            %dma_start3A_876 = arith.constant 4800 : i32
            %dma_start3A_877 = tpu.memref_slice %arg9[%dma_start3A_876] : memref<6400xf32, #tpu.memory_space<vmem>> -> memref<1600xf32, #tpu.memory_space<vmem>>
            tpu.enqueue_dma source(%dma_start3A_877 : memref<1600xf32, #tpu.memory_space<vmem>>) target(%dma_start3A_875 : memref<1600xf32, #tpu.memory_space<hbm>>) target_semaphore(%run_scoped3A : memref<!tpu.dma_semaphore, #tpu.memory_space<semaphore_mem>>)
            %dma_wait3A_878 = arith.constant 4800 : i32
            %dma_wait3A_879 = tpu.memref_slice %arg9[%dma_wait3A_878] : memref<6400xf32, #tpu.memory_space<vmem>> -> memref<1600xf32, #tpu.memory_space<vmem>>
            %dma_wait3A_880 = tpu.memref_slice %arg4[%add3A_871] : memref<4000000xf32, #tpu.memory_space<hbm>> -> memref<1600xf32, #tpu.memory_space<hbm>>
            %dma_wait3A_881 = tpu.memref_slice %arg4[%add3A_871] : memref<4000000xf32, #tpu.memory_space<hbm>> -> memref<1600xf32, #tpu.memory_space<hbm>>
            %dma_wait3A_882 = arith.constant 4800 : i32
            %dma_wait3A_883 = tpu.memref_slice %arg9[%dma_wait3A_882] : memref<6400xf32, #tpu.memory_space<vmem>> -> memref<1600xf32, #tpu.memory_space<vmem>>
            tpu.wait_dma2 semaphore(%run_scoped3A : memref<!tpu.dma_semaphore, #tpu.memory_space<semaphore_mem>>) src(%dma_wait3A_883 : memref<1600xf32, #tpu.memory_space<vmem>>) dst(%dma_wait3A_881 : memref<1600xf32, #tpu.memory_space<hbm>>)
            tpu.yield
          }) : () -> ()
        } else {
        }
        %not3A = arith.constant true
        %not3A_860 = arith.xori %and3A, %not3A : i1
        %convert_element_type3A_861 = arith.extui %not3A_860 : i1 to i32
        %cond3A_862 = arith.constant 0 : i32
        %cond3A_863 = arith.cmpi ne, %convert_element_type3A_861, %cond3A_862 : i32
        scf.if %cond3A_863 {
          %scan3A_864 = arith.constant 0 : i32
          %scan3A_865 = arith.constant 0 : i32
          %scan3A_866 = arith.constant 100 : i32
          %scan3A_867 = arith.addi %scan3A_865, %scan3A_866 : i32
          %scan3A_868 = arith.constant 1 : i32
          scf.for %scan3A_1502 = %scan3A_865 to %scan3A_867 step %scan3A_868  : i32 {
            %mul3A_1503 = arith.constant 16 : i32
            %mul3A_1504 = arith.muli %mul3A_1503, %scan3A_1502 : i32
            %get3A = arith.index_cast %mul3A_1504 : i32 to index
            %get3A_1505 = tpu.vector_load %arg5[%get3A] {strides = array<i32>} : memref<3200xf32, #tpu.memory_space<vmem>>, vector<16xf32>,
            %sub3A_1506 = arith.constant 9.000000e+01 : f32
            %sub3A_1507 = vector.broadcast %sub3A_1506 : f32 to vector<16xf32>
            %sub3A_1508 = arith.subf %sub3A_1507, %get3A_1505 : vector<16xf32>
            %mul3A_1509 = arith.constant 4.000000e+00 : f32
            %mul3A_1510 = vector.broadcast %mul3A_1509 : f32 to vector<16xf32>
            %mul3A_1511 = arith.mulf %sub3A_1508, %mul3A_1510 : vector<16xf32>
            %add3A_1512 = arith.constant 0x4B400000 : f32
            %add3A_1513 = vector.broadcast %add3A_1512 : f32 to vector<16xf32>
            %add3A_1514 = arith.addf %mul3A_1511, %add3A_1513 : vector<16xf32>
            %sub3A_1515 = arith.constant 0x4B400000 : f32
            %sub3A_1516 = vector.broadcast %sub3A_1515 : f32 to vector<16xf32>
            %sub3A_1517 = arith.subf %add3A_1514, %sub3A_1516 : vector<16xf32>
            %max3A_1518 = arith.constant 0.000000e+00 : f32
            %max3A_1519 = vector.broadcast %max3A_1518 : f32 to vector<16xf32>
            %max3A_1520 = arith.maximumf %sub3A_1517, %max3A_1519 : vector<16xf32>
            %min3A_1521 = arith.constant 7.200000e+02 : f32
            %min3A_1522 = vector.broadcast %min3A_1521 : f32 to vector<16xf32>
            %min3A_1523 = arith.minimumf %max3A_1520, %min3A_1522 : vector<16xf32>
            %convert_element_type3A_1524 = arith.fptosi %min3A_1523 : vector<16xf32> to vector<16xi32>
            %mul3A_1525 = arith.constant 16 : i32
            %mul3A_1526 = arith.muli %mul3A_1525, %scan3A_1502 : i32
            %add3A_1527 = arith.constant 1600 : i32
            %add3A_1528 = arith.addi %add3A_1527, %mul3A_1526 : i32
            %get3A_1529 = arith.index_cast %add3A_1528 : i32 to index
            %get3A_1530 = tpu.vector_load %arg5[%get3A_1529] {strides = array<i32>} : memref<3200xf32, #tpu.memory_space<vmem>>, vector<16xf32>,
            %mul3A_1531 = arith.constant 4.000000e+00 : f32
            %mul3A_1532 = vector.broadcast %mul3A_1531 : f32 to vector<16xf32>
            %mul3A_1533 = arith.mulf %get3A_1530, %mul3A_1532 : vector<16xf32>
            %add3A_1534 = arith.constant 0x4B400000 : f32
            %add3A_1535 = vector.broadcast %add3A_1534 : f32 to vector<16xf32>
            %add3A_1536 = arith.addf %mul3A_1533, %add3A_1535 : vector<16xf32>
            %sub3A_1537 = arith.constant 0x4B400000 : f32
            %sub3A_1538 = vector.broadcast %sub3A_1537 : f32 to vector<16xf32>
            %sub3A_1539 = arith.subf %add3A_1536, %sub3A_1538 : vector<16xf32>
            %max3A_1540 = arith.constant 0.000000e+00 : f32
            %max3A_1541 = vector.broadcast %max3A_1540 : f32 to vector<16xf32>
            %max3A_1542 = arith.maximumf %sub3A_1539, %max3A_1541 : vector<16xf32>
            %min3A_1543 = arith.constant 1.439000e+03 : f32
            %min3A_1544 = vector.broadcast %min3A_1543 : f32 to vector<16xf32>
            %min3A_1545 = arith.minimumf %max3A_1542, %min3A_1544 : vector<16xf32>
            %convert_element_type3A_1546 = arith.fptosi %min3A_1545 : vector<16xf32> to vector<16xi32>
            %shift_right_logical3A = arith.constant 7 : i32
            %shift_right_logical3A_1547 = vector.broadcast %shift_right_logical3A : i32 to vector<16xi32>
            %shift_right_logical3A_1548 = arith.shrui %convert_element_type3A_1546, %shift_right_logical3A_1547 : vector<16xi32>
            %and3A_1549 = arith.constant 127 : i32
            %and3A_1550 = vector.broadcast %and3A_1549 : i32 to vector<16xi32>
            %and3A_1551 = arith.andi %convert_element_type3A_1546, %and3A_1550 : vector<16xi32>
            %mul3A_1552 = arith.constant 728 : i32
            %mul3A_1553 = vector.broadcast %mul3A_1552 : i32 to vector<16xi32>
            %mul3A_1554 = arith.muli %shift_right_logical3A_1548, %mul3A_1553 : vector<16xi32>
            %add3A_1555 = arith.addi %mul3A_1554, %convert_element_type3A_1524 : vector<16xi32>
            %mul3A_1556 = arith.constant 128 : i32
            %mul3A_1557 = vector.broadcast %mul3A_1556 : i32 to vector<16xi32>
            %mul3A_1558 = arith.muli %add3A_1555, %mul3A_1557 : vector<16xi32>
            %add3A_1559 = arith.addi %mul3A_1558, %and3A_1551 : vector<16xi32>
            %add3A_1560 = arith.constant 0 : i32
            %add3A_1561 = vector.broadcast %add3A_1560 : i32 to vector<16xi32>
            %add3A_1562 = arith.addi %add3A_1559, %add3A_1561 : vector<16xi32>
            %mul3A_1563 = arith.constant 16 : i32
            %mul3A_1564 = arith.muli %mul3A_1563, %scan3A_1502 : i32
            %add3A_1565 = arith.constant 0 : i32
            %add3A_1566 = arith.addi %add3A_1565, %mul3A_1564 : i32
            %swap3A_1567 = arith.index_cast %add3A_1566 : i32 to index
            %swap3A_1568 = tpu.vector_load %arg7[%swap3A_1567] {strides = array<i32>} : memref<6656xi32, #tpu.memory_space<vmem>>, vector<16xi32>,
            tpu.vector_store %arg7[%swap3A_1567], %add3A_1562 {strides = array<i32>} : memref<6656xi32, #tpu.memory_space<vmem>>, vector<16xi32>,
            %add3A_1569 = arith.constant 1118208 : i32
            %add3A_1570 = vector.broadcast %add3A_1569 : i32 to vector<16xi32>
            %add3A_1571 = arith.addi %add3A_1559, %add3A_1570 : vector<16xi32>
            %mul3A_1572 = arith.constant 16 : i32
            %mul3A_1573 = arith.muli %mul3A_1572, %scan3A_1502 : i32
            %add3A_1574 = arith.constant 1664 : i32
            %add3A_1575 = arith.addi %add3A_1574, %mul3A_1573 : i32
            %swap3A_1576 = arith.index_cast %add3A_1575 : i32 to index
            %swap3A_1577 = tpu.vector_load %arg7[%swap3A_1576] {strides = array<i32>} : memref<6656xi32, #tpu.memory_space<vmem>>, vector<16xi32>,
            tpu.vector_store %arg7[%swap3A_1576], %add3A_1571 {strides = array<i32>} : memref<6656xi32, #tpu.memory_space<vmem>>, vector<16xi32>,
            %add3A_1578 = arith.constant 2236416 : i32
            %add3A_1579 = vector.broadcast %add3A_1578 : i32 to vector<16xi32>
            %add3A_1580 = arith.addi %add3A_1559, %add3A_1579 : vector<16xi32>
            %mul3A_1581 = arith.constant 16 : i32
            %mul3A_1582 = arith.muli %mul3A_1581, %scan3A_1502 : i32
            %add3A_1583 = arith.constant 3328 : i32
            %add3A_1584 = arith.addi %add3A_1583, %mul3A_1582 : i32
            %swap3A_1585 = arith.index_cast %add3A_1584 : i32 to index
            %swap3A_1586 = tpu.vector_load %arg7[%swap3A_1585] {strides = array<i32>} : memref<6656xi32, #tpu.memory_space<vmem>>, vector<16xi32>,
            tpu.vector_store %arg7[%swap3A_1585], %add3A_1580 {strides = array<i32>} : memref<6656xi32, #tpu.memory_space<vmem>>, vector<16xi32>,
            %add3A_1587 = arith.constant 3354624 : i32
            %add3A_1588 = vector.broadcast %add3A_1587 : i32 to vector<16xi32>
            %add3A_1589 = arith.addi %add3A_1559, %add3A_1588 : vector<16xi32>
            %mul3A_1590 = arith.constant 16 : i32
            %mul3A_1591 = arith.muli %mul3A_1590, %scan3A_1502 : i32
            %add3A_1592 = arith.constant 4992 : i32
            %add3A_1593 = arith.addi %add3A_1592, %mul3A_1591 : i32
            %swap3A_1594 = arith.index_cast %add3A_1593 : i32 to index
            %swap3A_1595 = tpu.vector_load %arg7[%swap3A_1594] {strides = array<i32>} : memref<6656xi32, #tpu.memory_space<vmem>>, vector<16xi32>,
            tpu.vector_store %arg7[%swap3A_1594], %add3A_1589 {strides = array<i32>} : memref<6656xi32, #tpu.memory_space<vmem>>, vector<16xi32>,
          }
          %scan3A_869 = arith.constant 100 : i32
          %dma_start3A_870 = arith.constant 0 : i32
          %dma_start3A_871 = tpu.memref_slice %arg8[%dma_start3A_870] : memref<6656xf32, #tpu.memory_space<vmem>> -> memref<128xf32, #tpu.memory_space<vmem>>
          %dma_start3A_872 = arith.constant 0 : i32
          %dma_start3A_873 = tpu.memref_slice %arg7[%dma_start3A_872] : memref<6656xi32, #tpu.memory_space<vmem>> -> memref<128xi32, #tpu.memory_space<vmem>>
          %dma_start3A_874 = arith.constant 0 : i32
          %dma_start3A_875 = tpu.memref_slice %arg3[%dma_start3A_874] : memref<4472832xf32, #tpu.memory_space<hbm>> -> memref<4472832xf32, #tpu.memory_space<hbm>>
          tpu.enqueue_indirect_dma source(%dma_start3A_875 : memref<4472832xf32, #tpu.memory_space<hbm>>) target(%dma_start3A_871 : memref<128xf32, #tpu.memory_space<vmem>>) offsets(%dma_start3A_873 : memref<128xi32, #tpu.memory_space<vmem>>) semaphore(%arg10 : memref<!tpu.dma_semaphore, #tpu.memory_space<semaphore_mem>>)
          %dma_start3A_876 = arith.constant 128 : i32
          %dma_start3A_877 = tpu.memref_slice %arg8[%dma_start3A_876] : memref<6656xf32, #tpu.memory_space<vmem>> -> memref<128xf32, #tpu.memory_space<vmem>>
          %dma_start3A_878 = arith.constant 128 : i32
          %dma_start3A_879 = tpu.memref_slice %arg7[%dma_start3A_878] : memref<6656xi32, #tpu.memory_space<vmem>> -> memref<128xi32, #tpu.memory_space<vmem>>
          %dma_start3A_880 = arith.constant 0 : i32
          %dma_start3A_881 = tpu.memref_slice %arg3[%dma_start3A_880] : memref<4472832xf32, #tpu.memory_space<hbm>> -> memref<4472832xf32, #tpu.memory_space<hbm>>
          tpu.enqueue_indirect_dma source(%dma_start3A_881 : memref<4472832xf32, #tpu.memory_space<hbm>>) target(%dma_start3A_877 : memref<128xf32, #tpu.memory_space<vmem>>) offsets(%dma_start3A_879 : memref<128xi32, #tpu.memory_space<vmem>>) semaphore(%arg10 : memref<!tpu.dma_semaphore, #tpu.memory_space<semaphore_mem>>)
          %dma_start3A_882 = arith.constant 256 : i32
          %dma_start3A_883 = tpu.memref_slice %arg8[%dma_start3A_882] : memref<6656xf32, #tpu.memory_space<vmem>> -> memref<128xf32, #tpu.memory_space<vmem>>
          %dma_start3A_884 = arith.constant 256 : i32
          %dma_start3A_885 = tpu.memref_slice %arg7[%dma_start3A_884] : memref<6656xi32, #tpu.memory_space<vmem>> -> memref<128xi32, #tpu.memory_space<vmem>>
          %dma_start3A_886 = arith.constant 0 : i32
          %dma_start3A_887 = tpu.memref_slice %arg3[%dma_start3A_886] : memref<4472832xf32, #tpu.memory_space<hbm>> -> memref<4472832xf32, #tpu.memory_space<hbm>>
          tpu.enqueue_indirect_dma source(%dma_start3A_887 : memref<4472832xf32, #tpu.memory_space<hbm>>) target(%dma_start3A_883 : memref<128xf32, #tpu.memory_space<vmem>>) offsets(%dma_start3A_885 : memref<128xi32, #tpu.memory_space<vmem>>) semaphore(%arg10 : memref<!tpu.dma_semaphore, #tpu.memory_space<semaphore_mem>>)
          %dma_start3A_888 = arith.constant 384 : i32
          %dma_start3A_889 = tpu.memref_slice %arg8[%dma_start3A_888] : memref<6656xf32, #tpu.memory_space<vmem>> -> memref<128xf32, #tpu.memory_space<vmem>>
          %dma_start3A_890 = arith.constant 384 : i32
          %dma_start3A_891 = tpu.memref_slice %arg7[%dma_start3A_890] : memref<6656xi32, #tpu.memory_space<vmem>> -> memref<128xi32, #tpu.memory_space<vmem>>
          %dma_start3A_892 = arith.constant 0 : i32
          %dma_start3A_893 = tpu.memref_slice %arg3[%dma_start3A_892] : memref<4472832xf32, #tpu.memory_space<hbm>> -> memref<4472832xf32, #tpu.memory_space<hbm>>
          tpu.enqueue_indirect_dma source(%dma_start3A_893 : memref<4472832xf32, #tpu.memory_space<hbm>>) target(%dma_start3A_889 : memref<128xf32, #tpu.memory_space<vmem>>) offsets(%dma_start3A_891 : memref<128xi32, #tpu.memory_space<vmem>>) semaphore(%arg10 : memref<!tpu.dma_semaphore, #tpu.memory_space<semaphore_mem>>)
          %dma_start3A_894 = arith.constant 512 : i32
          %dma_start3A_895 = tpu.memref_slice %arg8[%dma_start3A_894] : memref<6656xf32, #tpu.memory_space<vmem>> -> memref<128xf32, #tpu.memory_space<vmem>>
          %dma_start3A_896 = arith.constant 512 : i32
          %dma_start3A_897 = tpu.memref_slice %arg7[%dma_start3A_896] : memref<6656xi32, #tpu.memory_space<vmem>> -> memref<128xi32, #tpu.memory_space<vmem>>
          %dma_start3A_898 = arith.constant 0 : i32
          %dma_start3A_899 = tpu.memref_slice %arg3[%dma_start3A_898] : memref<4472832xf32, #tpu.memory_space<hbm>> -> memref<4472832xf32, #tpu.memory_space<hbm>>
          tpu.enqueue_indirect_dma source(%dma_start3A_899 : memref<4472832xf32, #tpu.memory_space<hbm>>) target(%dma_start3A_895 : memref<128xf32, #tpu.memory_space<vmem>>) offsets(%dma_start3A_897 : memref<128xi32, #tpu.memory_space<vmem>>) semaphore(%arg10 : memref<!tpu.dma_semaphore, #tpu.memory_space<semaphore_mem>>)
          %dma_start3A_900 = arith.constant 640 : i32
          %dma_start3A_901 = tpu.memref_slice %arg8[%dma_start3A_900] : memref<6656xf32, #tpu.memory_space<vmem>> -> memref<128xf32, #tpu.memory_space<vmem>>
          %dma_start3A_902 = arith.constant 640 : i32
          %dma_start3A_903 = tpu.memref_slice %arg7[%dma_start3A_902] : memref<6656xi32, #tpu.memory_space<vmem>> -> memref<128xi32, #tpu.memory_space<vmem>>
          %dma_start3A_904 = arith.constant 0 : i32
          %dma_start3A_905 = tpu.memref_slice %arg3[%dma_start3A_904] : memref<4472832xf32, #tpu.memory_space<hbm>> -> memref<4472832xf32, #tpu.memory_space<hbm>>
          tpu.enqueue_indirect_dma source(%dma_start3A_905 : memref<4472832xf32, #tpu.memory_space<hbm>>) target(%dma_start3A_901 : memref<128xf32, #tpu.memory_space<vmem>>) offsets(%dma_start3A_903 : memref<128xi32, #tpu.memory_space<vmem>>) semaphore(%arg10 : memref<!tpu.dma_semaphore, #tpu.memory_space<semaphore_mem>>)
          %dma_start3A_906 = arith.constant 768 : i32
          %dma_start3A_907 = tpu.memref_slice %arg8[%dma_start3A_906] : memref<6656xf32, #tpu.memory_space<vmem>> -> memref<128xf32, #tpu.memory_space<vmem>>
          %dma_start3A_908 = arith.constant 768 : i32
          %dma_start3A_909 = tpu.memref_slice %arg7[%dma_start3A_908] : memref<6656xi32, #tpu.memory_space<vmem>> -> memref<128xi32, #tpu.memory_space<vmem>>
          %dma_start3A_910 = arith.constant 0 : i32
          %dma_start3A_911 = tpu.memref_slice %arg3[%dma_start3A_910] : memref<4472832xf32, #tpu.memory_space<hbm>> -> memref<4472832xf32, #tpu.memory_space<hbm>>
          tpu.enqueue_indirect_dma source(%dma_start3A_911 : memref<4472832xf32, #tpu.memory_space<hbm>>) target(%dma_start3A_907 : memref<128xf32, #tpu.memory_space<vmem>>) offsets(%dma_start3A_909 : memref<128xi32, #tpu.memory_space<vmem>>) semaphore(%arg10 : memref<!tpu.dma_semaphore, #tpu.memory_space<semaphore_mem>>)
          %dma_start3A_912 = arith.constant 896 : i32
          %dma_start3A_913 = tpu.memref_slice %arg8[%dma_start3A_912] : memref<6656xf32, #tpu.memory_space<vmem>> -> memref<128xf32, #tpu.memory_space<vmem>>
          %dma_start3A_914 = arith.constant 896 : i32
          %dma_start3A_915 = tpu.memref_slice %arg7[%dma_start3A_914] : memref<6656xi32, #tpu.memory_space<vmem>> -> memref<128xi32, #tpu.memory_space<vmem>>
          %dma_start3A_916 = arith.constant 0 : i32
          %dma_start3A_917 = tpu.memref_slice %arg3[%dma_start3A_916] : memref<4472832xf32, #tpu.memory_space<hbm>> -> memref<4472832xf32, #tpu.memory_space<hbm>>
          tpu.enqueue_indirect_dma source(%dma_start3A_917 : memref<4472832xf32, #tpu.memory_space<hbm>>) target(%dma_start3A_913 : memref<128xf32, #tpu.memory_space<vmem>>) offsets(%dma_start3A_915 : memref<128xi32, #tpu.memory_space<vmem>>) semaphore(%arg10 : memref<!tpu.dma_semaphore, #tpu.memory_space<semaphore_mem>>)
          %dma_start3A_918 = arith.constant 1024 : i32
          %dma_start3A_919 = tpu.memref_slice %arg8[%dma_start3A_918] : memref<6656xf32, #tpu.memory_space<vmem>> -> memref<128xf32, #tpu.memory_space<vmem>>
          %dma_start3A_920 = arith.constant 1024 : i32
          %dma_start3A_921 = tpu.memref_slice %arg7[%dma_start3A_920] : memref<6656xi32, #tpu.memory_space<vmem>> -> memref<128xi32, #tpu.memory_space<vmem>>
          %dma_start3A_922 = arith.constant 0 : i32
          %dma_start3A_923 = tpu.memref_slice %arg3[%dma_start3A_922] : memref<4472832xf32, #tpu.memory_space<hbm>> -> memref<4472832xf32, #tpu.memory_space<hbm>>
          tpu.enqueue_indirect_dma source(%dma_start3A_923 : memref<4472832xf32, #tpu.memory_space<hbm>>) target(%dma_start3A_919 : memref<128xf32, #tpu.memory_space<vmem>>) offsets(%dma_start3A_921 : memref<128xi32, #tpu.memory_space<vmem>>) semaphore(%arg10 : memref<!tpu.dma_semaphore, #tpu.memory_space<semaphore_mem>>)
          %dma_start3A_924 = arith.constant 1152 : i32
          %dma_start3A_925 = tpu.memref_slice %arg8[%dma_start3A_924] : memref<6656xf32, #tpu.memory_space<vmem>> -> memref<128xf32, #tpu.memory_space<vmem>>
          %dma_start3A_926 = arith.constant 1152 : i32
          %dma_start3A_927 = tpu.memref_slice %arg7[%dma_start3A_926] : memref<6656xi32, #tpu.memory_space<vmem>> -> memref<128xi32, #tpu.memory_space<vmem>>
          %dma_start3A_928 = arith.constant 0 : i32
          %dma_start3A_929 = tpu.memref_slice %arg3[%dma_start3A_928] : memref<4472832xf32, #tpu.memory_space<hbm>> -> memref<4472832xf32, #tpu.memory_space<hbm>>
          tpu.enqueue_indirect_dma source(%dma_start3A_929 : memref<4472832xf32, #tpu.memory_space<hbm>>) target(%dma_start3A_925 : memref<128xf32, #tpu.memory_space<vmem>>) offsets(%dma_start3A_927 : memref<128xi32, #tpu.memory_space<vmem>>) semaphore(%arg10 : memref<!tpu.dma_semaphore, #tpu.memory_space<semaphore_mem>>)
          %dma_start3A_930 = arith.constant 1280 : i32
          %dma_start3A_931 = tpu.memref_slice %arg8[%dma_start3A_930] : memref<6656xf32, #tpu.memory_space<vmem>> -> memref<128xf32, #tpu.memory_space<vmem>>
          %dma_start3A_932 = arith.constant 1280 : i32
          %dma_start3A_933 = tpu.memref_slice %arg7[%dma_start3A_932] : memref<6656xi32, #tpu.memory_space<vmem>> -> memref<128xi32, #tpu.memory_space<vmem>>
          %dma_start3A_934 = arith.constant 0 : i32
          %dma_start3A_935 = tpu.memref_slice %arg3[%dma_start3A_934] : memref<4472832xf32, #tpu.memory_space<hbm>> -> memref<4472832xf32, #tpu.memory_space<hbm>>
          tpu.enqueue_indirect_dma source(%dma_start3A_935 : memref<4472832xf32, #tpu.memory_space<hbm>>) target(%dma_start3A_931 : memref<128xf32, #tpu.memory_space<vmem>>) offsets(%dma_start3A_933 : memref<128xi32, #tpu.memory_space<vmem>>) semaphore(%arg10 : memref<!tpu.dma_semaphore, #tpu.memory_space<semaphore_mem>>)
          %dma_start3A_936 = arith.constant 1408 : i32
          %dma_start3A_937 = tpu.memref_slice %arg8[%dma_start3A_936] : memref<6656xf32, #tpu.memory_space<vmem>> -> memref<128xf32, #tpu.memory_space<vmem>>
          %dma_start3A_938 = arith.constant 1408 : i32
          %dma_start3A_939 = tpu.memref_slice %arg7[%dma_start3A_938] : memref<6656xi32, #tpu.memory_space<vmem>> -> memref<128xi32, #tpu.memory_space<vmem>>
          %dma_start3A_940 = arith.constant 0 : i32
          %dma_start3A_941 = tpu.memref_slice %arg3[%dma_start3A_940] : memref<4472832xf32, #tpu.memory_space<hbm>> -> memref<4472832xf32, #tpu.memory_space<hbm>>
          tpu.enqueue_indirect_dma source(%dma_start3A_941 : memref<4472832xf32, #tpu.memory_space<hbm>>) target(%dma_start3A_937 : memref<128xf32, #tpu.memory_space<vmem>>) offsets(%dma_start3A_939 : memref<128xi32, #tpu.memory_space<vmem>>) semaphore(%arg10 : memref<!tpu.dma_semaphore, #tpu.memory_space<semaphore_mem>>)
          %dma_start3A_942 = arith.constant 1536 : i32
          %dma_start3A_943 = tpu.memref_slice %arg8[%dma_start3A_942] : memref<6656xf32, #tpu.memory_space<vmem>> -> memref<128xf32, #tpu.memory_space<vmem>>
          %dma_start3A_944 = arith.constant 1536 : i32
          %dma_start3A_945 = tpu.memref_slice %arg7[%dma_start3A_944] : memref<6656xi32, #tpu.memory_space<vmem>> -> memref<128xi32, #tpu.memory_space<vmem>>
          %dma_start3A_946 = arith.constant 0 : i32
          %dma_start3A_947 = tpu.memref_slice %arg3[%dma_start3A_946] : memref<4472832xf32, #tpu.memory_space<hbm>> -> memref<4472832xf32, #tpu.memory_space<hbm>>
          tpu.enqueue_indirect_dma source(%dma_start3A_947 : memref<4472832xf32, #tpu.memory_space<hbm>>) target(%dma_start3A_943 : memref<128xf32, #tpu.memory_space<vmem>>) offsets(%dma_start3A_945 : memref<128xi32, #tpu.memory_space<vmem>>) semaphore(%arg10 : memref<!tpu.dma_semaphore, #tpu.memory_space<semaphore_mem>>)
          %dma_wait3A_948 = arith.constant 0 : i32
          %dma_wait3A_949 = tpu.memref_slice %arg8[%dma_wait3A_948] : memref<6656xf32, #tpu.memory_space<vmem>> -> memref<128xf32, #tpu.memory_space<vmem>>
          %dma_wait3A_950 = arith.constant 0 : i32
          %dma_wait3A_951 = tpu.memref_slice %arg7[%dma_wait3A_950] : memref<6656xi32, #tpu.memory_space<vmem>> -> memref<128xi32, #tpu.memory_space<vmem>>
          %dma_wait3A_952 = arith.constant 0 : i32
          %dma_wait3A_953 = tpu.memref_slice %arg3[%dma_wait3A_952] : memref<4472832xf32, #tpu.memory_space<hbm>> -> memref<4472832xf32, #tpu.memory_space<hbm>>
          tpu.wait_indirect_dma semaphore(%arg10 : memref<!tpu.dma_semaphore, #tpu.memory_space<semaphore_mem>>) src(%dma_wait3A_953 : memref<4472832xf32, #tpu.memory_space<hbm>>) dst(%dma_wait3A_949 : memref<128xf32, #tpu.memory_space<vmem>>)
          %dma_wait3A_954 = arith.constant 128 : i32
          %dma_wait3A_955 = tpu.memref_slice %arg8[%dma_wait3A_954] : memref<6656xf32, #tpu.memory_space<vmem>> -> memref<128xf32, #tpu.memory_space<vmem>>
          %dma_wait3A_956 = arith.constant 128 : i32
          %dma_wait3A_957 = tpu.memref_slice %arg7[%dma_wait3A_956] : memref<6656xi32, #tpu.memory_space<vmem>> -> memref<128xi32, #tpu.memory_space<vmem>>
          %dma_wait3A_958 = arith.constant 0 : i32
          %dma_wait3A_959 = tpu.memref_slice %arg3[%dma_wait3A_958] : memref<4472832xf32, #tpu.memory_space<hbm>> -> memref<4472832xf32, #tpu.memory_space<hbm>>
          tpu.wait_indirect_dma semaphore(%arg10 : memref<!tpu.dma_semaphore, #tpu.memory_space<semaphore_mem>>) src(%dma_wait3A_959 : memref<4472832xf32, #tpu.memory_space<hbm>>) dst(%dma_wait3A_955 : memref<128xf32, #tpu.memory_space<vmem>>)
          %dma_wait3A_960 = arith.constant 256 : i32
          %dma_wait3A_961 = tpu.memref_slice %arg8[%dma_wait3A_960] : memref<6656xf32, #tpu.memory_space<vmem>> -> memref<128xf32, #tpu.memory_space<vmem>>
          %dma_wait3A_962 = arith.constant 256 : i32
          %dma_wait3A_963 = tpu.memref_slice %arg7[%dma_wait3A_962] : memref<6656xi32, #tpu.memory_space<vmem>> -> memref<128xi32, #tpu.memory_space<vmem>>
          %dma_wait3A_964 = arith.constant 0 : i32
          %dma_wait3A_965 = tpu.memref_slice %arg3[%dma_wait3A_964] : memref<4472832xf32, #tpu.memory_space<hbm>> -> memref<4472832xf32, #tpu.memory_space<hbm>>
          tpu.wait_indirect_dma semaphore(%arg10 : memref<!tpu.dma_semaphore, #tpu.memory_space<semaphore_mem>>) src(%dma_wait3A_965 : memref<4472832xf32, #tpu.memory_space<hbm>>) dst(%dma_wait3A_961 : memref<128xf32, #tpu.memory_space<vmem>>)
          %dma_wait3A_966 = arith.constant 384 : i32
          %dma_wait3A_967 = tpu.memref_slice %arg8[%dma_wait3A_966] : memref<6656xf32, #tpu.memory_space<vmem>> -> memref<128xf32, #tpu.memory_space<vmem>>
          %dma_wait3A_968 = arith.constant 384 : i32
          %dma_wait3A_969 = tpu.memref_slice %arg7[%dma_wait3A_968] : memref<6656xi32, #tpu.memory_space<vmem>> -> memref<128xi32, #tpu.memory_space<vmem>>
          %dma_wait3A_970 = arith.constant 0 : i32
          %dma_wait3A_971 = tpu.memref_slice %arg3[%dma_wait3A_970] : memref<4472832xf32, #tpu.memory_space<hbm>> -> memref<4472832xf32, #tpu.memory_space<hbm>>
          tpu.wait_indirect_dma semaphore(%arg10 : memref<!tpu.dma_semaphore, #tpu.memory_space<semaphore_mem>>) src(%dma_wait3A_971 : memref<4472832xf32, #tpu.memory_space<hbm>>) dst(%dma_wait3A_967 : memref<128xf32, #tpu.memory_space<vmem>>)
          %dma_wait3A_972 = arith.constant 512 : i32
          %dma_wait3A_973 = tpu.memref_slice %arg8[%dma_wait3A_972] : memref<6656xf32, #tpu.memory_space<vmem>> -> memref<128xf32, #tpu.memory_space<vmem>>
          %dma_wait3A_974 = arith.constant 512 : i32
          %dma_wait3A_975 = tpu.memref_slice %arg7[%dma_wait3A_974] : memref<6656xi32, #tpu.memory_space<vmem>> -> memref<128xi32, #tpu.memory_space<vmem>>
          %dma_wait3A_976 = arith.constant 0 : i32
          %dma_wait3A_977 = tpu.memref_slice %arg3[%dma_wait3A_976] : memref<4472832xf32, #tpu.memory_space<hbm>> -> memref<4472832xf32, #tpu.memory_space<hbm>>
          tpu.wait_indirect_dma semaphore(%arg10 : memref<!tpu.dma_semaphore, #tpu.memory_space<semaphore_mem>>) src(%dma_wait3A_977 : memref<4472832xf32, #tpu.memory_space<hbm>>) dst(%dma_wait3A_973 : memref<128xf32, #tpu.memory_space<vmem>>)
          %dma_wait3A_978 = arith.constant 640 : i32
          %dma_wait3A_979 = tpu.memref_slice %arg8[%dma_wait3A_978] : memref<6656xf32, #tpu.memory_space<vmem>> -> memref<128xf32, #tpu.memory_space<vmem>>
          %dma_wait3A_980 = arith.constant 640 : i32
          %dma_wait3A_981 = tpu.memref_slice %arg7[%dma_wait3A_980] : memref<6656xi32, #tpu.memory_space<vmem>> -> memref<128xi32, #tpu.memory_space<vmem>>
          %dma_wait3A_982 = arith.constant 0 : i32
          %dma_wait3A_983 = tpu.memref_slice %arg3[%dma_wait3A_982] : memref<4472832xf32, #tpu.memory_space<hbm>> -> memref<4472832xf32, #tpu.memory_space<hbm>>
          tpu.wait_indirect_dma semaphore(%arg10 : memref<!tpu.dma_semaphore, #tpu.memory_space<semaphore_mem>>) src(%dma_wait3A_983 : memref<4472832xf32, #tpu.memory_space<hbm>>) dst(%dma_wait3A_979 : memref<128xf32, #tpu.memory_space<vmem>>)
          %dma_wait3A_984 = arith.constant 768 : i32
          %dma_wait3A_985 = tpu.memref_slice %arg8[%dma_wait3A_984] : memref<6656xf32, #tpu.memory_space<vmem>> -> memref<128xf32, #tpu.memory_space<vmem>>
          %dma_wait3A_986 = arith.constant 768 : i32
          %dma_wait3A_987 = tpu.memref_slice %arg7[%dma_wait3A_986] : memref<6656xi32, #tpu.memory_space<vmem>> -> memref<128xi32, #tpu.memory_space<vmem>>
          %dma_wait3A_988 = arith.constant 0 : i32
          %dma_wait3A_989 = tpu.memref_slice %arg3[%dma_wait3A_988] : memref<4472832xf32, #tpu.memory_space<hbm>> -> memref<4472832xf32, #tpu.memory_space<hbm>>
          tpu.wait_indirect_dma semaphore(%arg10 : memref<!tpu.dma_semaphore, #tpu.memory_space<semaphore_mem>>) src(%dma_wait3A_989 : memref<4472832xf32, #tpu.memory_space<hbm>>) dst(%dma_wait3A_985 : memref<128xf32, #tpu.memory_space<vmem>>)
          %dma_wait3A_990 = arith.constant 896 : i32
          %dma_wait3A_991 = tpu.memref_slice %arg8[%dma_wait3A_990] : memref<6656xf32, #tpu.memory_space<vmem>> -> memref<128xf32, #tpu.memory_space<vmem>>
          %dma_wait3A_992 = arith.constant 896 : i32
          %dma_wait3A_993 = tpu.memref_slice %arg7[%dma_wait3A_992] : memref<6656xi32, #tpu.memory_space<vmem>> -> memref<128xi32, #tpu.memory_space<vmem>>
          %dma_wait3A_994 = arith.constant 0 : i32
          %dma_wait3A_995 = tpu.memref_slice %arg3[%dma_wait3A_994] : memref<4472832xf32, #tpu.memory_space<hbm>> -> memref<4472832xf32, #tpu.memory_space<hbm>>
          tpu.wait_indirect_dma semaphore(%arg10 : memref<!tpu.dma_semaphore, #tpu.memory_space<semaphore_mem>>) src(%dma_wait3A_995 : memref<4472832xf32, #tpu.memory_space<hbm>>) dst(%dma_wait3A_991 : memref<128xf32, #tpu.memory_space<vmem>>)
          %dma_wait3A_996 = arith.constant 1024 : i32
          %dma_wait3A_997 = tpu.memref_slice %arg8[%dma_wait3A_996] : memref<6656xf32, #tpu.memory_space<vmem>> -> memref<128xf32, #tpu.memory_space<vmem>>
          %dma_wait3A_998 = arith.constant 1024 : i32
          %dma_wait3A_999 = tpu.memref_slice %arg7[%dma_wait3A_998] : memref<6656xi32, #tpu.memory_space<vmem>> -> memref<128xi32, #tpu.memory_space<vmem>>
          %dma_wait3A_1000 = arith.constant 0 : i32
          %dma_wait3A_1001 = tpu.memref_slice %arg3[%dma_wait3A_1000] : memref<4472832xf32, #tpu.memory_space<hbm>> -> memref<4472832xf32, #tpu.memory_space<hbm>>
          tpu.wait_indirect_dma semaphore(%arg10 : memref<!tpu.dma_semaphore, #tpu.memory_space<semaphore_mem>>) src(%dma_wait3A_1001 : memref<4472832xf32, #tpu.memory_space<hbm>>) dst(%dma_wait3A_997 : memref<128xf32, #tpu.memory_space<vmem>>)
          %dma_wait3A_1002 = arith.constant 1152 : i32
          %dma_wait3A_1003 = tpu.memref_slice %arg8[%dma_wait3A_1002] : memref<6656xf32, #tpu.memory_space<vmem>> -> memref<128xf32, #tpu.memory_space<vmem>>
          %dma_wait3A_1004 = arith.constant 1152 : i32
          %dma_wait3A_1005 = tpu.memref_slice %arg7[%dma_wait3A_1004] : memref<6656xi32, #tpu.memory_space<vmem>> -> memref<128xi32, #tpu.memory_space<vmem>>
          %dma_wait3A_1006 = arith.constant 0 : i32
          %dma_wait3A_1007 = tpu.memref_slice %arg3[%dma_wait3A_1006] : memref<4472832xf32, #tpu.memory_space<hbm>> -> memref<4472832xf32, #tpu.memory_space<hbm>>
          tpu.wait_indirect_dma semaphore(%arg10 : memref<!tpu.dma_semaphore, #tpu.memory_space<semaphore_mem>>) src(%dma_wait3A_1007 : memref<4472832xf32, #tpu.memory_space<hbm>>) dst(%dma_wait3A_1003 : memref<128xf32, #tpu.memory_space<vmem>>)
          %dma_wait3A_1008 = arith.constant 1280 : i32
          %dma_wait3A_1009 = tpu.memref_slice %arg8[%dma_wait3A_1008] : memref<6656xf32, #tpu.memory_space<vmem>> -> memref<128xf32, #tpu.memory_space<vmem>>
          %dma_wait3A_1010 = arith.constant 1280 : i32
          %dma_wait3A_1011 = tpu.memref_slice %arg7[%dma_wait3A_1010] : memref<6656xi32, #tpu.memory_space<vmem>> -> memref<128xi32, #tpu.memory_space<vmem>>
          %dma_wait3A_1012 = arith.constant 0 : i32
          %dma_wait3A_1013 = tpu.memref_slice %arg3[%dma_wait3A_1012] : memref<4472832xf32, #tpu.memory_space<hbm>> -> memref<4472832xf32, #tpu.memory_space<hbm>>
          tpu.wait_indirect_dma semaphore(%arg10 : memref<!tpu.dma_semaphore, #tpu.memory_space<semaphore_mem>>) src(%dma_wait3A_1013 : memref<4472832xf32, #tpu.memory_space<hbm>>) dst(%dma_wait3A_1009 : memref<128xf32, #tpu.memory_space<vmem>>)
          %dma_wait3A_1014 = arith.constant 1408 : i32
          %dma_wait3A_1015 = tpu.memref_slice %arg8[%dma_wait3A_1014] : memref<6656xf32, #tpu.memory_space<vmem>> -> memref<128xf32, #tpu.memory_space<vmem>>
          %dma_wait3A_1016 = arith.constant 1408 : i32
          %dma_wait3A_1017 = tpu.memref_slice %arg7[%dma_wait3A_1016] : memref<6656xi32, #tpu.memory_space<vmem>> -> memref<128xi32, #tpu.memory_space<vmem>>
          %dma_wait3A_1018 = arith.constant 0 : i32
          %dma_wait3A_1019 = tpu.memref_slice %arg3[%dma_wait3A_1018] : memref<4472832xf32, #tpu.memory_space<hbm>> -> memref<4472832xf32, #tpu.memory_space<hbm>>
          tpu.wait_indirect_dma semaphore(%arg10 : memref<!tpu.dma_semaphore, #tpu.memory_space<semaphore_mem>>) src(%dma_wait3A_1019 : memref<4472832xf32, #tpu.memory_space<hbm>>) dst(%dma_wait3A_1015 : memref<128xf32, #tpu.memory_space<vmem>>)
          %dma_wait3A_1020 = arith.constant 1536 : i32
          %dma_wait3A_1021 = tpu.memref_slice %arg8[%dma_wait3A_1020] : memref<6656xf32, #tpu.memory_space<vmem>> -> memref<128xf32, #tpu.memory_space<vmem>>
          %dma_wait3A_1022 = arith.constant 1536 : i32
          %dma_wait3A_1023 = tpu.memref_slice %arg7[%dma_wait3A_1022] : memref<6656xi32, #tpu.memory_space<vmem>> -> memref<128xi32, #tpu.memory_space<vmem>>
          %dma_wait3A_1024 = arith.constant 0 : i32
          %dma_wait3A_1025 = tpu.memref_slice %arg3[%dma_wait3A_1024] : memref<4472832xf32, #tpu.memory_space<hbm>> -> memref<4472832xf32, #tpu.memory_space<hbm>>
          tpu.wait_indirect_dma semaphore(%arg10 : memref<!tpu.dma_semaphore, #tpu.memory_space<semaphore_mem>>) src(%dma_wait3A_1025 : memref<4472832xf32, #tpu.memory_space<hbm>>) dst(%dma_wait3A_1021 : memref<128xf32, #tpu.memory_space<vmem>>)
          %dma_start3A_1026 = arith.constant 1664 : i32
          %dma_start3A_1027 = tpu.memref_slice %arg8[%dma_start3A_1026] : memref<6656xf32, #tpu.memory_space<vmem>> -> memref<128xf32, #tpu.memory_space<vmem>>
          %dma_start3A_1028 = arith.constant 1664 : i32
          %dma_start3A_1029 = tpu.memref_slice %arg7[%dma_start3A_1028] : memref<6656xi32, #tpu.memory_space<vmem>> -> memref<128xi32, #tpu.memory_space<vmem>>
          %dma_start3A_1030 = arith.constant 0 : i32
          %dma_start3A_1031 = tpu.memref_slice %arg3[%dma_start3A_1030] : memref<4472832xf32, #tpu.memory_space<hbm>> -> memref<4472832xf32, #tpu.memory_space<hbm>>
          tpu.enqueue_indirect_dma source(%dma_start3A_1031 : memref<4472832xf32, #tpu.memory_space<hbm>>) target(%dma_start3A_1027 : memref<128xf32, #tpu.memory_space<vmem>>) offsets(%dma_start3A_1029 : memref<128xi32, #tpu.memory_space<vmem>>) semaphore(%arg10 : memref<!tpu.dma_semaphore, #tpu.memory_space<semaphore_mem>>)
          %dma_start3A_1032 = arith.constant 1792 : i32
          %dma_start3A_1033 = tpu.memref_slice %arg8[%dma_start3A_1032] : memref<6656xf32, #tpu.memory_space<vmem>> -> memref<128xf32, #tpu.memory_space<vmem>>
          %dma_start3A_1034 = arith.constant 1792 : i32
          %dma_start3A_1035 = tpu.memref_slice %arg7[%dma_start3A_1034] : memref<6656xi32, #tpu.memory_space<vmem>> -> memref<128xi32, #tpu.memory_space<vmem>>
          %dma_start3A_1036 = arith.constant 0 : i32
          %dma_start3A_1037 = tpu.memref_slice %arg3[%dma_start3A_1036] : memref<4472832xf32, #tpu.memory_space<hbm>> -> memref<4472832xf32, #tpu.memory_space<hbm>>
          tpu.enqueue_indirect_dma source(%dma_start3A_1037 : memref<4472832xf32, #tpu.memory_space<hbm>>) target(%dma_start3A_1033 : memref<128xf32, #tpu.memory_space<vmem>>) offsets(%dma_start3A_1035 : memref<128xi32, #tpu.memory_space<vmem>>) semaphore(%arg10 : memref<!tpu.dma_semaphore, #tpu.memory_space<semaphore_mem>>)
          %dma_start3A_1038 = arith.constant 1920 : i32
          %dma_start3A_1039 = tpu.memref_slice %arg8[%dma_start3A_1038] : memref<6656xf32, #tpu.memory_space<vmem>> -> memref<128xf32, #tpu.memory_space<vmem>>
          %dma_start3A_1040 = arith.constant 1920 : i32
          %dma_start3A_1041 = tpu.memref_slice %arg7[%dma_start3A_1040] : memref<6656xi32, #tpu.memory_space<vmem>> -> memref<128xi32, #tpu.memory_space<vmem>>
          %dma_start3A_1042 = arith.constant 0 : i32
          %dma_start3A_1043 = tpu.memref_slice %arg3[%dma_start3A_1042] : memref<4472832xf32, #tpu.memory_space<hbm>> -> memref<4472832xf32, #tpu.memory_space<hbm>>
          tpu.enqueue_indirect_dma source(%dma_start3A_1043 : memref<4472832xf32, #tpu.memory_space<hbm>>) target(%dma_start3A_1039 : memref<128xf32, #tpu.memory_space<vmem>>) offsets(%dma_start3A_1041 : memref<128xi32, #tpu.memory_space<vmem>>) semaphore(%arg10 : memref<!tpu.dma_semaphore, #tpu.memory_space<semaphore_mem>>)
          %dma_start3A_1044 = arith.constant 2048 : i32
          %dma_start3A_1045 = tpu.memref_slice %arg8[%dma_start3A_1044] : memref<6656xf32, #tpu.memory_space<vmem>> -> memref<128xf32, #tpu.memory_space<vmem>>
          %dma_start3A_1046 = arith.constant 2048 : i32
          %dma_start3A_1047 = tpu.memref_slice %arg7[%dma_start3A_1046] : memref<6656xi32, #tpu.memory_space<vmem>> -> memref<128xi32, #tpu.memory_space<vmem>>
          %dma_start3A_1048 = arith.constant 0 : i32
          %dma_start3A_1049 = tpu.memref_slice %arg3[%dma_start3A_1048] : memref<4472832xf32, #tpu.memory_space<hbm>> -> memref<4472832xf32, #tpu.memory_space<hbm>>
          tpu.enqueue_indirect_dma source(%dma_start3A_1049 : memref<4472832xf32, #tpu.memory_space<hbm>>) target(%dma_start3A_1045 : memref<128xf32, #tpu.memory_space<vmem>>) offsets(%dma_start3A_1047 : memref<128xi32, #tpu.memory_space<vmem>>) semaphore(%arg10 : memref<!tpu.dma_semaphore, #tpu.memory_space<semaphore_mem>>)
          %dma_start3A_1050 = arith.constant 2176 : i32
          %dma_start3A_1051 = tpu.memref_slice %arg8[%dma_start3A_1050] : memref<6656xf32, #tpu.memory_space<vmem>> -> memref<128xf32, #tpu.memory_space<vmem>>
          %dma_start3A_1052 = arith.constant 2176 : i32
          %dma_start3A_1053 = tpu.memref_slice %arg7[%dma_start3A_1052] : memref<6656xi32, #tpu.memory_space<vmem>> -> memref<128xi32, #tpu.memory_space<vmem>>
          %dma_start3A_1054 = arith.constant 0 : i32
          %dma_start3A_1055 = tpu.memref_slice %arg3[%dma_start3A_1054] : memref<4472832xf32, #tpu.memory_space<hbm>> -> memref<4472832xf32, #tpu.memory_space<hbm>>
          tpu.enqueue_indirect_dma source(%dma_start3A_1055 : memref<4472832xf32, #tpu.memory_space<hbm>>) target(%dma_start3A_1051 : memref<128xf32, #tpu.memory_space<vmem>>) offsets(%dma_start3A_1053 : memref<128xi32, #tpu.memory_space<vmem>>) semaphore(%arg10 : memref<!tpu.dma_semaphore, #tpu.memory_space<semaphore_mem>>)
          %dma_start3A_1056 = arith.constant 2304 : i32
          %dma_start3A_1057 = tpu.memref_slice %arg8[%dma_start3A_1056] : memref<6656xf32, #tpu.memory_space<vmem>> -> memref<128xf32, #tpu.memory_space<vmem>>
          %dma_start3A_1058 = arith.constant 2304 : i32
          %dma_start3A_1059 = tpu.memref_slice %arg7[%dma_start3A_1058] : memref<6656xi32, #tpu.memory_space<vmem>> -> memref<128xi32, #tpu.memory_space<vmem>>
          %dma_start3A_1060 = arith.constant 0 : i32
          %dma_start3A_1061 = tpu.memref_slice %arg3[%dma_start3A_1060] : memref<4472832xf32, #tpu.memory_space<hbm>> -> memref<4472832xf32, #tpu.memory_space<hbm>>
          tpu.enqueue_indirect_dma source(%dma_start3A_1061 : memref<4472832xf32, #tpu.memory_space<hbm>>) target(%dma_start3A_1057 : memref<128xf32, #tpu.memory_space<vmem>>) offsets(%dma_start3A_1059 : memref<128xi32, #tpu.memory_space<vmem>>) semaphore(%arg10 : memref<!tpu.dma_semaphore, #tpu.memory_space<semaphore_mem>>)
          %dma_start3A_1062 = arith.constant 2432 : i32
          %dma_start3A_1063 = tpu.memref_slice %arg8[%dma_start3A_1062] : memref<6656xf32, #tpu.memory_space<vmem>> -> memref<128xf32, #tpu.memory_space<vmem>>
          %dma_start3A_1064 = arith.constant 2432 : i32
          %dma_start3A_1065 = tpu.memref_slice %arg7[%dma_start3A_1064] : memref<6656xi32, #tpu.memory_space<vmem>> -> memref<128xi32, #tpu.memory_space<vmem>>
          %dma_start3A_1066 = arith.constant 0 : i32
          %dma_start3A_1067 = tpu.memref_slice %arg3[%dma_start3A_1066] : memref<4472832xf32, #tpu.memory_space<hbm>> -> memref<4472832xf32, #tpu.memory_space<hbm>>
          tpu.enqueue_indirect_dma source(%dma_start3A_1067 : memref<4472832xf32, #tpu.memory_space<hbm>>) target(%dma_start3A_1063 : memref<128xf32, #tpu.memory_space<vmem>>) offsets(%dma_start3A_1065 : memref<128xi32, #tpu.memory_space<vmem>>) semaphore(%arg10 : memref<!tpu.dma_semaphore, #tpu.memory_space<semaphore_mem>>)
          %dma_start3A_1068 = arith.constant 2560 : i32
          %dma_start3A_1069 = tpu.memref_slice %arg8[%dma_start3A_1068] : memref<6656xf32, #tpu.memory_space<vmem>> -> memref<128xf32, #tpu.memory_space<vmem>>
          %dma_start3A_1070 = arith.constant 2560 : i32
          %dma_start3A_1071 = tpu.memref_slice %arg7[%dma_start3A_1070] : memref<6656xi32, #tpu.memory_space<vmem>> -> memref<128xi32, #tpu.memory_space<vmem>>
          %dma_start3A_1072 = arith.constant 0 : i32
          %dma_start3A_1073 = tpu.memref_slice %arg3[%dma_start3A_1072] : memref<4472832xf32, #tpu.memory_space<hbm>> -> memref<4472832xf32, #tpu.memory_space<hbm>>
          tpu.enqueue_indirect_dma source(%dma_start3A_1073 : memref<4472832xf32, #tpu.memory_space<hbm>>) target(%dma_start3A_1069 : memref<128xf32, #tpu.memory_space<vmem>>) offsets(%dma_start3A_1071 : memref<128xi32, #tpu.memory_space<vmem>>) semaphore(%arg10 : memref<!tpu.dma_semaphore, #tpu.memory_space<semaphore_mem>>)
          %dma_start3A_1074 = arith.constant 2688 : i32
          %dma_start3A_1075 = tpu.memref_slice %arg8[%dma_start3A_1074] : memref<6656xf32, #tpu.memory_space<vmem>> -> memref<128xf32, #tpu.memory_space<vmem>>
          %dma_start3A_1076 = arith.constant 2688 : i32
          %dma_start3A_1077 = tpu.memref_slice %arg7[%dma_start3A_1076] : memref<6656xi32, #tpu.memory_space<vmem>> -> memref<128xi32, #tpu.memory_space<vmem>>
          %dma_start3A_1078 = arith.constant 0 : i32
          %dma_start3A_1079 = tpu.memref_slice %arg3[%dma_start3A_1078] : memref<4472832xf32, #tpu.memory_space<hbm>> -> memref<4472832xf32, #tpu.memory_space<hbm>>
          tpu.enqueue_indirect_dma source(%dma_start3A_1079 : memref<4472832xf32, #tpu.memory_space<hbm>>) target(%dma_start3A_1075 : memref<128xf32, #tpu.memory_space<vmem>>) offsets(%dma_start3A_1077 : memref<128xi32, #tpu.memory_space<vmem>>) semaphore(%arg10 : memref<!tpu.dma_semaphore, #tpu.memory_space<semaphore_mem>>)
          %dma_start3A_1080 = arith.constant 2816 : i32
          %dma_start3A_1081 = tpu.memref_slice %arg8[%dma_start3A_1080] : memref<6656xf32, #tpu.memory_space<vmem>> -> memref<128xf32, #tpu.memory_space<vmem>>
          %dma_start3A_1082 = arith.constant 2816 : i32
          %dma_start3A_1083 = tpu.memref_slice %arg7[%dma_start3A_1082] : memref<6656xi32, #tpu.memory_space<vmem>> -> memref<128xi32, #tpu.memory_space<vmem>>
          %dma_start3A_1084 = arith.constant 0 : i32
          %dma_start3A_1085 = tpu.memref_slice %arg3[%dma_start3A_1084] : memref<4472832xf32, #tpu.memory_space<hbm>> -> memref<4472832xf32, #tpu.memory_space<hbm>>
          tpu.enqueue_indirect_dma source(%dma_start3A_1085 : memref<4472832xf32, #tpu.memory_space<hbm>>) target(%dma_start3A_1081 : memref<128xf32, #tpu.memory_space<vmem>>) offsets(%dma_start3A_1083 : memref<128xi32, #tpu.memory_space<vmem>>) semaphore(%arg10 : memref<!tpu.dma_semaphore, #tpu.memory_space<semaphore_mem>>)
          %dma_start3A_1086 = arith.constant 2944 : i32
          %dma_start3A_1087 = tpu.memref_slice %arg8[%dma_start3A_1086] : memref<6656xf32, #tpu.memory_space<vmem>> -> memref<128xf32, #tpu.memory_space<vmem>>
          %dma_start3A_1088 = arith.constant 2944 : i32
          %dma_start3A_1089 = tpu.memref_slice %arg7[%dma_start3A_1088] : memref<6656xi32, #tpu.memory_space<vmem>> -> memref<128xi32, #tpu.memory_space<vmem>>
          %dma_start3A_1090 = arith.constant 0 : i32
          %dma_start3A_1091 = tpu.memref_slice %arg3[%dma_start3A_1090] : memref<4472832xf32, #tpu.memory_space<hbm>> -> memref<4472832xf32, #tpu.memory_space<hbm>>
          tpu.enqueue_indirect_dma source(%dma_start3A_1091 : memref<4472832xf32, #tpu.memory_space<hbm>>) target(%dma_start3A_1087 : memref<128xf32, #tpu.memory_space<vmem>>) offsets(%dma_start3A_1089 : memref<128xi32, #tpu.memory_space<vmem>>) semaphore(%arg10 : memref<!tpu.dma_semaphore, #tpu.memory_space<semaphore_mem>>)
          %dma_start3A_1092 = arith.constant 3072 : i32
          %dma_start3A_1093 = tpu.memref_slice %arg8[%dma_start3A_1092] : memref<6656xf32, #tpu.memory_space<vmem>> -> memref<128xf32, #tpu.memory_space<vmem>>
          %dma_start3A_1094 = arith.constant 3072 : i32
          %dma_start3A_1095 = tpu.memref_slice %arg7[%dma_start3A_1094] : memref<6656xi32, #tpu.memory_space<vmem>> -> memref<128xi32, #tpu.memory_space<vmem>>
          %dma_start3A_1096 = arith.constant 0 : i32
          %dma_start3A_1097 = tpu.memref_slice %arg3[%dma_start3A_1096] : memref<4472832xf32, #tpu.memory_space<hbm>> -> memref<4472832xf32, #tpu.memory_space<hbm>>
          tpu.enqueue_indirect_dma source(%dma_start3A_1097 : memref<4472832xf32, #tpu.memory_space<hbm>>) target(%dma_start3A_1093 : memref<128xf32, #tpu.memory_space<vmem>>) offsets(%dma_start3A_1095 : memref<128xi32, #tpu.memory_space<vmem>>) semaphore(%arg10 : memref<!tpu.dma_semaphore, #tpu.memory_space<semaphore_mem>>)
          %dma_start3A_1098 = arith.constant 3200 : i32
          %dma_start3A_1099 = tpu.memref_slice %arg8[%dma_start3A_1098] : memref<6656xf32, #tpu.memory_space<vmem>> -> memref<128xf32, #tpu.memory_space<vmem>>
          %dma_start3A_1100 = arith.constant 3200 : i32
          %dma_start3A_1101 = tpu.memref_slice %arg7[%dma_start3A_1100] : memref<6656xi32, #tpu.memory_space<vmem>> -> memref<128xi32, #tpu.memory_space<vmem>>
          %dma_start3A_1102 = arith.constant 0 : i32
          %dma_start3A_1103 = tpu.memref_slice %arg3[%dma_start3A_1102] : memref<4472832xf32, #tpu.memory_space<hbm>> -> memref<4472832xf32, #tpu.memory_space<hbm>>
          tpu.enqueue_indirect_dma source(%dma_start3A_1103 : memref<4472832xf32, #tpu.memory_space<hbm>>) target(%dma_start3A_1099 : memref<128xf32, #tpu.memory_space<vmem>>) offsets(%dma_start3A_1101 : memref<128xi32, #tpu.memory_space<vmem>>) semaphore(%arg10 : memref<!tpu.dma_semaphore, #tpu.memory_space<semaphore_mem>>)
          %dma_wait3A_1104 = arith.constant 1664 : i32
          %dma_wait3A_1105 = tpu.memref_slice %arg8[%dma_wait3A_1104] : memref<6656xf32, #tpu.memory_space<vmem>> -> memref<128xf32, #tpu.memory_space<vmem>>
          %dma_wait3A_1106 = arith.constant 1664 : i32
          %dma_wait3A_1107 = tpu.memref_slice %arg7[%dma_wait3A_1106] : memref<6656xi32, #tpu.memory_space<vmem>> -> memref<128xi32, #tpu.memory_space<vmem>>
          %dma_wait3A_1108 = arith.constant 0 : i32
          %dma_wait3A_1109 = tpu.memref_slice %arg3[%dma_wait3A_1108] : memref<4472832xf32, #tpu.memory_space<hbm>> -> memref<4472832xf32, #tpu.memory_space<hbm>>
          tpu.wait_indirect_dma semaphore(%arg10 : memref<!tpu.dma_semaphore, #tpu.memory_space<semaphore_mem>>) src(%dma_wait3A_1109 : memref<4472832xf32, #tpu.memory_space<hbm>>) dst(%dma_wait3A_1105 : memref<128xf32, #tpu.memory_space<vmem>>)
          %dma_wait3A_1110 = arith.constant 1792 : i32
          %dma_wait3A_1111 = tpu.memref_slice %arg8[%dma_wait3A_1110] : memref<6656xf32, #tpu.memory_space<vmem>> -> memref<128xf32, #tpu.memory_space<vmem>>
          %dma_wait3A_1112 = arith.constant 1792 : i32
          %dma_wait3A_1113 = tpu.memref_slice %arg7[%dma_wait3A_1112] : memref<6656xi32, #tpu.memory_space<vmem>> -> memref<128xi32, #tpu.memory_space<vmem>>
          %dma_wait3A_1114 = arith.constant 0 : i32
          %dma_wait3A_1115 = tpu.memref_slice %arg3[%dma_wait3A_1114] : memref<4472832xf32, #tpu.memory_space<hbm>> -> memref<4472832xf32, #tpu.memory_space<hbm>>
          tpu.wait_indirect_dma semaphore(%arg10 : memref<!tpu.dma_semaphore, #tpu.memory_space<semaphore_mem>>) src(%dma_wait3A_1115 : memref<4472832xf32, #tpu.memory_space<hbm>>) dst(%dma_wait3A_1111 : memref<128xf32, #tpu.memory_space<vmem>>)
          %dma_wait3A_1116 = arith.constant 1920 : i32
          %dma_wait3A_1117 = tpu.memref_slice %arg8[%dma_wait3A_1116] : memref<6656xf32, #tpu.memory_space<vmem>> -> memref<128xf32, #tpu.memory_space<vmem>>
          %dma_wait3A_1118 = arith.constant 1920 : i32
          %dma_wait3A_1119 = tpu.memref_slice %arg7[%dma_wait3A_1118] : memref<6656xi32, #tpu.memory_space<vmem>> -> memref<128xi32, #tpu.memory_space<vmem>>
          %dma_wait3A_1120 = arith.constant 0 : i32
          %dma_wait3A_1121 = tpu.memref_slice %arg3[%dma_wait3A_1120] : memref<4472832xf32, #tpu.memory_space<hbm>> -> memref<4472832xf32, #tpu.memory_space<hbm>>
          tpu.wait_indirect_dma semaphore(%arg10 : memref<!tpu.dma_semaphore, #tpu.memory_space<semaphore_mem>>) src(%dma_wait3A_1121 : memref<4472832xf32, #tpu.memory_space<hbm>>) dst(%dma_wait3A_1117 : memref<128xf32, #tpu.memory_space<vmem>>)
          %dma_wait3A_1122 = arith.constant 2048 : i32
          %dma_wait3A_1123 = tpu.memref_slice %arg8[%dma_wait3A_1122] : memref<6656xf32, #tpu.memory_space<vmem>> -> memref<128xf32, #tpu.memory_space<vmem>>
          %dma_wait3A_1124 = arith.constant 2048 : i32
          %dma_wait3A_1125 = tpu.memref_slice %arg7[%dma_wait3A_1124] : memref<6656xi32, #tpu.memory_space<vmem>> -> memref<128xi32, #tpu.memory_space<vmem>>
          %dma_wait3A_1126 = arith.constant 0 : i32
          %dma_wait3A_1127 = tpu.memref_slice %arg3[%dma_wait3A_1126] : memref<4472832xf32, #tpu.memory_space<hbm>> -> memref<4472832xf32, #tpu.memory_space<hbm>>
          tpu.wait_indirect_dma semaphore(%arg10 : memref<!tpu.dma_semaphore, #tpu.memory_space<semaphore_mem>>) src(%dma_wait3A_1127 : memref<4472832xf32, #tpu.memory_space<hbm>>) dst(%dma_wait3A_1123 : memref<128xf32, #tpu.memory_space<vmem>>)
          %dma_wait3A_1128 = arith.constant 2176 : i32
          %dma_wait3A_1129 = tpu.memref_slice %arg8[%dma_wait3A_1128] : memref<6656xf32, #tpu.memory_space<vmem>> -> memref<128xf32, #tpu.memory_space<vmem>>
          %dma_wait3A_1130 = arith.constant 2176 : i32
          %dma_wait3A_1131 = tpu.memref_slice %arg7[%dma_wait3A_1130] : memref<6656xi32, #tpu.memory_space<vmem>> -> memref<128xi32, #tpu.memory_space<vmem>>
          %dma_wait3A_1132 = arith.constant 0 : i32
          %dma_wait3A_1133 = tpu.memref_slice %arg3[%dma_wait3A_1132] : memref<4472832xf32, #tpu.memory_space<hbm>> -> memref<4472832xf32, #tpu.memory_space<hbm>>
          tpu.wait_indirect_dma semaphore(%arg10 : memref<!tpu.dma_semaphore, #tpu.memory_space<semaphore_mem>>) src(%dma_wait3A_1133 : memref<4472832xf32, #tpu.memory_space<hbm>>) dst(%dma_wait3A_1129 : memref<128xf32, #tpu.memory_space<vmem>>)
          %dma_wait3A_1134 = arith.constant 2304 : i32
          %dma_wait3A_1135 = tpu.memref_slice %arg8[%dma_wait3A_1134] : memref<6656xf32, #tpu.memory_space<vmem>> -> memref<128xf32, #tpu.memory_space<vmem>>
          %dma_wait3A_1136 = arith.constant 2304 : i32
          %dma_wait3A_1137 = tpu.memref_slice %arg7[%dma_wait3A_1136] : memref<6656xi32, #tpu.memory_space<vmem>> -> memref<128xi32, #tpu.memory_space<vmem>>
          %dma_wait3A_1138 = arith.constant 0 : i32
          %dma_wait3A_1139 = tpu.memref_slice %arg3[%dma_wait3A_1138] : memref<4472832xf32, #tpu.memory_space<hbm>> -> memref<4472832xf32, #tpu.memory_space<hbm>>
          tpu.wait_indirect_dma semaphore(%arg10 : memref<!tpu.dma_semaphore, #tpu.memory_space<semaphore_mem>>) src(%dma_wait3A_1139 : memref<4472832xf32, #tpu.memory_space<hbm>>) dst(%dma_wait3A_1135 : memref<128xf32, #tpu.memory_space<vmem>>)
          %dma_wait3A_1140 = arith.constant 2432 : i32
          %dma_wait3A_1141 = tpu.memref_slice %arg8[%dma_wait3A_1140] : memref<6656xf32, #tpu.memory_space<vmem>> -> memref<128xf32, #tpu.memory_space<vmem>>
          %dma_wait3A_1142 = arith.constant 2432 : i32
          %dma_wait3A_1143 = tpu.memref_slice %arg7[%dma_wait3A_1142] : memref<6656xi32, #tpu.memory_space<vmem>> -> memref<128xi32, #tpu.memory_space<vmem>>
          %dma_wait3A_1144 = arith.constant 0 : i32
          %dma_wait3A_1145 = tpu.memref_slice %arg3[%dma_wait3A_1144] : memref<4472832xf32, #tpu.memory_space<hbm>> -> memref<4472832xf32, #tpu.memory_space<hbm>>
          tpu.wait_indirect_dma semaphore(%arg10 : memref<!tpu.dma_semaphore, #tpu.memory_space<semaphore_mem>>) src(%dma_wait3A_1145 : memref<4472832xf32, #tpu.memory_space<hbm>>) dst(%dma_wait3A_1141 : memref<128xf32, #tpu.memory_space<vmem>>)
          %dma_wait3A_1146 = arith.constant 2560 : i32
          %dma_wait3A_1147 = tpu.memref_slice %arg8[%dma_wait3A_1146] : memref<6656xf32, #tpu.memory_space<vmem>> -> memref<128xf32, #tpu.memory_space<vmem>>
          %dma_wait3A_1148 = arith.constant 2560 : i32
          %dma_wait3A_1149 = tpu.memref_slice %arg7[%dma_wait3A_1148] : memref<6656xi32, #tpu.memory_space<vmem>> -> memref<128xi32, #tpu.memory_space<vmem>>
          %dma_wait3A_1150 = arith.constant 0 : i32
          %dma_wait3A_1151 = tpu.memref_slice %arg3[%dma_wait3A_1150] : memref<4472832xf32, #tpu.memory_space<hbm>> -> memref<4472832xf32, #tpu.memory_space<hbm>>
          tpu.wait_indirect_dma semaphore(%arg10 : memref<!tpu.dma_semaphore, #tpu.memory_space<semaphore_mem>>) src(%dma_wait3A_1151 : memref<4472832xf32, #tpu.memory_space<hbm>>) dst(%dma_wait3A_1147 : memref<128xf32, #tpu.memory_space<vmem>>)
          %dma_wait3A_1152 = arith.constant 2688 : i32
          %dma_wait3A_1153 = tpu.memref_slice %arg8[%dma_wait3A_1152] : memref<6656xf32, #tpu.memory_space<vmem>> -> memref<128xf32, #tpu.memory_space<vmem>>
          %dma_wait3A_1154 = arith.constant 2688 : i32
          %dma_wait3A_1155 = tpu.memref_slice %arg7[%dma_wait3A_1154] : memref<6656xi32, #tpu.memory_space<vmem>> -> memref<128xi32, #tpu.memory_space<vmem>>
          %dma_wait3A_1156 = arith.constant 0 : i32
          %dma_wait3A_1157 = tpu.memref_slice %arg3[%dma_wait3A_1156] : memref<4472832xf32, #tpu.memory_space<hbm>> -> memref<4472832xf32, #tpu.memory_space<hbm>>
          tpu.wait_indirect_dma semaphore(%arg10 : memref<!tpu.dma_semaphore, #tpu.memory_space<semaphore_mem>>) src(%dma_wait3A_1157 : memref<4472832xf32, #tpu.memory_space<hbm>>) dst(%dma_wait3A_1153 : memref<128xf32, #tpu.memory_space<vmem>>)
          %dma_wait3A_1158 = arith.constant 2816 : i32
          %dma_wait3A_1159 = tpu.memref_slice %arg8[%dma_wait3A_1158] : memref<6656xf32, #tpu.memory_space<vmem>> -> memref<128xf32, #tpu.memory_space<vmem>>
          %dma_wait3A_1160 = arith.constant 2816 : i32
          %dma_wait3A_1161 = tpu.memref_slice %arg7[%dma_wait3A_1160] : memref<6656xi32, #tpu.memory_space<vmem>> -> memref<128xi32, #tpu.memory_space<vmem>>
          %dma_wait3A_1162 = arith.constant 0 : i32
          %dma_wait3A_1163 = tpu.memref_slice %arg3[%dma_wait3A_1162] : memref<4472832xf32, #tpu.memory_space<hbm>> -> memref<4472832xf32, #tpu.memory_space<hbm>>
          tpu.wait_indirect_dma semaphore(%arg10 : memref<!tpu.dma_semaphore, #tpu.memory_space<semaphore_mem>>) src(%dma_wait3A_1163 : memref<4472832xf32, #tpu.memory_space<hbm>>) dst(%dma_wait3A_1159 : memref<128xf32, #tpu.memory_space<vmem>>)
          %dma_wait3A_1164 = arith.constant 2944 : i32
          %dma_wait3A_1165 = tpu.memref_slice %arg8[%dma_wait3A_1164] : memref<6656xf32, #tpu.memory_space<vmem>> -> memref<128xf32, #tpu.memory_space<vmem>>
          %dma_wait3A_1166 = arith.constant 2944 : i32
          %dma_wait3A_1167 = tpu.memref_slice %arg7[%dma_wait3A_1166] : memref<6656xi32, #tpu.memory_space<vmem>> -> memref<128xi32, #tpu.memory_space<vmem>>
          %dma_wait3A_1168 = arith.constant 0 : i32
          %dma_wait3A_1169 = tpu.memref_slice %arg3[%dma_wait3A_1168] : memref<4472832xf32, #tpu.memory_space<hbm>> -> memref<4472832xf32, #tpu.memory_space<hbm>>
          tpu.wait_indirect_dma semaphore(%arg10 : memref<!tpu.dma_semaphore, #tpu.memory_space<semaphore_mem>>) src(%dma_wait3A_1169 : memref<4472832xf32, #tpu.memory_space<hbm>>) dst(%dma_wait3A_1165 : memref<128xf32, #tpu.memory_space<vmem>>)
          %dma_wait3A_1170 = arith.constant 3072 : i32
          %dma_wait3A_1171 = tpu.memref_slice %arg8[%dma_wait3A_1170] : memref<6656xf32, #tpu.memory_space<vmem>> -> memref<128xf32, #tpu.memory_space<vmem>>
          %dma_wait3A_1172 = arith.constant 3072 : i32
          %dma_wait3A_1173 = tpu.memref_slice %arg7[%dma_wait3A_1172] : memref<6656xi32, #tpu.memory_space<vmem>> -> memref<128xi32, #tpu.memory_space<vmem>>
          %dma_wait3A_1174 = arith.constant 0 : i32
          %dma_wait3A_1175 = tpu.memref_slice %arg3[%dma_wait3A_1174] : memref<4472832xf32, #tpu.memory_space<hbm>> -> memref<4472832xf32, #tpu.memory_space<hbm>>
          tpu.wait_indirect_dma semaphore(%arg10 : memref<!tpu.dma_semaphore, #tpu.memory_space<semaphore_mem>>) src(%dma_wait3A_1175 : memref<4472832xf32, #tpu.memory_space<hbm>>) dst(%dma_wait3A_1171 : memref<128xf32, #tpu.memory_space<vmem>>)
          %dma_wait3A_1176 = arith.constant 3200 : i32
          %dma_wait3A_1177 = tpu.memref_slice %arg8[%dma_wait3A_1176] : memref<6656xf32, #tpu.memory_space<vmem>> -> memref<128xf32, #tpu.memory_space<vmem>>
          %dma_wait3A_1178 = arith.constant 3200 : i32
          %dma_wait3A_1179 = tpu.memref_slice %arg7[%dma_wait3A_1178] : memref<6656xi32, #tpu.memory_space<vmem>> -> memref<128xi32, #tpu.memory_space<vmem>>
          %dma_wait3A_1180 = arith.constant 0 : i32
          %dma_wait3A_1181 = tpu.memref_slice %arg3[%dma_wait3A_1180] : memref<4472832xf32, #tpu.memory_space<hbm>> -> memref<4472832xf32, #tpu.memory_space<hbm>>
          tpu.wait_indirect_dma semaphore(%arg10 : memref<!tpu.dma_semaphore, #tpu.memory_space<semaphore_mem>>) src(%dma_wait3A_1181 : memref<4472832xf32, #tpu.memory_space<hbm>>) dst(%dma_wait3A_1177 : memref<128xf32, #tpu.memory_space<vmem>>)
          %dma_start3A_1182 = arith.constant 3328 : i32
          %dma_start3A_1183 = tpu.memref_slice %arg8[%dma_start3A_1182] : memref<6656xf32, #tpu.memory_space<vmem>> -> memref<128xf32, #tpu.memory_space<vmem>>
          %dma_start3A_1184 = arith.constant 3328 : i32
          %dma_start3A_1185 = tpu.memref_slice %arg7[%dma_start3A_1184] : memref<6656xi32, #tpu.memory_space<vmem>> -> memref<128xi32, #tpu.memory_space<vmem>>
          %dma_start3A_1186 = arith.constant 0 : i32
          %dma_start3A_1187 = tpu.memref_slice %arg3[%dma_start3A_1186] : memref<4472832xf32, #tpu.memory_space<hbm>> -> memref<4472832xf32, #tpu.memory_space<hbm>>
          tpu.enqueue_indirect_dma source(%dma_start3A_1187 : memref<4472832xf32, #tpu.memory_space<hbm>>) target(%dma_start3A_1183 : memref<128xf32, #tpu.memory_space<vmem>>) offsets(%dma_start3A_1185 : memref<128xi32, #tpu.memory_space<vmem>>) semaphore(%arg10 : memref<!tpu.dma_semaphore, #tpu.memory_space<semaphore_mem>>)
          %dma_start3A_1188 = arith.constant 3456 : i32
          %dma_start3A_1189 = tpu.memref_slice %arg8[%dma_start3A_1188] : memref<6656xf32, #tpu.memory_space<vmem>> -> memref<128xf32, #tpu.memory_space<vmem>>
          %dma_start3A_1190 = arith.constant 3456 : i32
          %dma_start3A_1191 = tpu.memref_slice %arg7[%dma_start3A_1190] : memref<6656xi32, #tpu.memory_space<vmem>> -> memref<128xi32, #tpu.memory_space<vmem>>
          %dma_start3A_1192 = arith.constant 0 : i32
          %dma_start3A_1193 = tpu.memref_slice %arg3[%dma_start3A_1192] : memref<4472832xf32, #tpu.memory_space<hbm>> -> memref<4472832xf32, #tpu.memory_space<hbm>>
          tpu.enqueue_indirect_dma source(%dma_start3A_1193 : memref<4472832xf32, #tpu.memory_space<hbm>>) target(%dma_start3A_1189 : memref<128xf32, #tpu.memory_space<vmem>>) offsets(%dma_start3A_1191 : memref<128xi32, #tpu.memory_space<vmem>>) semaphore(%arg10 : memref<!tpu.dma_semaphore, #tpu.memory_space<semaphore_mem>>)
          %dma_start3A_1194 = arith.constant 3584 : i32
          %dma_start3A_1195 = tpu.memref_slice %arg8[%dma_start3A_1194] : memref<6656xf32, #tpu.memory_space<vmem>> -> memref<128xf32, #tpu.memory_space<vmem>>
          %dma_start3A_1196 = arith.constant 3584 : i32
          %dma_start3A_1197 = tpu.memref_slice %arg7[%dma_start3A_1196] : memref<6656xi32, #tpu.memory_space<vmem>> -> memref<128xi32, #tpu.memory_space<vmem>>
          %dma_start3A_1198 = arith.constant 0 : i32
          %dma_start3A_1199 = tpu.memref_slice %arg3[%dma_start3A_1198] : memref<4472832xf32, #tpu.memory_space<hbm>> -> memref<4472832xf32, #tpu.memory_space<hbm>>
          tpu.enqueue_indirect_dma source(%dma_start3A_1199 : memref<4472832xf32, #tpu.memory_space<hbm>>) target(%dma_start3A_1195 : memref<128xf32, #tpu.memory_space<vmem>>) offsets(%dma_start3A_1197 : memref<128xi32, #tpu.memory_space<vmem>>) semaphore(%arg10 : memref<!tpu.dma_semaphore, #tpu.memory_space<semaphore_mem>>)
          %dma_start3A_1200 = arith.constant 3712 : i32
          %dma_start3A_1201 = tpu.memref_slice %arg8[%dma_start3A_1200] : memref<6656xf32, #tpu.memory_space<vmem>> -> memref<128xf32, #tpu.memory_space<vmem>>
          %dma_start3A_1202 = arith.constant 3712 : i32
          %dma_start3A_1203 = tpu.memref_slice %arg7[%dma_start3A_1202] : memref<6656xi32, #tpu.memory_space<vmem>> -> memref<128xi32, #tpu.memory_space<vmem>>
          %dma_start3A_1204 = arith.constant 0 : i32
          %dma_start3A_1205 = tpu.memref_slice %arg3[%dma_start3A_1204] : memref<4472832xf32, #tpu.memory_space<hbm>> -> memref<4472832xf32, #tpu.memory_space<hbm>>
          tpu.enqueue_indirect_dma source(%dma_start3A_1205 : memref<4472832xf32, #tpu.memory_space<hbm>>) target(%dma_start3A_1201 : memref<128xf32, #tpu.memory_space<vmem>>) offsets(%dma_start3A_1203 : memref<128xi32, #tpu.memory_space<vmem>>) semaphore(%arg10 : memref<!tpu.dma_semaphore, #tpu.memory_space<semaphore_mem>>)
          %dma_start3A_1206 = arith.constant 3840 : i32
          %dma_start3A_1207 = tpu.memref_slice %arg8[%dma_start3A_1206] : memref<6656xf32, #tpu.memory_space<vmem>> -> memref<128xf32, #tpu.memory_space<vmem>>
          %dma_start3A_1208 = arith.constant 3840 : i32
          %dma_start3A_1209 = tpu.memref_slice %arg7[%dma_start3A_1208] : memref<6656xi32, #tpu.memory_space<vmem>> -> memref<128xi32, #tpu.memory_space<vmem>>
          %dma_start3A_1210 = arith.constant 0 : i32
          %dma_start3A_1211 = tpu.memref_slice %arg3[%dma_start3A_1210] : memref<4472832xf32, #tpu.memory_space<hbm>> -> memref<4472832xf32, #tpu.memory_space<hbm>>
          tpu.enqueue_indirect_dma source(%dma_start3A_1211 : memref<4472832xf32, #tpu.memory_space<hbm>>) target(%dma_start3A_1207 : memref<128xf32, #tpu.memory_space<vmem>>) offsets(%dma_start3A_1209 : memref<128xi32, #tpu.memory_space<vmem>>) semaphore(%arg10 : memref<!tpu.dma_semaphore, #tpu.memory_space<semaphore_mem>>)
          %dma_start3A_1212 = arith.constant 3968 : i32
          %dma_start3A_1213 = tpu.memref_slice %arg8[%dma_start3A_1212] : memref<6656xf32, #tpu.memory_space<vmem>> -> memref<128xf32, #tpu.memory_space<vmem>>
          %dma_start3A_1214 = arith.constant 3968 : i32
          %dma_start3A_1215 = tpu.memref_slice %arg7[%dma_start3A_1214] : memref<6656xi32, #tpu.memory_space<vmem>> -> memref<128xi32, #tpu.memory_space<vmem>>
          %dma_start3A_1216 = arith.constant 0 : i32
          %dma_start3A_1217 = tpu.memref_slice %arg3[%dma_start3A_1216] : memref<4472832xf32, #tpu.memory_space<hbm>> -> memref<4472832xf32, #tpu.memory_space<hbm>>
          tpu.enqueue_indirect_dma source(%dma_start3A_1217 : memref<4472832xf32, #tpu.memory_space<hbm>>) target(%dma_start3A_1213 : memref<128xf32, #tpu.memory_space<vmem>>) offsets(%dma_start3A_1215 : memref<128xi32, #tpu.memory_space<vmem>>) semaphore(%arg10 : memref<!tpu.dma_semaphore, #tpu.memory_space<semaphore_mem>>)
          %dma_start3A_1218 = arith.constant 4096 : i32
          %dma_start3A_1219 = tpu.memref_slice %arg8[%dma_start3A_1218] : memref<6656xf32, #tpu.memory_space<vmem>> -> memref<128xf32, #tpu.memory_space<vmem>>
          %dma_start3A_1220 = arith.constant 4096 : i32
          %dma_start3A_1221 = tpu.memref_slice %arg7[%dma_start3A_1220] : memref<6656xi32, #tpu.memory_space<vmem>> -> memref<128xi32, #tpu.memory_space<vmem>>
          %dma_start3A_1222 = arith.constant 0 : i32
          %dma_start3A_1223 = tpu.memref_slice %arg3[%dma_start3A_1222] : memref<4472832xf32, #tpu.memory_space<hbm>> -> memref<4472832xf32, #tpu.memory_space<hbm>>
          tpu.enqueue_indirect_dma source(%dma_start3A_1223 : memref<4472832xf32, #tpu.memory_space<hbm>>) target(%dma_start3A_1219 : memref<128xf32, #tpu.memory_space<vmem>>) offsets(%dma_start3A_1221 : memref<128xi32, #tpu.memory_space<vmem>>) semaphore(%arg10 : memref<!tpu.dma_semaphore, #tpu.memory_space<semaphore_mem>>)
          %dma_start3A_1224 = arith.constant 4224 : i32
          %dma_start3A_1225 = tpu.memref_slice %arg8[%dma_start3A_1224] : memref<6656xf32, #tpu.memory_space<vmem>> -> memref<128xf32, #tpu.memory_space<vmem>>
          %dma_start3A_1226 = arith.constant 4224 : i32
          %dma_start3A_1227 = tpu.memref_slice %arg7[%dma_start3A_1226] : memref<6656xi32, #tpu.memory_space<vmem>> -> memref<128xi32, #tpu.memory_space<vmem>>
          %dma_start3A_1228 = arith.constant 0 : i32
          %dma_start3A_1229 = tpu.memref_slice %arg3[%dma_start3A_1228] : memref<4472832xf32, #tpu.memory_space<hbm>> -> memref<4472832xf32, #tpu.memory_space<hbm>>
          tpu.enqueue_indirect_dma source(%dma_start3A_1229 : memref<4472832xf32, #tpu.memory_space<hbm>>) target(%dma_start3A_1225 : memref<128xf32, #tpu.memory_space<vmem>>) offsets(%dma_start3A_1227 : memref<128xi32, #tpu.memory_space<vmem>>) semaphore(%arg10 : memref<!tpu.dma_semaphore, #tpu.memory_space<semaphore_mem>>)
          %dma_start3A_1230 = arith.constant 4352 : i32
          %dma_start3A_1231 = tpu.memref_slice %arg8[%dma_start3A_1230] : memref<6656xf32, #tpu.memory_space<vmem>> -> memref<128xf32, #tpu.memory_space<vmem>>
          %dma_start3A_1232 = arith.constant 4352 : i32
          %dma_start3A_1233 = tpu.memref_slice %arg7[%dma_start3A_1232] : memref<6656xi32, #tpu.memory_space<vmem>> -> memref<128xi32, #tpu.memory_space<vmem>>
          %dma_start3A_1234 = arith.constant 0 : i32
          %dma_start3A_1235 = tpu.memref_slice %arg3[%dma_start3A_1234] : memref<4472832xf32, #tpu.memory_space<hbm>> -> memref<4472832xf32, #tpu.memory_space<hbm>>
          tpu.enqueue_indirect_dma source(%dma_start3A_1235 : memref<4472832xf32, #tpu.memory_space<hbm>>) target(%dma_start3A_1231 : memref<128xf32, #tpu.memory_space<vmem>>) offsets(%dma_start3A_1233 : memref<128xi32, #tpu.memory_space<vmem>>) semaphore(%arg10 : memref<!tpu.dma_semaphore, #tpu.memory_space<semaphore_mem>>)
          %dma_start3A_1236 = arith.constant 4480 : i32
          %dma_start3A_1237 = tpu.memref_slice %arg8[%dma_start3A_1236] : memref<6656xf32, #tpu.memory_space<vmem>> -> memref<128xf32, #tpu.memory_space<vmem>>
          %dma_start3A_1238 = arith.constant 4480 : i32
          %dma_start3A_1239 = tpu.memref_slice %arg7[%dma_start3A_1238] : memref<6656xi32, #tpu.memory_space<vmem>> -> memref<128xi32, #tpu.memory_space<vmem>>
          %dma_start3A_1240 = arith.constant 0 : i32
          %dma_start3A_1241 = tpu.memref_slice %arg3[%dma_start3A_1240] : memref<4472832xf32, #tpu.memory_space<hbm>> -> memref<4472832xf32, #tpu.memory_space<hbm>>
          tpu.enqueue_indirect_dma source(%dma_start3A_1241 : memref<4472832xf32, #tpu.memory_space<hbm>>) target(%dma_start3A_1237 : memref<128xf32, #tpu.memory_space<vmem>>) offsets(%dma_start3A_1239 : memref<128xi32, #tpu.memory_space<vmem>>) semaphore(%arg10 : memref<!tpu.dma_semaphore, #tpu.memory_space<semaphore_mem>>)
          %dma_start3A_1242 = arith.constant 4608 : i32
          %dma_start3A_1243 = tpu.memref_slice %arg8[%dma_start3A_1242] : memref<6656xf32, #tpu.memory_space<vmem>> -> memref<128xf32, #tpu.memory_space<vmem>>
          %dma_start3A_1244 = arith.constant 4608 : i32
          %dma_start3A_1245 = tpu.memref_slice %arg7[%dma_start3A_1244] : memref<6656xi32, #tpu.memory_space<vmem>> -> memref<128xi32, #tpu.memory_space<vmem>>
          %dma_start3A_1246 = arith.constant 0 : i32
          %dma_start3A_1247 = tpu.memref_slice %arg3[%dma_start3A_1246] : memref<4472832xf32, #tpu.memory_space<hbm>> -> memref<4472832xf32, #tpu.memory_space<hbm>>
          tpu.enqueue_indirect_dma source(%dma_start3A_1247 : memref<4472832xf32, #tpu.memory_space<hbm>>) target(%dma_start3A_1243 : memref<128xf32, #tpu.memory_space<vmem>>) offsets(%dma_start3A_1245 : memref<128xi32, #tpu.memory_space<vmem>>) semaphore(%arg10 : memref<!tpu.dma_semaphore, #tpu.memory_space<semaphore_mem>>)
          %dma_start3A_1248 = arith.constant 4736 : i32
          %dma_start3A_1249 = tpu.memref_slice %arg8[%dma_start3A_1248] : memref<6656xf32, #tpu.memory_space<vmem>> -> memref<128xf32, #tpu.memory_space<vmem>>
          %dma_start3A_1250 = arith.constant 4736 : i32
          %dma_start3A_1251 = tpu.memref_slice %arg7[%dma_start3A_1250] : memref<6656xi32, #tpu.memory_space<vmem>> -> memref<128xi32, #tpu.memory_space<vmem>>
          %dma_start3A_1252 = arith.constant 0 : i32
          %dma_start3A_1253 = tpu.memref_slice %arg3[%dma_start3A_1252] : memref<4472832xf32, #tpu.memory_space<hbm>> -> memref<4472832xf32, #tpu.memory_space<hbm>>
          tpu.enqueue_indirect_dma source(%dma_start3A_1253 : memref<4472832xf32, #tpu.memory_space<hbm>>) target(%dma_start3A_1249 : memref<128xf32, #tpu.memory_space<vmem>>) offsets(%dma_start3A_1251 : memref<128xi32, #tpu.memory_space<vmem>>) semaphore(%arg10 : memref<!tpu.dma_semaphore, #tpu.memory_space<semaphore_mem>>)
          %dma_start3A_1254 = arith.constant 4864 : i32
          %dma_start3A_1255 = tpu.memref_slice %arg8[%dma_start3A_1254] : memref<6656xf32, #tpu.memory_space<vmem>> -> memref<128xf32, #tpu.memory_space<vmem>>
          %dma_start3A_1256 = arith.constant 4864 : i32
          %dma_start3A_1257 = tpu.memref_slice %arg7[%dma_start3A_1256] : memref<6656xi32, #tpu.memory_space<vmem>> -> memref<128xi32, #tpu.memory_space<vmem>>
          %dma_start3A_1258 = arith.constant 0 : i32
          %dma_start3A_1259 = tpu.memref_slice %arg3[%dma_start3A_1258] : memref<4472832xf32, #tpu.memory_space<hbm>> -> memref<4472832xf32, #tpu.memory_space<hbm>>
          tpu.enqueue_indirect_dma source(%dma_start3A_1259 : memref<4472832xf32, #tpu.memory_space<hbm>>) target(%dma_start3A_1255 : memref<128xf32, #tpu.memory_space<vmem>>) offsets(%dma_start3A_1257 : memref<128xi32, #tpu.memory_space<vmem>>) semaphore(%arg10 : memref<!tpu.dma_semaphore, #tpu.memory_space<semaphore_mem>>)
          %dma_wait3A_1260 = arith.constant 3328 : i32
          %dma_wait3A_1261 = tpu.memref_slice %arg8[%dma_wait3A_1260] : memref<6656xf32, #tpu.memory_space<vmem>> -> memref<128xf32, #tpu.memory_space<vmem>>
          %dma_wait3A_1262 = arith.constant 3328 : i32
          %dma_wait3A_1263 = tpu.memref_slice %arg7[%dma_wait3A_1262] : memref<6656xi32, #tpu.memory_space<vmem>> -> memref<128xi32, #tpu.memory_space<vmem>>
          %dma_wait3A_1264 = arith.constant 0 : i32
          %dma_wait3A_1265 = tpu.memref_slice %arg3[%dma_wait3A_1264] : memref<4472832xf32, #tpu.memory_space<hbm>> -> memref<4472832xf32, #tpu.memory_space<hbm>>
          tpu.wait_indirect_dma semaphore(%arg10 : memref<!tpu.dma_semaphore, #tpu.memory_space<semaphore_mem>>) src(%dma_wait3A_1265 : memref<4472832xf32, #tpu.memory_space<hbm>>) dst(%dma_wait3A_1261 : memref<128xf32, #tpu.memory_space<vmem>>)
          %dma_wait3A_1266 = arith.constant 3456 : i32
          %dma_wait3A_1267 = tpu.memref_slice %arg8[%dma_wait3A_1266] : memref<6656xf32, #tpu.memory_space<vmem>> -> memref<128xf32, #tpu.memory_space<vmem>>
          %dma_wait3A_1268 = arith.constant 3456 : i32
          %dma_wait3A_1269 = tpu.memref_slice %arg7[%dma_wait3A_1268] : memref<6656xi32, #tpu.memory_space<vmem>> -> memref<128xi32, #tpu.memory_space<vmem>>
          %dma_wait3A_1270 = arith.constant 0 : i32
          %dma_wait3A_1271 = tpu.memref_slice %arg3[%dma_wait3A_1270] : memref<4472832xf32, #tpu.memory_space<hbm>> -> memref<4472832xf32, #tpu.memory_space<hbm>>
          tpu.wait_indirect_dma semaphore(%arg10 : memref<!tpu.dma_semaphore, #tpu.memory_space<semaphore_mem>>) src(%dma_wait3A_1271 : memref<4472832xf32, #tpu.memory_space<hbm>>) dst(%dma_wait3A_1267 : memref<128xf32, #tpu.memory_space<vmem>>)
          %dma_wait3A_1272 = arith.constant 3584 : i32
          %dma_wait3A_1273 = tpu.memref_slice %arg8[%dma_wait3A_1272] : memref<6656xf32, #tpu.memory_space<vmem>> -> memref<128xf32, #tpu.memory_space<vmem>>
          %dma_wait3A_1274 = arith.constant 3584 : i32
          %dma_wait3A_1275 = tpu.memref_slice %arg7[%dma_wait3A_1274] : memref<6656xi32, #tpu.memory_space<vmem>> -> memref<128xi32, #tpu.memory_space<vmem>>
          %dma_wait3A_1276 = arith.constant 0 : i32
          %dma_wait3A_1277 = tpu.memref_slice %arg3[%dma_wait3A_1276] : memref<4472832xf32, #tpu.memory_space<hbm>> -> memref<4472832xf32, #tpu.memory_space<hbm>>
          tpu.wait_indirect_dma semaphore(%arg10 : memref<!tpu.dma_semaphore, #tpu.memory_space<semaphore_mem>>) src(%dma_wait3A_1277 : memref<4472832xf32, #tpu.memory_space<hbm>>) dst(%dma_wait3A_1273 : memref<128xf32, #tpu.memory_space<vmem>>)
          %dma_wait3A_1278 = arith.constant 3712 : i32
          %dma_wait3A_1279 = tpu.memref_slice %arg8[%dma_wait3A_1278] : memref<6656xf32, #tpu.memory_space<vmem>> -> memref<128xf32, #tpu.memory_space<vmem>>
          %dma_wait3A_1280 = arith.constant 3712 : i32
          %dma_wait3A_1281 = tpu.memref_slice %arg7[%dma_wait3A_1280] : memref<6656xi32, #tpu.memory_space<vmem>> -> memref<128xi32, #tpu.memory_space<vmem>>
          %dma_wait3A_1282 = arith.constant 0 : i32
          %dma_wait3A_1283 = tpu.memref_slice %arg3[%dma_wait3A_1282] : memref<4472832xf32, #tpu.memory_space<hbm>> -> memref<4472832xf32, #tpu.memory_space<hbm>>
          tpu.wait_indirect_dma semaphore(%arg10 : memref<!tpu.dma_semaphore, #tpu.memory_space<semaphore_mem>>) src(%dma_wait3A_1283 : memref<4472832xf32, #tpu.memory_space<hbm>>) dst(%dma_wait3A_1279 : memref<128xf32, #tpu.memory_space<vmem>>)
          %dma_wait3A_1284 = arith.constant 3840 : i32
          %dma_wait3A_1285 = tpu.memref_slice %arg8[%dma_wait3A_1284] : memref<6656xf32, #tpu.memory_space<vmem>> -> memref<128xf32, #tpu.memory_space<vmem>>
          %dma_wait3A_1286 = arith.constant 3840 : i32
          %dma_wait3A_1287 = tpu.memref_slice %arg7[%dma_wait3A_1286] : memref<6656xi32, #tpu.memory_space<vmem>> -> memref<128xi32, #tpu.memory_space<vmem>>
          %dma_wait3A_1288 = arith.constant 0 : i32
          %dma_wait3A_1289 = tpu.memref_slice %arg3[%dma_wait3A_1288] : memref<4472832xf32, #tpu.memory_space<hbm>> -> memref<4472832xf32, #tpu.memory_space<hbm>>
          tpu.wait_indirect_dma semaphore(%arg10 : memref<!tpu.dma_semaphore, #tpu.memory_space<semaphore_mem>>) src(%dma_wait3A_1289 : memref<4472832xf32, #tpu.memory_space<hbm>>) dst(%dma_wait3A_1285 : memref<128xf32, #tpu.memory_space<vmem>>)
          %dma_wait3A_1290 = arith.constant 3968 : i32
          %dma_wait3A_1291 = tpu.memref_slice %arg8[%dma_wait3A_1290] : memref<6656xf32, #tpu.memory_space<vmem>> -> memref<128xf32, #tpu.memory_space<vmem>>
          %dma_wait3A_1292 = arith.constant 3968 : i32
          %dma_wait3A_1293 = tpu.memref_slice %arg7[%dma_wait3A_1292] : memref<6656xi32, #tpu.memory_space<vmem>> -> memref<128xi32, #tpu.memory_space<vmem>>
          %dma_wait3A_1294 = arith.constant 0 : i32
          %dma_wait3A_1295 = tpu.memref_slice %arg3[%dma_wait3A_1294] : memref<4472832xf32, #tpu.memory_space<hbm>> -> memref<4472832xf32, #tpu.memory_space<hbm>>
          tpu.wait_indirect_dma semaphore(%arg10 : memref<!tpu.dma_semaphore, #tpu.memory_space<semaphore_mem>>) src(%dma_wait3A_1295 : memref<4472832xf32, #tpu.memory_space<hbm>>) dst(%dma_wait3A_1291 : memref<128xf32, #tpu.memory_space<vmem>>)
          %dma_wait3A_1296 = arith.constant 4096 : i32
          %dma_wait3A_1297 = tpu.memref_slice %arg8[%dma_wait3A_1296] : memref<6656xf32, #tpu.memory_space<vmem>> -> memref<128xf32, #tpu.memory_space<vmem>>
          %dma_wait3A_1298 = arith.constant 4096 : i32
          %dma_wait3A_1299 = tpu.memref_slice %arg7[%dma_wait3A_1298] : memref<6656xi32, #tpu.memory_space<vmem>> -> memref<128xi32, #tpu.memory_space<vmem>>
          %dma_wait3A_1300 = arith.constant 0 : i32
          %dma_wait3A_1301 = tpu.memref_slice %arg3[%dma_wait3A_1300] : memref<4472832xf32, #tpu.memory_space<hbm>> -> memref<4472832xf32, #tpu.memory_space<hbm>>
          tpu.wait_indirect_dma semaphore(%arg10 : memref<!tpu.dma_semaphore, #tpu.memory_space<semaphore_mem>>) src(%dma_wait3A_1301 : memref<4472832xf32, #tpu.memory_space<hbm>>) dst(%dma_wait3A_1297 : memref<128xf32, #tpu.memory_space<vmem>>)
          %dma_wait3A_1302 = arith.constant 4224 : i32
          %dma_wait3A_1303 = tpu.memref_slice %arg8[%dma_wait3A_1302] : memref<6656xf32, #tpu.memory_space<vmem>> -> memref<128xf32, #tpu.memory_space<vmem>>
          %dma_wait3A_1304 = arith.constant 4224 : i32
          %dma_wait3A_1305 = tpu.memref_slice %arg7[%dma_wait3A_1304] : memref<6656xi32, #tpu.memory_space<vmem>> -> memref<128xi32, #tpu.memory_space<vmem>>
          %dma_wait3A_1306 = arith.constant 0 : i32
          %dma_wait3A_1307 = tpu.memref_slice %arg3[%dma_wait3A_1306] : memref<4472832xf32, #tpu.memory_space<hbm>> -> memref<4472832xf32, #tpu.memory_space<hbm>>
          tpu.wait_indirect_dma semaphore(%arg10 : memref<!tpu.dma_semaphore, #tpu.memory_space<semaphore_mem>>) src(%dma_wait3A_1307 : memref<4472832xf32, #tpu.memory_space<hbm>>) dst(%dma_wait3A_1303 : memref<128xf32, #tpu.memory_space<vmem>>)
          %dma_wait3A_1308 = arith.constant 4352 : i32
          %dma_wait3A_1309 = tpu.memref_slice %arg8[%dma_wait3A_1308] : memref<6656xf32, #tpu.memory_space<vmem>> -> memref<128xf32, #tpu.memory_space<vmem>>
          %dma_wait3A_1310 = arith.constant 4352 : i32
          %dma_wait3A_1311 = tpu.memref_slice %arg7[%dma_wait3A_1310] : memref<6656xi32, #tpu.memory_space<vmem>> -> memref<128xi32, #tpu.memory_space<vmem>>
          %dma_wait3A_1312 = arith.constant 0 : i32
          %dma_wait3A_1313 = tpu.memref_slice %arg3[%dma_wait3A_1312] : memref<4472832xf32, #tpu.memory_space<hbm>> -> memref<4472832xf32, #tpu.memory_space<hbm>>
          tpu.wait_indirect_dma semaphore(%arg10 : memref<!tpu.dma_semaphore, #tpu.memory_space<semaphore_mem>>) src(%dma_wait3A_1313 : memref<4472832xf32, #tpu.memory_space<hbm>>) dst(%dma_wait3A_1309 : memref<128xf32, #tpu.memory_space<vmem>>)
          %dma_wait3A_1314 = arith.constant 4480 : i32
          %dma_wait3A_1315 = tpu.memref_slice %arg8[%dma_wait3A_1314] : memref<6656xf32, #tpu.memory_space<vmem>> -> memref<128xf32, #tpu.memory_space<vmem>>
          %dma_wait3A_1316 = arith.constant 4480 : i32
          %dma_wait3A_1317 = tpu.memref_slice %arg7[%dma_wait3A_1316] : memref<6656xi32, #tpu.memory_space<vmem>> -> memref<128xi32, #tpu.memory_space<vmem>>
          %dma_wait3A_1318 = arith.constant 0 : i32
          %dma_wait3A_1319 = tpu.memref_slice %arg3[%dma_wait3A_1318] : memref<4472832xf32, #tpu.memory_space<hbm>> -> memref<4472832xf32, #tpu.memory_space<hbm>>
          tpu.wait_indirect_dma semaphore(%arg10 : memref<!tpu.dma_semaphore, #tpu.memory_space<semaphore_mem>>) src(%dma_wait3A_1319 : memref<4472832xf32, #tpu.memory_space<hbm>>) dst(%dma_wait3A_1315 : memref<128xf32, #tpu.memory_space<vmem>>)
          %dma_wait3A_1320 = arith.constant 4608 : i32
          %dma_wait3A_1321 = tpu.memref_slice %arg8[%dma_wait3A_1320] : memref<6656xf32, #tpu.memory_space<vmem>> -> memref<128xf32, #tpu.memory_space<vmem>>
          %dma_wait3A_1322 = arith.constant 4608 : i32
          %dma_wait3A_1323 = tpu.memref_slice %arg7[%dma_wait3A_1322] : memref<6656xi32, #tpu.memory_space<vmem>> -> memref<128xi32, #tpu.memory_space<vmem>>
          %dma_wait3A_1324 = arith.constant 0 : i32
          %dma_wait3A_1325 = tpu.memref_slice %arg3[%dma_wait3A_1324] : memref<4472832xf32, #tpu.memory_space<hbm>> -> memref<4472832xf32, #tpu.memory_space<hbm>>
          tpu.wait_indirect_dma semaphore(%arg10 : memref<!tpu.dma_semaphore, #tpu.memory_space<semaphore_mem>>) src(%dma_wait3A_1325 : memref<4472832xf32, #tpu.memory_space<hbm>>) dst(%dma_wait3A_1321 : memref<128xf32, #tpu.memory_space<vmem>>)
          %dma_wait3A_1326 = arith.constant 4736 : i32
          %dma_wait3A_1327 = tpu.memref_slice %arg8[%dma_wait3A_1326] : memref<6656xf32, #tpu.memory_space<vmem>> -> memref<128xf32, #tpu.memory_space<vmem>>
          %dma_wait3A_1328 = arith.constant 4736 : i32
          %dma_wait3A_1329 = tpu.memref_slice %arg7[%dma_wait3A_1328] : memref<6656xi32, #tpu.memory_space<vmem>> -> memref<128xi32, #tpu.memory_space<vmem>>
          %dma_wait3A_1330 = arith.constant 0 : i32
          %dma_wait3A_1331 = tpu.memref_slice %arg3[%dma_wait3A_1330] : memref<4472832xf32, #tpu.memory_space<hbm>> -> memref<4472832xf32, #tpu.memory_space<hbm>>
          tpu.wait_indirect_dma semaphore(%arg10 : memref<!tpu.dma_semaphore, #tpu.memory_space<semaphore_mem>>) src(%dma_wait3A_1331 : memref<4472832xf32, #tpu.memory_space<hbm>>) dst(%dma_wait3A_1327 : memref<128xf32, #tpu.memory_space<vmem>>)
          %dma_wait3A_1332 = arith.constant 4864 : i32
          %dma_wait3A_1333 = tpu.memref_slice %arg8[%dma_wait3A_1332] : memref<6656xf32, #tpu.memory_space<vmem>> -> memref<128xf32, #tpu.memory_space<vmem>>
          %dma_wait3A_1334 = arith.constant 4864 : i32
          %dma_wait3A_1335 = tpu.memref_slice %arg7[%dma_wait3A_1334] : memref<6656xi32, #tpu.memory_space<vmem>> -> memref<128xi32, #tpu.memory_space<vmem>>
          %dma_wait3A_1336 = arith.constant 0 : i32
          %dma_wait3A_1337 = tpu.memref_slice %arg3[%dma_wait3A_1336] : memref<4472832xf32, #tpu.memory_space<hbm>> -> memref<4472832xf32, #tpu.memory_space<hbm>>
          tpu.wait_indirect_dma semaphore(%arg10 : memref<!tpu.dma_semaphore, #tpu.memory_space<semaphore_mem>>) src(%dma_wait3A_1337 : memref<4472832xf32, #tpu.memory_space<hbm>>) dst(%dma_wait3A_1333 : memref<128xf32, #tpu.memory_space<vmem>>)
          %dma_start3A_1338 = arith.constant 4992 : i32
          %dma_start3A_1339 = tpu.memref_slice %arg8[%dma_start3A_1338] : memref<6656xf32, #tpu.memory_space<vmem>> -> memref<128xf32, #tpu.memory_space<vmem>>
          %dma_start3A_1340 = arith.constant 4992 : i32
          %dma_start3A_1341 = tpu.memref_slice %arg7[%dma_start3A_1340] : memref<6656xi32, #tpu.memory_space<vmem>> -> memref<128xi32, #tpu.memory_space<vmem>>
          %dma_start3A_1342 = arith.constant 0 : i32
          %dma_start3A_1343 = tpu.memref_slice %arg3[%dma_start3A_1342] : memref<4472832xf32, #tpu.memory_space<hbm>> -> memref<4472832xf32, #tpu.memory_space<hbm>>
          tpu.enqueue_indirect_dma source(%dma_start3A_1343 : memref<4472832xf32, #tpu.memory_space<hbm>>) target(%dma_start3A_1339 : memref<128xf32, #tpu.memory_space<vmem>>) offsets(%dma_start3A_1341 : memref<128xi32, #tpu.memory_space<vmem>>) semaphore(%arg10 : memref<!tpu.dma_semaphore, #tpu.memory_space<semaphore_mem>>)
          %dma_start3A_1344 = arith.constant 5120 : i32
          %dma_start3A_1345 = tpu.memref_slice %arg8[%dma_start3A_1344] : memref<6656xf32, #tpu.memory_space<vmem>> -> memref<128xf32, #tpu.memory_space<vmem>>
          %dma_start3A_1346 = arith.constant 5120 : i32
          %dma_start3A_1347 = tpu.memref_slice %arg7[%dma_start3A_1346] : memref<6656xi32, #tpu.memory_space<vmem>> -> memref<128xi32, #tpu.memory_space<vmem>>
          %dma_start3A_1348 = arith.constant 0 : i32
          %dma_start3A_1349 = tpu.memref_slice %arg3[%dma_start3A_1348] : memref<4472832xf32, #tpu.memory_space<hbm>> -> memref<4472832xf32, #tpu.memory_space<hbm>>
          tpu.enqueue_indirect_dma source(%dma_start3A_1349 : memref<4472832xf32, #tpu.memory_space<hbm>>) target(%dma_start3A_1345 : memref<128xf32, #tpu.memory_space<vmem>>) offsets(%dma_start3A_1347 : memref<128xi32, #tpu.memory_space<vmem>>) semaphore(%arg10 : memref<!tpu.dma_semaphore, #tpu.memory_space<semaphore_mem>>)
          %dma_start3A_1350 = arith.constant 5248 : i32
          %dma_start3A_1351 = tpu.memref_slice %arg8[%dma_start3A_1350] : memref<6656xf32, #tpu.memory_space<vmem>> -> memref<128xf32, #tpu.memory_space<vmem>>
          %dma_start3A_1352 = arith.constant 5248 : i32
          %dma_start3A_1353 = tpu.memref_slice %arg7[%dma_start3A_1352] : memref<6656xi32, #tpu.memory_space<vmem>> -> memref<128xi32, #tpu.memory_space<vmem>>
          %dma_start3A_1354 = arith.constant 0 : i32
          %dma_start3A_1355 = tpu.memref_slice %arg3[%dma_start3A_1354] : memref<4472832xf32, #tpu.memory_space<hbm>> -> memref<4472832xf32, #tpu.memory_space<hbm>>
          tpu.enqueue_indirect_dma source(%dma_start3A_1355 : memref<4472832xf32, #tpu.memory_space<hbm>>) target(%dma_start3A_1351 : memref<128xf32, #tpu.memory_space<vmem>>) offsets(%dma_start3A_1353 : memref<128xi32, #tpu.memory_space<vmem>>) semaphore(%arg10 : memref<!tpu.dma_semaphore, #tpu.memory_space<semaphore_mem>>)
          %dma_start3A_1356 = arith.constant 5376 : i32
          %dma_start3A_1357 = tpu.memref_slice %arg8[%dma_start3A_1356] : memref<6656xf32, #tpu.memory_space<vmem>> -> memref<128xf32, #tpu.memory_space<vmem>>
          %dma_start3A_1358 = arith.constant 5376 : i32
          %dma_start3A_1359 = tpu.memref_slice %arg7[%dma_start3A_1358] : memref<6656xi32, #tpu.memory_space<vmem>> -> memref<128xi32, #tpu.memory_space<vmem>>
          %dma_start3A_1360 = arith.constant 0 : i32
          %dma_start3A_1361 = tpu.memref_slice %arg3[%dma_start3A_1360] : memref<4472832xf32, #tpu.memory_space<hbm>> -> memref<4472832xf32, #tpu.memory_space<hbm>>
          tpu.enqueue_indirect_dma source(%dma_start3A_1361 : memref<4472832xf32, #tpu.memory_space<hbm>>) target(%dma_start3A_1357 : memref<128xf32, #tpu.memory_space<vmem>>) offsets(%dma_start3A_1359 : memref<128xi32, #tpu.memory_space<vmem>>) semaphore(%arg10 : memref<!tpu.dma_semaphore, #tpu.memory_space<semaphore_mem>>)
          %dma_start3A_1362 = arith.constant 5504 : i32
          %dma_start3A_1363 = tpu.memref_slice %arg8[%dma_start3A_1362] : memref<6656xf32, #tpu.memory_space<vmem>> -> memref<128xf32, #tpu.memory_space<vmem>>
          %dma_start3A_1364 = arith.constant 5504 : i32
          %dma_start3A_1365 = tpu.memref_slice %arg7[%dma_start3A_1364] : memref<6656xi32, #tpu.memory_space<vmem>> -> memref<128xi32, #tpu.memory_space<vmem>>
          %dma_start3A_1366 = arith.constant 0 : i32
          %dma_start3A_1367 = tpu.memref_slice %arg3[%dma_start3A_1366] : memref<4472832xf32, #tpu.memory_space<hbm>> -> memref<4472832xf32, #tpu.memory_space<hbm>>
          tpu.enqueue_indirect_dma source(%dma_start3A_1367 : memref<4472832xf32, #tpu.memory_space<hbm>>) target(%dma_start3A_1363 : memref<128xf32, #tpu.memory_space<vmem>>) offsets(%dma_start3A_1365 : memref<128xi32, #tpu.memory_space<vmem>>) semaphore(%arg10 : memref<!tpu.dma_semaphore, #tpu.memory_space<semaphore_mem>>)
          %dma_start3A_1368 = arith.constant 5632 : i32
          %dma_start3A_1369 = tpu.memref_slice %arg8[%dma_start3A_1368] : memref<6656xf32, #tpu.memory_space<vmem>> -> memref<128xf32, #tpu.memory_space<vmem>>
          %dma_start3A_1370 = arith.constant 5632 : i32
          %dma_start3A_1371 = tpu.memref_slice %arg7[%dma_start3A_1370] : memref<6656xi32, #tpu.memory_space<vmem>> -> memref<128xi32, #tpu.memory_space<vmem>>
          %dma_start3A_1372 = arith.constant 0 : i32
          %dma_start3A_1373 = tpu.memref_slice %arg3[%dma_start3A_1372] : memref<4472832xf32, #tpu.memory_space<hbm>> -> memref<4472832xf32, #tpu.memory_space<hbm>>
          tpu.enqueue_indirect_dma source(%dma_start3A_1373 : memref<4472832xf32, #tpu.memory_space<hbm>>) target(%dma_start3A_1369 : memref<128xf32, #tpu.memory_space<vmem>>) offsets(%dma_start3A_1371 : memref<128xi32, #tpu.memory_space<vmem>>) semaphore(%arg10 : memref<!tpu.dma_semaphore, #tpu.memory_space<semaphore_mem>>)
          %dma_start3A_1374 = arith.constant 5760 : i32
          %dma_start3A_1375 = tpu.memref_slice %arg8[%dma_start3A_1374] : memref<6656xf32, #tpu.memory_space<vmem>> -> memref<128xf32, #tpu.memory_space<vmem>>
          %dma_start3A_1376 = arith.constant 5760 : i32
          %dma_start3A_1377 = tpu.memref_slice %arg7[%dma_start3A_1376] : memref<6656xi32, #tpu.memory_space<vmem>> -> memref<128xi32, #tpu.memory_space<vmem>>
          %dma_start3A_1378 = arith.constant 0 : i32
          %dma_start3A_1379 = tpu.memref_slice %arg3[%dma_start3A_1378] : memref<4472832xf32, #tpu.memory_space<hbm>> -> memref<4472832xf32, #tpu.memory_space<hbm>>
          tpu.enqueue_indirect_dma source(%dma_start3A_1379 : memref<4472832xf32, #tpu.memory_space<hbm>>) target(%dma_start3A_1375 : memref<128xf32, #tpu.memory_space<vmem>>) offsets(%dma_start3A_1377 : memref<128xi32, #tpu.memory_space<vmem>>) semaphore(%arg10 : memref<!tpu.dma_semaphore, #tpu.memory_space<semaphore_mem>>)
          %dma_start3A_1380 = arith.constant 5888 : i32
          %dma_start3A_1381 = tpu.memref_slice %arg8[%dma_start3A_1380] : memref<6656xf32, #tpu.memory_space<vmem>> -> memref<128xf32, #tpu.memory_space<vmem>>
          %dma_start3A_1382 = arith.constant 5888 : i32
          %dma_start3A_1383 = tpu.memref_slice %arg7[%dma_start3A_1382] : memref<6656xi32, #tpu.memory_space<vmem>> -> memref<128xi32, #tpu.memory_space<vmem>>
          %dma_start3A_1384 = arith.constant 0 : i32
          %dma_start3A_1385 = tpu.memref_slice %arg3[%dma_start3A_1384] : memref<4472832xf32, #tpu.memory_space<hbm>> -> memref<4472832xf32, #tpu.memory_space<hbm>>
          tpu.enqueue_indirect_dma source(%dma_start3A_1385 : memref<4472832xf32, #tpu.memory_space<hbm>>) target(%dma_start3A_1381 : memref<128xf32, #tpu.memory_space<vmem>>) offsets(%dma_start3A_1383 : memref<128xi32, #tpu.memory_space<vmem>>) semaphore(%arg10 : memref<!tpu.dma_semaphore, #tpu.memory_space<semaphore_mem>>)
          %dma_start3A_1386 = arith.constant 6016 : i32
          %dma_start3A_1387 = tpu.memref_slice %arg8[%dma_start3A_1386] : memref<6656xf32, #tpu.memory_space<vmem>> -> memref<128xf32, #tpu.memory_space<vmem>>
          %dma_start3A_1388 = arith.constant 6016 : i32
          %dma_start3A_1389 = tpu.memref_slice %arg7[%dma_start3A_1388] : memref<6656xi32, #tpu.memory_space<vmem>> -> memref<128xi32, #tpu.memory_space<vmem>>
          %dma_start3A_1390 = arith.constant 0 : i32
          %dma_start3A_1391 = tpu.memref_slice %arg3[%dma_start3A_1390] : memref<4472832xf32, #tpu.memory_space<hbm>> -> memref<4472832xf32, #tpu.memory_space<hbm>>
          tpu.enqueue_indirect_dma source(%dma_start3A_1391 : memref<4472832xf32, #tpu.memory_space<hbm>>) target(%dma_start3A_1387 : memref<128xf32, #tpu.memory_space<vmem>>) offsets(%dma_start3A_1389 : memref<128xi32, #tpu.memory_space<vmem>>) semaphore(%arg10 : memref<!tpu.dma_semaphore, #tpu.memory_space<semaphore_mem>>)
          %dma_start3A_1392 = arith.constant 6144 : i32
          %dma_start3A_1393 = tpu.memref_slice %arg8[%dma_start3A_1392] : memref<6656xf32, #tpu.memory_space<vmem>> -> memref<128xf32, #tpu.memory_space<vmem>>
          %dma_start3A_1394 = arith.constant 6144 : i32
          %dma_start3A_1395 = tpu.memref_slice %arg7[%dma_start3A_1394] : memref<6656xi32, #tpu.memory_space<vmem>> -> memref<128xi32, #tpu.memory_space<vmem>>
          %dma_start3A_1396 = arith.constant 0 : i32
          %dma_start3A_1397 = tpu.memref_slice %arg3[%dma_start3A_1396] : memref<4472832xf32, #tpu.memory_space<hbm>> -> memref<4472832xf32, #tpu.memory_space<hbm>>
          tpu.enqueue_indirect_dma source(%dma_start3A_1397 : memref<4472832xf32, #tpu.memory_space<hbm>>) target(%dma_start3A_1393 : memref<128xf32, #tpu.memory_space<vmem>>) offsets(%dma_start3A_1395 : memref<128xi32, #tpu.memory_space<vmem>>) semaphore(%arg10 : memref<!tpu.dma_semaphore, #tpu.memory_space<semaphore_mem>>)
          %dma_start3A_1398 = arith.constant 6272 : i32
          %dma_start3A_1399 = tpu.memref_slice %arg8[%dma_start3A_1398] : memref<6656xf32, #tpu.memory_space<vmem>> -> memref<128xf32, #tpu.memory_space<vmem>>
          %dma_start3A_1400 = arith.constant 6272 : i32
          %dma_start3A_1401 = tpu.memref_slice %arg7[%dma_start3A_1400] : memref<6656xi32, #tpu.memory_space<vmem>> -> memref<128xi32, #tpu.memory_space<vmem>>
          %dma_start3A_1402 = arith.constant 0 : i32
          %dma_start3A_1403 = tpu.memref_slice %arg3[%dma_start3A_1402] : memref<4472832xf32, #tpu.memory_space<hbm>> -> memref<4472832xf32, #tpu.memory_space<hbm>>
          tpu.enqueue_indirect_dma source(%dma_start3A_1403 : memref<4472832xf32, #tpu.memory_space<hbm>>) target(%dma_start3A_1399 : memref<128xf32, #tpu.memory_space<vmem>>) offsets(%dma_start3A_1401 : memref<128xi32, #tpu.memory_space<vmem>>) semaphore(%arg10 : memref<!tpu.dma_semaphore, #tpu.memory_space<semaphore_mem>>)
          %dma_start3A_1404 = arith.constant 6400 : i32
          %dma_start3A_1405 = tpu.memref_slice %arg8[%dma_start3A_1404] : memref<6656xf32, #tpu.memory_space<vmem>> -> memref<128xf32, #tpu.memory_space<vmem>>
          %dma_start3A_1406 = arith.constant 6400 : i32
          %dma_start3A_1407 = tpu.memref_slice %arg7[%dma_start3A_1406] : memref<6656xi32, #tpu.memory_space<vmem>> -> memref<128xi32, #tpu.memory_space<vmem>>
          %dma_start3A_1408 = arith.constant 0 : i32
          %dma_start3A_1409 = tpu.memref_slice %arg3[%dma_start3A_1408] : memref<4472832xf32, #tpu.memory_space<hbm>> -> memref<4472832xf32, #tpu.memory_space<hbm>>
          tpu.enqueue_indirect_dma source(%dma_start3A_1409 : memref<4472832xf32, #tpu.memory_space<hbm>>) target(%dma_start3A_1405 : memref<128xf32, #tpu.memory_space<vmem>>) offsets(%dma_start3A_1407 : memref<128xi32, #tpu.memory_space<vmem>>) semaphore(%arg10 : memref<!tpu.dma_semaphore, #tpu.memory_space<semaphore_mem>>)
          %dma_start3A_1410 = arith.constant 6528 : i32
          %dma_start3A_1411 = tpu.memref_slice %arg8[%dma_start3A_1410] : memref<6656xf32, #tpu.memory_space<vmem>> -> memref<128xf32, #tpu.memory_space<vmem>>
          %dma_start3A_1412 = arith.constant 6528 : i32
          %dma_start3A_1413 = tpu.memref_slice %arg7[%dma_start3A_1412] : memref<6656xi32, #tpu.memory_space<vmem>> -> memref<128xi32, #tpu.memory_space<vmem>>
          %dma_start3A_1414 = arith.constant 0 : i32
          %dma_start3A_1415 = tpu.memref_slice %arg3[%dma_start3A_1414] : memref<4472832xf32, #tpu.memory_space<hbm>> -> memref<4472832xf32, #tpu.memory_space<hbm>>
          tpu.enqueue_indirect_dma source(%dma_start3A_1415 : memref<4472832xf32, #tpu.memory_space<hbm>>) target(%dma_start3A_1411 : memref<128xf32, #tpu.memory_space<vmem>>) offsets(%dma_start3A_1413 : memref<128xi32, #tpu.memory_space<vmem>>) semaphore(%arg10 : memref<!tpu.dma_semaphore, #tpu.memory_space<semaphore_mem>>)
          %dma_wait3A_1416 = arith.constant 4992 : i32
          %dma_wait3A_1417 = tpu.memref_slice %arg8[%dma_wait3A_1416] : memref<6656xf32, #tpu.memory_space<vmem>> -> memref<128xf32, #tpu.memory_space<vmem>>
          %dma_wait3A_1418 = arith.constant 4992 : i32
          %dma_wait3A_1419 = tpu.memref_slice %arg7[%dma_wait3A_1418] : memref<6656xi32, #tpu.memory_space<vmem>> -> memref<128xi32, #tpu.memory_space<vmem>>
          %dma_wait3A_1420 = arith.constant 0 : i32
          %dma_wait3A_1421 = tpu.memref_slice %arg3[%dma_wait3A_1420] : memref<4472832xf32, #tpu.memory_space<hbm>> -> memref<4472832xf32, #tpu.memory_space<hbm>>
          tpu.wait_indirect_dma semaphore(%arg10 : memref<!tpu.dma_semaphore, #tpu.memory_space<semaphore_mem>>) src(%dma_wait3A_1421 : memref<4472832xf32, #tpu.memory_space<hbm>>) dst(%dma_wait3A_1417 : memref<128xf32, #tpu.memory_space<vmem>>)
          %dma_wait3A_1422 = arith.constant 5120 : i32
          %dma_wait3A_1423 = tpu.memref_slice %arg8[%dma_wait3A_1422] : memref<6656xf32, #tpu.memory_space<vmem>> -> memref<128xf32, #tpu.memory_space<vmem>>
          %dma_wait3A_1424 = arith.constant 5120 : i32
          %dma_wait3A_1425 = tpu.memref_slice %arg7[%dma_wait3A_1424] : memref<6656xi32, #tpu.memory_space<vmem>> -> memref<128xi32, #tpu.memory_space<vmem>>
          %dma_wait3A_1426 = arith.constant 0 : i32
          %dma_wait3A_1427 = tpu.memref_slice %arg3[%dma_wait3A_1426] : memref<4472832xf32, #tpu.memory_space<hbm>> -> memref<4472832xf32, #tpu.memory_space<hbm>>
          tpu.wait_indirect_dma semaphore(%arg10 : memref<!tpu.dma_semaphore, #tpu.memory_space<semaphore_mem>>) src(%dma_wait3A_1427 : memref<4472832xf32, #tpu.memory_space<hbm>>) dst(%dma_wait3A_1423 : memref<128xf32, #tpu.memory_space<vmem>>)
          %dma_wait3A_1428 = arith.constant 5248 : i32
          %dma_wait3A_1429 = tpu.memref_slice %arg8[%dma_wait3A_1428] : memref<6656xf32, #tpu.memory_space<vmem>> -> memref<128xf32, #tpu.memory_space<vmem>>
          %dma_wait3A_1430 = arith.constant 5248 : i32
          %dma_wait3A_1431 = tpu.memref_slice %arg7[%dma_wait3A_1430] : memref<6656xi32, #tpu.memory_space<vmem>> -> memref<128xi32, #tpu.memory_space<vmem>>
          %dma_wait3A_1432 = arith.constant 0 : i32
          %dma_wait3A_1433 = tpu.memref_slice %arg3[%dma_wait3A_1432] : memref<4472832xf32, #tpu.memory_space<hbm>> -> memref<4472832xf32, #tpu.memory_space<hbm>>
          tpu.wait_indirect_dma semaphore(%arg10 : memref<!tpu.dma_semaphore, #tpu.memory_space<semaphore_mem>>) src(%dma_wait3A_1433 : memref<4472832xf32, #tpu.memory_space<hbm>>) dst(%dma_wait3A_1429 : memref<128xf32, #tpu.memory_space<vmem>>)
          %dma_wait3A_1434 = arith.constant 5376 : i32
          %dma_wait3A_1435 = tpu.memref_slice %arg8[%dma_wait3A_1434] : memref<6656xf32, #tpu.memory_space<vmem>> -> memref<128xf32, #tpu.memory_space<vmem>>
          %dma_wait3A_1436 = arith.constant 5376 : i32
          %dma_wait3A_1437 = tpu.memref_slice %arg7[%dma_wait3A_1436] : memref<6656xi32, #tpu.memory_space<vmem>> -> memref<128xi32, #tpu.memory_space<vmem>>
          %dma_wait3A_1438 = arith.constant 0 : i32
          %dma_wait3A_1439 = tpu.memref_slice %arg3[%dma_wait3A_1438] : memref<4472832xf32, #tpu.memory_space<hbm>> -> memref<4472832xf32, #tpu.memory_space<hbm>>
          tpu.wait_indirect_dma semaphore(%arg10 : memref<!tpu.dma_semaphore, #tpu.memory_space<semaphore_mem>>) src(%dma_wait3A_1439 : memref<4472832xf32, #tpu.memory_space<hbm>>) dst(%dma_wait3A_1435 : memref<128xf32, #tpu.memory_space<vmem>>)
          %dma_wait3A_1440 = arith.constant 5504 : i32
          %dma_wait3A_1441 = tpu.memref_slice %arg8[%dma_wait3A_1440] : memref<6656xf32, #tpu.memory_space<vmem>> -> memref<128xf32, #tpu.memory_space<vmem>>
          %dma_wait3A_1442 = arith.constant 5504 : i32
          %dma_wait3A_1443 = tpu.memref_slice %arg7[%dma_wait3A_1442] : memref<6656xi32, #tpu.memory_space<vmem>> -> memref<128xi32, #tpu.memory_space<vmem>>
          %dma_wait3A_1444 = arith.constant 0 : i32
          %dma_wait3A_1445 = tpu.memref_slice %arg3[%dma_wait3A_1444] : memref<4472832xf32, #tpu.memory_space<hbm>> -> memref<4472832xf32, #tpu.memory_space<hbm>>
          tpu.wait_indirect_dma semaphore(%arg10 : memref<!tpu.dma_semaphore, #tpu.memory_space<semaphore_mem>>) src(%dma_wait3A_1445 : memref<4472832xf32, #tpu.memory_space<hbm>>) dst(%dma_wait3A_1441 : memref<128xf32, #tpu.memory_space<vmem>>)
          %dma_wait3A_1446 = arith.constant 5632 : i32
          %dma_wait3A_1447 = tpu.memref_slice %arg8[%dma_wait3A_1446] : memref<6656xf32, #tpu.memory_space<vmem>> -> memref<128xf32, #tpu.memory_space<vmem>>
          %dma_wait3A_1448 = arith.constant 5632 : i32
          %dma_wait3A_1449 = tpu.memref_slice %arg7[%dma_wait3A_1448] : memref<6656xi32, #tpu.memory_space<vmem>> -> memref<128xi32, #tpu.memory_space<vmem>>
          %dma_wait3A_1450 = arith.constant 0 : i32
          %dma_wait3A_1451 = tpu.memref_slice %arg3[%dma_wait3A_1450] : memref<4472832xf32, #tpu.memory_space<hbm>> -> memref<4472832xf32, #tpu.memory_space<hbm>>
          tpu.wait_indirect_dma semaphore(%arg10 : memref<!tpu.dma_semaphore, #tpu.memory_space<semaphore_mem>>) src(%dma_wait3A_1451 : memref<4472832xf32, #tpu.memory_space<hbm>>) dst(%dma_wait3A_1447 : memref<128xf32, #tpu.memory_space<vmem>>)
          %dma_wait3A_1452 = arith.constant 5760 : i32
          %dma_wait3A_1453 = tpu.memref_slice %arg8[%dma_wait3A_1452] : memref<6656xf32, #tpu.memory_space<vmem>> -> memref<128xf32, #tpu.memory_space<vmem>>
          %dma_wait3A_1454 = arith.constant 5760 : i32
          %dma_wait3A_1455 = tpu.memref_slice %arg7[%dma_wait3A_1454] : memref<6656xi32, #tpu.memory_space<vmem>> -> memref<128xi32, #tpu.memory_space<vmem>>
          %dma_wait3A_1456 = arith.constant 0 : i32
          %dma_wait3A_1457 = tpu.memref_slice %arg3[%dma_wait3A_1456] : memref<4472832xf32, #tpu.memory_space<hbm>> -> memref<4472832xf32, #tpu.memory_space<hbm>>
          tpu.wait_indirect_dma semaphore(%arg10 : memref<!tpu.dma_semaphore, #tpu.memory_space<semaphore_mem>>) src(%dma_wait3A_1457 : memref<4472832xf32, #tpu.memory_space<hbm>>) dst(%dma_wait3A_1453 : memref<128xf32, #tpu.memory_space<vmem>>)
          %dma_wait3A_1458 = arith.constant 5888 : i32
          %dma_wait3A_1459 = tpu.memref_slice %arg8[%dma_wait3A_1458] : memref<6656xf32, #tpu.memory_space<vmem>> -> memref<128xf32, #tpu.memory_space<vmem>>
          %dma_wait3A_1460 = arith.constant 5888 : i32
          %dma_wait3A_1461 = tpu.memref_slice %arg7[%dma_wait3A_1460] : memref<6656xi32, #tpu.memory_space<vmem>> -> memref<128xi32, #tpu.memory_space<vmem>>
          %dma_wait3A_1462 = arith.constant 0 : i32
          %dma_wait3A_1463 = tpu.memref_slice %arg3[%dma_wait3A_1462] : memref<4472832xf32, #tpu.memory_space<hbm>> -> memref<4472832xf32, #tpu.memory_space<hbm>>
          tpu.wait_indirect_dma semaphore(%arg10 : memref<!tpu.dma_semaphore, #tpu.memory_space<semaphore_mem>>) src(%dma_wait3A_1463 : memref<4472832xf32, #tpu.memory_space<hbm>>) dst(%dma_wait3A_1459 : memref<128xf32, #tpu.memory_space<vmem>>)
          %dma_wait3A_1464 = arith.constant 6016 : i32
          %dma_wait3A_1465 = tpu.memref_slice %arg8[%dma_wait3A_1464] : memref<6656xf32, #tpu.memory_space<vmem>> -> memref<128xf32, #tpu.memory_space<vmem>>
          %dma_wait3A_1466 = arith.constant 6016 : i32
          %dma_wait3A_1467 = tpu.memref_slice %arg7[%dma_wait3A_1466] : memref<6656xi32, #tpu.memory_space<vmem>> -> memref<128xi32, #tpu.memory_space<vmem>>
          %dma_wait3A_1468 = arith.constant 0 : i32
          %dma_wait3A_1469 = tpu.memref_slice %arg3[%dma_wait3A_1468] : memref<4472832xf32, #tpu.memory_space<hbm>> -> memref<4472832xf32, #tpu.memory_space<hbm>>
          tpu.wait_indirect_dma semaphore(%arg10 : memref<!tpu.dma_semaphore, #tpu.memory_space<semaphore_mem>>) src(%dma_wait3A_1469 : memref<4472832xf32, #tpu.memory_space<hbm>>) dst(%dma_wait3A_1465 : memref<128xf32, #tpu.memory_space<vmem>>)
          %dma_wait3A_1470 = arith.constant 6144 : i32
          %dma_wait3A_1471 = tpu.memref_slice %arg8[%dma_wait3A_1470] : memref<6656xf32, #tpu.memory_space<vmem>> -> memref<128xf32, #tpu.memory_space<vmem>>
          %dma_wait3A_1472 = arith.constant 6144 : i32
          %dma_wait3A_1473 = tpu.memref_slice %arg7[%dma_wait3A_1472] : memref<6656xi32, #tpu.memory_space<vmem>> -> memref<128xi32, #tpu.memory_space<vmem>>
          %dma_wait3A_1474 = arith.constant 0 : i32
          %dma_wait3A_1475 = tpu.memref_slice %arg3[%dma_wait3A_1474] : memref<4472832xf32, #tpu.memory_space<hbm>> -> memref<4472832xf32, #tpu.memory_space<hbm>>
          tpu.wait_indirect_dma semaphore(%arg10 : memref<!tpu.dma_semaphore, #tpu.memory_space<semaphore_mem>>) src(%dma_wait3A_1475 : memref<4472832xf32, #tpu.memory_space<hbm>>) dst(%dma_wait3A_1471 : memref<128xf32, #tpu.memory_space<vmem>>)
          %dma_wait3A_1476 = arith.constant 6272 : i32
          %dma_wait3A_1477 = tpu.memref_slice %arg8[%dma_wait3A_1476] : memref<6656xf32, #tpu.memory_space<vmem>> -> memref<128xf32, #tpu.memory_space<vmem>>
          %dma_wait3A_1478 = arith.constant 6272 : i32
          %dma_wait3A_1479 = tpu.memref_slice %arg7[%dma_wait3A_1478] : memref<6656xi32, #tpu.memory_space<vmem>> -> memref<128xi32, #tpu.memory_space<vmem>>
          %dma_wait3A_1480 = arith.constant 0 : i32
          %dma_wait3A_1481 = tpu.memref_slice %arg3[%dma_wait3A_1480] : memref<4472832xf32, #tpu.memory_space<hbm>> -> memref<4472832xf32, #tpu.memory_space<hbm>>
          tpu.wait_indirect_dma semaphore(%arg10 : memref<!tpu.dma_semaphore, #tpu.memory_space<semaphore_mem>>) src(%dma_wait3A_1481 : memref<4472832xf32, #tpu.memory_space<hbm>>) dst(%dma_wait3A_1477 : memref<128xf32, #tpu.memory_space<vmem>>)
          %dma_wait3A_1482 = arith.constant 6400 : i32
          %dma_wait3A_1483 = tpu.memref_slice %arg8[%dma_wait3A_1482] : memref<6656xf32, #tpu.memory_space<vmem>> -> memref<128xf32, #tpu.memory_space<vmem>>
          %dma_wait3A_1484 = arith.constant 6400 : i32
          %dma_wait3A_1485 = tpu.memref_slice %arg7[%dma_wait3A_1484] : memref<6656xi32, #tpu.memory_space<vmem>> -> memref<128xi32, #tpu.memory_space<vmem>>
          %dma_wait3A_1486 = arith.constant 0 : i32
          %dma_wait3A_1487 = tpu.memref_slice %arg3[%dma_wait3A_1486] : memref<4472832xf32, #tpu.memory_space<hbm>> -> memref<4472832xf32, #tpu.memory_space<hbm>>
          tpu.wait_indirect_dma semaphore(%arg10 : memref<!tpu.dma_semaphore, #tpu.memory_space<semaphore_mem>>) src(%dma_wait3A_1487 : memref<4472832xf32, #tpu.memory_space<hbm>>) dst(%dma_wait3A_1483 : memref<128xf32, #tpu.memory_space<vmem>>)
          %dma_wait3A_1488 = arith.constant 6528 : i32
          %dma_wait3A_1489 = tpu.memref_slice %arg8[%dma_wait3A_1488] : memref<6656xf32, #tpu.memory_space<vmem>> -> memref<128xf32, #tpu.memory_space<vmem>>
          %dma_wait3A_1490 = arith.constant 6528 : i32
          %dma_wait3A_1491 = tpu.memref_slice %arg7[%dma_wait3A_1490] : memref<6656xi32, #tpu.memory_space<vmem>> -> memref<128xi32, #tpu.memory_space<vmem>>
          %dma_wait3A_1492 = arith.constant 0 : i32
          %dma_wait3A_1493 = tpu.memref_slice %arg3[%dma_wait3A_1492] : memref<4472832xf32, #tpu.memory_space<hbm>> -> memref<4472832xf32, #tpu.memory_space<hbm>>
          tpu.wait_indirect_dma semaphore(%arg10 : memref<!tpu.dma_semaphore, #tpu.memory_space<semaphore_mem>>) src(%dma_wait3A_1493 : memref<4472832xf32, #tpu.memory_space<hbm>>) dst(%dma_wait3A_1489 : memref<128xf32, #tpu.memory_space<vmem>>)
          %add3A_1494 = arith.constant 0 : i32
          %add3A_1495 = arith.addi %add3A_1494, %mul3A_830 : i32
          "tpu.region"() ({
            %run_scoped3A = tpu.sem_alloc : memref<!tpu.dma_semaphore, #tpu.memory_space<semaphore_mem>>
            %dma_start3A_1502 = arith.constant 0 : i32
            %dma_start3A_1503 = tpu.memref_slice %arg8[%dma_start3A_1502] : memref<6656xf32, #tpu.memory_space<vmem>> -> memref<1600xf32, #tpu.memory_space<vmem>>
            %dma_start3A_1504 = tpu.memref_slice %arg4[%add3A_1495] : memref<4000000xf32, #tpu.memory_space<hbm>> -> memref<1600xf32, #tpu.memory_space<hbm>>
            %dma_start3A_1505 = tpu.memref_slice %arg4[%add3A_1495] : memref<4000000xf32, #tpu.memory_space<hbm>> -> memref<1600xf32, #tpu.memory_space<hbm>>
            %dma_start3A_1506 = arith.constant 0 : i32
            %dma_start3A_1507 = tpu.memref_slice %arg8[%dma_start3A_1506] : memref<6656xf32, #tpu.memory_space<vmem>> -> memref<1600xf32, #tpu.memory_space<vmem>>
            tpu.enqueue_dma source(%dma_start3A_1507 : memref<1600xf32, #tpu.memory_space<vmem>>) target(%dma_start3A_1505 : memref<1600xf32, #tpu.memory_space<hbm>>) target_semaphore(%run_scoped3A : memref<!tpu.dma_semaphore, #tpu.memory_space<semaphore_mem>>)
            %dma_wait3A_1508 = arith.constant 0 : i32
            %dma_wait3A_1509 = tpu.memref_slice %arg8[%dma_wait3A_1508] : memref<6656xf32, #tpu.memory_space<vmem>> -> memref<1600xf32, #tpu.memory_space<vmem>>
            %dma_wait3A_1510 = tpu.memref_slice %arg4[%add3A_1495] : memref<4000000xf32, #tpu.memory_space<hbm>> -> memref<1600xf32, #tpu.memory_space<hbm>>
            %dma_wait3A_1511 = tpu.memref_slice %arg4[%add3A_1495] : memref<4000000xf32, #tpu.memory_space<hbm>> -> memref<1600xf32, #tpu.memory_space<hbm>>
            %dma_wait3A_1512 = arith.constant 0 : i32
            %dma_wait3A_1513 = tpu.memref_slice %arg8[%dma_wait3A_1512] : memref<6656xf32, #tpu.memory_space<vmem>> -> memref<1600xf32, #tpu.memory_space<vmem>>
            tpu.wait_dma2 semaphore(%run_scoped3A : memref<!tpu.dma_semaphore, #tpu.memory_space<semaphore_mem>>) src(%dma_wait3A_1513 : memref<1600xf32, #tpu.memory_space<vmem>>) dst(%dma_wait3A_1511 : memref<1600xf32, #tpu.memory_space<hbm>>)
            tpu.yield
          }) : () -> ()
          %add3A_1496 = arith.constant 1000000 : i32
          %add3A_1497 = arith.addi %add3A_1496, %mul3A_830 : i32
          "tpu.region"() ({
            %run_scoped3A = tpu.sem_alloc : memref<!tpu.dma_semaphore, #tpu.memory_space<semaphore_mem>>
            %dma_start3A_1502 = arith.constant 1664 : i32
            %dma_start3A_1503 = tpu.memref_slice %arg8[%dma_start3A_1502] : memref<6656xf32, #tpu.memory_space<vmem>> -> memref<1600xf32, #tpu.memory_space<vmem>>
            %dma_start3A_1504 = tpu.memref_slice %arg4[%add3A_1497] : memref<4000000xf32, #tpu.memory_space<hbm>> -> memref<1600xf32, #tpu.memory_space<hbm>>
            %dma_start3A_1505 = tpu.memref_slice %arg4[%add3A_1497] : memref<4000000xf32, #tpu.memory_space<hbm>> -> memref<1600xf32, #tpu.memory_space<hbm>>
            %dma_start3A_1506 = arith.constant 1664 : i32
            %dma_start3A_1507 = tpu.memref_slice %arg8[%dma_start3A_1506] : memref<6656xf32, #tpu.memory_space<vmem>> -> memref<1600xf32, #tpu.memory_space<vmem>>
            tpu.enqueue_dma source(%dma_start3A_1507 : memref<1600xf32, #tpu.memory_space<vmem>>) target(%dma_start3A_1505 : memref<1600xf32, #tpu.memory_space<hbm>>) target_semaphore(%run_scoped3A : memref<!tpu.dma_semaphore, #tpu.memory_space<semaphore_mem>>)
            %dma_wait3A_1508 = arith.constant 1664 : i32
            %dma_wait3A_1509 = tpu.memref_slice %arg8[%dma_wait3A_1508] : memref<6656xf32, #tpu.memory_space<vmem>> -> memref<1600xf32, #tpu.memory_space<vmem>>
            %dma_wait3A_1510 = tpu.memref_slice %arg4[%add3A_1497] : memref<4000000xf32, #tpu.memory_space<hbm>> -> memref<1600xf32, #tpu.memory_space<hbm>>
            %dma_wait3A_1511 = tpu.memref_slice %arg4[%add3A_1497] : memref<4000000xf32, #tpu.memory_space<hbm>> -> memref<1600xf32, #tpu.memory_space<hbm>>
            %dma_wait3A_1512 = arith.constant 1664 : i32
            %dma_wait3A_1513 = tpu.memref_slice %arg8[%dma_wait3A_1512] : memref<6656xf32, #tpu.memory_space<vmem>> -> memref<1600xf32, #tpu.memory_space<vmem>>
            tpu.wait_dma2 semaphore(%run_scoped3A : memref<!tpu.dma_semaphore, #tpu.memory_space<semaphore_mem>>) src(%dma_wait3A_1513 : memref<1600xf32, #tpu.memory_space<vmem>>) dst(%dma_wait3A_1511 : memref<1600xf32, #tpu.memory_space<hbm>>)
            tpu.yield
          }) : () -> ()
          %add3A_1498 = arith.constant 2000000 : i32
          %add3A_1499 = arith.addi %add3A_1498, %mul3A_830 : i32
          "tpu.region"() ({
            %run_scoped3A = tpu.sem_alloc : memref<!tpu.dma_semaphore, #tpu.memory_space<semaphore_mem>>
            %dma_start3A_1502 = arith.constant 3328 : i32
            %dma_start3A_1503 = tpu.memref_slice %arg8[%dma_start3A_1502] : memref<6656xf32, #tpu.memory_space<vmem>> -> memref<1600xf32, #tpu.memory_space<vmem>>
            %dma_start3A_1504 = tpu.memref_slice %arg4[%add3A_1499] : memref<4000000xf32, #tpu.memory_space<hbm>> -> memref<1600xf32, #tpu.memory_space<hbm>>
            %dma_start3A_1505 = tpu.memref_slice %arg4[%add3A_1499] : memref<4000000xf32, #tpu.memory_space<hbm>> -> memref<1600xf32, #tpu.memory_space<hbm>>
            %dma_start3A_1506 = arith.constant 3328 : i32
            %dma_start3A_1507 = tpu.memref_slice %arg8[%dma_start3A_1506] : memref<6656xf32, #tpu.memory_space<vmem>> -> memref<1600xf32, #tpu.memory_space<vmem>>
            tpu.enqueue_dma source(%dma_start3A_1507 : memref<1600xf32, #tpu.memory_space<vmem>>) target(%dma_start3A_1505 : memref<1600xf32, #tpu.memory_space<hbm>>) target_semaphore(%run_scoped3A : memref<!tpu.dma_semaphore, #tpu.memory_space<semaphore_mem>>)
            %dma_wait3A_1508 = arith.constant 3328 : i32
            %dma_wait3A_1509 = tpu.memref_slice %arg8[%dma_wait3A_1508] : memref<6656xf32, #tpu.memory_space<vmem>> -> memref<1600xf32, #tpu.memory_space<vmem>>
            %dma_wait3A_1510 = tpu.memref_slice %arg4[%add3A_1499] : memref<4000000xf32, #tpu.memory_space<hbm>> -> memref<1600xf32, #tpu.memory_space<hbm>>
            %dma_wait3A_1511 = tpu.memref_slice %arg4[%add3A_1499] : memref<4000000xf32, #tpu.memory_space<hbm>> -> memref<1600xf32, #tpu.memory_space<hbm>>
            %dma_wait3A_1512 = arith.constant 3328 : i32
            %dma_wait3A_1513 = tpu.memref_slice %arg8[%dma_wait3A_1512] : memref<6656xf32, #tpu.memory_space<vmem>> -> memref<1600xf32, #tpu.memory_space<vmem>>
            tpu.wait_dma2 semaphore(%run_scoped3A : memref<!tpu.dma_semaphore, #tpu.memory_space<semaphore_mem>>) src(%dma_wait3A_1513 : memref<1600xf32, #tpu.memory_space<vmem>>) dst(%dma_wait3A_1511 : memref<1600xf32, #tpu.memory_space<hbm>>)
            tpu.yield
          }) : () -> ()
          %add3A_1500 = arith.constant 3000000 : i32
          %add3A_1501 = arith.addi %add3A_1500, %mul3A_830 : i32
          "tpu.region"() ({
            %run_scoped3A = tpu.sem_alloc : memref<!tpu.dma_semaphore, #tpu.memory_space<semaphore_mem>>
            %dma_start3A_1502 = arith.constant 4992 : i32
            %dma_start3A_1503 = tpu.memref_slice %arg8[%dma_start3A_1502] : memref<6656xf32, #tpu.memory_space<vmem>> -> memref<1600xf32, #tpu.memory_space<vmem>>
            %dma_start3A_1504 = tpu.memref_slice %arg4[%add3A_1501] : memref<4000000xf32, #tpu.memory_space<hbm>> -> memref<1600xf32, #tpu.memory_space<hbm>>
            %dma_start3A_1505 = tpu.memref_slice %arg4[%add3A_1501] : memref<4000000xf32, #tpu.memory_space<hbm>> -> memref<1600xf32, #tpu.memory_space<hbm>>
            %dma_start3A_1506 = arith.constant 4992 : i32
            %dma_start3A_1507 = tpu.memref_slice %arg8[%dma_start3A_1506] : memref<6656xf32, #tpu.memory_space<vmem>> -> memref<1600xf32, #tpu.memory_space<vmem>>
            tpu.enqueue_dma source(%dma_start3A_1507 : memref<1600xf32, #tpu.memory_space<vmem>>) target(%dma_start3A_1505 : memref<1600xf32, #tpu.memory_space<hbm>>) target_semaphore(%run_scoped3A : memref<!tpu.dma_semaphore, #tpu.memory_space<semaphore_mem>>)
            %dma_wait3A_1508 = arith.constant 4992 : i32
            %dma_wait3A_1509 = tpu.memref_slice %arg8[%dma_wait3A_1508] : memref<6656xf32, #tpu.memory_space<vmem>> -> memref<1600xf32, #tpu.memory_space<vmem>>
            %dma_wait3A_1510 = tpu.memref_slice %arg4[%add3A_1501] : memref<4000000xf32, #tpu.memory_space<hbm>> -> memref<1600xf32, #tpu.memory_space<hbm>>
            %dma_wait3A_1511 = tpu.memref_slice %arg4[%add3A_1501] : memref<4000000xf32, #tpu.memory_space<hbm>> -> memref<1600xf32, #tpu.memory_space<hbm>>
            %dma_wait3A_1512 = arith.constant 4992 : i32
            %dma_wait3A_1513 = tpu.memref_slice %arg8[%dma_wait3A_1512] : memref<6656xf32, #tpu.memory_space<vmem>> -> memref<1600xf32, #tpu.memory_space<vmem>>
            tpu.wait_dma2 semaphore(%run_scoped3A : memref<!tpu.dma_semaphore, #tpu.memory_space<semaphore_mem>>) src(%dma_wait3A_1513 : memref<1600xf32, #tpu.memory_space<vmem>>) dst(%dma_wait3A_1511 : memref<1600xf32, #tpu.memory_space<hbm>>)
            tpu.yield
          }) : () -> ()
        } else {
        }
      } else {
      }
    }
    %scan3A_822 = arith.constant 20 : i32
    return
  }
}

module attributes {stable_mosaic.version = 14 : i64} {
  func.func @_table_body(%arg0: memref<721x1440xf32, #tpu.memory_space<vmem>>, %arg1: memref<361x720xf32, #tpu.memory_space<vmem>>, %arg2: memref<181x360xf32, #tpu.memory_space<vmem>>, %arg3: memref<91x180xf32, #tpu.memory_space<vmem>>, %arg4: memref<728x361xf32, #tpu.memory_space<vmem>>, %arg5: memref<720x1536xf32, #tpu.memory_space<vmem>>, %arg6: memref<728x181xf32, #tpu.memory_space<vmem>>, %arg7: memref<360x1536xf32, #tpu.memory_space<vmem>>, %arg8: memref<728x91xf32, #tpu.memory_space<vmem>>, %arg9: memref<180x1536xf32, #tpu.memory_space<vmem>>, %arg10: memref<4x1536xf32, #tpu.memory_space<vmem>>, %arg11: memref<4x1536xf32, #tpu.memory_space<vmem>>, %arg12: memref<34944x128xf32, #tpu.memory_space<vmem>>) attributes {dimension_semantics = [], scalar_prefetch = 0 : i64, scratch_operands = 0 : i64, tpu.core_type = #tpu.core_type<tc>} {
    %iota3A = tpu.iota {dimensions = array<i32: 0>} : vector<728x1536xi32>
    %get3A = arith.constant 0 : index
    %get3A_0 = arith.constant 0 : index
    %get3A_1 = vector.load %arg0[%get3A, %get3A_0] : memref<721x1440xf32, #tpu.memory_space<vmem>>, vector<721x1440xf32>
    %broadcast_in_dim3A = arith.constant 0.000000e+00 : f32
    %broadcast_in_dim3A_2 = vector.broadcast %broadcast_in_dim3A : f32 to vector<721x96xf32>
    %concatenate3A = tpu.concatenate %get3A_1, %broadcast_in_dim3A_2 in 1 : vector<721x1440xf32>, vector<721x96xf32> -> vector<721x1536xf32>
    %broadcast_in_dim3A_3 = arith.constant 0.000000e+00 : f32
    %broadcast_in_dim3A_4 = vector.broadcast %broadcast_in_dim3A_3 : f32 to vector<7x1536xf32>
    %concatenate3A_5 = tpu.concatenate %concatenate3A, %broadcast_in_dim3A_4 in 0 : vector<721x1536xf32>, vector<7x1536xf32> -> vector<728x1536xf32>
    %get3A_6 = arith.constant 0 : index
    %get3A_7 = arith.constant 0 : index
    %get3A_8 = vector.load %arg4[%get3A_6, %get3A_7] : memref<728x361xf32, #tpu.memory_space<vmem>>, vector<728x361xf32>
    %get3A_9 = arith.constant 0 : index
    %get3A_10 = arith.constant 0 : index
    %get3A_11 = vector.load %arg1[%get3A_9, %get3A_10] : memref<361x720xf32, #tpu.memory_space<vmem>>, vector<361x720xf32>
    %get3A_12 = arith.constant 0 : index
    %get3A_13 = arith.constant 0 : index
    %get3A_14 = vector.load %arg5[%get3A_12, %get3A_13] : memref<720x1536xf32, #tpu.memory_space<vmem>>, vector<720x1536xf32>
    %dot_general3A = arith.constant dense<0.000000e+00> : vector<361x1536xf32>
    %dot_general3A_15 = tpu.matmul %get3A_11, %get3A_14, %dot_general3A {dimension_numbers = #tpu.dot_dimension_numbers<[1], [0], [0], [1], [0, 0, 1, 1], [], []>, transpose_lhs_hint = false} : vector<361x720xf32>, vector<720x1536xf32>, vector<361x1536xf32> -> vector<361x1536xf32>
    %dot_general3A_16 = arith.constant dense<0.000000e+00> : vector<728x1536xf32>
    %dot_general3A_17 = tpu.matmul %get3A_8, %dot_general3A_15, %dot_general3A_16 {dimension_numbers = #tpu.dot_dimension_numbers<[1], [0], [0], [1], [0, 0, 1, 1], [], []>, transpose_lhs_hint = false} : vector<728x361xf32>, vector<361x1536xf32>, vector<728x1536xf32> -> vector<728x1536xf32>
    %get3A_18 = arith.constant 0 : index
    %get3A_19 = arith.constant 0 : index
    %get3A_20 = vector.load %arg6[%get3A_18, %get3A_19] : memref<728x181xf32, #tpu.memory_space<vmem>>, vector<728x181xf32>
    %get3A_21 = arith.constant 0 : index
    %get3A_22 = arith.constant 0 : index
    %get3A_23 = vector.load %arg2[%get3A_21, %get3A_22] : memref<181x360xf32, #tpu.memory_space<vmem>>, vector<181x360xf32>
    %get3A_24 = arith.constant 0 : index
    %get3A_25 = arith.constant 0 : index
    %get3A_26 = vector.load %arg7[%get3A_24, %get3A_25] : memref<360x1536xf32, #tpu.memory_space<vmem>>, vector<360x1536xf32>
    %dot_general3A_27 = arith.constant dense<0.000000e+00> : vector<181x1536xf32>
    %dot_general3A_28 = tpu.matmul %get3A_23, %get3A_26, %dot_general3A_27 {dimension_numbers = #tpu.dot_dimension_numbers<[1], [0], [0], [1], [0, 0, 1, 1], [], []>, transpose_lhs_hint = false} : vector<181x360xf32>, vector<360x1536xf32>, vector<181x1536xf32> -> vector<181x1536xf32>
    %dot_general3A_29 = arith.constant dense<0.000000e+00> : vector<728x1536xf32>
    %dot_general3A_30 = tpu.matmul %get3A_20, %dot_general3A_28, %dot_general3A_29 {dimension_numbers = #tpu.dot_dimension_numbers<[1], [0], [0], [1], [0, 0, 1, 1], [], []>, transpose_lhs_hint = false} : vector<728x181xf32>, vector<181x1536xf32>, vector<728x1536xf32> -> vector<728x1536xf32>
    %get3A_31 = arith.constant 0 : index
    %get3A_32 = arith.constant 0 : index
    %get3A_33 = vector.load %arg8[%get3A_31, %get3A_32] : memref<728x91xf32, #tpu.memory_space<vmem>>, vector<728x91xf32>
    %get3A_34 = arith.constant 0 : index
    %get3A_35 = arith.constant 0 : index
    %get3A_36 = vector.load %arg3[%get3A_34, %get3A_35] : memref<91x180xf32, #tpu.memory_space<vmem>>, vector<91x180xf32>
    %get3A_37 = arith.constant 0 : index
    %get3A_38 = arith.constant 0 : index
    %get3A_39 = vector.load %arg9[%get3A_37, %get3A_38] : memref<180x1536xf32, #tpu.memory_space<vmem>>, vector<180x1536xf32>
    %dot_general3A_40 = arith.constant dense<0.000000e+00> : vector<91x1536xf32>
    %dot_general3A_41 = tpu.matmul %get3A_36, %get3A_39, %dot_general3A_40 {dimension_numbers = #tpu.dot_dimension_numbers<[1], [0], [0], [1], [0, 0, 1, 1], [], []>, transpose_lhs_hint = false} : vector<91x180xf32>, vector<180x1536xf32>, vector<91x1536xf32> -> vector<91x1536xf32>
    %dot_general3A_42 = arith.constant dense<0.000000e+00> : vector<728x1536xf32>
    %dot_general3A_43 = tpu.matmul %get3A_33, %dot_general3A_41, %dot_general3A_42 {dimension_numbers = #tpu.dot_dimension_numbers<[1], [0], [0], [1], [0, 0, 1, 1], [], []>, transpose_lhs_hint = false} : vector<728x91xf32>, vector<91x1536xf32>, vector<728x1536xf32> -> vector<728x1536xf32>
    %eq3A = arith.constant 0 : i32
    %eq3A_44 = vector.broadcast %eq3A : i32 to vector<728x1536xi32>
    %eq3A_45 = arith.cmpi eq, %iota3A, %eq3A_44 : vector<728x1536xi32>
    %get3A_46 = arith.constant 0 : index
    %get3A_47 = arith.constant 0 : index
    %get3A_48 = vector.load %arg11[%get3A_46, %get3A_47] : memref<4x1536xf32, #tpu.memory_space<vmem>>, vector<1x1536xf32>
    %broadcast_in_dim3A_49 = vector.shape_cast %get3A_48 : vector<1x1536xf32> to vector<1x1536xf32>
    %broadcast_in_dim3A_50 = vector.broadcast %broadcast_in_dim3A_49 : vector<1x1536xf32> to vector<728x1536xf32>
    %select_n3A = arith.select %eq3A_45, %broadcast_in_dim3A_50, %concatenate3A_5 : vector<728x1536xi1>, vector<728x1536xf32>
    %eq3A_51 = arith.constant 720 : i32
    %eq3A_52 = vector.broadcast %eq3A_51 : i32 to vector<728x1536xi32>
    %eq3A_53 = arith.cmpi eq, %iota3A, %eq3A_52 : vector<728x1536xi32>
    %get3A_54 = arith.constant 0 : index
    %get3A_55 = arith.constant 0 : index
    %get3A_56 = vector.load %arg10[%get3A_54, %get3A_55] : memref<4x1536xf32, #tpu.memory_space<vmem>>, vector<1x1536xf32>
    %broadcast_in_dim3A_57 = vector.shape_cast %get3A_56 : vector<1x1536xf32> to vector<1x1536xf32>
    %broadcast_in_dim3A_58 = vector.broadcast %broadcast_in_dim3A_57 : vector<1x1536xf32> to vector<728x1536xf32>
    %select_n3A_59 = arith.select %eq3A_53, %broadcast_in_dim3A_58, %select_n3A : vector<728x1536xi1>, vector<728x1536xf32>
    %slice3A = vector.extract_strided_slice %select_n3A_59 {offsets = [0, 0], sizes = [728, 128], strides = [1, 1]} : vector<728x1536xf32> to vector<728x128xf32>
    %swap3A = arith.constant 0 : index
    %swap3A_60 = arith.constant 0 : index
    %swap3A_61 = vector.load %arg12[%swap3A, %swap3A_60] : memref<34944x128xf32, #tpu.memory_space<vmem>>, vector<728x128xf32>
    tpu.vector_store %arg12[%swap3A, %swap3A_60], %slice3A {strides = array<i32>} : memref<34944x128xf32, #tpu.memory_space<vmem>>, vector<728x128xf32>,
    %slice3A_62 = vector.extract_strided_slice %select_n3A_59 {offsets = [0, 128], sizes = [728, 128], strides = [1, 1]} : vector<728x1536xf32> to vector<728x128xf32>
    %swap3A_63 = arith.constant 728 : index
    %swap3A_64 = arith.constant 0 : index
    %swap3A_65 = vector.load %arg12[%swap3A_63, %swap3A_64] : memref<34944x128xf32, #tpu.memory_space<vmem>>, vector<728x128xf32>
    tpu.vector_store %arg12[%swap3A_63, %swap3A_64], %slice3A_62 {strides = array<i32>} : memref<34944x128xf32, #tpu.memory_space<vmem>>, vector<728x128xf32>,
    %slice3A_66 = vector.extract_strided_slice %select_n3A_59 {offsets = [0, 256], sizes = [728, 128], strides = [1, 1]} : vector<728x1536xf32> to vector<728x128xf32>
    %swap3A_67 = arith.constant 1456 : index
    %swap3A_68 = arith.constant 0 : index
    %swap3A_69 = vector.load %arg12[%swap3A_67, %swap3A_68] : memref<34944x128xf32, #tpu.memory_space<vmem>>, vector<728x128xf32>
    tpu.vector_store %arg12[%swap3A_67, %swap3A_68], %slice3A_66 {strides = array<i32>} : memref<34944x128xf32, #tpu.memory_space<vmem>>, vector<728x128xf32>,
    %slice3A_70 = vector.extract_strided_slice %select_n3A_59 {offsets = [0, 384], sizes = [728, 128], strides = [1, 1]} : vector<728x1536xf32> to vector<728x128xf32>
    %swap3A_71 = arith.constant 2184 : index
    %swap3A_72 = arith.constant 0 : index
    %swap3A_73 = vector.load %arg12[%swap3A_71, %swap3A_72] : memref<34944x128xf32, #tpu.memory_space<vmem>>, vector<728x128xf32>
    tpu.vector_store %arg12[%swap3A_71, %swap3A_72], %slice3A_70 {strides = array<i32>} : memref<34944x128xf32, #tpu.memory_space<vmem>>, vector<728x128xf32>,
    %slice3A_74 = vector.extract_strided_slice %select_n3A_59 {offsets = [0, 512], sizes = [728, 128], strides = [1, 1]} : vector<728x1536xf32> to vector<728x128xf32>
    %swap3A_75 = arith.constant 2912 : index
    %swap3A_76 = arith.constant 0 : index
    %swap3A_77 = vector.load %arg12[%swap3A_75, %swap3A_76] : memref<34944x128xf32, #tpu.memory_space<vmem>>, vector<728x128xf32>
    tpu.vector_store %arg12[%swap3A_75, %swap3A_76], %slice3A_74 {strides = array<i32>} : memref<34944x128xf32, #tpu.memory_space<vmem>>, vector<728x128xf32>,
    %slice3A_78 = vector.extract_strided_slice %select_n3A_59 {offsets = [0, 640], sizes = [728, 128], strides = [1, 1]} : vector<728x1536xf32> to vector<728x128xf32>
    %swap3A_79 = arith.constant 3640 : index
    %swap3A_80 = arith.constant 0 : index
    %swap3A_81 = vector.load %arg12[%swap3A_79, %swap3A_80] : memref<34944x128xf32, #tpu.memory_space<vmem>>, vector<728x128xf32>
    tpu.vector_store %arg12[%swap3A_79, %swap3A_80], %slice3A_78 {strides = array<i32>} : memref<34944x128xf32, #tpu.memory_space<vmem>>, vector<728x128xf32>,
    %slice3A_82 = vector.extract_strided_slice %select_n3A_59 {offsets = [0, 768], sizes = [728, 128], strides = [1, 1]} : vector<728x1536xf32> to vector<728x128xf32>
    %swap3A_83 = arith.constant 4368 : index
    %swap3A_84 = arith.constant 0 : index
    %swap3A_85 = vector.load %arg12[%swap3A_83, %swap3A_84] : memref<34944x128xf32, #tpu.memory_space<vmem>>, vector<728x128xf32>
    tpu.vector_store %arg12[%swap3A_83, %swap3A_84], %slice3A_82 {strides = array<i32>} : memref<34944x128xf32, #tpu.memory_space<vmem>>, vector<728x128xf32>,
    %slice3A_86 = vector.extract_strided_slice %select_n3A_59 {offsets = [0, 896], sizes = [728, 128], strides = [1, 1]} : vector<728x1536xf32> to vector<728x128xf32>
    %swap3A_87 = arith.constant 5096 : index
    %swap3A_88 = arith.constant 0 : index
    %swap3A_89 = vector.load %arg12[%swap3A_87, %swap3A_88] : memref<34944x128xf32, #tpu.memory_space<vmem>>, vector<728x128xf32>
    tpu.vector_store %arg12[%swap3A_87, %swap3A_88], %slice3A_86 {strides = array<i32>} : memref<34944x128xf32, #tpu.memory_space<vmem>>, vector<728x128xf32>,
    %slice3A_90 = vector.extract_strided_slice %select_n3A_59 {offsets = [0, 1024], sizes = [728, 128], strides = [1, 1]} : vector<728x1536xf32> to vector<728x128xf32>
    %swap3A_91 = arith.constant 5824 : index
    %swap3A_92 = arith.constant 0 : index
    %swap3A_93 = vector.load %arg12[%swap3A_91, %swap3A_92] : memref<34944x128xf32, #tpu.memory_space<vmem>>, vector<728x128xf32>
    tpu.vector_store %arg12[%swap3A_91, %swap3A_92], %slice3A_90 {strides = array<i32>} : memref<34944x128xf32, #tpu.memory_space<vmem>>, vector<728x128xf32>,
    %slice3A_94 = vector.extract_strided_slice %select_n3A_59 {offsets = [0, 1152], sizes = [728, 128], strides = [1, 1]} : vector<728x1536xf32> to vector<728x128xf32>
    %swap3A_95 = arith.constant 6552 : index
    %swap3A_96 = arith.constant 0 : index
    %swap3A_97 = vector.load %arg12[%swap3A_95, %swap3A_96] : memref<34944x128xf32, #tpu.memory_space<vmem>>, vector<728x128xf32>
    tpu.vector_store %arg12[%swap3A_95, %swap3A_96], %slice3A_94 {strides = array<i32>} : memref<34944x128xf32, #tpu.memory_space<vmem>>, vector<728x128xf32>,
    %slice3A_98 = vector.extract_strided_slice %select_n3A_59 {offsets = [0, 1280], sizes = [728, 128], strides = [1, 1]} : vector<728x1536xf32> to vector<728x128xf32>
    %swap3A_99 = arith.constant 7280 : index
    %swap3A_100 = arith.constant 0 : index
    %swap3A_101 = vector.load %arg12[%swap3A_99, %swap3A_100] : memref<34944x128xf32, #tpu.memory_space<vmem>>, vector<728x128xf32>
    tpu.vector_store %arg12[%swap3A_99, %swap3A_100], %slice3A_98 {strides = array<i32>} : memref<34944x128xf32, #tpu.memory_space<vmem>>, vector<728x128xf32>,
    %slice3A_102 = vector.extract_strided_slice %select_n3A_59 {offsets = [0, 1408], sizes = [728, 128], strides = [1, 1]} : vector<728x1536xf32> to vector<728x128xf32>
    %swap3A_103 = arith.constant 8008 : index
    %swap3A_104 = arith.constant 0 : index
    %swap3A_105 = vector.load %arg12[%swap3A_103, %swap3A_104] : memref<34944x128xf32, #tpu.memory_space<vmem>>, vector<728x128xf32>
    tpu.vector_store %arg12[%swap3A_103, %swap3A_104], %slice3A_102 {strides = array<i32>} : memref<34944x128xf32, #tpu.memory_space<vmem>>, vector<728x128xf32>,
    %eq3A_106 = arith.constant 0 : i32
    %eq3A_107 = vector.broadcast %eq3A_106 : i32 to vector<728x1536xi32>
    %eq3A_108 = arith.cmpi eq, %iota3A, %eq3A_107 : vector<728x1536xi32>
    %get3A_109 = arith.constant 1 : index
    %get3A_110 = arith.constant 0 : index
    %get3A_111 = vector.load %arg11[%get3A_109, %get3A_110] : memref<4x1536xf32, #tpu.memory_space<vmem>>, vector<1x1536xf32>
    %broadcast_in_dim3A_112 = vector.shape_cast %get3A_111 : vector<1x1536xf32> to vector<1x1536xf32>
    %broadcast_in_dim3A_113 = vector.broadcast %broadcast_in_dim3A_112 : vector<1x1536xf32> to vector<728x1536xf32>
    %select_n3A_114 = arith.select %eq3A_108, %broadcast_in_dim3A_113, %dot_general3A_17 : vector<728x1536xi1>, vector<728x1536xf32>
    %eq3A_115 = arith.constant 720 : i32
    %eq3A_116 = vector.broadcast %eq3A_115 : i32 to vector<728x1536xi32>
    %eq3A_117 = arith.cmpi eq, %iota3A, %eq3A_116 : vector<728x1536xi32>
    %get3A_118 = arith.constant 1 : index
    %get3A_119 = arith.constant 0 : index
    %get3A_120 = vector.load %arg10[%get3A_118, %get3A_119] : memref<4x1536xf32, #tpu.memory_space<vmem>>, vector<1x1536xf32>
    %broadcast_in_dim3A_121 = vector.shape_cast %get3A_120 : vector<1x1536xf32> to vector<1x1536xf32>
    %broadcast_in_dim3A_122 = vector.broadcast %broadcast_in_dim3A_121 : vector<1x1536xf32> to vector<728x1536xf32>
    %select_n3A_123 = arith.select %eq3A_117, %broadcast_in_dim3A_122, %select_n3A_114 : vector<728x1536xi1>, vector<728x1536xf32>
    %slice3A_124 = vector.extract_strided_slice %select_n3A_123 {offsets = [0, 0], sizes = [728, 128], strides = [1, 1]} : vector<728x1536xf32> to vector<728x128xf32>
    %swap3A_125 = arith.constant 8736 : index
    %swap3A_126 = arith.constant 0 : index
    %swap3A_127 = vector.load %arg12[%swap3A_125, %swap3A_126] : memref<34944x128xf32, #tpu.memory_space<vmem>>, vector<728x128xf32>
    tpu.vector_store %arg12[%swap3A_125, %swap3A_126], %slice3A_124 {strides = array<i32>} : memref<34944x128xf32, #tpu.memory_space<vmem>>, vector<728x128xf32>,
    %slice3A_128 = vector.extract_strided_slice %select_n3A_123 {offsets = [0, 128], sizes = [728, 128], strides = [1, 1]} : vector<728x1536xf32> to vector<728x128xf32>
    %swap3A_129 = arith.constant 9464 : index
    %swap3A_130 = arith.constant 0 : index
    %swap3A_131 = vector.load %arg12[%swap3A_129, %swap3A_130] : memref<34944x128xf32, #tpu.memory_space<vmem>>, vector<728x128xf32>
    tpu.vector_store %arg12[%swap3A_129, %swap3A_130], %slice3A_128 {strides = array<i32>} : memref<34944x128xf32, #tpu.memory_space<vmem>>, vector<728x128xf32>,
    %slice3A_132 = vector.extract_strided_slice %select_n3A_123 {offsets = [0, 256], sizes = [728, 128], strides = [1, 1]} : vector<728x1536xf32> to vector<728x128xf32>
    %swap3A_133 = arith.constant 10192 : index
    %swap3A_134 = arith.constant 0 : index
    %swap3A_135 = vector.load %arg12[%swap3A_133, %swap3A_134] : memref<34944x128xf32, #tpu.memory_space<vmem>>, vector<728x128xf32>
    tpu.vector_store %arg12[%swap3A_133, %swap3A_134], %slice3A_132 {strides = array<i32>} : memref<34944x128xf32, #tpu.memory_space<vmem>>, vector<728x128xf32>,
    %slice3A_136 = vector.extract_strided_slice %select_n3A_123 {offsets = [0, 384], sizes = [728, 128], strides = [1, 1]} : vector<728x1536xf32> to vector<728x128xf32>
    %swap3A_137 = arith.constant 10920 : index
    %swap3A_138 = arith.constant 0 : index
    %swap3A_139 = vector.load %arg12[%swap3A_137, %swap3A_138] : memref<34944x128xf32, #tpu.memory_space<vmem>>, vector<728x128xf32>
    tpu.vector_store %arg12[%swap3A_137, %swap3A_138], %slice3A_136 {strides = array<i32>} : memref<34944x128xf32, #tpu.memory_space<vmem>>, vector<728x128xf32>,
    %slice3A_140 = vector.extract_strided_slice %select_n3A_123 {offsets = [0, 512], sizes = [728, 128], strides = [1, 1]} : vector<728x1536xf32> to vector<728x128xf32>
    %swap3A_141 = arith.constant 11648 : index
    %swap3A_142 = arith.constant 0 : index
    %swap3A_143 = vector.load %arg12[%swap3A_141, %swap3A_142] : memref<34944x128xf32, #tpu.memory_space<vmem>>, vector<728x128xf32>
    tpu.vector_store %arg12[%swap3A_141, %swap3A_142], %slice3A_140 {strides = array<i32>} : memref<34944x128xf32, #tpu.memory_space<vmem>>, vector<728x128xf32>,
    %slice3A_144 = vector.extract_strided_slice %select_n3A_123 {offsets = [0, 640], sizes = [728, 128], strides = [1, 1]} : vector<728x1536xf32> to vector<728x128xf32>
    %swap3A_145 = arith.constant 12376 : index
    %swap3A_146 = arith.constant 0 : index
    %swap3A_147 = vector.load %arg12[%swap3A_145, %swap3A_146] : memref<34944x128xf32, #tpu.memory_space<vmem>>, vector<728x128xf32>
    tpu.vector_store %arg12[%swap3A_145, %swap3A_146], %slice3A_144 {strides = array<i32>} : memref<34944x128xf32, #tpu.memory_space<vmem>>, vector<728x128xf32>,
    %slice3A_148 = vector.extract_strided_slice %select_n3A_123 {offsets = [0, 768], sizes = [728, 128], strides = [1, 1]} : vector<728x1536xf32> to vector<728x128xf32>
    %swap3A_149 = arith.constant 13104 : index
    %swap3A_150 = arith.constant 0 : index
    %swap3A_151 = vector.load %arg12[%swap3A_149, %swap3A_150] : memref<34944x128xf32, #tpu.memory_space<vmem>>, vector<728x128xf32>
    tpu.vector_store %arg12[%swap3A_149, %swap3A_150], %slice3A_148 {strides = array<i32>} : memref<34944x128xf32, #tpu.memory_space<vmem>>, vector<728x128xf32>,
    %slice3A_152 = vector.extract_strided_slice %select_n3A_123 {offsets = [0, 896], sizes = [728, 128], strides = [1, 1]} : vector<728x1536xf32> to vector<728x128xf32>
    %swap3A_153 = arith.constant 13832 : index
    %swap3A_154 = arith.constant 0 : index
    %swap3A_155 = vector.load %arg12[%swap3A_153, %swap3A_154] : memref<34944x128xf32, #tpu.memory_space<vmem>>, vector<728x128xf32>
    tpu.vector_store %arg12[%swap3A_153, %swap3A_154], %slice3A_152 {strides = array<i32>} : memref<34944x128xf32, #tpu.memory_space<vmem>>, vector<728x128xf32>,
    %slice3A_156 = vector.extract_strided_slice %select_n3A_123 {offsets = [0, 1024], sizes = [728, 128], strides = [1, 1]} : vector<728x1536xf32> to vector<728x128xf32>
    %swap3A_157 = arith.constant 14560 : index
    %swap3A_158 = arith.constant 0 : index
    %swap3A_159 = vector.load %arg12[%swap3A_157, %swap3A_158] : memref<34944x128xf32, #tpu.memory_space<vmem>>, vector<728x128xf32>
    tpu.vector_store %arg12[%swap3A_157, %swap3A_158], %slice3A_156 {strides = array<i32>} : memref<34944x128xf32, #tpu.memory_space<vmem>>, vector<728x128xf32>,
    %slice3A_160 = vector.extract_strided_slice %select_n3A_123 {offsets = [0, 1152], sizes = [728, 128], strides = [1, 1]} : vector<728x1536xf32> to vector<728x128xf32>
    %swap3A_161 = arith.constant 15288 : index
    %swap3A_162 = arith.constant 0 : index
    %swap3A_163 = vector.load %arg12[%swap3A_161, %swap3A_162] : memref<34944x128xf32, #tpu.memory_space<vmem>>, vector<728x128xf32>
    tpu.vector_store %arg12[%swap3A_161, %swap3A_162], %slice3A_160 {strides = array<i32>} : memref<34944x128xf32, #tpu.memory_space<vmem>>, vector<728x128xf32>,
    %slice3A_164 = vector.extract_strided_slice %select_n3A_123 {offsets = [0, 1280], sizes = [728, 128], strides = [1, 1]} : vector<728x1536xf32> to vector<728x128xf32>
    %swap3A_165 = arith.constant 16016 : index
    %swap3A_166 = arith.constant 0 : index
    %swap3A_167 = vector.load %arg12[%swap3A_165, %swap3A_166] : memref<34944x128xf32, #tpu.memory_space<vmem>>, vector<728x128xf32>
    tpu.vector_store %arg12[%swap3A_165, %swap3A_166], %slice3A_164 {strides = array<i32>} : memref<34944x128xf32, #tpu.memory_space<vmem>>, vector<728x128xf32>,
    %slice3A_168 = vector.extract_strided_slice %select_n3A_123 {offsets = [0, 1408], sizes = [728, 128], strides = [1, 1]} : vector<728x1536xf32> to vector<728x128xf32>
    %swap3A_169 = arith.constant 16744 : index
    %swap3A_170 = arith.constant 0 : index
    %swap3A_171 = vector.load %arg12[%swap3A_169, %swap3A_170] : memref<34944x128xf32, #tpu.memory_space<vmem>>, vector<728x128xf32>
    tpu.vector_store %arg12[%swap3A_169, %swap3A_170], %slice3A_168 {strides = array<i32>} : memref<34944x128xf32, #tpu.memory_space<vmem>>, vector<728x128xf32>,
    %eq3A_172 = arith.constant 0 : i32
    %eq3A_173 = vector.broadcast %eq3A_172 : i32 to vector<728x1536xi32>
    %eq3A_174 = arith.cmpi eq, %iota3A, %eq3A_173 : vector<728x1536xi32>
    %get3A_175 = arith.constant 2 : index
    %get3A_176 = arith.constant 0 : index
    %get3A_177 = vector.load %arg11[%get3A_175, %get3A_176] : memref<4x1536xf32, #tpu.memory_space<vmem>>, vector<1x1536xf32>
    %broadcast_in_dim3A_178 = vector.shape_cast %get3A_177 : vector<1x1536xf32> to vector<1x1536xf32>
    %broadcast_in_dim3A_179 = vector.broadcast %broadcast_in_dim3A_178 : vector<1x1536xf32> to vector<728x1536xf32>
    %select_n3A_180 = arith.select %eq3A_174, %broadcast_in_dim3A_179, %dot_general3A_30 : vector<728x1536xi1>, vector<728x1536xf32>
    %eq3A_181 = arith.constant 720 : i32
    %eq3A_182 = vector.broadcast %eq3A_181 : i32 to vector<728x1536xi32>
    %eq3A_183 = arith.cmpi eq, %iota3A, %eq3A_182 : vector<728x1536xi32>
    %get3A_184 = arith.constant 2 : index
    %get3A_185 = arith.constant 0 : index
    %get3A_186 = vector.load %arg10[%get3A_184, %get3A_185] : memref<4x1536xf32, #tpu.memory_space<vmem>>, vector<1x1536xf32>
    %broadcast_in_dim3A_187 = vector.shape_cast %get3A_186 : vector<1x1536xf32> to vector<1x1536xf32>
    %broadcast_in_dim3A_188 = vector.broadcast %broadcast_in_dim3A_187 : vector<1x1536xf32> to vector<728x1536xf32>
    %select_n3A_189 = arith.select %eq3A_183, %broadcast_in_dim3A_188, %select_n3A_180 : vector<728x1536xi1>, vector<728x1536xf32>
    %slice3A_190 = vector.extract_strided_slice %select_n3A_189 {offsets = [0, 0], sizes = [728, 128], strides = [1, 1]} : vector<728x1536xf32> to vector<728x128xf32>
    %swap3A_191 = arith.constant 17472 : index
    %swap3A_192 = arith.constant 0 : index
    %swap3A_193 = vector.load %arg12[%swap3A_191, %swap3A_192] : memref<34944x128xf32, #tpu.memory_space<vmem>>, vector<728x128xf32>
    tpu.vector_store %arg12[%swap3A_191, %swap3A_192], %slice3A_190 {strides = array<i32>} : memref<34944x128xf32, #tpu.memory_space<vmem>>, vector<728x128xf32>,
    %slice3A_194 = vector.extract_strided_slice %select_n3A_189 {offsets = [0, 128], sizes = [728, 128], strides = [1, 1]} : vector<728x1536xf32> to vector<728x128xf32>
    %swap3A_195 = arith.constant 18200 : index
    %swap3A_196 = arith.constant 0 : index
    %swap3A_197 = vector.load %arg12[%swap3A_195, %swap3A_196] : memref<34944x128xf32, #tpu.memory_space<vmem>>, vector<728x128xf32>
    tpu.vector_store %arg12[%swap3A_195, %swap3A_196], %slice3A_194 {strides = array<i32>} : memref<34944x128xf32, #tpu.memory_space<vmem>>, vector<728x128xf32>,
    %slice3A_198 = vector.extract_strided_slice %select_n3A_189 {offsets = [0, 256], sizes = [728, 128], strides = [1, 1]} : vector<728x1536xf32> to vector<728x128xf32>
    %swap3A_199 = arith.constant 18928 : index
    %swap3A_200 = arith.constant 0 : index
    %swap3A_201 = vector.load %arg12[%swap3A_199, %swap3A_200] : memref<34944x128xf32, #tpu.memory_space<vmem>>, vector<728x128xf32>
    tpu.vector_store %arg12[%swap3A_199, %swap3A_200], %slice3A_198 {strides = array<i32>} : memref<34944x128xf32, #tpu.memory_space<vmem>>, vector<728x128xf32>,
    %slice3A_202 = vector.extract_strided_slice %select_n3A_189 {offsets = [0, 384], sizes = [728, 128], strides = [1, 1]} : vector<728x1536xf32> to vector<728x128xf32>
    %swap3A_203 = arith.constant 19656 : index
    %swap3A_204 = arith.constant 0 : index
    %swap3A_205 = vector.load %arg12[%swap3A_203, %swap3A_204] : memref<34944x128xf32, #tpu.memory_space<vmem>>, vector<728x128xf32>
    tpu.vector_store %arg12[%swap3A_203, %swap3A_204], %slice3A_202 {strides = array<i32>} : memref<34944x128xf32, #tpu.memory_space<vmem>>, vector<728x128xf32>,
    %slice3A_206 = vector.extract_strided_slice %select_n3A_189 {offsets = [0, 512], sizes = [728, 128], strides = [1, 1]} : vector<728x1536xf32> to vector<728x128xf32>
    %swap3A_207 = arith.constant 20384 : index
    %swap3A_208 = arith.constant 0 : index
    %swap3A_209 = vector.load %arg12[%swap3A_207, %swap3A_208] : memref<34944x128xf32, #tpu.memory_space<vmem>>, vector<728x128xf32>
    tpu.vector_store %arg12[%swap3A_207, %swap3A_208], %slice3A_206 {strides = array<i32>} : memref<34944x128xf32, #tpu.memory_space<vmem>>, vector<728x128xf32>,
    %slice3A_210 = vector.extract_strided_slice %select_n3A_189 {offsets = [0, 640], sizes = [728, 128], strides = [1, 1]} : vector<728x1536xf32> to vector<728x128xf32>
    %swap3A_211 = arith.constant 21112 : index
    %swap3A_212 = arith.constant 0 : index
    %swap3A_213 = vector.load %arg12[%swap3A_211, %swap3A_212] : memref<34944x128xf32, #tpu.memory_space<vmem>>, vector<728x128xf32>
    tpu.vector_store %arg12[%swap3A_211, %swap3A_212], %slice3A_210 {strides = array<i32>} : memref<34944x128xf32, #tpu.memory_space<vmem>>, vector<728x128xf32>,
    %slice3A_214 = vector.extract_strided_slice %select_n3A_189 {offsets = [0, 768], sizes = [728, 128], strides = [1, 1]} : vector<728x1536xf32> to vector<728x128xf32>
    %swap3A_215 = arith.constant 21840 : index
    %swap3A_216 = arith.constant 0 : index
    %swap3A_217 = vector.load %arg12[%swap3A_215, %swap3A_216] : memref<34944x128xf32, #tpu.memory_space<vmem>>, vector<728x128xf32>
    tpu.vector_store %arg12[%swap3A_215, %swap3A_216], %slice3A_214 {strides = array<i32>} : memref<34944x128xf32, #tpu.memory_space<vmem>>, vector<728x128xf32>,
    %slice3A_218 = vector.extract_strided_slice %select_n3A_189 {offsets = [0, 896], sizes = [728, 128], strides = [1, 1]} : vector<728x1536xf32> to vector<728x128xf32>
    %swap3A_219 = arith.constant 22568 : index
    %swap3A_220 = arith.constant 0 : index
    %swap3A_221 = vector.load %arg12[%swap3A_219, %swap3A_220] : memref<34944x128xf32, #tpu.memory_space<vmem>>, vector<728x128xf32>
    tpu.vector_store %arg12[%swap3A_219, %swap3A_220], %slice3A_218 {strides = array<i32>} : memref<34944x128xf32, #tpu.memory_space<vmem>>, vector<728x128xf32>,
    %slice3A_222 = vector.extract_strided_slice %select_n3A_189 {offsets = [0, 1024], sizes = [728, 128], strides = [1, 1]} : vector<728x1536xf32> to vector<728x128xf32>
    %swap3A_223 = arith.constant 23296 : index
    %swap3A_224 = arith.constant 0 : index
    %swap3A_225 = vector.load %arg12[%swap3A_223, %swap3A_224] : memref<34944x128xf32, #tpu.memory_space<vmem>>, vector<728x128xf32>
    tpu.vector_store %arg12[%swap3A_223, %swap3A_224], %slice3A_222 {strides = array<i32>} : memref<34944x128xf32, #tpu.memory_space<vmem>>, vector<728x128xf32>,
    %slice3A_226 = vector.extract_strided_slice %select_n3A_189 {offsets = [0, 1152], sizes = [728, 128], strides = [1, 1]} : vector<728x1536xf32> to vector<728x128xf32>
    %swap3A_227 = arith.constant 24024 : index
    %swap3A_228 = arith.constant 0 : index
    %swap3A_229 = vector.load %arg12[%swap3A_227, %swap3A_228] : memref<34944x128xf32, #tpu.memory_space<vmem>>, vector<728x128xf32>
    tpu.vector_store %arg12[%swap3A_227, %swap3A_228], %slice3A_226 {strides = array<i32>} : memref<34944x128xf32, #tpu.memory_space<vmem>>, vector<728x128xf32>,
    %slice3A_230 = vector.extract_strided_slice %select_n3A_189 {offsets = [0, 1280], sizes = [728, 128], strides = [1, 1]} : vector<728x1536xf32> to vector<728x128xf32>
    %swap3A_231 = arith.constant 24752 : index
    %swap3A_232 = arith.constant 0 : index
    %swap3A_233 = vector.load %arg12[%swap3A_231, %swap3A_232] : memref<34944x128xf32, #tpu.memory_space<vmem>>, vector<728x128xf32>
    tpu.vector_store %arg12[%swap3A_231, %swap3A_232], %slice3A_230 {strides = array<i32>} : memref<34944x128xf32, #tpu.memory_space<vmem>>, vector<728x128xf32>,
    %slice3A_234 = vector.extract_strided_slice %select_n3A_189 {offsets = [0, 1408], sizes = [728, 128], strides = [1, 1]} : vector<728x1536xf32> to vector<728x128xf32>
    %swap3A_235 = arith.constant 25480 : index
    %swap3A_236 = arith.constant 0 : index
    %swap3A_237 = vector.load %arg12[%swap3A_235, %swap3A_236] : memref<34944x128xf32, #tpu.memory_space<vmem>>, vector<728x128xf32>
    tpu.vector_store %arg12[%swap3A_235, %swap3A_236], %slice3A_234 {strides = array<i32>} : memref<34944x128xf32, #tpu.memory_space<vmem>>, vector<728x128xf32>,
    %eq3A_238 = arith.constant 0 : i32
    %eq3A_239 = vector.broadcast %eq3A_238 : i32 to vector<728x1536xi32>
    %eq3A_240 = arith.cmpi eq, %iota3A, %eq3A_239 : vector<728x1536xi32>
    %get3A_241 = arith.constant 3 : index
    %get3A_242 = arith.constant 0 : index
    %get3A_243 = vector.load %arg11[%get3A_241, %get3A_242] : memref<4x1536xf32, #tpu.memory_space<vmem>>, vector<1x1536xf32>
    %broadcast_in_dim3A_244 = vector.shape_cast %get3A_243 : vector<1x1536xf32> to vector<1x1536xf32>
    %broadcast_in_dim3A_245 = vector.broadcast %broadcast_in_dim3A_244 : vector<1x1536xf32> to vector<728x1536xf32>
    %select_n3A_246 = arith.select %eq3A_240, %broadcast_in_dim3A_245, %dot_general3A_43 : vector<728x1536xi1>, vector<728x1536xf32>
    %eq3A_247 = arith.constant 720 : i32
    %eq3A_248 = vector.broadcast %eq3A_247 : i32 to vector<728x1536xi32>
    %eq3A_249 = arith.cmpi eq, %iota3A, %eq3A_248 : vector<728x1536xi32>
    %get3A_250 = arith.constant 3 : index
    %get3A_251 = arith.constant 0 : index
    %get3A_252 = vector.load %arg10[%get3A_250, %get3A_251] : memref<4x1536xf32, #tpu.memory_space<vmem>>, vector<1x1536xf32>
    %broadcast_in_dim3A_253 = vector.shape_cast %get3A_252 : vector<1x1536xf32> to vector<1x1536xf32>
    %broadcast_in_dim3A_254 = vector.broadcast %broadcast_in_dim3A_253 : vector<1x1536xf32> to vector<728x1536xf32>
    %select_n3A_255 = arith.select %eq3A_249, %broadcast_in_dim3A_254, %select_n3A_246 : vector<728x1536xi1>, vector<728x1536xf32>
    %slice3A_256 = vector.extract_strided_slice %select_n3A_255 {offsets = [0, 0], sizes = [728, 128], strides = [1, 1]} : vector<728x1536xf32> to vector<728x128xf32>
    %swap3A_257 = arith.constant 26208 : index
    %swap3A_258 = arith.constant 0 : index
    %swap3A_259 = vector.load %arg12[%swap3A_257, %swap3A_258] : memref<34944x128xf32, #tpu.memory_space<vmem>>, vector<728x128xf32>
    tpu.vector_store %arg12[%swap3A_257, %swap3A_258], %slice3A_256 {strides = array<i32>} : memref<34944x128xf32, #tpu.memory_space<vmem>>, vector<728x128xf32>,
    %slice3A_260 = vector.extract_strided_slice %select_n3A_255 {offsets = [0, 128], sizes = [728, 128], strides = [1, 1]} : vector<728x1536xf32> to vector<728x128xf32>
    %swap3A_261 = arith.constant 26936 : index
    %swap3A_262 = arith.constant 0 : index
    %swap3A_263 = vector.load %arg12[%swap3A_261, %swap3A_262] : memref<34944x128xf32, #tpu.memory_space<vmem>>, vector<728x128xf32>
    tpu.vector_store %arg12[%swap3A_261, %swap3A_262], %slice3A_260 {strides = array<i32>} : memref<34944x128xf32, #tpu.memory_space<vmem>>, vector<728x128xf32>,
    %slice3A_264 = vector.extract_strided_slice %select_n3A_255 {offsets = [0, 256], sizes = [728, 128], strides = [1, 1]} : vector<728x1536xf32> to vector<728x128xf32>
    %swap3A_265 = arith.constant 27664 : index
    %swap3A_266 = arith.constant 0 : index
    %swap3A_267 = vector.load %arg12[%swap3A_265, %swap3A_266] : memref<34944x128xf32, #tpu.memory_space<vmem>>, vector<728x128xf32>
    tpu.vector_store %arg12[%swap3A_265, %swap3A_266], %slice3A_264 {strides = array<i32>} : memref<34944x128xf32, #tpu.memory_space<vmem>>, vector<728x128xf32>,
    %slice3A_268 = vector.extract_strided_slice %select_n3A_255 {offsets = [0, 384], sizes = [728, 128], strides = [1, 1]} : vector<728x1536xf32> to vector<728x128xf32>
    %swap3A_269 = arith.constant 28392 : index
    %swap3A_270 = arith.constant 0 : index
    %swap3A_271 = vector.load %arg12[%swap3A_269, %swap3A_270] : memref<34944x128xf32, #tpu.memory_space<vmem>>, vector<728x128xf32>
    tpu.vector_store %arg12[%swap3A_269, %swap3A_270], %slice3A_268 {strides = array<i32>} : memref<34944x128xf32, #tpu.memory_space<vmem>>, vector<728x128xf32>,
    %slice3A_272 = vector.extract_strided_slice %select_n3A_255 {offsets = [0, 512], sizes = [728, 128], strides = [1, 1]} : vector<728x1536xf32> to vector<728x128xf32>
    %swap3A_273 = arith.constant 29120 : index
    %swap3A_274 = arith.constant 0 : index
    %swap3A_275 = vector.load %arg12[%swap3A_273, %swap3A_274] : memref<34944x128xf32, #tpu.memory_space<vmem>>, vector<728x128xf32>
    tpu.vector_store %arg12[%swap3A_273, %swap3A_274], %slice3A_272 {strides = array<i32>} : memref<34944x128xf32, #tpu.memory_space<vmem>>, vector<728x128xf32>,
    %slice3A_276 = vector.extract_strided_slice %select_n3A_255 {offsets = [0, 640], sizes = [728, 128], strides = [1, 1]} : vector<728x1536xf32> to vector<728x128xf32>
    %swap3A_277 = arith.constant 29848 : index
    %swap3A_278 = arith.constant 0 : index
    %swap3A_279 = vector.load %arg12[%swap3A_277, %swap3A_278] : memref<34944x128xf32, #tpu.memory_space<vmem>>, vector<728x128xf32>
    tpu.vector_store %arg12[%swap3A_277, %swap3A_278], %slice3A_276 {strides = array<i32>} : memref<34944x128xf32, #tpu.memory_space<vmem>>, vector<728x128xf32>,
    %slice3A_280 = vector.extract_strided_slice %select_n3A_255 {offsets = [0, 768], sizes = [728, 128], strides = [1, 1]} : vector<728x1536xf32> to vector<728x128xf32>
    %swap3A_281 = arith.constant 30576 : index
    %swap3A_282 = arith.constant 0 : index
    %swap3A_283 = vector.load %arg12[%swap3A_281, %swap3A_282] : memref<34944x128xf32, #tpu.memory_space<vmem>>, vector<728x128xf32>
    tpu.vector_store %arg12[%swap3A_281, %swap3A_282], %slice3A_280 {strides = array<i32>} : memref<34944x128xf32, #tpu.memory_space<vmem>>, vector<728x128xf32>,
    %slice3A_284 = vector.extract_strided_slice %select_n3A_255 {offsets = [0, 896], sizes = [728, 128], strides = [1, 1]} : vector<728x1536xf32> to vector<728x128xf32>
    %swap3A_285 = arith.constant 31304 : index
    %swap3A_286 = arith.constant 0 : index
    %swap3A_287 = vector.load %arg12[%swap3A_285, %swap3A_286] : memref<34944x128xf32, #tpu.memory_space<vmem>>, vector<728x128xf32>
    tpu.vector_store %arg12[%swap3A_285, %swap3A_286], %slice3A_284 {strides = array<i32>} : memref<34944x128xf32, #tpu.memory_space<vmem>>, vector<728x128xf32>,
    %slice3A_288 = vector.extract_strided_slice %select_n3A_255 {offsets = [0, 1024], sizes = [728, 128], strides = [1, 1]} : vector<728x1536xf32> to vector<728x128xf32>
    %swap3A_289 = arith.constant 32032 : index
    %swap3A_290 = arith.constant 0 : index
    %swap3A_291 = vector.load %arg12[%swap3A_289, %swap3A_290] : memref<34944x128xf32, #tpu.memory_space<vmem>>, vector<728x128xf32>
    tpu.vector_store %arg12[%swap3A_289, %swap3A_290], %slice3A_288 {strides = array<i32>} : memref<34944x128xf32, #tpu.memory_space<vmem>>, vector<728x128xf32>,
    %slice3A_292 = vector.extract_strided_slice %select_n3A_255 {offsets = [0, 1152], sizes = [728, 128], strides = [1, 1]} : vector<728x1536xf32> to vector<728x128xf32>
    %swap3A_293 = arith.constant 32760 : index
    %swap3A_294 = arith.constant 0 : index
    %swap3A_295 = vector.load %arg12[%swap3A_293, %swap3A_294] : memref<34944x128xf32, #tpu.memory_space<vmem>>, vector<728x128xf32>
    tpu.vector_store %arg12[%swap3A_293, %swap3A_294], %slice3A_292 {strides = array<i32>} : memref<34944x128xf32, #tpu.memory_space<vmem>>, vector<728x128xf32>,
    %slice3A_296 = vector.extract_strided_slice %select_n3A_255 {offsets = [0, 1280], sizes = [728, 128], strides = [1, 1]} : vector<728x1536xf32> to vector<728x128xf32>
    %swap3A_297 = arith.constant 33488 : index
    %swap3A_298 = arith.constant 0 : index
    %swap3A_299 = vector.load %arg12[%swap3A_297, %swap3A_298] : memref<34944x128xf32, #tpu.memory_space<vmem>>, vector<728x128xf32>
    tpu.vector_store %arg12[%swap3A_297, %swap3A_298], %slice3A_296 {strides = array<i32>} : memref<34944x128xf32, #tpu.memory_space<vmem>>, vector<728x128xf32>,
    %slice3A_300 = vector.extract_strided_slice %select_n3A_255 {offsets = [0, 1408], sizes = [728, 128], strides = [1, 1]} : vector<728x1536xf32> to vector<728x128xf32>
    %swap3A_301 = arith.constant 34216 : index
    %swap3A_302 = arith.constant 0 : index
    %swap3A_303 = vector.load %arg12[%swap3A_301, %swap3A_302] : memref<34944x128xf32, #tpu.memory_space<vmem>>, vector<728x128xf32>
    tpu.vector_store %arg12[%swap3A_301, %swap3A_302], %slice3A_300 {strides = array<i32>} : memref<34944x128xf32, #tpu.memory_space<vmem>>, vector<728x128xf32>,
    return
  }
}

</mosaic_0001>

<sc_bundles>
// kernel: kernel.4.cloned.1.call-start
scs
__scs_entry_jumppad:
0x0: {  	(pc) =	sbr.rel $0x88, $3  }
0x1: {  	(tag) =	ssettag $0x0;
	lr =	simm.s32 $0x1  }
0x2: {  	[smem:$0x3F9A] =	sst lr;
	_ =	strace $0xD0000000  }
0x3: {  	_ = 	snop  }
0x4: {  	_ = 	snop  }
0x5: {  	_ = 	snop  }
0x6: {  	_ = 	snop  }
0x7: {  	_ = 	snop  }
__scs_overlays_trampoline_lowered:
0x8: {  	[smem:$0x3FA9] =	sst s0  }
0x9: {  	[smem:$0x3FAA] =	sst s1  }
0xa: {  	[smem:$0x3FAB] =	sst s2  }
0xb: {  	[smem:$0x3FAC] =	sst s3  }
0xc: {  	[smem:$0x3FAD] =	sst s4  }
0xd: {  	[smem:$0x3FAE] =	sst s5  }
0xe: {  	[smem:$0x3FAF] =	sst s6  }
0xf: {  	[smem:$0x3FB0] =	sst s7  }
0x10: {  	[smem:$0x3FB1] =	sst s8  }
0x11: {  	[smem:$0x3FB2] =	sst s9;
	s0 =	simm.s32 @!p0 $0x0  }
0x12: {  	s1 =	sld [smem:$0x3F98];
	s0 =	simm.s32 @p0 $0x1  }
0x13: {  	[smem:$0x3FB3] =	sst s0;
	s0 =	simm.s32 @!p1 $0x0  }
0x14: {  	s2 =	sld [smem:$0x3F97];
	s0 =	simm.s32 @p1 $0x1  }
0x15: {  	[smem:$0x3FB4] =	sst s0;
	s0 =	simm.s32 @!p2 $0x0  }
0x16: {  	s3 =	sld [smem:$0x3FDB];
	s0 =	simm.s32 @p2 $0x1  }
0x17: {  	s4 =	simm.s32 $0x1BF5;
	[smem:$0x3FB6] =	sst s0  }
0x18: {  	s0 =	sld [smem:$0x3F99];
	_ =	swait.ge [sflag:s4], $0x0  }
0x19: {  	s7 =	sld [smem:$0x3F9A]  }
0x1a: {  	s8 =	sadd.s32 $0xFFFFE003, lr  }
0x1b: {  	s9 =	sadd.s32 $0xFFFFFEF7, lr;
	s5 =	simm.s32 $0xFFFFFFFF;
	p2 =	slt.u32 s8, $0xFFFFF086  }
0x1c: {  	p1 =	slt.u32 s9, $0xF7A;
	s5 =	simm.s32 @!p2 $0x0  }
0x1d: {  	s5 =	simm.s32 @p1 $0x1;
	p0 =	seq.s32 s7, s2  }
0x1e: {  	s7 =	smul.u32 @!p0 $0xF7A, s2;
	p2 =	seq.s32 @!p0 s5, $0x0  }
0x1f: {  	s9 =	smul.u32 $0xF7A, s1;
	s8 =	simm.s32 @!p0 $0x1BF5;
	p2 =	por !p2, p0  }
0x20: {  	[sflag:s8] =	ssyncset.s32 @!p0 $0xFFFFF086;
	s6 =	sadd.s32 @!p0 s3, s7;
	s7 =	simm.s32 @!p0 $0x108  }
0x21: {  	s3 =	sadd.s32 s3, s9;
	s6 =	sadd.s32 @!p0 $0x88, s6;
	s7 =	simm.s32 @p2 $0x1082  }
0x22: {  	[simem:s7], [sflag:s8] =	dma.local @!p0 [hbm:s6], $0xF7A  }
0x23: {  	s9 =	sor.u32 $0xD0000000, s2;
	s6 =	simm.s32 $0x108;
	_ =	swait.ge @!p0 [sflag:s8], $0x0  }
0x24: {  	s3 =	sadd.s32 $0x88, s3;
	s6 =	simm.s32 @!p1 $0x1082;
	[sflag:s4] =	ssyncset.s32 $0xFFFFF086  }
0x25: {  	[simem:s6], [sflag:s4] =	dma.local [hbm:s3], $0xF7A  }
0x26: {  	[smem:$0x3F9A] =	sst s1;
	(tag) =	ssettag s2;
	_ =	strace s9  }
0x27: {  	s1 =	sld [smem:$0x3FAA]  }
0x28: {  	s2 =	sld [smem:$0x3FAB]  }
0x29: {  	s4 =	sld [smem:$0x3FAD]  }
0x2a: {  	p0 =	seq.s32 s5, $0x0;
	s5 =	sld [smem:$0x3FAE]  }
0x2b: {  	s6 =	sld [smem:$0x3FAF]  }
0x2c: {  	s7 =	sld [smem:$0x3FB0]  }
0x2d: {  	s3 =	simm.s32 $0x108;
	s8 =	sld [smem:$0x3FB1]  }
0x2e: {  	s3 =	simm.s32 @!p0 $0x1082;
	s9 =	sld [smem:$0x3FB2]  }
0x2f: {  	lr =	sadd.s32 s0, s3;
	s0 =	sld [smem:$0x3FA9]  }
0x30: {  	s3 =	sld [smem:$0x3FAC]  }
0x31: {  	[smem:$0x3FB5] =	sst s10  }
0x32: {  	s10 =	sld [smem:$0x3FB3];
	_ =	sdelay $0x3  }
0x33: {  	p0 =	seq.s32 s10, $0x1;
	s10 =	sld [smem:$0x3FB5];
	_ =	sdelay $0x3  }
0x34: {  	[smem:$0x3FB5] =	sst s10  }
0x35: {  	s10 =	sld [smem:$0x3FB4];
	_ =	sdelay $0x3  }
0x36: {  	p1 =	seq.s32 s10, $0x1;
	s10 =	sld [smem:$0x3FB5];
	_ =	sdelay $0x3  }
0x37: {  	[smem:$0x3FB5] =	sst s10  }
0x38: {  	s10 =	sld [smem:$0x3FB6]  }
0x39: {  	_ = 	snop;
	(pc) =	sbr.ind lr, $3  }
0x3a: {  	_ = 	snop  }
0x3b: {  	_ = 	snop  }
0x3c: {  	p2 =	seq.s32 s10, $0x1;
	s10 =	sld [smem:$0x3FB5]  }
0x3d: {  	_ =	shalt  }
0x3e: {  	_ =	shalt  }
0x3f: {  	_ =	shalt  }
0x40: {  	_ =	shalt  }
0x41: {  	_ =	shalt  }
0x42: {  	_ =	shalt  }
0x43: {  	_ =	shalt  }
0x44: {  	_ =	shalt  }
0x45: {  	_ =	shalt  }
0x46: {  	_ =	shalt  }
0x47: {  	_ =	shalt  }
0x48: {  	_ =	shalt  }
0x49: {  	_ =	shalt  }
0x4a: {  	_ =	shalt  }
0x4b: {  	_ =	shalt  }
0x4c: {  	_ =	shalt  }
0x4d: {  	_ =	shalt  }
0x4e: {  	_ =	shalt  }
0x4f: {  	_ =	shalt  }
0x50: {  	_ =	shalt  }
0x51: {  	_ =	shalt  }
0x52: {  	_ =	shalt  }
0x53: {  	_ =	shalt  }
0x54: {  	_ =	shalt  }
0x55: {  	_ =	shalt  }
0x56: {  	_ =	shalt  }
0x57: {  	_ =	shalt  }
0x58: {  	_ =	shalt  }
0x59: {  	_ =	shalt  }
0x5a: {  	_ =	shalt  }
0x5b: {  	_ =	shalt  }
0x5c: {  	_ =	shalt  }
0x5d: {  	_ =	shalt  }
0x5e: {  	_ =	shalt  }
0x5f: {  	_ =	shalt  }
0x60: {  	_ =	shalt  }
0x61: {  	_ =	shalt  }
0x62: {  	_ =	shalt  }
0x63: {  	_ =	shalt  }
0x64: {  	_ =	shalt  }
0x65: {  	_ =	shalt  }
0x66: {  	_ =	shalt  }
0x67: {  	_ =	shalt  }
0x68: {  	_ =	shalt  }
0x69: {  	_ =	shalt  }
0x6a: {  	_ =	shalt  }
0x6b: {  	_ =	shalt  }
0x6c: {  	_ =	shalt  }
0x6d: {  	_ =	shalt  }
0x6e: {  	_ =	shalt  }
0x6f: {  	_ =	shalt  }
0x70: {  	_ =	shalt  }
0x71: {  	_ =	shalt  }
0x72: {  	_ =	shalt  }
0x73: {  	_ =	shalt  }
0x74: {  	_ =	shalt  }
0x75: {  	_ =	shalt  }
0x76: {  	_ =	shalt  }
0x77: {  	_ =	shalt  }
0x78: {  	_ =	shalt  }
0x79: {  	_ =	shalt  }
0x7a: {  	_ =	shalt  }
0x7b: {  	_ =	shalt  }
0x7c: {  	_ =	shalt  }
0x7d: {  	_ =	shalt  }
0x7e: {  	_ =	shalt  }
0x7f: {  	_ =	shalt  }
0x80: {  	_ =	shalt  }
0x81: {  	_ =	shalt  }
0x82: {  	_ =	shalt  }
0x83: {  	_ =	shalt  }
0x84: {  	_ =	shalt  }
0x85: {  	_ =	shalt  }
0x86: {  	_ =	shalt  }
0x87: {  	_ =	shalt  }
.Lfunc_end0:
.L_simem_size_0:
called_computation_lowered:
.L_overlay_start_0:
0x88: {  	s2 =	sld [smem:$0x3FD9]  }
0x89: {  	s3 =	sld [smem:$0x3FFE];
	_ =	sdelay $0x1  }
0x8a: {  	s1 =	srdreg.scid  }
0x8b: {  	s0 =	sand.u32 $0x1, s1  }
0x8c: {  	s17 =	sshll.u32 s0, $0xA;
	s2 =	sadd.s32 s3, s2  }
0x8d: {  	s2 =	sadd.s32 s2, s17  }
0x8e: {  	[smem:$0x3FC1] =	sst s2  }
0x8f: {  	_ = 	snop  }
0x90: {  	s2 =	sld [smem:$0x3FD0];
	(tm) =	ssettm $0x1  }
0x91: {  	s18 =	sld [smem:$0x3FFB];
	_ =	sdelay $0x3  }
0x92: {  	_ =	strace s18  }
0x93: {  	s3 =	sld [smem:$0x3FFC];
	_ =	sdelay $0x3  }
0x94: {  	_ =	strace s3  }
0x95: {  	s3 =	sld [smem:$0x3FFD];
	_ =	sdelay $0x3  }
0x96: {  	_ =	strace s3  }
0x97: {  	_ =	strace $0x8FFFFFFF  }
0x98: {  	s19 =	sld [smem:$0x3FDB];
	_ =	sdelay $0x1  }
0x99: {  	s4 =	simm.s32 $_scs_section_size  }
0x9a: {  	s5 =	simm.s32 $_size__tile_overlayer_lowered;
	s6 =	simm.s32 $_tile_overlayer_lowered  }
0x9b: {  	s22 =	simm.s32 $0x1BFF;
	s21 =	sshll.u32 s6, $0x1;
	s3 =	sadd.s32 s4, s19  }
0x9c: {  	s7 =	simm.s32 $0x0;
	s20 =	sshll.u32 s5, $0x1;
	s5 =	sadd.s32 s21, s3  }
0x9d: {  	[timem:s7], [sflag:s22] =	dma.local [hbm:s5], s20  }
0x9e: {  	_ =	swait.ge [sflag:s22], s20  }
0x9f: {  	s4 =	ssub.s32 $0x0, s20;
	[sflag:s22] =	ssyncset.done $0x0  }
0xa0: {  	[sflag:s22] =	ssyncadd.s32 s4;
	_ =	sdelay $0x1  }
0xa1: {  	s23 =	simm.s32 $0x1B8B  }
0xa2: {  	_ =	swait.ge [sflag:s23], $0x1  }
0xa3: {  	[sflag:s23] =	ssyncset.done $0x0  }
0xa4: {  	s25 =	simm.s32 $0x1B8E;
	s24 =	sld [smem:$0x3FFE];
	[sflag:s23] =	ssyncadd.s32 $0xFFFFFFFF  }
0xa5: {  	s26 =	simm.s32 $execute0_lowered;
	[smem:$0x3FD2] =	sst s25  }
0xa6: {  	s5 =	sshll.u32 s26, $0x1;
	_ =	strace $0x80000046;
	[dreg:$0x1] =	wrdreg $0xFFFFFFFF  }
0xa7: {  	s28 =	simm.s32 $_size_execute0_lowered;
	s3 =	sadd.s32 s3, s5;
	[dreg:$0x0] =	wrdreg $0x0  }
0xa8: {  	s5 =	sshll.u32 s28, $0x1;
	[dreg:$0x2] =	wrdreg s3  }
0xa9: {  	[dreg:$0x3] =	wrdreg s5  }
0xaa: {  	[dreg:$0x4] =	wrdreg $0xC0  }
0xab: {  	_ =	task [dreg:s7], $0x5FFFF  }
0xac: {  	[dreg:$0x1] =	wrdreg $0xFFFFFFFF  }
0xad: {  	[dreg:$0x0] =	wrdreg $0x60  }
0xae: {  	[dreg:$0x2] =	wrdreg s2  }
0xaf: {  	[dreg:$0x3] =	wrdreg s24  }
0xb0: {  	[dreg:$0x4] =	wrdreg $0x9  }
0xb1: {  	_ =	task.clear_ibuf [dreg:s7], $0x5FFFF;
	_ =	strace $0x90000046  }
0xb2: {  	s29 =	simm.s32 $0x9;
	_ =	strace $0x80000048  }
0xb3: {  	_ =	swait.ge [sflag:s29], $0x1  }
0xb4: {  	[sflag:s29] =	ssyncadd.s32 $0xFFFFFFFF  }
0xb5: {  	_ =	strace $0x90000048  }
0xb6: {  	_ =	sfence  }
0xb7: {  	s30 =	sld [smem:$0x0];
	_ =	sdelay $0x2  }
0xb8: {  	s31 =	sshll.u32 s1, $0xD;
	s1 =	sshrl.u32 s1, $0x2  }
0xb9: {  	s3 =	sand.u32 $0x4000, s31;
	s1 =	sadd.s32 s1, s30  }
0xba: {  	s0 =	sor.u32 s3, s0;
	s1 =	sshll.u32 s1, $0x11  }
0xbb: {  	s0 =	sor.u32 s1, s0  }
0xbc: {  	s0 =	sadd.s32 $0x8F2B, s0  }
0xbd: {  	[sflag:s0] =	ssyncadd.remote.s32 $0x1  }
0xbe: {  	_ =	sfence.sel $0xFFFF  }
0xbf: {  	[dreg:$0x0] =	wrdreg $0xFFFFFFFF;
	(pc) =	sbr.abs _section_cstart, $3  }
0xc0: {  	[dreg:$0x1] =	wrdreg $0xFFFFFFFF  }
0xc1: {  	_ =	task.clear_ibuf [dreg:s7], $0x2FFFF;
	_ =	strace $0x9FFFFFFF  }
0xc2: {  	(tm) =	ssettm $0x7FFFFFFF  }
0xc3: {  	_ =	shalt  }
tec
execute0_lowered:
.L_overlay_start_1:
0x0: {  	(tag) =	ssettag $0x1  }
0x1: {  	s2 =	rddreg [dreg:$0x0];
	s3 =	stileid.u32  }
0x2: {  	s1 =	rddreg [dreg:$0x1];
	s4 =	sshll.u32 s3, $0x1;
	s3 =	simm.s32 $0x0  }
0x3: {  	s9 =	sadd.s32 $0x7700, s1;
	[smem:$0x7FF] =	sst s3  }
0x4: {  	s10 =	sadd.s32 $0xA480, s1;
	_ =	strace $0x80000047;
	[dreg:$0x5] =	wrdreg s9  }
0x5: {  	s11 =	sadd.s32 $0xD200, s1;
	[dreg:$0x6] =	wrdreg s10  }
0x6: {  	s12 =	sadd.s32 $0xFF80, s1;
	[dreg:$0x7] =	wrdreg s11  }
0x7: {  	s13 =	sadd.s32 $0x12D00, s1;
	[dreg:$0x8] =	wrdreg s12  }
0x8: {  	s14 =	sadd.s32 $0x15A80, s1;
	[dreg:$0x9] =	wrdreg s13  }
0x9: {  	s15 =	sadd.s32 $0x18800, s1;
	[dreg:$0xa] =	wrdreg s14  }
0xa: {  	s16 =	sadd.s32 $0x1B580, s1;
	[dreg:$0xb] =	wrdreg s15  }
0xb: {  	s17 =	sadd.s32 $0x1E300, s1;
	[dreg:$0xc] =	wrdreg s16  }
0xc: {  	s18 =	sadd.s32 $0x21080, s1;
	[dreg:$0xd] =	wrdreg s17  }
0xd: {  	s19 =	sadd.s32 $0x23E00, s1;
	[dreg:$0xe] =	wrdreg s18  }
0xe: {  	s20 =	sadd.s32 $0x26B80, s1;
	[dreg:$0xf] =	wrdreg s19  }
0xf: {  	s21 =	sadd.s32 $0x29900, s1;
	[dreg:$0x10] =	wrdreg s20  }
0x10: {  	s22 =	sadd.s32 $0x2C680, s1;
	[dreg:$0x11] =	wrdreg s21  }
0x11: {  	s23 =	sadd.s32 $0x2F400, s1;
	[dreg:$0x12] =	wrdreg s22  }
0x12: {  	s24 =	sadd.s32 $0x32180, s1;
	[dreg:$0x13] =	wrdreg s23  }
0x13: {  	s25 =	sadd.s32 $0x34F00, s1;
	[dreg:$0x14] =	wrdreg s24  }
0x14: {  	s26 =	sadd.s32 $0x37C80, s1;
	[dreg:$0x15] =	wrdreg s25  }
0x15: {  	s28 =	sadd.s32 $0x3AA00, s1;
	[dreg:$0x16] =	wrdreg s26  }
0x16: {  	s29 =	sadd.s32 $0x3D780, s1;
	[dreg:$0x17] =	wrdreg s28  }
0x17: {  	s30 =	sadd.s32 $0x40500, s1;
	[dreg:$0x18] =	wrdreg s29  }
0x18: {  	s31 =	sadd.s32 $0x43280, s1;
	[dreg:$0x19] =	wrdreg s30  }
0x19: {  	[dreg:$0x1a] =	wrdreg s31;
	s9 =	sadd.s32 $0x48D80, s1  }
0x1a: {  	s10 =	sadd.s32 $0x4BB00, s1;
	[dreg:$0x1c] =	wrdreg s9  }
0x1b: {  	s11 =	sadd.s32 $0x4E880, s1;
	[dreg:$0x1d] =	wrdreg s10  }
0x1c: {  	s12 =	sadd.s32 $0x51600, s1;
	[dreg:$0x1e] =	wrdreg s11  }
0x1d: {  	s13 =	sadd.s32 $0x54380, s1;
	[dreg:$0x1f] =	wrdreg s12  }
0x1e: {  	s14 =	sadd.s32 $0x57100, s1;
	[smem:$0x7EA] =	sst s13  }
0x1f: {  	s15 =	sadd.s32 $0x59E80, s1;
	[smem:$0x7EB] =	sst s14  }
0x20: {  	s16 =	sadd.s32 $0x5CC00, s1;
	[smem:$0x7EC] =	sst s15  }
0x21: {  	s17 =	sadd.s32 $0x5F980, s1;
	[smem:$0x7ED] =	sst s16  }
0x22: {  	s18 =	sadd.s32 $0x62700, s1;
	[smem:$0x7EE] =	sst s17  }
0x23: {  	s19 =	sadd.s32 $0x65480, s1;
	[smem:$0x7EF] =	sst s18  }
0x24: {  	s20 =	sadd.s32 $0x68200, s1;
	[smem:$0x7F0] =	sst s19  }
0x25: {  	s21 =	sadd.s32 $0x6AF80, s1;
	[smem:$0x7F1] =	sst s20  }
0x26: {  	s22 =	sadd.s32 $0x6DD00, s1;
	[smem:$0x7F2] =	sst s21  }
0x27: {  	s0 =	srdreg.scid;
	s23 =	sadd.s32 $0x70A80, s1;
	[smem:$0x7F3] =	sst s22  }
0x28: {  	s0 =	sand.u32 $0x1, s0;
	s24 =	sadd.s32 $0x73800, s1;
	[smem:$0x7F4] =	sst s23  }
0x29: {  	s5 =	sadd.s32 $0x1C00, s1;
	s25 =	sadd.s32 $0x76580, s1;
	[smem:$0x7F5] =	sst s24  }
0x2a: {  	s6 =	sadd.s32 $0x8A400, s1;
	s26 =	sadd.s32 $0x79300, s1;
	[smem:$0x7F6] =	sst s25  }
0x2b: {  	s4 =	sor.u32 s0, s4;
	s28 =	sadd.s32 $0x7C080, s1;
	[smem:$0x7F7] =	sst s26  }
0x2c: {  	s0 =	ssub.s32 $0x2, s0;
	s29 =	sadd.s32 $0x7EE00, s1;
	[smem:$0x7F8] =	sst s28  }
0x2d: {  	s7 =	smul.u32 $0xC8, s4;
	s30 =	sadd.s32 $0x81B80, s1;
	[smem:$0x7F9] =	sst s29  }
0x2e: {  	s8 =	sshrl.u32 s0, $0x1;
	s31 =	sadd.s32 $0x84900, s1;
	[smem:$0x7FA] =	sst s30  }
0x2f: {  	s0 =	ssub.s32 s0, s8;
	s8 =	sadd.s32 $0x4980, s1;
	[smem:$0x7FB] =	sst s31  }
0x30: {  	s10 =	simm.s32 $0x80;
	s11 =	simm.s32 $0x1A680;
	s17 =	simm.s32 $0x1AD00  }
0x31: {  	s24 =	simm.s32 $0x1B380;
	s12 =	simm.s32 $0x1BA00;
	s21 =	simm.s32 $0x1C080  }
0x32: {  	s22 =	simm.s32 $0x1C6C0;
	s7 =	sadd.s32 s2, s7;
	[dreg:$0x4] =	wrdreg s8  }
.Ltmp0:
0x33: {  	s8 =	sadd.s32 $0x46000, s1;
	[dreg:$0x3] =	wrdreg s7;
	(pc) =	sbr.rel .LBB2_1-.Ltmp0, $4  }
0x34: {  	s23 =	simm.s32 $0x1CD00;
	s1 =	sadd.s32 $0x87680, s1;
	[dreg:$0x1b] =	wrdreg s8  }
0x35: {  	s25 =	simm.s32 $0x1D340;
	s0 =	smax.u32 s0, $0x1;
	[smem:$0x7FC] =	sst s1  }
0x36: {  	s26 =	simm.s32 $0x0;
	[smem:$0x7FD] =	sst s0;
	s1 =	simm.s32 $0xC80  }
0x37: {  	v0 =	vimm.s32 $0x0;
	s0 =	simm.s32 $0x1;
	s7 =	simm.s32 $0x3;
	s8 =	simm.s32 $0x640  }
.LBB2_17:
0x38: {  	s9 =	sld [smem:$0x7FD];
	_ =	sdelay $0x1  }
0x39: {  	s26 =	sadd.s32 $0x1, s26  }
0x3a: {  	p0 =	sne.s32 s26, s9  }
.Ltmp1:
0x3b: {  	_ = 	snop;
	(pc) =	sbr.rel @!p0 .LBB2_18-.Ltmp1, $1  }
0x3c: {  	_ =	sdelay $0x3  }
.LBB2_1:
0x3d: {  	[tilespmem:$0x192C0] =	vst v0  }
0x3e: {  	[tilespmem:$0x19940] =	vst v0  }
0x3f: {  	[tilespmem:$0x19FC0] =	vst v0  }
0x40: {  	[tilespmem:$0x1A640] =	vst v0  }
0x41: {  	[tilespmem:$0x192D0] =	vst v0  }
0x42: {  	[tilespmem:$0x19950] =	vst v0  }
0x43: {  	[tilespmem:$0x19FD0] =	vst v0  }
0x44: {  	[tilespmem:$0x1A650] =	vst v0  }
0x45: {  	[tilespmem:$0x192E0] =	vst v0  }
0x46: {  	[tilespmem:$0x19960] =	vst v0  }
0x47: {  	[tilespmem:$0x19FE0] =	vst v0  }
0x48: {  	[tilespmem:$0x1A660] =	vst v0  }
0x49: {  	[tilespmem:$0x192F0] =	vst v0  }
0x4a: {  	[tilespmem:$0x19970] =	vst v0  }
0x4b: {  	[tilespmem:$0x19FF0] =	vst v0  }
0x4c: {  	[tilespmem:$0x1A670] =	vst v0;
	s9 =	rddreg [dreg:$0x3];
	s30 =	simm.s32 $0x2  }
0x4d: {  	[tilespmem:s3], [sflag:$0x2] =	stream.linear.gather [hbm4b:s9+s3], $0x640, $0x38;
	[tilespmem:$0x1D980] =	vst v63  }
0x4e: {  	_ =	swait.ge [sflag:s30], $0x640  }
0x4f: {  	[sflag:s30] =	ssyncset.done $0x0  }
0x50: {  	s31 =	simm.s32 $0x20;
	[sflag:s30] =	ssyncadd.s32 $0xFFFFF9C0  }
0x51: {  	v1 =	vld [tilespmem:s31+$0xFFFFFFE0];
	_ =	sdelay $0x1  }
0x52: {  	v2 =	vld [tilespmem:s31+$0xFFFFFFF0];
	_ =	sdelay $0x1  }
0x53: {  	v3 =	vld [tilespmem:s31+$0x0]  }
0x54: {  	v4 =	vld [tilespmem:s31+$0x10];
	v1 =	vsub.f32 $9.000000000e+01, v1;
	_ =	sdelay $0x1  }
0x55: {  	v2 =	vsub.f32 $9.000000000e+01, v2;
	v1 =	vmul.f32 $4.000000000e+00, v1  }
0x56: {  	s13 =	simm.s32 $0x60  }
0x57: {  	v5 =	vld [tilespmem:s13+$0xFFFFFFF0];
	v2 =	vmul.f32 $4.000000000e+00, v2;
	v1 =	vadd.f32 $1.258291200e+07, v1  }
0x58: {  	v3 =	vsub.f32 $9.000000000e+01, v3;
	v4 =	vsub.f32 $9.000000000e+01, v4  }
0x59: {  	v2 =	vadd.f32 $1.258291200e+07, v2;
	v1 =	vadd.f32 $-1.258291200e+07, v1  }
0x5a: {  	v3 =	vmul.f32 $4.000000000e+00, v3  }
0x5b: {  	v4 =	vmul.f32 $4.000000000e+00, v4;
	v2 =	vadd.f32 $-1.258291200e+07, v2;
	v8 =	vmax.f32 v1, $0.0e+00  }
0x5c: {  	v3 =	vadd.f32 $1.258291200e+07, v3;
	v1 =	vsub.f32 $9.000000000e+01, v5;
	v5 =	vmin.f32 v8, $7.200000000e+02  }
0x5d: {  	v6 =	vld [tilespmem:s13+$0xFFFFFFE0];
	v4 =	vadd.f32 $1.258291200e+07, v4;
	v2 =	vmax.f32 v2, $0.0e+00;
	v5 =	vtrunc.f32 v5  }
0x5e: {  	v3 =	vadd.f32 $-1.258291200e+07, v3;
	v2 =	vmin.f32 v2, $7.200000000e+02;
	v5 =	vcvt.f32.s32 v5  }
0x5f: {  	v7 =	vimm.s32 $0x2D0;
	v4 =	vadd.f32 $-1.258291200e+07, v4;
	v2 =	vtrunc.f32 v2  }
0x60: {  	v3 =	vmax.f32 v3, $0.0e+00;
	v9 =	vcvt.f32.s32 v2;
	vm0 =	vlt.s32 v7, v5  }
0x61: {  	v4 =	vmax.f32 v4, $0.0e+00;
	v8 =	vld [tilespmem:s13+$0x0];
	v2 =	vmin.f32 v3, $7.200000000e+02;
	v3 =	vsel vm0, v7, v5  }
0x62: {  	v6 =	vsub.f32 $9.000000000e+01, v6;
	v4 =	vmin.f32 v4, $7.200000000e+02;
	vm0 =	vlt.s32 v3, v9  }
0x63: {  	v2 =	vtrunc.f32 v2;
	v5 =	vsel vm0, v3, v9;
	v3 =	vtrunc.f32 v4;
	v4 =	vld [tilespmem:s13+$0x10]  }
0x64: {  	v2 =	vcvt.f32.s32 v2  }
0x65: {  	v6 =	vmul.f32 $4.000000000e+00, v6  }
0x66: {  	s9 =	simm.s32 $0x40;
	v7 =	vsub.f32 $9.000000000e+01, v8;
	s13 =	simm.s32 $0xA0;
	vm0 =	vlt.s32 v5, v2;
	v3 =	vcvt.f32.s32 v3  }
.LBB2_2:
0x67: {  	v8 =	vld [tilespmem:s13+$0xFFFFFFF0];
	v6 =	vadd.f32 $1.258291200e+07, v6;
	v1 =	vmul.f32 $4.000000000e+00, v1;
	v2 =	vsel vm0, v5, v2  }
0x68: {  	v5 =	vmul.f32 $4.000000000e+00, v7;
	v4 =	vsub.f32 $9.000000000e+01, v4;
	vm0 =	vlt.s32 v2, v3  }
0x69: {  	v7 =	vld [tilespmem:s13+$0xFFFFFFE0];
	v6 =	vadd.f32 $-1.258291200e+07, v6;
	v1 =	vadd.f32 $1.258291200e+07, v1;
	v2 =	vsel vm0, v2, v3  }
0x6a: {  	v3 =	vmul.f32 $4.000000000e+00, v4  }
0x6b: {  	v5 =	vadd.f32 $1.258291200e+07, v5;
	v4 =	vmax.f32 v6, $0.0e+00;
	v6 =	vadd.f32 $-1.258291200e+07, v1  }
0x6c: {  	s9 =	sadd.s32 $0x40, s9;
	v1 =	vsub.f32 $9.000000000e+01, v8;
	v4 =	vmin.f32 v4, $7.200000000e+02;
	v3 =	vadd.f32 $1.258291200e+07, v3  }
0x6d: {  	p0 =	slt.u32 s9, $0x600;
	v5 =	vadd.f32 $-1.258291200e+07, v5;
	v4 =	vtrunc.f32 v4;
	v6 =	vmax.f32 v6, $0.0e+00  }
0x6e: {  	v7 =	vsub.f32 $9.000000000e+01, v7;
	v8 =	vcvt.f32.s32 v4;
	v4 =	vmin.f32 v6, $7.200000000e+02  }
0x6f: {  	v5 =	vmax.f32 v5, $0.0e+00;
	v3 =	vadd.f32 $-1.258291200e+07, v3;
	v9 =	vld [tilespmem:s13+$0x0];
	v4 =	vtrunc.f32 v4  }
.Ltmp2:
0x70: {  	v5 =	vmin.f32 v5, $7.200000000e+02;
	vm0 =	vlt.s32 v2, v8;
	v10 =	vcvt.f32.s32 v4;
	(pc) =	sbr.rel @p0 .LBB2_2-.Ltmp2, $4  }
0x71: {  	v3 =	vmax.f32 v3, $0.0e+00;
	v4 =	vld [tilespmem:s13+$0x10];
	v8 =	vsel vm0, v2, v8;
	v2 =	vtrunc.f32 v5  }
0x72: {  	v3 =	vmin.f32 v3, $7.200000000e+02;
	vm0 =	vlt.s32 v8, v10;
	v2 =	vcvt.f32.s32 v2  }
0x73: {  	v6 =	vmul.f32 $4.000000000e+00, v7;
	v3 =	vtrunc.f32 v3;
	v5 =	vsel vm0, v8, v10  }
0x74: {  	s13 =	sadd.s32 $0x40, s13;
	v3 =	vcvt.f32.s32 v3;
	v7 =	vsub.f32 $9.000000000e+01, v9;
	vm0 =	vlt.s32 v5, v2  }
0x75: {  	v6 =	vadd.f32 $1.258291200e+07, v6;
	v1 =	vmul.f32 $4.000000000e+00, v1  }
0x76: {  	v4 =	vsub.f32 $9.000000000e+01, v4  }
0x77: {  	v7 =	vmul.f32 $4.000000000e+00, v7;
	v6 =	vadd.f32 $-1.258291200e+07, v6;
	v1 =	vadd.f32 $1.258291200e+07, v1  }
0x78: {  	v2 =	vsel vm0, v5, v2;
	v4 =	vmul.f32 $4.000000000e+00, v4  }
0x79: {  	v62 =	vadd.f32 $1.258291200e+07, v7;
	v61 =	vmax.f32 v6, $0.0e+00;
	v1 =	vadd.f32 $-1.258291200e+07, v1  }
0x7a: {  	vm0 =	vlt.s32 v2, v3;
	v5 =	vmin.f32 v61, $7.200000000e+02;
	v4 =	vadd.f32 $1.258291200e+07, v4  }
0x7b: {  	v6 =	vadd.f32 $-1.258291200e+07, v62;
	v5 =	vtrunc.f32 v5;
	v1 =	vmax.f32 v1, $0.0e+00  }
0x7c: {  	v2 =	vsel vm0, v2, v3;
	v3 =	vcvt.f32.s32 v5;
	v1 =	vmin.f32 v1, $7.200000000e+02  }
0x7d: {  	v63 =	vmax.f32 v6, $0.0e+00;
	v4 =	vadd.f32 $-1.258291200e+07, v4;
	v1 =	vtrunc.f32 v1  }
0x7e: {  	v5 =	vmin.f32 v63, $7.200000000e+02;
	vm0 =	vlt.s32 v2, v3;
	v1 =	vcvt.f32.s32 v1  }
0x7f: {  	v4 =	vmax.f32 v4, $0.0e+00;
	v2 =	vsel vm0, v2, v3;
	v3 =	vtrunc.f32 v5  }
0x80: {  	v4 =	vmin.f32 v4, $7.200000000e+02;
	vm0 =	vlt.s32 v2, v1;
	v3 =	vcvt.f32.s32 v3  }
0x81: {  	v1 =	vsel vm0, v2, v1;
	v2 =	vtrunc.f32 v4  }
0x82: {  	vm0 =	vlt.s32 v1, v3;
	v2 =	vcvt.f32.s32 v2  }
0x83: {  	v1 =	vsel vm0, v1, v3  }
0x84: {  	vm0 =	vlt.s32 v1, v2  }
0x85: {  	v1 =	vsel vm0, v1, v2  }
0x86: {  	v1 =	vxor.u32 $0x80000000, v1  }
0x87: {  	(xrf0) =	vmin.scan.msk.u32 $0xffff, v1;
	_ =	sdelay $0x5  }
0x88: {  	v1, _, _ =	vpop (xrf0)  }
0x89: {  	(v2sf) =	vpush v1, $0xF;
	_ =	sdelay $0xe  }
0x8a: {  	s9 =	spop (v2sf)  }
0x8b: {  	s9 =	sadd.s32 $0x7FFFFFFB, s9  }
0x8c: {  	p0 =	sgt.s32 s9, $0x0  }
0x8d: {  	s9 =	simm.s32 @!p0 $0x0  }
0x8e: {  	s28 =	smin.u32 s9, $0x2C1  }
0x8f: {  	s19 =	rddreg [dreg:$0x4];
	s9 =	sshll.u32 s28, $0x4  }
0x90: {  	s29 =	simm.s32 $0x0;
	s20 =	rddreg [dreg:$0x5];
	s13 =	sadd.s32 s5, s9  }
0x91: {  	[tilespmem:s1], [sflag:$0x1] =	stream.linear.gather [hbm4b:s13+s29], $0x800, $0x38;
	[tilespmem:$0x1D980] =	vst v63  }
0x92: {  	s14 =	simm.s32 $0x1480;
	s15 =	rddreg [dreg:$0x6];
	s13 =	sadd.s32 s9, s19  }
0x93: {  	[tilespmem:s14], [sflag:$0x1] =	stream.linear.gather [hbm4b:s13+s29], $0x800, $0x38;
	[tilespmem:$0x1D980] =	vst v63  }
0x94: {  	s31 =	simm.s32 $0x1C80;
	s18 =	rddreg [dreg:$0x7];
	s13 =	sadd.s32 s9, s20  }
0x95: {  	[tilespmem:s31], [sflag:$0x1] =	stream.linear.gather [hbm4b:s13+s29], $0x800, $0x38;
	[tilespmem:$0x1D980] =	vst v63  }
0x96: {  	s16 =	simm.s32 $0x2480;
	s20 =	rddreg [dreg:$0x8];
	s13 =	sadd.s32 s9, s15  }
0x97: {  	[tilespmem:s16], [sflag:$0x1] =	stream.linear.gather [hbm4b:s13+s29], $0x800, $0x38;
	[tilespmem:$0x1D980] =	vst v63  }
0x98: {  	s19 =	simm.s32 $0x2C80;
	s15 =	rddreg [dreg:$0x9];
	s13 =	sadd.s32 s9, s18  }
0x99: {  	[tilespmem:s19], [sflag:$0x1] =	stream.linear.gather [hbm4b:s13+s29], $0x800, $0x38;
	[tilespmem:$0x1D980] =	vst v63  }
0x9a: {  	s31 =	simm.s32 $0x3480;
	s18 =	rddreg [dreg:$0xa];
	s13 =	sadd.s32 s9, s20  }
0x9b: {  	[tilespmem:s31], [sflag:$0x1] =	stream.linear.gather [hbm4b:s13+s29], $0x800, $0x38;
	[tilespmem:$0x1D980] =	vst v63  }
0x9c: {  	s16 =	simm.s32 $0x3C80;
	s20 =	rddreg [dreg:$0xb];
	s13 =	sadd.s32 s9, s15  }
0x9d: {  	[tilespmem:s16], [sflag:$0x1] =	stream.linear.gather [hbm4b:s13+s29], $0x800, $0x38;
	[tilespmem:$0x1D980] =	vst v63  }
0x9e: {  	s19 =	simm.s32 $0x4480;
	s15 =	rddreg [dreg:$0xc];
	s13 =	sadd.s32 s9, s18  }
0x9f: {  	[tilespmem:s19], [sflag:$0x1] =	stream.linear.gather [hbm4b:s13+s29], $0x800, $0x38;
	[tilespmem:$0x1D980] =	vst v63  }
0xa0: {  	s31 =	simm.s32 $0x4C80;
	s18 =	rddreg [dreg:$0xd];
	s13 =	sadd.s32 s9, s20  }
0xa1: {  	[tilespmem:s31], [sflag:$0x1] =	stream.linear.gather [hbm4b:s13+s29], $0x800, $0x38;
	[tilespmem:$0x1D980] =	vst v63  }
0xa2: {  	s16 =	simm.s32 $0x5480;
	s20 =	rddreg [dreg:$0xe];
	s13 =	sadd.s32 s9, s15  }
0xa3: {  	[tilespmem:s16], [sflag:$0x1] =	stream.linear.gather [hbm4b:s13+s29], $0x800, $0x38;
	[tilespmem:$0x1D980] =	vst v63  }
0xa4: {  	s19 =	simm.s32 $0x5C80;
	s15 =	rddreg [dreg:$0xf];
	s13 =	sadd.s32 s9, s18  }
0xa5: {  	[tilespmem:s19], [sflag:$0x1] =	stream.linear.gather [hbm4b:s13+s29], $0x800, $0x38;
	[tilespmem:$0x1D980] =	vst v63  }
0xa6: {  	s31 =	simm.s32 $0x6480;
	s18 =	rddreg [dreg:$0x10];
	s13 =	sadd.s32 s9, s20  }
0xa7: {  	[tilespmem:s31], [sflag:$0x1] =	stream.linear.gather [hbm4b:s13+s29], $0x800, $0x38;
	[tilespmem:$0x1D980] =	vst v63  }
0xa8: {  	s16 =	simm.s32 $0x6C80;
	s20 =	rddreg [dreg:$0x11];
	s13 =	sadd.s32 s9, s15  }
0xa9: {  	[tilespmem:s16], [sflag:$0x1] =	stream.linear.gather [hbm4b:s13+s29], $0x800, $0x38;
	[tilespmem:$0x1D980] =	vst v63  }
0xaa: {  	s19 =	simm.s32 $0x7480;
	s15 =	rddreg [dreg:$0x12];
	s13 =	sadd.s32 s9, s18  }
0xab: {  	[tilespmem:s19], [sflag:$0x1] =	stream.linear.gather [hbm4b:s13+s29], $0x800, $0x38;
	[tilespmem:$0x1D980] =	vst v63  }
0xac: {  	s31 =	simm.s32 $0x7C80;
	s18 =	rddreg [dreg:$0x13];
	s13 =	sadd.s32 s9, s20  }
0xad: {  	[tilespmem:s31], [sflag:$0x1] =	stream.linear.gather [hbm4b:s13+s29], $0x800, $0x38;
	[tilespmem:$0x1D980] =	vst v63  }
0xae: {  	s16 =	simm.s32 $0x8480;
	s20 =	rddreg [dreg:$0x14];
	s13 =	sadd.s32 s9, s15  }
0xaf: {  	[tilespmem:s16], [sflag:$0x1] =	stream.linear.gather [hbm4b:s13+s29], $0x800, $0x38;
	[tilespmem:$0x1D980] =	vst v63  }
0xb0: {  	s19 =	simm.s32 $0x8C80;
	s15 =	rddreg [dreg:$0x15];
	s13 =	sadd.s32 s9, s18  }
0xb1: {  	[tilespmem:s19], [sflag:$0x1] =	stream.linear.gather [hbm4b:s13+s29], $0x800, $0x38;
	[tilespmem:$0x1D980] =	vst v63  }
0xb2: {  	s31 =	simm.s32 $0x9480;
	s18 =	rddreg [dreg:$0x16];
	s13 =	sadd.s32 s9, s20  }
0xb3: {  	[tilespmem:s31], [sflag:$0x1] =	stream.linear.gather [hbm4b:s13+s29], $0x800, $0x38;
	[tilespmem:$0x1D980] =	vst v63  }
0xb4: {  	s16 =	simm.s32 $0x9C80;
	s20 =	rddreg [dreg:$0x17];
	s13 =	sadd.s32 s9, s15  }
0xb5: {  	[tilespmem:s16], [sflag:$0x1] =	stream.linear.gather [hbm4b:s13+s29], $0x800, $0x38;
	[tilespmem:$0x1D980] =	vst v63  }
0xb6: {  	s19 =	simm.s32 $0xA480;
	s15 =	rddreg [dreg:$0x18];
	s13 =	sadd.s32 s9, s18  }
0xb7: {  	[tilespmem:s19], [sflag:$0x1] =	stream.linear.gather [hbm4b:s13+s29], $0x800, $0x38;
	[tilespmem:$0x1D980] =	vst v63  }
0xb8: {  	s31 =	simm.s32 $0xAC80;
	s18 =	rddreg [dreg:$0x19];
	s13 =	sadd.s32 s9, s20  }
0xb9: {  	[tilespmem:s31], [sflag:$0x1] =	stream.linear.gather [hbm4b:s13+s29], $0x800, $0x38;
	[tilespmem:$0x1D980] =	vst v63  }
0xba: {  	s16 =	simm.s32 $0xB480;
	s20 =	rddreg [dreg:$0x1a];
	s13 =	sadd.s32 s9, s15  }
0xbb: {  	[tilespmem:s16], [sflag:$0x1] =	stream.linear.gather [hbm4b:s13+s29], $0x800, $0x38;
	[tilespmem:$0x1D980] =	vst v63  }
0xbc: {  	s19 =	simm.s32 $0xBC80;
	s15 =	rddreg [dreg:$0x1b];
	s13 =	sadd.s32 s9, s18  }
0xbd: {  	[tilespmem:s19], [sflag:$0x1] =	stream.linear.gather [hbm4b:s13+s29], $0x800, $0x38;
	[tilespmem:$0x1D980] =	vst v63  }
0xbe: {  	s31 =	simm.s32 $0xC480;
	s18 =	rddreg [dreg:$0x1c];
	s13 =	sadd.s32 s9, s20  }
0xbf: {  	[tilespmem:s31], [sflag:$0x1] =	stream.linear.gather [hbm4b:s13+s29], $0x800, $0x38;
	[tilespmem:$0x1D980] =	vst v63  }
0xc0: {  	s16 =	simm.s32 $0xCC80;
	s20 =	rddreg [dreg:$0x1d];
	s13 =	sadd.s32 s9, s15  }
0xc1: {  	[tilespmem:s16], [sflag:$0x1] =	stream.linear.gather [hbm4b:s13+s29], $0x800, $0x38;
	[tilespmem:$0x1D980] =	vst v63  }
0xc2: {  	s19 =	simm.s32 $0xD480;
	s15 =	rddreg [dreg:$0x1e];
	s13 =	sadd.s32 s9, s18  }
0xc3: {  	[tilespmem:s19], [sflag:$0x1] =	stream.linear.gather [hbm4b:s13+s29], $0x800, $0x38;
	[tilespmem:$0x1D980] =	vst v63  }
0xc4: {  	s31 =	simm.s32 $0xDC80;
	s18 =	rddreg [dreg:$0x1f];
	s13 =	sadd.s32 s9, s20  }
0xc5: {  	[tilespmem:s31], [sflag:$0x1] =	stream.linear.gather [hbm4b:s13+s29], $0x800, $0x38;
	[tilespmem:$0x1D980] =	vst v63  }
0xc6: {  	s16 =	simm.s32 $0xE480;
	s20 =	sld [smem:$0x7EA];
	s13 =	sadd.s32 s9, s15  }
0xc7: {  	[tilespmem:s16], [sflag:$0x1] =	stream.linear.gather [hbm4b:s13+s29], $0x800, $0x38;
	[tilespmem:$0x1D980] =	vst v63  }
0xc8: {  	s19 =	simm.s32 $0xEC80;
	s15 =	sld [smem:$0x7EB];
	s13 =	sadd.s32 s9, s18  }
0xc9: {  	[tilespmem:s19], [sflag:$0x1] =	stream.linear.gather [hbm4b:s13+s29], $0x800, $0x38;
	[tilespmem:$0x1D980] =	vst v63  }
0xca: {  	s31 =	simm.s32 $0xF480;
	s18 =	sld [smem:$0x7EC];
	s13 =	sadd.s32 s9, s20  }
0xcb: {  	[tilespmem:s31], [sflag:$0x1] =	stream.linear.gather [hbm4b:s13+s29], $0x800, $0x38;
	[tilespmem:$0x1D980] =	vst v63  }
0xcc: {  	s16 =	simm.s32 $0xFC80;
	s20 =	sld [smem:$0x7ED];
	s13 =	sadd.s32 s9, s15  }
0xcd: {  	[tilespmem:s16], [sflag:$0x1] =	stream.linear.gather [hbm4b:s13+s29], $0x800, $0x38;
	[tilespmem:$0x1D980] =	vst v63  }
0xce: {  	s19 =	simm.s32 $0x10480;
	s15 =	sld [smem:$0x7EE];
	s13 =	sadd.s32 s9, s18  }
0xcf: {  	[tilespmem:s19], [sflag:$0x1] =	stream.linear.gather [hbm4b:s13+s29], $0x800, $0x38;
	[tilespmem:$0x1D980] =	vst v63  }
0xd0: {  	s31 =	simm.s32 $0x10C80;
	s18 =	sld [smem:$0x7EF];
	s13 =	sadd.s32 s9, s20  }
0xd1: {  	[tilespmem:s31], [sflag:$0x1] =	stream.linear.gather [hbm4b:s13+s29], $0x800, $0x38;
	[tilespmem:$0x1D980] =	vst v63  }
0xd2: {  	s16 =	simm.s32 $0x11480;
	s20 =	sld [smem:$0x7F0];
	s13 =	sadd.s32 s9, s15  }
0xd3: {  	[tilespmem:s16], [sflag:$0x1] =	stream.linear.gather [hbm4b:s13+s29], $0x800, $0x38;
	[tilespmem:$0x1D980] =	vst v63  }
0xd4: {  	s19 =	simm.s32 $0x11C80;
	s15 =	sld [smem:$0x7F1];
	s13 =	sadd.s32 s9, s18  }
0xd5: {  	[tilespmem:s19], [sflag:$0x1] =	stream.linear.gather [hbm4b:s13+s29], $0x800, $0x38;
	[tilespmem:$0x1D980] =	vst v63  }
0xd6: {  	s31 =	simm.s32 $0x12480;
	s18 =	sld [smem:$0x7F2];
	s13 =	sadd.s32 s9, s20  }
0xd7: {  	[tilespmem:s31], [sflag:$0x1] =	stream.linear.gather [hbm4b:s13+s29], $0x800, $0x38;
	[tilespmem:$0x1D980] =	vst v63  }
0xd8: {  	s16 =	simm.s32 $0x12C80;
	s20 =	sld [smem:$0x7F3];
	s13 =	sadd.s32 s9, s15  }
0xd9: {  	[tilespmem:s16], [sflag:$0x1] =	stream.linear.gather [hbm4b:s13+s29], $0x800, $0x38;
	[tilespmem:$0x1D980] =	vst v63  }
0xda: {  	s19 =	simm.s32 $0x13480;
	s15 =	sld [smem:$0x7F4];
	s13 =	sadd.s32 s9, s18  }
0xdb: {  	[tilespmem:s19], [sflag:$0x1] =	stream.linear.gather [hbm4b:s13+s29], $0x800, $0x38;
	[tilespmem:$0x1D980] =	vst v63  }
0xdc: {  	s31 =	simm.s32 $0x13C80;
	s18 =	sld [smem:$0x7F5];
	s13 =	sadd.s32 s9, s20  }
0xdd: {  	[tilespmem:s31], [sflag:$0x1] =	stream.linear.gather [hbm4b:s13+s29], $0x800, $0x38;
	[tilespmem:$0x1D980] =	vst v63  }
0xde: {  	s16 =	simm.s32 $0x14480;
	s20 =	sld [smem:$0x7F6];
	s13 =	sadd.s32 s9, s15  }
0xdf: {  	[tilespmem:s16], [sflag:$0x1] =	stream.linear.gather [hbm4b:s13+s29], $0x800, $0x38;
	[tilespmem:$0x1D980] =	vst v63  }
0xe0: {  	s19 =	simm.s32 $0x14C80;
	s15 =	sld [smem:$0x7F7];
	s13 =	sadd.s32 s9, s18  }
0xe1: {  	[tilespmem:s19], [sflag:$0x1] =	stream.linear.gather [hbm4b:s13+s29], $0x800, $0x38;
	[tilespmem:$0x1D980] =	vst v63  }
0xe2: {  	s31 =	simm.s32 $0x15480;
	s18 =	sld [smem:$0x7F8];
	s13 =	sadd.s32 s9, s20  }
0xe3: {  	[tilespmem:s31], [sflag:$0x1] =	stream.linear.gather [hbm4b:s13+s29], $0x800, $0x38;
	[tilespmem:$0x1D980] =	vst v63  }
0xe4: {  	s16 =	simm.s32 $0x15C80;
	s20 =	sld [smem:$0x7F9];
	s13 =	sadd.s32 s9, s15  }
0xe5: {  	[tilespmem:s16], [sflag:$0x1] =	stream.linear.gather [hbm4b:s13+s29], $0x800, $0x38;
	[tilespmem:$0x1D980] =	vst v63  }
0xe6: {  	s19 =	simm.s32 $0x16480;
	s15 =	sld [smem:$0x7FA];
	s13 =	sadd.s32 s9, s18  }
0xe7: {  	[tilespmem:s19], [sflag:$0x1] =	stream.linear.gather [hbm4b:s13+s29], $0x800, $0x38;
	[tilespmem:$0x1D980] =	vst v63  }
0xe8: {  	s31 =	simm.s32 $0x16C80;
	s18 =	sld [smem:$0x7FB];
	s13 =	sadd.s32 s9, s20  }
0xe9: {  	[tilespmem:s31], [sflag:$0x1] =	stream.linear.gather [hbm4b:s13+s29], $0x800, $0x38;
	[tilespmem:$0x1D980] =	vst v63  }
0xea: {  	s16 =	simm.s32 $0x17480;
	s20 =	sld [smem:$0x7FC];
	s13 =	sadd.s32 s9, s15  }
0xeb: {  	[tilespmem:s16], [sflag:$0x1] =	stream.linear.gather [hbm4b:s13+s29], $0x800, $0x38;
	[tilespmem:$0x1D980] =	vst v63  }
0xec: {  	s19 =	simm.s32 $0x17C80;
	s13 =	sadd.s32 s9, s18  }
0xed: {  	[tilespmem:s19], [sflag:$0x1] =	stream.linear.gather [hbm4b:s13+s29], $0x800, $0x38;
	[tilespmem:$0x1D980] =	vst v63  }
0xee: {  	s31 =	simm.s32 $0x18480;
	s9 =	sadd.s32 s9, s20  }
0xef: {  	[tilespmem:s31], [sflag:$0x1] =	stream.linear.gather [hbm4b:s9+s29], $0x800, $0x38;
	[tilespmem:$0x1D980] =	vst v63  }
0xf0: {  	_ =	swait.ge [sflag:s0], $0x800  }
0xf1: {  	[sflag:s0] =	ssyncset.done $0x0  }
0xf2: {  	[sflag:s0] =	ssyncadd.s32 $0xFFFFF800  }
0xf3: {  	_ =	swait.ge [sflag:s0], $0x800  }
0xf4: {  	[sflag:s0] =	ssyncset.done $0x0  }
0xf5: {  	[sflag:s0] =	ssyncadd.s32 $0xFFFFF800  }
0xf6: {  	_ =	swait.ge [sflag:s0], $0x800  }
0xf7: {  	[sflag:s0] =	ssyncset.done $0x0  }
0xf8: {  	[sflag:s0] =	ssyncadd.s32 $0xFFFFF800  }
0xf9: {  	_ =	swait.ge [sflag:s0], $0x800  }
0xfa: {  	[sflag:s0] =	ssyncset.done $0x0  }
0xfb: {  	[sflag:s0] =	ssyncadd.s32 $0xFFFFF800  }
0xfc: {  	_ =	swait.ge [sflag:s0], $0x800  }
0xfd: {  	[sflag:s0] =	ssyncset.done $0x0  }
0xfe: {  	[sflag:s0] =	ssyncadd.s32 $0xFFFFF800  }
0xff: {  	_ =	swait.ge [sflag:s0], $0x800  }
0x100: {  	[sflag:s0] =	ssyncset.done $0x0  }
0x101: {  	[sflag:s0] =	ssyncadd.s32 $0xFFFFF800  }
0x102: {  	_ =	swait.ge [sflag:s0], $0x800  }
0x103: {  	[sflag:s0] =	ssyncset.done $0x0  }
0x104: {  	[sflag:s0] =	ssyncadd.s32 $0xFFFFF800  }
0x105: {  	_ =	swait.ge [sflag:s0], $0x800  }
0x106: {  	[sflag:s0] =	ssyncset.done $0x0  }
0x107: {  	[sflag:s0] =	ssyncadd.s32 $0xFFFFF800  }
0x108: {  	_ =	swait.ge [sflag:s0], $0x800  }
0x109: {  	[sflag:s0] =	ssyncset.done $0x0  }
0x10a: {  	[sflag:s0] =	ssyncadd.s32 $0xFFFFF800  }
0x10b: {  	_ =	swait.ge [sflag:s0], $0x800  }
0x10c: {  	[sflag:s0] =	ssyncset.done $0x0  }
0x10d: {  	[sflag:s0] =	ssyncadd.s32 $0xFFFFF800  }
0x10e: {  	_ =	swait.ge [sflag:s0], $0x800  }
0x10f: {  	[sflag:s0] =	ssyncset.done $0x0  }
0x110: {  	[sflag:s0] =	ssyncadd.s32 $0xFFFFF800  }
0x111: {  	_ =	swait.ge [sflag:s0], $0x800  }
0x112: {  	[sflag:s0] =	ssyncset.done $0x0  }
0x113: {  	[sflag:s0] =	ssyncadd.s32 $0xFFFFF800  }
0x114: {  	_ =	swait.ge [sflag:s0], $0x800  }
0x115: {  	[sflag:s0] =	ssyncset.done $0x0  }
0x116: {  	[sflag:s0] =	ssyncadd.s32 $0xFFFFF800  }
0x117: {  	_ =	swait.ge [sflag:s0], $0x800  }
0x118: {  	[sflag:s0] =	ssyncset.done $0x0  }
0x119: {  	[sflag:s0] =	ssyncadd.s32 $0xFFFFF800  }
0x11a: {  	_ =	swait.ge [sflag:s0], $0x800  }
0x11b: {  	[sflag:s0] =	ssyncset.done $0x0  }
0x11c: {  	[sflag:s0] =	ssyncadd.s32 $0xFFFFF800  }
0x11d: {  	_ =	swait.ge [sflag:s0], $0x800  }
0x11e: {  	[sflag:s0] =	ssyncset.done $0x0  }
0x11f: {  	[sflag:s0] =	ssyncadd.s32 $0xFFFFF800  }
0x120: {  	_ =	swait.ge [sflag:s0], $0x800  }
0x121: {  	[sflag:s0] =	ssyncset.done $0x0  }
0x122: {  	[sflag:s0] =	ssyncadd.s32 $0xFFFFF800  }
0x123: {  	_ =	swait.ge [sflag:s0], $0x800  }
0x124: {  	[sflag:s0] =	ssyncset.done $0x0  }
0x125: {  	[sflag:s0] =	ssyncadd.s32 $0xFFFFF800  }
0x126: {  	_ =	swait.ge [sflag:s0], $0x800  }
0x127: {  	[sflag:s0] =	ssyncset.done $0x0  }
0x128: {  	[sflag:s0] =	ssyncadd.s32 $0xFFFFF800  }
0x129: {  	_ =	swait.ge [sflag:s0], $0x800  }
0x12a: {  	[sflag:s0] =	ssyncset.done $0x0  }
0x12b: {  	[sflag:s0] =	ssyncadd.s32 $0xFFFFF800  }
0x12c: {  	_ =	swait.ge [sflag:s0], $0x800  }
0x12d: {  	[sflag:s0] =	ssyncset.done $0x0  }
0x12e: {  	[sflag:s0] =	ssyncadd.s32 $0xFFFFF800  }
0x12f: {  	_ =	swait.ge [sflag:s0], $0x800  }
0x130: {  	[sflag:s0] =	ssyncset.done $0x0  }
0x131: {  	[sflag:s0] =	ssyncadd.s32 $0xFFFFF800  }
0x132: {  	_ =	swait.ge [sflag:s0], $0x800  }
0x133: {  	[sflag:s0] =	ssyncset.done $0x0  }
0x134: {  	[sflag:s0] =	ssyncadd.s32 $0xFFFFF800  }
0x135: {  	_ =	swait.ge [sflag:s0], $0x800  }
0x136: {  	[sflag:s0] =	ssyncset.done $0x0  }
0x137: {  	[sflag:s0] =	ssyncadd.s32 $0xFFFFF800  }
0x138: {  	_ =	swait.ge [sflag:s0], $0x800  }
0x139: {  	[sflag:s0] =	ssyncset.done $0x0  }
0x13a: {  	[sflag:s0] =	ssyncadd.s32 $0xFFFFF800  }
0x13b: {  	_ =	swait.ge [sflag:s0], $0x800  }
0x13c: {  	[sflag:s0] =	ssyncset.done $0x0  }
0x13d: {  	[sflag:s0] =	ssyncadd.s32 $0xFFFFF800  }
0x13e: {  	_ =	swait.ge [sflag:s0], $0x800  }
0x13f: {  	[sflag:s0] =	ssyncset.done $0x0  }
0x140: {  	[sflag:s0] =	ssyncadd.s32 $0xFFFFF800  }
0x141: {  	_ =	swait.ge [sflag:s0], $0x800  }
0x142: {  	[sflag:s0] =	ssyncset.done $0x0  }
0x143: {  	[sflag:s0] =	ssyncadd.s32 $0xFFFFF800  }
0x144: {  	_ =	swait.ge [sflag:s0], $0x800  }
0x145: {  	[sflag:s0] =	ssyncset.done $0x0  }
0x146: {  	[sflag:s0] =	ssyncadd.s32 $0xFFFFF800  }
0x147: {  	_ =	swait.ge [sflag:s0], $0x800  }
0x148: {  	[sflag:s0] =	ssyncset.done $0x0  }
0x149: {  	[sflag:s0] =	ssyncadd.s32 $0xFFFFF800  }
0x14a: {  	_ =	swait.ge [sflag:s0], $0x800  }
0x14b: {  	[sflag:s0] =	ssyncset.done $0x0  }
0x14c: {  	[sflag:s0] =	ssyncadd.s32 $0xFFFFF800  }
0x14d: {  	_ =	swait.ge [sflag:s0], $0x800  }
0x14e: {  	[sflag:s0] =	ssyncset.done $0x0  }
0x14f: {  	[sflag:s0] =	ssyncadd.s32 $0xFFFFF800  }
0x150: {  	_ =	swait.ge [sflag:s0], $0x800  }
0x151: {  	[sflag:s0] =	ssyncset.done $0x0  }
0x152: {  	[sflag:s0] =	ssyncadd.s32 $0xFFFFF800  }
0x153: {  	_ =	swait.ge [sflag:s0], $0x800  }
0x154: {  	[sflag:s0] =	ssyncset.done $0x0  }
0x155: {  	[sflag:s0] =	ssyncadd.s32 $0xFFFFF800  }
0x156: {  	_ =	swait.ge [sflag:s0], $0x800  }
0x157: {  	[sflag:s0] =	ssyncset.done $0x0  }
0x158: {  	[sflag:s0] =	ssyncadd.s32 $0xFFFFF800  }
0x159: {  	_ =	swait.ge [sflag:s0], $0x800  }
0x15a: {  	[sflag:s0] =	ssyncset.done $0x0  }
0x15b: {  	[sflag:s0] =	ssyncadd.s32 $0xFFFFF800  }
0x15c: {  	_ =	swait.ge [sflag:s0], $0x800  }
0x15d: {  	[sflag:s0] =	ssyncset.done $0x0  }
0x15e: {  	[sflag:s0] =	ssyncadd.s32 $0xFFFFF800  }
0x15f: {  	_ =	swait.ge [sflag:s0], $0x800  }
0x160: {  	[sflag:s0] =	ssyncset.done $0x0  }
0x161: {  	[sflag:s0] =	ssyncadd.s32 $0xFFFFF800  }
0x162: {  	_ =	swait.ge [sflag:s0], $0x800  }
0x163: {  	[sflag:s0] =	ssyncset.done $0x0  }
0x164: {  	[sflag:s0] =	ssyncadd.s32 $0xFFFFF800  }
0x165: {  	_ =	swait.ge [sflag:s0], $0x800  }
0x166: {  	[sflag:s0] =	ssyncset.done $0x0  }
0x167: {  	[sflag:s0] =	ssyncadd.s32 $0xFFFFF800  }
0x168: {  	_ =	swait.ge [sflag:s0], $0x800  }
0x169: {  	[sflag:s0] =	ssyncset.done $0x0  }
0x16a: {  	[sflag:s0] =	ssyncadd.s32 $0xFFFFF800  }
0x16b: {  	_ =	swait.ge [sflag:s0], $0x800  }
0x16c: {  	[sflag:s0] =	ssyncset.done $0x0  }
0x16d: {  	[sflag:s0] =	ssyncadd.s32 $0xFFFFF800  }
0x16e: {  	_ =	swait.ge [sflag:s0], $0x800  }
0x16f: {  	[sflag:s0] =	ssyncset.done $0x0  }
0x170: {  	[sflag:s0] =	ssyncadd.s32 $0xFFFFF800  }
0x171: {  	_ =	swait.ge [sflag:s0], $0x800  }
0x172: {  	[sflag:s0] =	ssyncset.done $0x0  }
0x173: {  	[sflag:s0] =	ssyncadd.s32 $0xFFFFF800  }
0x174: {  	_ =	swait.ge [sflag:s0], $0x800  }
0x175: {  	[sflag:s0] =	ssyncset.done $0x0  }
0x176: {  	[sflag:s0] =	ssyncadd.s32 $0xFFFFF800  }
0x177: {  	_ =	swait.ge [sflag:s0], $0x800  }
0x178: {  	[sflag:s0] =	ssyncset.done $0x0  }
0x179: {  	[sflag:s0] =	ssyncadd.s32 $0xFFFFF800  }
0x17a: {  	_ =	swait.ge [sflag:s0], $0x800  }
.Ltmp3:
0x17b: {  	[sflag:s0] =	ssyncset.done $0x0;
	(pc) =	sbr.rel .LBB2_4-.Ltmp3, $4  }
0x17c: {  	[sflag:s0] =	ssyncadd.s32 $0xFFFFF800  }
0x17d: {  	_ =	swait.ge [sflag:s0], $0x800  }
0x17e: {  	[sflag:s0] =	ssyncset.done $0x0  }
0x17f: {  	s30 =	sadd.s32 $0x10, s28;
	v1 =	vmov s28;
	[sflag:s0] =	ssyncadd.s32 $0xFFFFF800  }
.LBB2_19:
0x180: {  	s13 =	sadd.s32 s6, s9;
	s9 =	simm.s32 $0x3  }
0x181: {  	[hbm4b:s13+s3] =	stream.linear.scatter [tilespmem:s21], [sflag:$0x3], $0x640, $0x38;
	[tilespmem:$0x1D980] =	vst v63  }
0x182: {  	_ =	swait.ge [sflag:s9], $0x640  }
0x183: {  	[sflag:s9] =	ssyncset.done $0x0  }
0x184: {  	s14 =	sadd.s32 s6, s31;
	[sflag:s9] =	ssyncadd.s32 $0xFFFFF9C0  }
0x185: {  	[hbm4b:s14+s3] =	stream.linear.scatter [tilespmem:s22], [sflag:$0x3], $0x640, $0x38;
	[tilespmem:$0x1D980] =	vst v63  }
0x186: {  	_ =	swait.ge [sflag:s9], $0x640  }
0x187: {  	[sflag:s9] =	ssyncset.done $0x0  }
0x188: {  	s31 =	sadd.s32 $0x3D090, s13;
	[sflag:s9] =	ssyncadd.s32 $0xFFFFF9C0  }
0x189: {  	[hbm4b:s31+s3] =	stream.linear.scatter [tilespmem:s23], [sflag:$0x3], $0x640, $0x38;
	[tilespmem:$0x1D980] =	vst v63  }
0x18a: {  	_ =	swait.ge [sflag:s9], $0x640  }
0x18b: {  	[sflag:s9] =	ssyncset.done $0x0  }
0x18c: {  	s13 =	sadd.s32 $0x5B8D8, s13;
	[sflag:s9] =	ssyncadd.s32 $0xFFFFF9C0  }
0x18d: {  	[hbm4b:s13+s3] =	stream.linear.scatter [tilespmem:s25], [sflag:$0x3], $0x640, $0x38;
	[tilespmem:$0x1D980] =	vst v63  }
.LBB2_15:
0x18e: {  	_ =	swait.ge [sflag:s9], $0x640  }
0x18f: {  	[sflag:s9] =	ssyncset.done $0x0  }
0x190: {  	[sflag:s9] =	ssyncadd.s32 $0xFFFFF9C0  }
.LBB2_16:
0x191: {  	s29 =	sadd.s32 $0x1, s29  }
0x192: {  	p0 =	sne.s32 s29, $0x14  }
.Ltmp4:
0x193: {  	_ = 	snop;
	(pc) =	sbr.rel @!p0 .LBB2_17-.Ltmp4, $1  }
0x194: {  	_ =	sdelay $0x3  }
.LBB2_4:
0x195: {  	s9 =	sshll.u32 s29, $0x5  }
0x196: {  	s9 =	sor.u32 s4, s9  }
0x197: {  	p0 =	sgt.u32 s9, $0x270  }
.Ltmp5:
0x198: {  	_ = 	snop;
	(pc) =	sbr.rel @p0 .LBB2_16-.Ltmp5, $1  }
0x199: {  	_ =	sdelay $0x3  }
0x19a: {  	s9 =	smul.u32 $0x640, s9;
	_ =	sdelay $0x1  }
0x19b: {  	s9 =	sshrl.u32 s9, $0x3  }
0x19c: {  	s13 =	sadd.s32 s2, s9  }
0x19d: {  	[tilespmem:s3], [sflag:$0x3] =	stream.linear.gather [hbm4b:s13+s3], $0x640, $0x38;
	[tilespmem:$0x1D980] =	vst v63  }
0x19e: {  	_ =	swait.ge [sflag:s7], $0x640  }
0x19f: {  	s31 =	sadd.s32 $0x1E848, s9;
	[sflag:s7] =	ssyncset.done $0x0  }
0x1a0: {  	s19 =	sadd.s32 s2, s31;
	[sflag:s7] =	ssyncadd.s32 $0xFFFFF9C0  }
0x1a1: {  	[tilespmem:s8], [sflag:$0x3] =	stream.linear.gather [hbm4b:s19+s3], $0x640, $0x38;
	[tilespmem:$0x1D980] =	vst v63  }
0x1a2: {  	_ =	swait.ge [sflag:s7], $0x640  }
0x1a3: {  	[sflag:s7] =	ssyncset.done $0x0  }
0x1a4: {  	s20 =	simm.s32 $0x670;
	[sflag:s7] =	ssyncadd.s32 $0xFFFFF9C0  }
0x1a5: {  	v2 =	vld [tilespmem:s20+$0xFFFFF9A0]  }
0x1a6: {  	v3 =	vld [tilespmem:s20+$0xFFFFFFF0]  }
0x1a7: {  	v4 =	vld [tilespmem:s20+$0x0]  }
0x1a8: {  	v5 =	vld [tilespmem:s20+$0xFFFFF9C0]  }
0x1a9: {  	v6 =	vld [tilespmem:s20+$0xFFFFF9B0]  }
0x1aa: {  	v7 =	vld [tilespmem:s20+$0xFFFFF990]  }
0x1ab: {  	v10 =	vld [tilespmem:s20+$0xFFFFFFE0];
	_ =	sdelay $0x2  }
0x1ac: {  	v2 =	vsub.f32 $9.000000000e+01, v2  }
0x1ad: {  	v4 =	vmul.f32 $4.000000000e+00, v4;
	v5 =	vsub.f32 $9.000000000e+01, v5;
	v3 =	vmul.f32 $4.000000000e+00, v3  }
0x1ae: {  	v6 =	vsub.f32 $9.000000000e+01, v6;
	v7 =	vsub.f32 $9.000000000e+01, v7;
	v10 =	vmul.f32 $4.000000000e+00, v10  }
0x1af: {  	v2 =	vmul.f32 $4.000000000e+00, v2;
	v4 =	vadd.f32 $1.258291200e+07, v4;
	v5 =	vmul.f32 $4.000000000e+00, v5  }
0x1b0: {  	v3 =	vadd.f32 $1.258291200e+07, v3;
	v6 =	vmul.f32 $4.000000000e+00, v6;
	v10 =	vadd.f32 $1.258291200e+07, v10  }
0x1b1: {  	v7 =	vmul.f32 $4.000000000e+00, v7;
	v2 =	vadd.f32 $1.258291200e+07, v2;
	v4 =	vadd.f32 $-1.258291200e+07, v4  }
0x1b2: {  	v8 =	vimm.s32 $0x2D0;
	v5 =	vadd.f32 $1.258291200e+07, v5;
	v6 =	vadd.f32 $1.258291200e+07, v6  }
0x1b3: {  	v9 =	vimm.s32 $0x0;
	v3 =	vadd.f32 $-1.258291200e+07, v3;
	v7 =	vadd.f32 $1.258291200e+07, v7  }
0x1b4: {  	v10 =	vadd.f32 $-1.258291200e+07, v10;
	v2 =	vadd.f32 $-1.258291200e+07, v2;
	v4 =	vmax.f32 v4, $0.0e+00  }
0x1b5: {  	v5 =	vadd.f32 $-1.258291200e+07, v5;
	v3 =	vmax.f32 v3, $0.0e+00;
	v6 =	vadd.f32 $-1.258291200e+07, v6  }
0x1b6: {  	v7 =	vadd.f32 $-1.258291200e+07, v7;
	v10 =	vmax.f32 v10, $0.0e+00;
	v4 =	vmin.f32 v4, $1.439000000e+03  }
0x1b7: {  	v3 =	vmin.f32 v3, $1.439000000e+03;
	v10 =	vmin.f32 v10, $1.439000000e+03;
	v2 =	vmax.f32 v2, $0.0e+00  }
0x1b8: {  	v4 =	vtrunc.f32 v4;
	v3 =	vtrunc.f32 v3;
	v5 =	vmax.f32 v5, $0.0e+00  }
0x1b9: {  	v6 =	vmax.f32 v6, $0.0e+00;
	v7 =	vmax.f32 v7, $0.0e+00;
	v10 =	vtrunc.f32 v10  }
0x1ba: {  	v12 =	vld [tilespmem:s20+$0xFFFFFFD0];
	v2 =	vmin.f32 v2, $7.200000000e+02;
	v4 =	vcvt.f32.s32 v4;
	v3 =	vcvt.f32.s32 v3  }
0x1bb: {  	v5 =	vmin.f32 v5, $7.200000000e+02;
	v7 =	vmin.f32 v7, $7.200000000e+02;
	v10 =	vcvt.f32.s32 v10  }
0x1bc: {  	v6 =	vmin.f32 v6, $7.200000000e+02;
	v2 =	vtrunc.f32 v2;
	v7 =	vtrunc.f32 v7  }
0x1bd: {  	v6 =	vtrunc.f32 v6;
	v5 =	vtrunc.f32 v5;
	v11 =	vshrl.u32 v4, $0x3  }
0x1be: {  	v13 =	vshrl.u32 v3, $0x3;
	v3 =	vand.u32 $0x7F, v3;
	v7 =	vcvt.f32.s32 v7  }
0x1bf: {  	v14 =	vand.u32 $0x7F, v4;
	v4 =	vmul.f32 $4.000000000e+00, v12;
	v2 =	vcvt.f32.s32 v2  }
0x1c0: {  	s14 =	simm.s32 $0x6B0;
	v16 =	vand.u32 $0x7F, v10;
	v17 =	vcvt.f32.s32 v5;
	v6 =	vcvt.f32.s32 v6  }
0x1c1: {  	v15 =	vld [tilespmem:s14+$0xFFFFF9A0];
	v13 =	vand.u32 $0x1FFFFF0, v13;
	v11 =	vand.u32 $0x1FFFFF0, v11;
	v12 =	vsub.s32 v7, v1  }
0x1c2: {  	vm0 =	vlt.s32 v8, v7;
	vm1 =	vgt.s32 v9, v7;
	v4 =	vadd.f32 $1.258291200e+07, v4  }
0x1c3: {  	v19 =	vsub.s32 v2, v1;
	v8 =	vsel vm0, v8, v7;
	v5 =	vsel vm1, v9, v7  }
0x1c4: {  	v7 =	vld [tilespmem:s14+$0xFFFFFFF0];
	v9 =	vshrl.u32 v10, $0x3;
	vm1 =	vgt.s32 v12, $0x0;
	v4 =	vadd.f32 $-1.258291200e+07, v4  }
0x1c5: {  	v10 =	vld [tilespmem:s14+$0xFFFFF9C0];
	vm0 =	vlt.s32 v8, v2;
	v9 =	vand.u32 $0x1FFFFF0, v9;
	v12 =	vnsel vm1, $0x0, v12  }
0x1c6: {  	v18 =	vld [tilespmem:s14+$0x0];
	v20 =	vsel vm0, v8, v2;
	v8 =	vsub.f32 $9.000000000e+01, v15;
	vm0 =	vgt.s32 v5, v2  }
0x1c7: {  	v15 =	vld [tilespmem:s14+$0xFFFFF9B0];
	v12 =	vmin.u32 v12, $0xF;
	v4 =	vmax.f32 v4, $0.0e+00;
	v2 =	vsel vm0, v5, v2  }
0x1c8: {  	v5 =	vsub.s32 v17, v1;
	v4 =	vmin.f32 v4, $1.439000000e+03;
	v8 =	vmul.f32 $4.000000000e+00, v8  }
0x1c9: {  	vm0 =	vgt.s32 v2, v6;
	v4 =	vtrunc.f32 v4;
	v7 =	vmul.f32 $4.000000000e+00, v7  }
0x1ca: {  	v10 =	vsub.f32 $9.000000000e+01, v10;
	v21 =	vsel vm0, v2, v6;
	v4 =	vcvt.f32.s32 v4  }
0x1cb: {  	v2 =	vadd.f32 $1.258291200e+07, v8;
	v8 =	vmul.f32 $4.000000000e+00, v18;
	vm0 =	vgt.s32 v21, v17  }
0x1cc: {  	v18 =	vsub.s32 v6, v1;
	v10 =	vmul.f32 $4.000000000e+00, v10;
	v15 =	vsub.f32 $9.000000000e+01, v15  }
0x1cd: {  	vm1 =	vgt.s32 v18, $0x0;
	v7 =	vadd.f32 $1.258291200e+07, v7;
	v22 =	vshrl.u32 v4, $0x3  }
0x1ce: {  	v2 =	vadd.f32 $-1.258291200e+07, v2;
	v18 =	vnsel vm1, $0x0, v18;
	v8 =	vadd.f32 $1.258291200e+07, v8  }
0x1cf: {  	v4 =	vand.u32 $0x7F, v4;
	vm1 =	vgt.s32 v5, $0x0;
	v22 =	vand.u32 $0x1FFFFF0, v22  }
0x1d0: {  	v15 =	vmul.f32 $4.000000000e+00, v15;
	v18 =	vmin.u32 v18, $0xF;
	v10 =	vadd.f32 $1.258291200e+07, v10  }
0x1d1: {  	v5 =	vnsel vm1, $0x0, v5;
	vm1 =	vgt.s32 v19, $0x0;
	v13 =	vor.u32 v13, v18  }
0x1d2: {  	v2 =	vmax.f32 v2, $0.0e+00;
	v8 =	vadd.f32 $-1.258291200e+07, v8;
	v12 =	vor.u32 v22, v12  }
0x1d3: {  	v5 =	vmin.u32 v5, $0xF;
	v13 =	vshll.u32 v13, $0x7;
	v15 =	vadd.f32 $1.258291200e+07, v15  }
0x1d4: {  	v2 =	vmin.f32 v2, $7.200000000e+02;
	v12 =	vshll.u32 v12, $0x7;
	v5 =	vor.u32 v11, v5  }
0x1d5: {  	v18 =	vld [tilespmem:s14+$0xFFFFF990];
	v25 =	vor.u32 v3, v13;
	v3 =	vadd.f32 $-1.258291200e+07, v10;
	v13 =	vmax.f32 v8, $0.0e+00  }
0x1d6: {  	v8 =	vtrunc.f32 v2;
	v2 =	vadd.f32 $-1.258291200e+07, v7;
	v4 =	vor.u32 v4, v12  }
0x1d7: {  	v5 =	vshll.u32 v5, $0x7;
	v10 =	vadd.s32 $0x6000, v25;
	v7 =	vadd.f32 $-1.258291200e+07, v15  }
0x1d8: {  	v13 =	vmin.f32 v13, $1.439000000e+03;
	v15 =	vnsel vm1, $0x0, v19;
	v23 =	vadd.s32 $0x6000, v4  }
0x1d9: {  	v19 =	vld [tilespmem:s14+$0xFFFFFFE0];
	v24 =	vadd.s32 $0xC000, v25;
	v2 =	vmax.f32 v2, $0.0e+00;
	v13 =	vtrunc.f32 v13  }
0x1da: {  	v3 =	vmax.f32 v3, $0.0e+00;
	v2 =	vmin.f32 v2, $1.439000000e+03;
	v12 =	vsub.f32 $9.000000000e+01, v18  }
0x1db: {  	v22 =	vcvt.f32.s32 v13;
	v13 =	vmin.u32 v15, $0xF;
	v18 =	vtrunc.f32 v2;
	v15 =	vld.idx.msk [tilespmem:v25+s1+$0x0], $0xffff  }
0x1dc: {  	v2 =	vor.u32 v9, v13;
	v13 =	vmin.f32 v3, $7.200000000e+02;
	v9 =	vmul.f32 $4.000000000e+00, v12  }
0x1dd: {  	v3 =	vmax.f32 v7, $0.0e+00;
	v12 =	vshll.u32 v2, $0x7;
	v2 =	vor.u32 v14, v5  }
0x1de: {  	v14 =	vmul.f32 $4.000000000e+00, v19;
	v5 =	vor.u32 v16, v12;
	v7 =	vadd.f32 $1.258291200e+07, v9  }
0x1df: {  	s13 =	simm.s32 $0x1CD10;
	v26 =	vld [tilespmem:s14+$0xFFFFFFD0];
	v11 =	vshrl.u32 v22, $0x3;
	v12 =	vcvt.f32.s32 v18;
	v19 =	vmin.f32 v3, $7.200000000e+02  }
0x1e0: {  	v3 =	vld.idx.msk [tilespmem:v4+s1+$0x0], $0xffff;
	v18 =	vadd.s32 $0x6000, v5;
	v9 =	vadd.f32 $1.258291200e+07, v14;
	v16 =	vadd.f32 $-1.258291200e+07, v7;
	[tilespmem:s13+$0xFFFFF390] =	vst v15  }
0x1e1: {  	v14 =	vshrl.u32 v12, $0x3;
	v15 =	vsel vm0, v21, v17;
	vm0 =	vlt.s32 v20, v6;
	v10 =	vld.idx.msk [tilespmem:v10+s1+$0x0], $0xffff  }
0x1e2: {  	v7 =	vand.u32 $0x1FFFFF0, v14;
	v14 =	vsel vm0, v20, v6;
	v16 =	vmax.f32 v16, $0.0e+00  }
0x1e3: {  	v27 =	vld.idx.msk [tilespmem:v5+s1+$0x0], $0xffff;
	v6 =	vand.u32 $0x7F, v12;
	vm0 =	vlt.s32 v14, v17;
	v12 =	vmin.f32 v16, $7.200000000e+02  }
0x1e4: {  	v9 =	vadd.f32 $-1.258291200e+07, v9;
	v16 =	vld.idx.msk [tilespmem:v2+s1+$0x0], $0xffff;
	v21 =	vsel vm0, v14, v17;
	v14 =	vtrunc.f32 v12  }
0x1e5: {  	[tilespmem:s13+$0xFFFFF370] =	vst v3;
	v3 =	vand.u32 $0x7F, v22;
	v17 =	vadd.s32 $0x6000, v2;
	v22 =	vcvt.f32.s32 v14  }
0x1e6: {  	v9 =	vmax.f32 v9, $0.0e+00;
	v12 =	vld.idx.msk [tilespmem:v23+s1+$0x0], $0xffff;
	v23 =	vmul.f32 $4.000000000e+00, v26;
	[tilespmem:s13+$0xFFFFF9D0] =	vst v10  }
0x1e7: {  	s15 =	simm.s32 $0x0;
	s18 =	simm.s32 $0x40;
	v14 =	vadd.s32 $0xC000, v4;
	v20 =	vsub.s32 v22, v1;
	vm1 =	vlt.s32 v21, v22;
	v10 =	vld.idx.msk [tilespmem:v24+s1+$0x0], $0xffff  }
0x1e8: {  	s16 =	simm.s32 $0x1CD10;
	s19 =	simm.s32 $0x6F0;
	s14 =	simm.s32 $0x40;
	vm0 =	vgt.s32 v15, v22;
	[tilespmem:s13+$0xFFFFF380] =	vst v27;
	v24 =	vmin.f32 v9, $1.439000000e+03;
	v9 =	vadd.s32 $0x12000, v25  }
.LBB2_6:
0x1e9: {  	s18 =	sadd.s32 $0x40, s18;
	v24 =	vtrunc.f32 v24;
	v18 =	vld.idx.msk [tilespmem:v18+s1+$0x0], $0xffff;
	v25 =	vadd.s32 $0x12000, v5;
	[tilespmem:s13+$0xFFFFF3A0] =	vst v16;
	v16 =	vadd.s32 $0xC000, v2;
	s16 =	sadd.s32 $0x40, s16  }
0x1ea: {  	v19 =	vtrunc.f32 v19;
	v4 =	vadd.s32 $0x12000, v4;
	p0 =	slt.u32 s18, $0x600;
	v24 =	vcvt.f32.s32 v24;
	v17 =	vld.idx.msk [tilespmem:v17+s1+$0x0], $0xffff  }
0x1eb: {  	v23 =	vadd.f32 $1.258291200e+07, v23;
	v11 =	vand.u32 $0x1FFFFF0, v11;
	v26 =	vadd.s32 $0xC000, v5;
	[tilespmem:s13+$0xFFFFF9B0] =	vst v12  }
0x1ec: {  	v8 =	vcvt.f32.s32 v8;
	v12 =	vtrunc.f32 v13;
	v27 =	vld [tilespmem:s19+$0xFFFFF9A0];
	v5 =	vand.u32 $0x7F, v24;
	[tilespmem:s13+$0x10] =	vst v10  }
0x1ed: {  	v21 =	vsel vm1, v21, v22;
	v23 =	vadd.f32 $-1.258291200e+07, v23;
	v10 =	vcvt.f32.s32 v12;
	v13 =	vld [tilespmem:s19+$0xFFFFFFF0]  }
0x1ee: {  	v15 =	vsel vm0, v15, v22;
	vm0 =	vlt.s32 v21, v8;
	v12 =	vshrl.u32 v24, $0x3;
	v28 =	vld [tilespmem:s19+$0xFFFFF9C0]  }
0x1ef: {  	vm1 =	vgt.s32 v20, $0x0;
	v23 =	vmax.f32 v23, $0.0e+00;
	v24 =	vand.u32 $0x1FFFFF0, v12;
	v22 =	vld [tilespmem:s19+$0x0];
	[tilespmem:s13+$0xFFFFF9C0] =	vst v18  }
0x1f0: {  	v12 =	vsel vm0, v21, v8;
	v18 =	vmin.f32 v23, $1.439000000e+03;
	v23 =	vsub.s32 v8, v1;
	v21 =	vld.idx.msk [tilespmem:v14+s1+$0x0], $0xffff;
	[tilespmem:s13+$0xFFFFF9E0] =	vst v17  }
0x1f1: {  	vm0 =	vgt.s32 v15, v8;
	v14 =	vcvt.f32.s32 v19;
	v17 =	vsub.f32 $9.000000000e+01, v27;
	v19 =	vld.idx.msk [tilespmem:v26+s1+$0x0], $0xffff  }
0x1f2: {  	v20 =	vnsel vm1, $0x0, v20;
	v8 =	vsel vm0, v15, v8;
	v15 =	vsub.s32 v10, v1;
	v16 =	vld.idx.msk [tilespmem:v16+s1+$0x0], $0xffff  }
0x1f3: {  	v18 =	vtrunc.f32 v18;
	vm0 =	vgt.s32 v8, v14;
	v17 =	vmul.f32 $4.000000000e+00, v17;
	v26 =	vld [tilespmem:s19+$0xFFFFF9B0]  }
0x1f4: {  	v2 =	vadd.s32 $0x12000, v2;
	v20 =	vmin.u32 v20, $0xF;
	v13 =	vmul.f32 $4.000000000e+00, v13;
	v9 =	vld.idx.msk [tilespmem:v9+s1+$0x0], $0xffff  }
0x1f5: {  	s20 =	sand.u32 $0x7C0, s15;
	s15 =	smov.u32 s14;
	s14 =	smov.u32 s18;
	v18 =	vcvt.f32.s32 v18;
	v27 =	vsub.f32 $9.000000000e+01, v28;
	v28 =	vsel vm0, v8, v14  }
0x1f6: {  	vm0 =	vgt.s32 v28, v10;
	v8 =	vadd.f32 $1.258291200e+07, v17;
	v17 =	vmul.f32 $4.000000000e+00, v22;
	[tilespmem:s20+$0x1CD00] =	vst v21  }
0x1f7: {  	v22 =	vshrl.u32 v18, $0x3;
	v21 =	vmul.f32 $4.000000000e+00, v27;
	v27 =	vsub.s32 v14, v1;
	v4 =	vld.idx.msk [tilespmem:v4+s1+$0x0], $0xffff;
	[tilespmem:s13+$0x0] =	vst v19  }
0x1f8: {  	v22 =	vand.u32 $0x1FFFFF0, v22;
	vm1 =	vgt.s32 v27, $0x0;
	v19 =	vsub.f32 $9.000000000e+01, v26;
	v25 =	vld.idx.msk [tilespmem:v25+s1+$0x0], $0xffff  }
0x1f9: {  	v13 =	vadd.f32 $1.258291200e+07, v13;
	v8 =	vadd.f32 $-1.258291200e+07, v8;
	v26 =	vnsel vm1, $0x0, v27;
	[tilespmem:s13+$0x20] =	vst v16  }
0x1fa: {  	v17 =	vadd.f32 $1.258291200e+07, v17;
	v16 =	vmul.f32 $4.000000000e+00, v19;
	v19 =	vmin.u32 v26, $0xF;
	[tilespmem:s13+$0x650] =	vst v9;
	v2 =	vld.idx.msk [tilespmem:v2+s1+$0x0], $0xffff  }
0x1fb: {  	v18 =	vand.u32 $0x7F, v18;
	v9 =	vadd.f32 $1.258291200e+07, v21;
	v7 =	vor.u32 v7, v19  }
0x1fc: {  	v8 =	vmax.f32 v8, $0.0e+00;
	v16 =	vadd.f32 $1.258291200e+07, v16;
	v7 =	vshll.u32 v7, $0x7  }
0x1fd: {  	v17 =	vadd.f32 $-1.258291200e+07, v17;
	v8 =	vmin.f32 v8, $7.200000000e+02;
	v26 =	vor.u32 v6, v7;
	[tilespmem:s13+$0x630] =	vst v4  }
0x1fe: {  	vm1 =	vgt.s32 v15, $0x0;
	v6 =	vadd.f32 $-1.258291200e+07, v9;
	v7 =	vadd.s32 $0x6000, v26;
	[tilespmem:s13+$0x640] =	vst v25  }
0x1ff: {  	v15 =	vnsel vm1, $0x0, v15;
	v4 =	vmax.f32 v17, $0.0e+00;
	v17 =	vor.u32 v22, v20;
	v9 =	vld [tilespmem:s19+$0xFFFFF990]  }
0x200: {  	v13 =	vadd.f32 $-1.258291200e+07, v13;
	vm1 =	vgt.s32 v23, $0x0;
	v8 =	vtrunc.f32 v8;
	[tilespmem:s13+$0x660] =	vst v2;
	s13 =	smov.u32 s16  }
0x201: {  	v16 =	vadd.f32 $-1.258291200e+07, v16;
	v2 =	vmin.f32 v4, $1.439000000e+03;
	v4 =	vnsel vm1, $0x0, v23  }
0x202: {  	v13 =	vmax.f32 v13, $0.0e+00;
	v17 =	vshll.u32 v17, $0x7;
	v2 =	vtrunc.f32 v2;
	v19 =	vld.idx.msk [tilespmem:v26+s1+$0x0], $0xffff  }
0x203: {  	v15 =	vmin.u32 v15, $0xF;
	v22 =	vcvt.f32.s32 v2;
	v2 =	vmin.u32 v4, $0xF;
	v20 =	vld [tilespmem:s19+$0xFFFFFFE0]  }
0x204: {  	v13 =	vmin.f32 v13, $1.439000000e+03;
	v15 =	vor.u32 v11, v15;
	v4 =	vor.u32 v18, v17  }
0x205: {  	v15 =	vshll.u32 v15, $0x7;
	v9 =	vsub.f32 $9.000000000e+01, v9;
	v11 =	vshrl.u32 v22, $0x3  }
0x206: {  	v6 =	vmax.f32 v6, $0.0e+00;
	v17 =	vtrunc.f32 v13;
	v2 =	vor.u32 v24, v2  }
0x207: {  	v18 =	vshll.u32 v2, $0x7;
	v2 =	vor.u32 v3, v15;
	v9 =	vmul.f32 $4.000000000e+00, v9  }
0x208: {  	v13 =	vmin.f32 v6, $7.200000000e+02;
	v5 =	vor.u32 v5, v18;
	v3 =	vmul.f32 $4.000000000e+00, v20;
	[tilespmem:s16+$0xFFFFF390] =	vst v19  }
0x209: {  	v6 =	vmax.f32 v16, $0.0e+00;
	v16 =	vcvt.f32.s32 v17;
	v20 =	vadd.s32 $0x6000, v4;
	v17 =	vld.idx.msk [tilespmem:v4+s1+$0x0], $0xffff  }
0x20a: {  	v15 =	vsel vm0, v28, v10;
	v9 =	vadd.f32 $1.258291200e+07, v9;
	v19 =	vmin.f32 v6, $7.200000000e+02;
	v23 =	vld.idx.msk [tilespmem:v7+s1+$0x0], $0xffff  }
0x20b: {  	v24 =	vadd.s32 $0xC000, v26;
	v6 =	vshrl.u32 v16, $0x3;
	v3 =	vadd.f32 $1.258291200e+07, v3  }
0x20c: {  	vm0 =	vlt.s32 v12, v14;
	v9 =	vadd.f32 $-1.258291200e+07, v9;
	v7 =	vand.u32 $0x1FFFFF0, v6;
	v25 =	vld [tilespmem:s19+$0xFFFFFFD0]  }
0x20d: {  	v27 =	vadd.f32 $-1.258291200e+07, v3;
	v3 =	vsel vm0, v12, v14;
	v28 =	vld.idx.msk [tilespmem:v5+s1+$0x0], $0xffff  }
0x20e: {  	v6 =	vand.u32 $0x7F, v16;
	v9 =	vmax.f32 v9, $0.0e+00;
	vm0 =	vlt.s32 v3, v10;
	v16 =	vld.idx.msk [tilespmem:v2+s1+$0x0], $0xffff  }
.Ltmp6:
0x20f: {  	v18 =	vadd.s32 $0x6000, v5;
	v9 =	vmin.f32 v9, $7.200000000e+02;
	v21 =	vsel vm0, v3, v10;
	[tilespmem:s16+$0xFFFFF370] =	vst v17;
	(pc) =	sbr.rel @p0 .LBB2_6-.Ltmp6, $4  }
0x210: {  	v9 =	vtrunc.f32 v9;
	v3 =	vand.u32 $0x7F, v22;
	v17 =	vadd.s32 $0x6000, v2;
	v12 =	vld.idx.msk [tilespmem:v20+s1+$0x0], $0xffff;
	[tilespmem:s16+$0xFFFFF9D0] =	vst v23  }
0x211: {  	v14 =	vadd.s32 $0xC000, v4;
	v22 =	vcvt.f32.s32 v9;
	v9 =	vmax.f32 v27, $0.0e+00;
	v10 =	vld.idx.msk [tilespmem:v24+s1+$0x0], $0xffff  }
0x212: {  	v23 =	vmul.f32 $4.000000000e+00, v25;
	v24 =	vmin.f32 v9, $1.439000000e+03;
	v9 =	vadd.s32 $0x12000, v26  }
0x213: {  	s19 =	sadd.s32 $0x40, s19;
	v20 =	vsub.s32 v22, v1;
	vm1 =	vlt.s32 v21, v22;
	vm0 =	vgt.s32 v15, v22;
	[tilespmem:s16+$0xFFFFF380] =	vst v28  }
0x214: {  	v24 =	vtrunc.f32 v24;
	v19 =	vtrunc.f32 v19;
	v23 =	vadd.f32 $1.258291200e+07, v23  }
0x215: {  	v11 =	vand.u32 $0x1FFFFF0, v11;
	v8 =	vcvt.f32.s32 v8;
	v13 =	vtrunc.f32 v13  }
0x216: {  	v21 =	vsel vm1, v21, v22;
	v15 =	vsel vm0, v15, v22;
	vm10 =	vgt.s32 v20, $0x0  }
0x217: {  	v42 =	vadd.s32 $0xC000, v5;
	v24 =	vcvt.f32.s32 v24;
	v13 =	vcvt.f32.s32 v13  }
0x218: {  	v19 =	vcvt.f32.s32 v19;
	v20 =	vnsel vm10, $0x0, v20;
	v23 =	vadd.f32 $-1.258291200e+07, v23  }
0x219: {  	vm9 =	vlt.s32 v21, v8;
	vm12 =	vgt.s32 v15, v8;
	v20 =	vmin.u32 v20, $0xF  }
0x21a: {  	v25 =	vand.u32 $0x7F, v24;
	v32 =	vshrl.u32 v24, $0x3;
	v33 =	vsub.s32 v19, v1  }
0x21b: {  	v21 =	vsel vm9, v21, v8;
	v15 =	vsel vm12, v15, v8;
	v8 =	vsub.s32 v8, v1  }
0x21c: {  	v35 =	vsub.s32 v13, v1;
	v23 =	vmax.f32 v23, $0.0e+00;
	v22 =	vand.u32 $0x1FFFFF0, v32  }
0x21d: {  	vm11 =	vgt.s32 v33, $0x0;
	vm0 =	vgt.s32 v15, v19;
	v23 =	vmin.f32 v23, $1.439000000e+03  }
0x21e: {  	vm13 =	vgt.s32 v35, $0x0;
	vm14 =	vgt.s32 v8, $0x0;
	v23 =	vtrunc.f32 v23  }
0x21f: {  	vm15 =	vlt.s32 v21, v19;
	v24 =	vnsel vm11, $0x0, v33;
	v23 =	vcvt.f32.s32 v23  }
0x220: {  	v15 =	vsel vm0, v15, v19;
	v36 =	vnsel vm14, $0x0, v8;
	v19 =	vsel vm15, v21, v19  }
0x221: {  	v24 =	vmin.u32 v24, $0xF;
	vm0 =	vgt.s32 v15, v13;
	v34 =	vshrl.u32 v23, $0x3  }
0x222: {  	vm1 =	vlt.s32 v19, v13;
	v7 =	vor.u32 v7, v24;
	v24 =	vand.u32 $0x1FFFFF0, v34  }
0x223: {  	v39 =	vsel vm1, v19, v13;
	v20 =	vor.u32 v24, v20;
	v24 =	vnsel vm13, $0x0, v35  }
0x224: {  	v40 =	vsel vm0, v15, v13;
	v7 =	vshll.u32 v7, $0x7;
	v38 =	vmin.u32 v24, $0xF  }
0x225: {  	v18 =	vld.idx.msk [tilespmem:v18+s1+$0x0], $0xffff;
	[tilespmem:s13+$0xFFFFF3A0] =	vst v16;
	v6 =	vor.u32 v6, v7;
	v7 =	vmin.u32 v36, $0xF;
	v11 =	vor.u32 v11, v38  }
0x226: {  	[tilespmem:s13+$0xFFFFF9B0] =	vst v12;
	v41 =	vxor.u32 $0x80000000, v39;
	v7 =	vor.u32 v22, v7;
	v11 =	vshll.u32 v11, $0x7  }
0x227: {  	(xrf0) =	vmin.scan.msk.u32 $0xffff, v41;
	v7 =	vshll.u32 v7, $0x7;
	v3 =	vor.u32 v3, v11;
	v11 =	vxor.u32 $0x80000000, v40  }
0x228: {  	v17 =	vld.idx.msk [tilespmem:v17+s1+$0x0], $0xffff;
	v23 =	vand.u32 $0x7F, v23;
	v37 =	vshll.u32 v20, $0x7;
	v7 =	vor.u32 v25, v7;
	(xrf0) =	vmax.scan.msk.u32 $0xffff, v11  }
0x229: {  	v14 =	vld.idx.msk [tilespmem:v14+s1+$0x0], $0xffff;
	[tilespmem:s13+$0x10] =	vst v10;
	v8 =	vor.u32 v23, v37  }
0x22a: {  	v9 =	vld.idx.msk [tilespmem:v9+s1+$0x0], $0xffff;
	[tilespmem:s13+$0xFFFFF9C0] =	vst v18  }
0x22b: {  	v43 =	vadd.s32 $0xC000, v2;
	v13 =	vld.idx.msk [tilespmem:v42+s1+$0x0], $0xffff  }
0x22c: {  	v4 =	vadd.s32 $0x12000, v4;
	v44 =	vld.idx.msk [tilespmem:v6+s1+$0x0], $0xffff  }
0x22d: {  	s18 =	sand.u32 $0x7C0, s15;
	[tilespmem:s13+$0xFFFFF9E0] =	vst v17;
	v45 =	vadd.s32 $0x6000, v6;
	v52, _, _ =	vpop (xrf0);
	v48 =	vld.idx.msk [tilespmem:v7+s1+$0x0], $0xffff  }
0x22e: {  	[tilespmem:s18+$0x1CD00] =	vst v14;
	v50 =	vadd.s32 $0x6000, v7;
	(v2sf) =	vpush v52, $0xF;
	v46 =	vld.idx.msk [tilespmem:v8+s1+$0x0], $0xffff;
	v53, _, _ =	vpop (xrf0)  }
0x22f: {  	[tilespmem:s13+$0x650] =	vst v9;
	v47 =	vadd.s32 $0x6000, v8;
	v49 =	vld.idx.msk [tilespmem:v3+s1+$0x0], $0xffff;
	(v2sf) =	vpush v53, $0xF  }
0x230: {  	s16 =	sadd.s32 $0x40, s16;
	v12 =	vld.idx.msk [tilespmem:v43+s1+$0x0], $0xffff;
	[tilespmem:s13+$0x0] =	vst v13;
	v51 =	vadd.s32 $0x6000, v3  }
0x231: {  	v59 =	vadd.s32 $0x12000, v5;
	v4 =	vld.idx.msk [tilespmem:v4+s1+$0x0], $0xffff;
	[tilespmem:s16+$0xFFFFF390] =	vst v44  }
0x232: {  	v2 =	vadd.s32 $0x12000, v2;
	v10 =	vld.idx.msk [tilespmem:v45+s1+$0x0], $0xffff;
	[tilespmem:s16+$0xFFFFF380] =	vst v48  }
0x233: {  	v54 =	vadd.s32 $0xC000, v6;
	[tilespmem:s16+$0xFFFFF370] =	vst v46;
	v18 =	vld.idx.msk [tilespmem:v50+s1+$0x0], $0xffff  }
0x234: {  	v57 =	vadd.s32 $0xC000, v7;
	v16 =	vld.idx.msk [tilespmem:v47+s1+$0x0], $0xffff;
	[tilespmem:s16+$0xFFFFF3A0] =	vst v49  }
0x235: {  	[tilespmem:s13+$0x20] =	vst v12;
	v55 =	vadd.s32 $0xC000, v8;
	v56 =	vld.idx.msk [tilespmem:v51+s1+$0x0], $0xffff  }
0x236: {  	v5 =	vld.idx.msk [tilespmem:v59+s1+$0x0], $0xffff;
	[tilespmem:s13+$0x630] =	vst v4;
	v58 =	vadd.s32 $0xC000, v3  }
0x237: {  	v2 =	vld.idx.msk [tilespmem:v2+s1+$0x0], $0xffff;
	[tilespmem:s16+$0xFFFFF9D0] =	vst v10  }
0x238: {  	v10 =	vld.idx.msk [tilespmem:v54+s1+$0x0], $0xffff;
	[tilespmem:s16+$0xFFFFF9C0] =	vst v18  }
0x239: {  	v6 =	vadd.s32 $0x12000, v6;
	[tilespmem:s16+$0xFFFFF9B0] =	vst v16;
	v60 =	vld.idx.msk [tilespmem:v57+s1+$0x0], $0xffff  }
0x23a: {  	v7 =	vadd.s32 $0x12000, v7;
	v11 =	vld.idx.msk [tilespmem:v55+s1+$0x0], $0xffff;
	[tilespmem:s16+$0xFFFFF9E0] =	vst v56  }
0x23b: {  	v8 =	vadd.s32 $0x12000, v8;
	[tilespmem:s13+$0x640] =	vst v5;
	v61 =	vld.idx.msk [tilespmem:v58+s1+$0x0], $0xffff  }
0x23c: {  	[tilespmem:s13+$0x660] =	vst v2;
	v3 =	vadd.s32 $0x12000, v3  }
0x23d: {  	[tilespmem:s16+$0x10] =	vst v10;
	s18 =	spop (v2sf)  }
0x23e: {  	s14 =	sand.u32 $0x7C0, s14;
	v62 =	vld.idx.msk [tilespmem:v6+s1+$0x0], $0xffff;
	s19 =	sxor.u32 $0x80000000, s18;
	[tilespmem:s16+$0x0] =	vst v60;
	s20 =	spop (v2sf)  }
0x23f: {  	p0 =	slt.s32 s19, s28;
	[tilespmem:s14+$0x1CD00] =	vst v11;
	v7 =	vld.idx.msk [tilespmem:v7+s1+$0x0], $0xffff;
	s13 =	sxor.u32 $0x80000000, s20  }
0x240: {  	v63 =	vld.idx.msk [tilespmem:v8+s1+$0x0], $0xffff;
	[tilespmem:s16+$0x20] =	vst v61;
	p1 =	sge.s32 @!p0 s13, s30  }
0x241: {  	v3 =	vld.idx.msk [tilespmem:v3+s1+$0x0], $0xffff;
	p1 =	por p0, p1  }
.Ltmp7:
0x242: {  	_ = 	snop;
	(pc) =	sbr.rel @!p1 .LBB2_19-.Ltmp7, $4  }
0x243: {  	[tilespmem:s16+$0x650] =	vst v62  }
0x244: {  	[tilespmem:s16+$0x640] =	vst v7  }
0x245: {  	[tilespmem:s16+$0x630] =	vst v63  }
0x246: {  	[tilespmem:s16+$0x660] =	vst v3  }
0x247: {  	s18 =	simm.s32 $0x0  }
0x248: {  	s18 =	simm.s32 @p0 $0x0  }
0x249: {  	p1 =	sne.s32 s18, $0x630  }
.Ltmp8:
0x24a: {  	_ = 	snop;
	(pc) =	sbr.rel @!p1 .LBB2_9-.Ltmp8, $4  }
0x24b: {  	_ = 	snop  }
0x24c: {  	s14 =	simm.s32 $0x640  }
0x24d: {  	s13 =	simm.s32 $0x18C80;
	s14 =	simm.s32 @p0 $0x640  }
0x24e: {  	s13 =	simm.s32 @p0 $0x18C80;
	p0 =	por $0x0, $0x0;
	v2 =	vld [tilespmem:s14+$0x0];
	s15 =	sadd.s32 $0x10, s18  }
0x24f: {  	v3 =	vld [tilespmem:s14+$0xFFFFF9C0];
	_ =	sdelay $0x3  }
0x250: {  	v2 =	vmul.f32 $4.000000000e+00, v2  }
0x251: {  	v3 =	vsub.f32 $9.000000000e+01, v3  }
0x252: {  	v2 =	vadd.f32 $1.258291200e+07, v2  }
0x253: {  	v3 =	vmul.f32 $4.000000000e+00, v3  }
0x254: {  	v2 =	vadd.f32 $-1.258291200e+07, v2  }
0x255: {  	v3 =	vadd.f32 $1.258291200e+07, v3  }
0x256: {  	v2 =	vmax.f32 v2, $0.0e+00  }
0x257: {  	v3 =	vadd.f32 $-1.258291200e+07, v3;
	v2 =	vmin.f32 v2, $1.439000000e+03  }
0x258: {  	v2 =	vtrunc.f32 v2  }
0x259: {  	v3 =	vmax.f32 v3, $0.0e+00;
	v2 =	vcvt.f32.s32 v2  }
0x25a: {  	v3 =	vmin.f32 v3, $7.200000000e+02  }
0x25b: {  	v3 =	vtrunc.f32 v3;
	v4 =	vshrl.u32 v2, $0x7  }
0x25c: {  	v3 =	vcvt.f32.s32 v3;
	v4 =	vmul.u32 $0x2D8, v4;
	_ =	sdelay $0x1  }
0x25d: {  	v3 =	vadd.s32 v3, v4  }
0x25e: {  	v2 =	vand.u32 $0x7F, v2;
	v3 =	vshll.u32 v3, $0x7  }
0x25f: {  	p1 =	sne.s32 s15, $0x630;
	v2 =	vor.u32 v2, v3  }
.Ltmp9:
0x260: {  	s16 =	sand.u32 $0x7F0, s18;
	[tilespmem:s13+$0x0] =	vst v2;
	v3 =	vadd.s32 $0x333000, v2;
	(pc) =	sbr.rel @!p1 .LBB2_11-.Ltmp9, $4  }
0x261: {  	v63 =	vadd.s32 $0x222000, v2;
	[tilespmem:s16+$0x1A000] =	vst v3  }
0x262: {  	v2 =	vadd.s32 $0x111000, v2;
	[tilespmem:s16+$0x19980] =	vst v63  }
0x263: {  	s14 =	sadd.s32 $0x10, s14;
	[tilespmem:s16+$0x19300] =	vst v2  }
0x264: {  	s18 =	sadd.s32 $0x10, s15;
	p0 =	por $0x1, $0x1;
	s16 =	smov.u32 s13;
	v2 =	vld [tilespmem:s14+$0x0]  }
.LBB2_12:
0x265: {  	p1 =	sne.s32 s18, $0x630;
	v3 =	vld [tilespmem:s14+$0xFFFFF9C0];
	_ =	sdelay $0x3  }
0x266: {  	v2 =	vmul.f32 $4.000000000e+00, v2  }
0x267: {  	v3 =	vsub.f32 $9.000000000e+01, v3  }
0x268: {  	v2 =	vadd.f32 $1.258291200e+07, v2  }
0x269: {  	v3 =	vmul.f32 $4.000000000e+00, v3  }
0x26a: {  	v2 =	vadd.f32 $-1.258291200e+07, v2  }
0x26b: {  	v3 =	vadd.f32 $1.258291200e+07, v3  }
0x26c: {  	v2 =	vmax.f32 v2, $0.0e+00  }
0x26d: {  	v3 =	vadd.f32 $-1.258291200e+07, v3;
	v2 =	vmin.f32 v2, $1.439000000e+03  }
0x26e: {  	v2 =	vtrunc.f32 v2  }
0x26f: {  	v3 =	vmax.f32 v3, $0.0e+00;
	v2 =	vcvt.f32.s32 v2  }
0x270: {  	v3 =	vmin.f32 v3, $7.200000000e+02  }
0x271: {  	v3 =	vtrunc.f32 v3;
	v4 =	vshrl.u32 v2, $0x7  }
0x272: {  	v3 =	vcvt.f32.s32 v3;
	v4 =	vmul.u32 $0x2D8, v4;
	_ =	sdelay $0x1  }
0x273: {  	v3 =	vadd.s32 v3, v4  }
0x274: {  	v2 =	vand.u32 $0x7F, v2;
	v3 =	vshll.u32 v3, $0x7  }
0x275: {  	s16 =	sadd.s32 $0x10, s16;
	v2 =	vor.u32 v2, v3  }
.Ltmp10:
0x276: {  	s19 =	sand.u32 $0x7F0, s15;
	s15 =	smov.u32 s18;
	[tilespmem:s16+$0x0] =	vst v2;
	v3 =	vadd.s32 $0x111000, v2;
	v4 =	vadd.s32 $0x222000, v2;
	v2 =	vadd.s32 $0x333000, v2;
	(pc) =	sbr.rel @p1 .LBB2_12-.Ltmp10, $4  }
0x277: {  	[tilespmem:s19+$0x1A000] =	vst v2  }
0x278: {  	[tilespmem:s19+$0x19980] =	vst v4  }
0x279: {  	s14 =	sadd.s32 $0x10, s14;
	[tilespmem:s19+$0x19300] =	vst v3  }
0x27a: {  	s18 =	sadd.s32 $0x10, s18;
	v2 =	vld [tilespmem:s14+$0x0]  }
0x27b: {  	s18 =	smov.u32 s15  }
.LBB2_14:
0x27c: {  	v3 =	vld [tilespmem:s14+$0xFFFFF9C0];
	_ =	sdelay $0x3  }
0x27d: {  	v2 =	vmul.f32 $4.000000000e+00, v2  }
0x27e: {  	v3 =	vsub.f32 $9.000000000e+01, v3  }
0x27f: {  	v2 =	vadd.f32 $1.258291200e+07, v2  }
0x280: {  	v3 =	vmul.f32 $4.000000000e+00, v3  }
0x281: {  	v2 =	vadd.f32 $-1.258291200e+07, v2  }
0x282: {  	v3 =	vadd.f32 $1.258291200e+07, v3  }
0x283: {  	v2 =	vmax.f32 v2, $0.0e+00  }
0x284: {  	v2 =	vmin.f32 v2, $1.439000000e+03;
	v3 =	vadd.f32 $-1.258291200e+07, v3  }
0x285: {  	v2 =	vtrunc.f32 v2  }
0x286: {  	v2 =	vcvt.f32.s32 v2;
	v3 =	vmax.f32 v3, $0.0e+00  }
0x287: {  	v3 =	vmin.f32 v3, $7.200000000e+02  }
0x288: {  	v4 =	vshrl.u32 v2, $0x7;
	v3 =	vtrunc.f32 v3  }
0x289: {  	v4 =	vmul.u32 $0x2D8, v4;
	v3 =	vcvt.f32.s32 v3;
	_ =	sdelay $0x1  }
0x28a: {  	v3 =	vadd.s32 v3, v4  }
0x28b: {  	s14 =	sadd.s32 @p0 $0x10, s16;
	v2 =	vand.u32 $0x7F, v2;
	v3 =	vshll.u32 v3, $0x7  }
0x28c: {  	s13 =	smov.u32 @p0 s14;
	v2 =	vor.u32 v2, v3  }
0x28d: {  	s16 =	sand.u32 $0x7F0, s18;
	[tilespmem:s13+$0x0] =	vst v2;
	v3 =	vadd.s32 $0x333000, v2  }
0x28e: {  	v63 =	vadd.s32 $0x222000, v2;
	[tilespmem:s16+$0x1A000] =	vst v3  }
0x28f: {  	v2 =	vadd.s32 $0x111000, v2;
	[tilespmem:s16+$0x19980] =	vst v63  }
0x290: {  	s18 =	simm.s32 $0x18C80;
	[tilespmem:s16+$0x19300] =	vst v2  }
0x291: {  	[tilespmem:s11], [sflag:$0x1] =	stream.indirect.gather [hbm4b:s5+s10], $0x1, s18, s10, $0xb8;
	[tilespmem:$0x1D980] =	vst v63  }
0x292: {  	s19 =	simm.s32 $0x18D00;
	s20 =	simm.s32 $0x1A700  }
0x293: {  	[tilespmem:s20], [sflag:$0x1] =	stream.indirect.gather [hbm4b:s5+s10], $0x1, s19, s10, $0xb8;
	[tilespmem:$0x1D980] =	vst v63  }
0x294: {  	s15 =	simm.s32 $0x1A780;
	s14 =	simm.s32 $0x18D80  }
0x295: {  	[tilespmem:s15], [sflag:$0x1] =	stream.indirect.gather [hbm4b:s5+s10], $0x1, s14, s10, $0xb8;
	[tilespmem:$0x1D980] =	vst v63  }
0x296: {  	s16 =	simm.s32 $0x18E00;
	s18 =	simm.s32 $0x1A800  }
0x297: {  	[tilespmem:s18], [sflag:$0x1] =	stream.indirect.gather [hbm4b:s5+s10], $0x1, s16, s10, $0xb8;
	[tilespmem:$0x1D980] =	vst v63  }
0x298: {  	s19 =	simm.s32 $0x18E80;
	s20 =	simm.s32 $0x1A880  }
0x299: {  	[tilespmem:s20], [sflag:$0x1] =	stream.indirect.gather [hbm4b:s5+s10], $0x1, s19, s10, $0xb8;
	[tilespmem:$0x1D980] =	vst v63  }
0x29a: {  	s14 =	simm.s32 $0x18F00;
	s15 =	simm.s32 $0x1A900  }
0x29b: {  	[tilespmem:s15], [sflag:$0x1] =	stream.indirect.gather [hbm4b:s5+s10], $0x1, s14, s10, $0xb8;
	[tilespmem:$0x1D980] =	vst v63  }
0x29c: {  	s16 =	simm.s32 $0x18F80;
	s18 =	simm.s32 $0x1A980  }
0x29d: {  	[tilespmem:s18], [sflag:$0x1] =	stream.indirect.gather [hbm4b:s5+s10], $0x1, s16, s10, $0xb8;
	[tilespmem:$0x1D980] =	vst v63  }
0x29e: {  	s19 =	simm.s32 $0x19000;
	s20 =	simm.s32 $0x1AA00  }
0x29f: {  	[tilespmem:s20], [sflag:$0x1] =	stream.indirect.gather [hbm4b:s5+s10], $0x1, s19, s10, $0xb8;
	[tilespmem:$0x1D980] =	vst v63  }
0x2a0: {  	s14 =	simm.s32 $0x19080;
	s15 =	simm.s32 $0x1AA80  }
0x2a1: {  	[tilespmem:s15], [sflag:$0x1] =	stream.indirect.gather [hbm4b:s5+s10], $0x1, s14, s10, $0xb8;
	[tilespmem:$0x1D980] =	vst v63  }
0x2a2: {  	s16 =	simm.s32 $0x19100;
	s18 =	simm.s32 $0x1AB00  }
0x2a3: {  	[tilespmem:s18], [sflag:$0x1] =	stream.indirect.gather [hbm4b:s5+s10], $0x1, s16, s10, $0xb8;
	[tilespmem:$0x1D980] =	vst v63  }
0x2a4: {  	s19 =	simm.s32 $0x19180;
	s20 =	simm.s32 $0x1AB80  }
0x2a5: {  	[tilespmem:s20], [sflag:$0x1] =	stream.indirect.gather [hbm4b:s5+s10], $0x1, s19, s10, $0xb8;
	[tilespmem:$0x1D980] =	vst v63  }
0x2a6: {  	s15 =	simm.s32 $0x19200;
	s16 =	simm.s32 $0x1AC00  }
0x2a7: {  	[tilespmem:s16], [sflag:$0x1] =	stream.indirect.gather [hbm4b:s5+s10], $0x1, s15, s10, $0xb8;
	[tilespmem:$0x1D980] =	vst v63  }
0x2a8: {  	s18 =	simm.s32 $0x19280;
	s19 =	simm.s32 $0x1AC80  }
0x2a9: {  	[tilespmem:s19], [sflag:$0x1] =	stream.indirect.gather [hbm4b:s5+s10], $0x1, s18, s10, $0xb8;
	[tilespmem:$0x1D980] =	vst v63  }
0x2aa: {  	_ =	swait.ge [sflag:s0], $0x80  }
0x2ab: {  	[sflag:s0] =	ssyncset.done $0x0  }
0x2ac: {  	[sflag:s0] =	ssyncadd.s32 $0xFFFFFF80  }
0x2ad: {  	_ =	swait.ge [sflag:s0], $0x80  }
0x2ae: {  	[sflag:s0] =	ssyncset.done $0x0  }
0x2af: {  	[sflag:s0] =	ssyncadd.s32 $0xFFFFFF80  }
0x2b0: {  	_ =	swait.ge [sflag:s0], $0x80  }
0x2b1: {  	[sflag:s0] =	ssyncset.done $0x0  }
0x2b2: {  	[sflag:s0] =	ssyncadd.s32 $0xFFFFFF80  }
0x2b3: {  	_ =	swait.ge [sflag:s0], $0x80  }
0x2b4: {  	[sflag:s0] =	ssyncset.done $0x0  }
0x2b5: {  	[sflag:s0] =	ssyncadd.s32 $0xFFFFFF80  }
0x2b6: {  	_ =	swait.ge [sflag:s0], $0x80  }
0x2b7: {  	[sflag:s0] =	ssyncset.done $0x0  }
0x2b8: {  	[sflag:s0] =	ssyncadd.s32 $0xFFFFFF80  }
0x2b9: {  	_ =	swait.ge [sflag:s0], $0x80  }
0x2ba: {  	[sflag:s0] =	ssyncset.done $0x0  }
0x2bb: {  	[sflag:s0] =	ssyncadd.s32 $0xFFFFFF80  }
0x2bc: {  	_ =	swait.ge [sflag:s0], $0x80  }
0x2bd: {  	[sflag:s0] =	ssyncset.done $0x0  }
0x2be: {  	[sflag:s0] =	ssyncadd.s32 $0xFFFFFF80  }
0x2bf: {  	_ =	swait.ge [sflag:s0], $0x80  }
0x2c0: {  	[sflag:s0] =	ssyncset.done $0x0  }
0x2c1: {  	[sflag:s0] =	ssyncadd.s32 $0xFFFFFF80  }
0x2c2: {  	_ =	swait.ge [sflag:s0], $0x80  }
0x2c3: {  	[sflag:s0] =	ssyncset.done $0x0  }
0x2c4: {  	[sflag:s0] =	ssyncadd.s32 $0xFFFFFF80  }
0x2c5: {  	_ =	swait.ge [sflag:s0], $0x80  }
0x2c6: {  	[sflag:s0] =	ssyncset.done $0x0  }
0x2c7: {  	[sflag:s0] =	ssyncadd.s32 $0xFFFFFF80  }
0x2c8: {  	_ =	swait.ge [sflag:s0], $0x80  }
0x2c9: {  	[sflag:s0] =	ssyncset.done $0x0  }
0x2ca: {  	[sflag:s0] =	ssyncadd.s32 $0xFFFFFF80  }
0x2cb: {  	_ =	swait.ge [sflag:s0], $0x80  }
0x2cc: {  	[sflag:s0] =	ssyncset.done $0x0  }
0x2cd: {  	[sflag:s0] =	ssyncadd.s32 $0xFFFFFF80  }
0x2ce: {  	_ =	swait.ge [sflag:s0], $0x80  }
0x2cf: {  	[sflag:s0] =	ssyncset.done $0x0  }
0x2d0: {  	s20 =	simm.s32 $0x19300;
	[sflag:s0] =	ssyncadd.s32 $0xFFFFFF80  }
0x2d1: {  	[tilespmem:s17], [sflag:$0x1] =	stream.indirect.gather [hbm4b:s5+s10], $0x1, s20, s10, $0xb8;
	[tilespmem:$0x1D980] =	vst v63  }
0x2d2: {  	s14 =	simm.s32 $0x19380;
	s15 =	simm.s32 $0x1AD80  }
0x2d3: {  	[tilespmem:s15], [sflag:$0x1] =	stream.indirect.gather [hbm4b:s5+s10], $0x1, s14, s10, $0xb8;
	[tilespmem:$0x1D980] =	vst v63  }
0x2d4: {  	s16 =	simm.s32 $0x19400;
	s18 =	simm.s32 $0x1AE00  }
0x2d5: {  	[tilespmem:s18], [sflag:$0x1] =	stream.indirect.gather [hbm4b:s5+s10], $0x1, s16, s10, $0xb8;
	[tilespmem:$0x1D980] =	vst v63  }
0x2d6: {  	s19 =	simm.s32 $0x19480;
	s20 =	simm.s32 $0x1AE80  }
0x2d7: {  	[tilespmem:s20], [sflag:$0x1] =	stream.indirect.gather [hbm4b:s5+s10], $0x1, s19, s10, $0xb8;
	[tilespmem:$0x1D980] =	vst v63  }
0x2d8: {  	s14 =	simm.s32 $0x19500;
	s15 =	simm.s32 $0x1AF00  }
0x2d9: {  	[tilespmem:s15], [sflag:$0x1] =	stream.indirect.gather [hbm4b:s5+s10], $0x1, s14, s10, $0xb8;
	[tilespmem:$0x1D980] =	vst v63  }
0x2da: {  	s16 =	simm.s32 $0x19580;
	s18 =	simm.s32 $0x1AF80  }
0x2db: {  	[tilespmem:s18], [sflag:$0x1] =	stream.indirect.gather [hbm4b:s5+s10], $0x1, s16, s10, $0xb8;
	[tilespmem:$0x1D980] =	vst v63  }
0x2dc: {  	s19 =	simm.s32 $0x19600;
	s20 =	simm.s32 $0x1B000  }
0x2dd: {  	[tilespmem:s20], [sflag:$0x1] =	stream.indirect.gather [hbm4b:s5+s10], $0x1, s19, s10, $0xb8;
	[tilespmem:$0x1D980] =	vst v63  }
0x2de: {  	s14 =	simm.s32 $0x19680;
	s15 =	simm.s32 $0x1B080  }
0x2df: {  	[tilespmem:s15], [sflag:$0x1] =	stream.indirect.gather [hbm4b:s5+s10], $0x1, s14, s10, $0xb8;
	[tilespmem:$0x1D980] =	vst v63  }
0x2e0: {  	s16 =	simm.s32 $0x19700;
	s18 =	simm.s32 $0x1B100  }
0x2e1: {  	[tilespmem:s18], [sflag:$0x1] =	stream.indirect.gather [hbm4b:s5+s10], $0x1, s16, s10, $0xb8;
	[tilespmem:$0x1D980] =	vst v63  }
0x2e2: {  	s19 =	simm.s32 $0x19780;
	s20 =	simm.s32 $0x1B180  }
0x2e3: {  	[tilespmem:s20], [sflag:$0x1] =	stream.indirect.gather [hbm4b:s5+s10], $0x1, s19, s10, $0xb8;
	[tilespmem:$0x1D980] =	vst v63  }
0x2e4: {  	s14 =	simm.s32 $0x19800;
	s15 =	simm.s32 $0x1B200  }
0x2e5: {  	[tilespmem:s15], [sflag:$0x1] =	stream.indirect.gather [hbm4b:s5+s10], $0x1, s14, s10, $0xb8;
	[tilespmem:$0x1D980] =	vst v63  }
0x2e6: {  	s16 =	simm.s32 $0x19880;
	s18 =	simm.s32 $0x1B280  }
0x2e7: {  	[tilespmem:s18], [sflag:$0x1] =	stream.indirect.gather [hbm4b:s5+s10], $0x1, s16, s10, $0xb8;
	[tilespmem:$0x1D980] =	vst v63  }
0x2e8: {  	s19 =	simm.s32 $0x19900;
	s20 =	simm.s32 $0x1B300  }
0x2e9: {  	[tilespmem:s20], [sflag:$0x1] =	stream.indirect.gather [hbm4b:s5+s10], $0x1, s19, s10, $0xb8;
	[tilespmem:$0x1D980] =	vst v63  }
0x2ea: {  	_ =	swait.ge [sflag:s0], $0x80  }
0x2eb: {  	[sflag:s0] =	ssyncset.done $0x0  }
0x2ec: {  	[sflag:s0] =	ssyncadd.s32 $0xFFFFFF80  }
0x2ed: {  	_ =	swait.ge [sflag:s0], $0x80  }
0x2ee: {  	[sflag:s0] =	ssyncset.done $0x0  }
0x2ef: {  	[sflag:s0] =	ssyncadd.s32 $0xFFFFFF80  }
0x2f0: {  	_ =	swait.ge [sflag:s0], $0x80  }
0x2f1: {  	[sflag:s0] =	ssyncset.done $0x0  }
0x2f2: {  	[sflag:s0] =	ssyncadd.s32 $0xFFFFFF80  }
0x2f3: {  	_ =	swait.ge [sflag:s0], $0x80  }
0x2f4: {  	[sflag:s0] =	ssyncset.done $0x0  }
0x2f5: {  	[sflag:s0] =	ssyncadd.s32 $0xFFFFFF80  }
0x2f6: {  	_ =	swait.ge [sflag:s0], $0x80  }
0x2f7: {  	[sflag:s0] =	ssyncset.done $0x0  }
0x2f8: {  	[sflag:s0] =	ssyncadd.s32 $0xFFFFFF80  }
0x2f9: {  	_ =	swait.ge [sflag:s0], $0x80  }
0x2fa: {  	[sflag:s0] =	ssyncset.done $0x0  }
0x2fb: {  	[sflag:s0] =	ssyncadd.s32 $0xFFFFFF80  }
0x2fc: {  	_ =	swait.ge [sflag:s0], $0x80  }
0x2fd: {  	[sflag:s0] =	ssyncset.done $0x0  }
0x2fe: {  	[sflag:s0] =	ssyncadd.s32 $0xFFFFFF80  }
0x2ff: {  	_ =	swait.ge [sflag:s0], $0x80  }
0x300: {  	[sflag:s0] =	ssyncset.done $0x0  }
0x301: {  	[sflag:s0] =	ssyncadd.s32 $0xFFFFFF80  }
0x302: {  	_ =	swait.ge [sflag:s0], $0x80  }
0x303: {  	[sflag:s0] =	ssyncset.done $0x0  }
0x304: {  	[sflag:s0] =	ssyncadd.s32 $0xFFFFFF80  }
0x305: {  	_ =	swait.ge [sflag:s0], $0x80  }
0x306: {  	[sflag:s0] =	ssyncset.done $0x0  }
0x307: {  	[sflag:s0] =	ssyncadd.s32 $0xFFFFFF80  }
0x308: {  	_ =	swait.ge [sflag:s0], $0x80  }
0x309: {  	[sflag:s0] =	ssyncset.done $0x0  }
0x30a: {  	[sflag:s0] =	ssyncadd.s32 $0xFFFFFF80  }
0x30b: {  	_ =	swait.ge [sflag:s0], $0x80  }
0x30c: {  	[sflag:s0] =	ssyncset.done $0x0  }
0x30d: {  	[sflag:s0] =	ssyncadd.s32 $0xFFFFFF80  }
0x30e: {  	_ =	swait.ge [sflag:s0], $0x80  }
0x30f: {  	[sflag:s0] =	ssyncset.done $0x0  }
0x310: {  	s15 =	simm.s32 $0x19980;
	[sflag:s0] =	ssyncadd.s32 $0xFFFFFF80  }
0x311: {  	[tilespmem:s24], [sflag:$0x1] =	stream.indirect.gather [hbm4b:s5+s10], $0x1, s15, s10, $0xb8;
	[tilespmem:$0x1D980] =	vst v63  }
0x312: {  	s16 =	simm.s32 $0x19A00;
	s18 =	simm.s32 $0x1B400  }
0x313: {  	[tilespmem:s18], [sflag:$0x1] =	stream.indirect.gather [hbm4b:s5+s10], $0x1, s16, s10, $0xb8;
	[tilespmem:$0x1D980] =	vst v63  }
0x314: {  	s19 =	simm.s32 $0x19A80;
	s20 =	simm.s32 $0x1B480  }
0x315: {  	[tilespmem:s20], [sflag:$0x1] =	stream.indirect.gather [hbm4b:s5+s10], $0x1, s19, s10, $0xb8;
	[tilespmem:$0x1D980] =	vst v63  }
0x316: {  	s14 =	simm.s32 $0x19B00;
	s15 =	simm.s32 $0x1B500  }
0x317: {  	[tilespmem:s15], [sflag:$0x1] =	stream.indirect.gather [hbm4b:s5+s10], $0x1, s14, s10, $0xb8;
	[tilespmem:$0x1D980] =	vst v63  }
0x318: {  	s16 =	simm.s32 $0x19B80;
	s18 =	simm.s32 $0x1B580  }
0x319: {  	[tilespmem:s18], [sflag:$0x1] =	stream.indirect.gather [hbm4b:s5+s10], $0x1, s16, s10, $0xb8;
	[tilespmem:$0x1D980] =	vst v63  }
0x31a: {  	s19 =	simm.s32 $0x19C00;
	s20 =	simm.s32 $0x1B600  }
0x31b: {  	[tilespmem:s20], [sflag:$0x1] =	stream.indirect.gather [hbm4b:s5+s10], $0x1, s19, s10, $0xb8;
	[tilespmem:$0x1D980] =	vst v63  }
0x31c: {  	s14 =	simm.s32 $0x19C80;
	s15 =	simm.s32 $0x1B680  }
0x31d: {  	[tilespmem:s15], [sflag:$0x1] =	stream.indirect.gather [hbm4b:s5+s10], $0x1, s14, s10, $0xb8;
	[tilespmem:$0x1D980] =	vst v63  }
0x31e: {  	s16 =	simm.s32 $0x19D00;
	s18 =	simm.s32 $0x1B700  }
0x31f: {  	[tilespmem:s18], [sflag:$0x1] =	stream.indirect.gather [hbm4b:s5+s10], $0x1, s16, s10, $0xb8;
	[tilespmem:$0x1D980] =	vst v63  }
0x320: {  	s19 =	simm.s32 $0x19D80;
	s20 =	simm.s32 $0x1B780  }
0x321: {  	[tilespmem:s20], [sflag:$0x1] =	stream.indirect.gather [hbm4b:s5+s10], $0x1, s19, s10, $0xb8;
	[tilespmem:$0x1D980] =	vst v63  }
0x322: {  	s14 =	simm.s32 $0x19E00;
	s15 =	simm.s32 $0x1B800  }
0x323: {  	[tilespmem:s15], [sflag:$0x1] =	stream.indirect.gather [hbm4b:s5+s10], $0x1, s14, s10, $0xb8;
	[tilespmem:$0x1D980] =	vst v63  }
0x324: {  	s16 =	simm.s32 $0x19E80;
	s18 =	simm.s32 $0x1B880  }
0x325: {  	[tilespmem:s18], [sflag:$0x1] =	stream.indirect.gather [hbm4b:s5+s10], $0x1, s16, s10, $0xb8;
	[tilespmem:$0x1D980] =	vst v63  }
0x326: {  	s19 =	simm.s32 $0x19F00;
	s20 =	simm.s32 $0x1B900  }
0x327: {  	[tilespmem:s20], [sflag:$0x1] =	stream.indirect.gather [hbm4b:s5+s10], $0x1, s19, s10, $0xb8;
	[tilespmem:$0x1D980] =	vst v63  }
0x328: {  	s15 =	simm.s32 $0x19F80;
	s16 =	simm.s32 $0x1B980  }
0x329: {  	[tilespmem:s16], [sflag:$0x1] =	stream.indirect.gather [hbm4b:s5+s10], $0x1, s15, s10, $0xb8;
	[tilespmem:$0x1D980] =	vst v63  }
0x32a: {  	_ =	swait.ge [sflag:s0], $0x80  }
0x32b: {  	[sflag:s0] =	ssyncset.done $0x0  }
0x32c: {  	[sflag:s0] =	ssyncadd.s32 $0xFFFFFF80  }
0x32d: {  	_ =	swait.ge [sflag:s0], $0x80  }
0x32e: {  	[sflag:s0] =	ssyncset.done $0x0  }
0x32f: {  	[sflag:s0] =	ssyncadd.s32 $0xFFFFFF80  }
0x330: {  	_ =	swait.ge [sflag:s0], $0x80  }
0x331: {  	[sflag:s0] =	ssyncset.done $0x0  }
0x332: {  	[sflag:s0] =	ssyncadd.s32 $0xFFFFFF80  }
0x333: {  	_ =	swait.ge [sflag:s0], $0x80  }
0x334: {  	[sflag:s0] =	ssyncset.done $0x0  }
0x335: {  	[sflag:s0] =	ssyncadd.s32 $0xFFFFFF80  }
0x336: {  	_ =	swait.ge [sflag:s0], $0x80  }
0x337: {  	[sflag:s0] =	ssyncset.done $0x0  }
0x338: {  	[sflag:s0] =	ssyncadd.s32 $0xFFFFFF80  }
0x339: {  	_ =	swait.ge [sflag:s0], $0x80  }
0x33a: {  	[sflag:s0] =	ssyncset.done $0x0  }
0x33b: {  	[sflag:s0] =	ssyncadd.s32 $0xFFFFFF80  }
0x33c: {  	_ =	swait.ge [sflag:s0], $0x80  }
0x33d: {  	[sflag:s0] =	ssyncset.done $0x0  }
0x33e: {  	[sflag:s0] =	ssyncadd.s32 $0xFFFFFF80  }
0x33f: {  	_ =	swait.ge [sflag:s0], $0x80  }
0x340: {  	[sflag:s0] =	ssyncset.done $0x0  }
0x341: {  	[sflag:s0] =	ssyncadd.s32 $0xFFFFFF80  }
0x342: {  	_ =	swait.ge [sflag:s0], $0x80  }
0x343: {  	[sflag:s0] =	ssyncset.done $0x0  }
0x344: {  	[sflag:s0] =	ssyncadd.s32 $0xFFFFFF80  }
0x345: {  	_ =	swait.ge [sflag:s0], $0x80  }
0x346: {  	[sflag:s0] =	ssyncset.done $0x0  }
0x347: {  	[sflag:s0] =	ssyncadd.s32 $0xFFFFFF80  }
0x348: {  	_ =	swait.ge [sflag:s0], $0x80  }
0x349: {  	[sflag:s0] =	ssyncset.done $0x0  }
0x34a: {  	[sflag:s0] =	ssyncadd.s32 $0xFFFFFF80  }
0x34b: {  	_ =	swait.ge [sflag:s0], $0x80  }
0x34c: {  	[sflag:s0] =	ssyncset.done $0x0  }
0x34d: {  	[sflag:s0] =	ssyncadd.s32 $0xFFFFFF80  }
0x34e: {  	_ =	swait.ge [sflag:s0], $0x80  }
0x34f: {  	[sflag:s0] =	ssyncset.done $0x0  }
0x350: {  	s18 =	simm.s32 $0x1A000;
	[sflag:s0] =	ssyncadd.s32 $0xFFFFFF80  }
0x351: {  	[tilespmem:s12], [sflag:$0x1] =	stream.indirect.gather [hbm4b:s5+s10], $0x1, s18, s10, $0xb8;
	[tilespmem:$0x1D980] =	vst v63  }
0x352: {  	s19 =	simm.s32 $0x1A080;
	s20 =	simm.s32 $0x1BA80  }
0x353: {  	[tilespmem:s20], [sflag:$0x1] =	stream.indirect.gather [hbm4b:s5+s10], $0x1, s19, s10, $0xb8;
	[tilespmem:$0x1D980] =	vst v63  }
0x354: {  	s14 =	simm.s32 $0x1A100;
	s15 =	simm.s32 $0x1BB00  }
0x355: {  	[tilespmem:s15], [sflag:$0x1] =	stream.indirect.gather [hbm4b:s5+s10], $0x1, s14, s10, $0xb8;
	[tilespmem:$0x1D980] =	vst v63  }
0x356: {  	s16 =	simm.s32 $0x1A180;
	s18 =	simm.s32 $0x1BB80  }
0x357: {  	[tilespmem:s18], [sflag:$0x1] =	stream.indirect.gather [hbm4b:s5+s10], $0x1, s16, s10, $0xb8;
	[tilespmem:$0x1D980] =	vst v63  }
0x358: {  	s19 =	simm.s32 $0x1A200;
	s20 =	simm.s32 $0x1BC00  }
0x359: {  	[tilespmem:s20], [sflag:$0x1] =	stream.indirect.gather [hbm4b:s5+s10], $0x1, s19, s10, $0xb8;
	[tilespmem:$0x1D980] =	vst v63  }
0x35a: {  	s14 =	simm.s32 $0x1A280;
	s15 =	simm.s32 $0x1BC80  }
0x35b: {  	[tilespmem:s15], [sflag:$0x1] =	stream.indirect.gather [hbm4b:s5+s10], $0x1, s14, s10, $0xb8;
	[tilespmem:$0x1D980] =	vst v63  }
0x35c: {  	s16 =	simm.s32 $0x1A300;
	s18 =	simm.s32 $0x1BD00  }
0x35d: {  	[tilespmem:s18], [sflag:$0x1] =	stream.indirect.gather [hbm4b:s5+s10], $0x1, s16, s10, $0xb8;
	[tilespmem:$0x1D980] =	vst v63  }
0x35e: {  	s19 =	simm.s32 $0x1A380;
	s20 =	simm.s32 $0x1BD80  }
0x35f: {  	[tilespmem:s20], [sflag:$0x1] =	stream.indirect.gather [hbm4b:s5+s10], $0x1, s19, s10, $0xb8;
	[tilespmem:$0x1D980] =	vst v63  }
0x360: {  	s14 =	simm.s32 $0x1A400;
	s15 =	simm.s32 $0x1BE00  }
0x361: {  	[tilespmem:s15], [sflag:$0x1] =	stream.indirect.gather [hbm4b:s5+s10], $0x1, s14, s10, $0xb8;
	[tilespmem:$0x1D980] =	vst v63  }
0x362: {  	s16 =	simm.s32 $0x1A480;
	s18 =	simm.s32 $0x1BE80  }
0x363: {  	[tilespmem:s18], [sflag:$0x1] =	stream.indirect.gather [hbm4b:s5+s10], $0x1, s16, s10, $0xb8;
	[tilespmem:$0x1D980] =	vst v63  }
0x364: {  	s19 =	simm.s32 $0x1A500;
	s20 =	simm.s32 $0x1BF00  }
0x365: {  	[tilespmem:s20], [sflag:$0x1] =	stream.indirect.gather [hbm4b:s5+s10], $0x1, s19, s10, $0xb8;
	[tilespmem:$0x1D980] =	vst v63  }
0x366: {  	s15 =	simm.s32 $0x1A580;
	s16 =	simm.s32 $0x1BF80  }
0x367: {  	[tilespmem:s16], [sflag:$0x1] =	stream.indirect.gather [hbm4b:s5+s10], $0x1, s15, s10, $0xb8;
	[tilespmem:$0x1D980] =	vst v63  }
0x368: {  	s18 =	simm.s32 $0x1A600;
	s19 =	simm.s32 $0x1C000  }
0x369: {  	[tilespmem:s19], [sflag:$0x1] =	stream.indirect.gather [hbm4b:s5+s10], $0x1, s18, s10, $0xb8;
	[tilespmem:$0x1D980] =	vst v63  }
0x36a: {  	_ =	swait.ge [sflag:s0], $0x80  }
0x36b: {  	[sflag:s0] =	ssyncset.done $0x0  }
0x36c: {  	[sflag:s0] =	ssyncadd.s32 $0xFFFFFF80  }
0x36d: {  	_ =	swait.ge [sflag:s0], $0x80  }
0x36e: {  	[sflag:s0] =	ssyncset.done $0x0  }
0x36f: {  	[sflag:s0] =	ssyncadd.s32 $0xFFFFFF80  }
0x370: {  	_ =	swait.ge [sflag:s0], $0x80  }
0x371: {  	[sflag:s0] =	ssyncset.done $0x0  }
0x372: {  	[sflag:s0] =	ssyncadd.s32 $0xFFFFFF80  }
0x373: {  	_ =	swait.ge [sflag:s0], $0x80  }
0x374: {  	[sflag:s0] =	ssyncset.done $0x0  }
0x375: {  	[sflag:s0] =	ssyncadd.s32 $0xFFFFFF80  }
0x376: {  	_ =	swait.ge [sflag:s0], $0x80  }
0x377: {  	[sflag:s0] =	ssyncset.done $0x0  }
0x378: {  	[sflag:s0] =	ssyncadd.s32 $0xFFFFFF80  }
0x379: {  	_ =	swait.ge [sflag:s0], $0x80  }
0x37a: {  	[sflag:s0] =	ssyncset.done $0x0  }
0x37b: {  	[sflag:s0] =	ssyncadd.s32 $0xFFFFFF80  }
0x37c: {  	_ =	swait.ge [sflag:s0], $0x80  }
0x37d: {  	[sflag:s0] =	ssyncset.done $0x0  }
0x37e: {  	[sflag:s0] =	ssyncadd.s32 $0xFFFFFF80  }
0x37f: {  	_ =	swait.ge [sflag:s0], $0x80  }
0x380: {  	[sflag:s0] =	ssyncset.done $0x0  }
0x381: {  	[sflag:s0] =	ssyncadd.s32 $0xFFFFFF80  }
0x382: {  	_ =	swait.ge [sflag:s0], $0x80  }
0x383: {  	[sflag:s0] =	ssyncset.done $0x0  }
0x384: {  	[sflag:s0] =	ssyncadd.s32 $0xFFFFFF80  }
0x385: {  	_ =	swait.ge [sflag:s0], $0x80  }
0x386: {  	[sflag:s0] =	ssyncset.done $0x0  }
0x387: {  	[sflag:s0] =	ssyncadd.s32 $0xFFFFFF80  }
0x388: {  	_ =	swait.ge [sflag:s0], $0x80  }
0x389: {  	[sflag:s0] =	ssyncset.done $0x0  }
0x38a: {  	[sflag:s0] =	ssyncadd.s32 $0xFFFFFF80  }
0x38b: {  	_ =	swait.ge [sflag:s0], $0x80  }
0x38c: {  	[sflag:s0] =	ssyncset.done $0x0  }
0x38d: {  	[sflag:s0] =	ssyncadd.s32 $0xFFFFFF80  }
0x38e: {  	_ =	swait.ge [sflag:s0], $0x80  }
0x38f: {  	[sflag:s0] =	ssyncset.done $0x0  }
0x390: {  	s9 =	sadd.s32 s6, s9;
	[sflag:s0] =	ssyncadd.s32 $0xFFFFFF80  }
0x391: {  	[hbm4b:s9+s3] =	stream.linear.scatter [tilespmem:s11], [sflag:$0x3], $0x640, $0x38;
	[tilespmem:$0x1D980] =	vst v63  }
0x392: {  	_ =	swait.ge [sflag:s7], $0x640  }
0x393: {  	[sflag:s7] =	ssyncset.done $0x0  }
0x394: {  	s20 =	sadd.s32 s6, s31;
	[sflag:s7] =	ssyncadd.s32 $0xFFFFF9C0  }
0x395: {  	[hbm4b:s20+s3] =	stream.linear.scatter [tilespmem:s17], [sflag:$0x3], $0x640, $0x38;
	[tilespmem:$0x1D980] =	vst v63  }
0x396: {  	_ =	swait.ge [sflag:s7], $0x640  }
0x397: {  	[sflag:s7] =	ssyncset.done $0x0  }
0x398: {  	s31 =	sadd.s32 $0x3D090, s9;
	[sflag:s7] =	ssyncadd.s32 $0xFFFFF9C0  }
0x399: {  	[hbm4b:s31+s3] =	stream.linear.scatter [tilespmem:s24], [sflag:$0x3], $0x640, $0x38;
	[tilespmem:$0x1D980] =	vst v63  }
.Ltmp11:
0x39a: {  	_ =	swait.ge [sflag:s7], $0x640;
	(pc) =	sbr.rel .LBB2_15-.Ltmp11, $4  }
0x39b: {  	[sflag:s7] =	ssyncset.done $0x0  }
0x39c: {  	s9 =	sadd.s32 $0x5B8D8, s9;
	[sflag:s7] =	ssyncadd.s32 $0xFFFFF9C0  }
0x39d: {  	[hbm4b:s9+s3] =	stream.linear.scatter [tilespmem:s12], [sflag:$0x2], $0x640, $0x38;
	[tilespmem:$0x1D980] =	vst v63  }
0x39e: {  	s9 =	simm.s32 $0x2  }
.LBB2_9:
.Ltmp12:
0x39f: {  	(pc) =	sbr.rel .LBB2_14-.Ltmp12, $2  }
0x3a0: {  	_ =	sdelay $0x2  }
0x3a1: {  	s16 =	smov.u32 s13  }
.LBB2_11:
.Ltmp13:
0x3a2: {  	(pc) =	sbr.rel .LBB2_14-.Ltmp13, $2  }
0x3a3: {  	_ =	sdelay $0x2  }
0x3a4: {  	s16 =	smov.u32 s13;
	s18 =	smov.u32 s15  }
.LBB2_18:
0x3a5: {  	_ =	sfence.sel $0x180000  }
0x3a6: {  	[bflag:$0x0] =	sbarrier.arrive $0xFFFF  }
0x3a7: {  	_ =	strace $0x90000047  }
0x3a8: {  	s0 =	stileid.u32;
	[bflag:$0x2] =	sbarrier.arrive $0xFFFF  }
0x3a9: {  	p0 =	sne.s32 s0, $0x0;
	s0 =	rddreg [dreg:$0x2]  }
0x3aa: {  	s0 =	sadd.s32 @!p0 $0x100000, s0  }
0x3ab: {  	[sflag:s0] =	ssyncadd.tile.s32 @!p0 $0x1;
	_ =	shalt  }
.Lfunc_end2:
_tile_overlayer_lowered:
.L_overlay_start_2:
0x3ac: {  	(tag) =	ssettag $0x2  }
0x3ad: {  	s0 =	rddreg [dreg:$0x0];
	s2 =	stileid.u32  }
0x3ae: {  	s1 =	rddreg [dreg:$0x1];
	p0 =	sne.s32 s2, $0x0  }
0x3af: {  	s3 =	rddreg [dreg:$0x2];
	[bflag:$0x3] =	sbarrier.arrive $0xFFFF;
	s2 =	simm.s32 @!p0 $0x1C02  }
0x3b0: {  	[timem:s3], [sflag:s2] =	dma.local @!p0 [hbm:s0], s1  }
0x3b1: {  	s0 =	simm.s32 @!p0 $0x2  }
0x3b2: {  	_ =	swait.ge @!p0 [sflag:s0], s1  }
0x3b3: {  	s1 =	ssub.s32 @!p0 $0x0, s1;
	[sflag:s0] =	ssyncset.done @!p0 $0x0  }
0x3b4: {  	[sflag:s0] =	ssyncadd.s32 @!p0 s1  }
0x3b5: {  	[bflag:$0x3] =	sbarrier.arrive $0xFFFF  }
0x3b6: {  	_ =	shalt  }

</sc_bundles>
